<compile_context>
chip_gen: v7x
topology: tpu7x:2x2x1
jax: 0.10.2.dev20260603
libtpu: 0.0.44.dev20260713+nightly
codegen_flags: <defaults>
</compile_context>

<pallas_src>
import functools
import math

import jax
import jax.numpy as jnp
from jax import lax
from jax.experimental import pallas as pl
from jax.experimental.pallas import tpu as pltpu
from jax.experimental.pallas import tpu_sc as plsc

NC = 2
NS = 16
NW = NC * NS
LANES = 16

CHUNK = 128
NBUF = 4


@functools.cache
def _build_relayout(n_vh: int, d: int):
    mesh = plsc.VectorSubcoreMesh(core_axis_name="c", subcore_axis_name="s")
    dh = d // 8
    PADD = d + 1

    scratch = (
        [pltpu.VMEM((dh, 8, CHUNK), jnp.float32) for _ in range(NBUF)]
        + [pltpu.VMEM((CHUNK, PADD), jnp.float32) for _ in range(NBUF)]
        + [pltpu.SemaphoreType.DMA for _ in range(2 * NBUF)]
    )

    @functools.partial(
        pl.kernel,
        out_type=jax.ShapeDtypeStruct((n_vh * CHUNK, d), jnp.float32),
        mesh=mesh,
        scratch_types=scratch,
        compiler_params=pltpu.CompilerParams(
            use_tc_tiling_on_sc=False, needs_layout_passes=False
        ),
    )
    def rly(t4_hbm, out_hbm, *scr):
        ibuf = scr[:NBUF]
        obuf = scr[NBUF:2 * NBUF]
        isem = scr[2 * NBUF:3 * NBUF]
        osem = scr[3 * NBUF:4 * NBUF]

        w = lax.axis_index("c") * NS + lax.axis_index("s")

        lane = lax.iota(jnp.int32, LANES)
        vrow = [vlb * LANES + lane for vlb in range(CHUNK // LANES)]

        n_my = n_vh // NW

        def start_in(k, b):
            vh = k * NW + w
            pltpu.make_async_copy(t4_hbm.at[:, vh], ibuf[b], isem[b]).start()

        def transpose(b):
            @plsc.parallel_loop(0, d, 1, unroll=4)
            def _t(dd):
                dvec = jnp.full((LANES,), dd, jnp.int32)
                hi = dd // 8
                lo = dd % 8
                for vlb in range(CHUNK // LANES):
                    v = ibuf[b][hi, lo, pl.ds(vlb * LANES, LANES)]
                    plsc.store_scatter(obuf[b], [vrow[vlb], dvec], v)

        def out_dst(k, b):
            vh = k * NW + w
            return pltpu.make_async_copy(
                obuf[b].at[:, pl.ds(0, d)],
                out_hbm.at[pl.ds(vh * CHUNK, CHUNK)],
                osem[b],
            )

        for b in range(NBUF):
            start_in(b, b)

        def outer(o, _):
            for b in range(NBUF):
                k = o * NBUF + b
                vh = k * NW + w
                pltpu.make_async_copy(
                    t4_hbm.at[:, vh], ibuf[b], isem[b]
                ).wait()

                @pl.when(o > 0)
                def _():
                    out_dst(k, b).wait()

                transpose(b)
                out_dst(k, b).start()

                @pl.when(o < (n_my // NBUF) - 1)
                def _():
                    start_in(k + NBUF, b)

            return 0

        lax.fori_loop(0, n_my // NBUF, outer, 0)

        for b in range(NBUF):
            out_dst((n_my // NBUF - 1) * NBUF + b, b).wait()

    return rly


@functools.cache
def _build_gather(n_s: int, d: int, n_rows: int):
    mesh = plsc.VectorSubcoreMesh(core_axis_name="c", subcore_axis_name="s")
    dh = d // 8
    ngrp = d // LANES
    PADC = CHUNK + 1

    scratch = (
        [pltpu.VMEM((n_s, CHUNK), jnp.int32)]
        + [pltpu.VMEM((CHUNK, d), jnp.float32) for _ in range(NBUF)]
        + [pltpu.VMEM((dh, 8, PADC), jnp.float32) for _ in range(NBUF)]
        + [pltpu.SemaphoreType.DMA for _ in range(2 * NBUF)]
    )

    @functools.partial(
        pl.kernel,
        out_type=jax.ShapeDtypeStruct((n_s, dh, NW, 8, CHUNK), jnp.float32),
        mesh=mesh,
        scratch_types=scratch,
        compiler_params=pltpu.CompilerParams(
            use_tc_tiling_on_sc=False, needs_layout_passes=False
        ),
    )
    def emb(table_hbm, idx_hbm, out_hbm, *scr):
        idx_v = scr[0]
        gbuf = scr[1:1 + NBUF]
        obuf = scr[1 + NBUF:1 + 2 * NBUF]
        gsem = scr[1 + 2 * NBUF:1 + 3 * NBUF]
        osem = scr[1 + 3 * NBUF:1 + 4 * NBUF]

        w = lax.axis_index("c") * NS + lax.axis_index("s")

        pltpu.sync_copy(idx_hbm.at[:, pl.ds(w * CHUNK, CHUNK)], idx_v)

        lane = lax.iota(jnp.int32, LANES)
        hi_idx = [(g * LANES + lane) // 8 for g in range(ngrp)]
        mid_idx = [(g * LANES + lane) % 8 for g in range(ngrp)]

        def start_gather(s, b):
            pltpu.make_async_copy(
                table_hbm.at[idx_v.at[s]], gbuf[b], gsem[b]
            ).start()

        def transpose_scale(b):
            @plsc.parallel_loop(0, CHUNK, 1, unroll=4)
            def _ts(r):
                rvec = jnp.full((LANES,), r, jnp.int32)
                for g in range(ngrp):
                    v = gbuf[b][r, pl.ds(g * LANES, LANES)]
                    plsc.store_scatter(
                        obuf[b], [hi_idx[g], mid_idx[g], rvec], v * 8.0
                    )

        n_outer = n_s // NBUF

        for b in range(NBUF):
            start_gather(b, b)

        def outer(o, _):
            for b in range(NBUF):
                s = o * NBUF + b
                pltpu.make_async_copy(
                    table_hbm.at[idx_v.at[s]], gbuf[b], gsem[b]
                ).wait()

                @pl.when(o > 0)
                def _():
                    pltpu.make_async_copy(
                        obuf[b].at[:, :, pl.ds(0, CHUNK)],
                        out_hbm.at[s, :, w], osem[b]
                    ).wait()

                transpose_scale(b)
                pltpu.make_async_copy(
                    obuf[b].at[:, :, pl.ds(0, CHUNK)],
                    out_hbm.at[s, :, w], osem[b]
                ).start()

                @pl.when(o < n_outer - 1)
                def _():
                    start_gather(s + NBUF, b)

            return 0

        lax.fori_loop(0, n_outer, outer, 0)

        for b in range(NBUF):
            pltpu.make_async_copy(
                obuf[b].at[:, :, pl.ds(0, CHUNK)],
                out_hbm.at[(n_outer - 1) * NBUF + b, :, w], osem[b]
            ).wait()

    return emb


def kernel(x, table):
    d = table.shape[1]
    v = table.shape[0]
    q, n_s = x.shape
    assert q == NW * CHUNK and d % 8 == 0
    idx_t = jnp.transpose(x).astype(jnp.int32)

    n_vh = -(-v // CHUNK)
    n_vh += (-n_vh) % (NW * NBUF)
    v_pad = n_vh * CHUNK

    t_pad = jnp.pad(table, ((0, v_pad - v), (0, 0)))
    t4 = t_pad.reshape(n_vh, CHUNK, d // 8, 8)
    t4 = jnp.transpose(t4, (2, 0, 3, 1))

    t_lin = _build_relayout(n_vh, d)(t4)
    out5 = _build_gather(n_s, d, v_pad)(t_lin, idx_t)
    return jnp.transpose(out5, (2, 4, 0, 1, 3)).reshape(q, n_s, d)

# --- scband reference (transcript-rebuilt; emitter-appended) ---
"""Pipeline reference for scband-input-embedding-14396730376730 (READ-ONLY COPY).

The authoritative reference and input builder live on the scoring server;
editing this copy changes nothing except your own understanding.
"""

import jax, jax.numpy as jnp
import numpy as np
import math

VOCAB = 1000000
D_MODEL = 64

def setup_inputs(seed: int = 0) -> dict:
    key = jax.random.key(seed)
    k1, k2 = jax.random.split(key)
    x = jax.random.randint(k1, (4096, 200), 0, VOCAB, dtype=jnp.int64)
    table = jax.random.normal(k2, (VOCAB, D_MODEL), dtype=jnp.float32)
    return {"x": x, "table": table}

def reference(x, table):
    # nn.Embedding lookup followed by scaling by sqrt(d_model)
    emb = jnp.take(table, x, axis=0)
    return emb * math.sqrt(D_MODEL)

if __name__ == "__main__":
    import jax
    _d = setup_inputs()
    print(jax.jit(kernel)(*tuple(_d.values())))

</pallas_src>

<mosaic_0001>
#map = affine_map<(d0, d1) -> (0, 0, 0, 0)>
#map1 = affine_map<(d0, d1) -> (0, 0)>
module attributes {stable_mosaic.version = 14 : i64} {
  func.func @rly(%arg0: i32, %arg1: i32, %arg2: memref<8x7936x8x128xf32, #tpu.memory_space<hbm>>, %arg3: memref<1015808x64xf32, #tpu.memory_space<hbm>>, %arg4: memref<8x8x128xf32, #tpu.memory_space<vmem>>, %arg5: memref<8x8x128xf32, #tpu.memory_space<vmem>>, %arg6: memref<8x8x128xf32, #tpu.memory_space<vmem>>, %arg7: memref<8x8x128xf32, #tpu.memory_space<vmem>>, %arg8: memref<128x65xf32, #tpu.memory_space<vmem>>, %arg9: memref<128x65xf32, #tpu.memory_space<vmem>>, %arg10: memref<128x65xf32, #tpu.memory_space<vmem>>, %arg11: memref<128x65xf32, #tpu.memory_space<vmem>>, %arg12: memref<!tpu.dma_semaphore, #tpu.memory_space<semaphore_mem>>, %arg13: memref<!tpu.dma_semaphore, #tpu.memory_space<semaphore_mem>>, %arg14: memref<!tpu.dma_semaphore, #tpu.memory_space<semaphore_mem>>, %arg15: memref<!tpu.dma_semaphore, #tpu.memory_space<semaphore_mem>>, %arg16: memref<!tpu.dma_semaphore, #tpu.memory_space<semaphore_mem>>, %arg17: memref<!tpu.dma_semaphore, #tpu.memory_space<semaphore_mem>>, %arg18: memref<!tpu.dma_semaphore, #tpu.memory_space<semaphore_mem>>, %arg19: memref<!tpu.dma_semaphore, #tpu.memory_space<semaphore_mem>>) attributes {dimension_semantics = [#tpu.dimension_semantics<core_parallel>, #tpu.dimension_semantics<subcore_parallel>], iteration_bounds = array<i64: 2, 16>, scalar_prefetch = 0 : i64, scratch_operands = 16 : i64, tpu.core_type = #tpu.core_type<sc_vector_subcore>, window_params = [{transform_indices = #map}, {transform_indices = #map1}]} {
    %mul3A = arith.constant 16 : i32
    %mul3A_0 = arith.muli %arg0, %mul3A : i32
    %add3A = arith.addi %mul3A_0, %arg1 : i32
    %iota3A = tpu.iota {dimensions = array<i32: 0>} : vector<16xi32>
    %add3A_1 = arith.constant 0 : i32
    %add3A_2 = vector.broadcast %add3A_1 : i32 to vector<16xi32>
    %add3A_3 = arith.addi %add3A_2, %iota3A : vector<16xi32>
    %add3A_4 = arith.constant 16 : i32
    %add3A_5 = vector.broadcast %add3A_4 : i32 to vector<16xi32>
    %add3A_6 = arith.addi %add3A_5, %iota3A : vector<16xi32>
    %add3A_7 = arith.constant 32 : i32
    %add3A_8 = vector.broadcast %add3A_7 : i32 to vector<16xi32>
    %add3A_9 = arith.addi %add3A_8, %iota3A : vector<16xi32>
    %add3A_10 = arith.constant 48 : i32
    %add3A_11 = vector.broadcast %add3A_10 : i32 to vector<16xi32>
    %add3A_12 = arith.addi %add3A_11, %iota3A : vector<16xi32>
    %add3A_13 = arith.constant 64 : i32
    %add3A_14 = vector.broadcast %add3A_13 : i32 to vector<16xi32>
    %add3A_15 = arith.addi %add3A_14, %iota3A : vector<16xi32>
    %add3A_16 = arith.constant 80 : i32
    %add3A_17 = vector.broadcast %add3A_16 : i32 to vector<16xi32>
    %add3A_18 = arith.addi %add3A_17, %iota3A : vector<16xi32>
    %add3A_19 = arith.constant 96 : i32
    %add3A_20 = vector.broadcast %add3A_19 : i32 to vector<16xi32>
    %add3A_21 = arith.addi %add3A_20, %iota3A : vector<16xi32>
    %add3A_22 = arith.constant 112 : i32
    %add3A_23 = vector.broadcast %add3A_22 : i32 to vector<16xi32>
    %add3A_24 = arith.addi %add3A_23, %iota3A : vector<16xi32>
    %add3A_25 = arith.constant 0 : i32
    %add3A_26 = arith.addi %add3A_25, %add3A : i32
    %dma_start3A = arith.constant 0 : i32
    %dma_start3A_27 = arith.constant 0 : i32
    %dma_start3A_28 = arith.constant 0 : i32
    %dma_start3A_29 = tpu.memref_slice %arg2[%dma_start3A, %add3A_26, %dma_start3A_27, %dma_start3A_28] : memref<8x7936x8x128xf32, #tpu.memory_space<hbm>> -> memref<8x1x8x128xf32, #tpu.memory_space<hbm>>
    %dma_start3A_30 = tpu.memref_squeeze %dma_start3A_29 : memref<8x1x8x128xf32, #tpu.memory_space<hbm>> -> memref<8x8x128xf32, #tpu.memory_space<hbm>>
    %dma_start3A_31 = arith.constant 0 : i32
    %dma_start3A_32 = arith.constant 0 : i32
    %dma_start3A_33 = arith.constant 0 : i32
    %dma_start3A_34 = tpu.memref_slice %arg2[%dma_start3A_31, %add3A_26, %dma_start3A_32, %dma_start3A_33] : memref<8x7936x8x128xf32, #tpu.memory_space<hbm>> -> memref<8x1x8x128xf32, #tpu.memory_space<hbm>>
    %dma_start3A_35 = tpu.memref_squeeze %dma_start3A_34 : memref<8x1x8x128xf32, #tpu.memory_space<hbm>> -> memref<8x8x128xf32, #tpu.memory_space<hbm>>
    tpu.enqueue_dma source(%dma_start3A_35 : memref<8x8x128xf32, #tpu.memory_space<hbm>>) target(%arg4 : memref<8x8x128xf32, #tpu.memory_space<vmem>>) target_semaphore(%arg12 : memref<!tpu.dma_semaphore, #tpu.memory_space<semaphore_mem>>)
    %add3A_36 = arith.constant 32 : i32
    %add3A_37 = arith.addi %add3A_36, %add3A : i32
    %dma_start3A_38 = arith.constant 0 : i32
    %dma_start3A_39 = arith.constant 0 : i32
    %dma_start3A_40 = arith.constant 0 : i32
    %dma_start3A_41 = tpu.memref_slice %arg2[%dma_start3A_38, %add3A_37, %dma_start3A_39, %dma_start3A_40] : memref<8x7936x8x128xf32, #tpu.memory_space<hbm>> -> memref<8x1x8x128xf32, #tpu.memory_space<hbm>>
    %dma_start3A_42 = tpu.memref_squeeze %dma_start3A_41 : memref<8x1x8x128xf32, #tpu.memory_space<hbm>> -> memref<8x8x128xf32, #tpu.memory_space<hbm>>
    %dma_start3A_43 = arith.constant 0 : i32
    %dma_start3A_44 = arith.constant 0 : i32
    %dma_start3A_45 = arith.constant 0 : i32
    %dma_start3A_46 = tpu.memref_slice %arg2[%dma_start3A_43, %add3A_37, %dma_start3A_44, %dma_start3A_45] : memref<8x7936x8x128xf32, #tpu.memory_space<hbm>> -> memref<8x1x8x128xf32, #tpu.memory_space<hbm>>
    %dma_start3A_47 = tpu.memref_squeeze %dma_start3A_46 : memref<8x1x8x128xf32, #tpu.memory_space<hbm>> -> memref<8x8x128xf32, #tpu.memory_space<hbm>>
    tpu.enqueue_dma source(%dma_start3A_47 : memref<8x8x128xf32, #tpu.memory_space<hbm>>) target(%arg5 : memref<8x8x128xf32, #tpu.memory_space<vmem>>) target_semaphore(%arg13 : memref<!tpu.dma_semaphore, #tpu.memory_space<semaphore_mem>>)
    %add3A_48 = arith.constant 64 : i32
    %add3A_49 = arith.addi %add3A_48, %add3A : i32
    %dma_start3A_50 = arith.constant 0 : i32
    %dma_start3A_51 = arith.constant 0 : i32
    %dma_start3A_52 = arith.constant 0 : i32
    %dma_start3A_53 = tpu.memref_slice %arg2[%dma_start3A_50, %add3A_49, %dma_start3A_51, %dma_start3A_52] : memref<8x7936x8x128xf32, #tpu.memory_space<hbm>> -> memref<8x1x8x128xf32, #tpu.memory_space<hbm>>
    %dma_start3A_54 = tpu.memref_squeeze %dma_start3A_53 : memref<8x1x8x128xf32, #tpu.memory_space<hbm>> -> memref<8x8x128xf32, #tpu.memory_space<hbm>>
    %dma_start3A_55 = arith.constant 0 : i32
    %dma_start3A_56 = arith.constant 0 : i32
    %dma_start3A_57 = arith.constant 0 : i32
    %dma_start3A_58 = tpu.memref_slice %arg2[%dma_start3A_55, %add3A_49, %dma_start3A_56, %dma_start3A_57] : memref<8x7936x8x128xf32, #tpu.memory_space<hbm>> -> memref<8x1x8x128xf32, #tpu.memory_space<hbm>>
    %dma_start3A_59 = tpu.memref_squeeze %dma_start3A_58 : memref<8x1x8x128xf32, #tpu.memory_space<hbm>> -> memref<8x8x128xf32, #tpu.memory_space<hbm>>
    tpu.enqueue_dma source(%dma_start3A_59 : memref<8x8x128xf32, #tpu.memory_space<hbm>>) target(%arg6 : memref<8x8x128xf32, #tpu.memory_space<vmem>>) target_semaphore(%arg14 : memref<!tpu.dma_semaphore, #tpu.memory_space<semaphore_mem>>)
    %add3A_60 = arith.constant 96 : i32
    %add3A_61 = arith.addi %add3A_60, %add3A : i32
    %dma_start3A_62 = arith.constant 0 : i32
    %dma_start3A_63 = arith.constant 0 : i32
    %dma_start3A_64 = arith.constant 0 : i32
    %dma_start3A_65 = tpu.memref_slice %arg2[%dma_start3A_62, %add3A_61, %dma_start3A_63, %dma_start3A_64] : memref<8x7936x8x128xf32, #tpu.memory_space<hbm>> -> memref<8x1x8x128xf32, #tpu.memory_space<hbm>>
    %dma_start3A_66 = tpu.memref_squeeze %dma_start3A_65 : memref<8x1x8x128xf32, #tpu.memory_space<hbm>> -> memref<8x8x128xf32, #tpu.memory_space<hbm>>
    %dma_start3A_67 = arith.constant 0 : i32
    %dma_start3A_68 = arith.constant 0 : i32
    %dma_start3A_69 = arith.constant 0 : i32
    %dma_start3A_70 = tpu.memref_slice %arg2[%dma_start3A_67, %add3A_61, %dma_start3A_68, %dma_start3A_69] : memref<8x7936x8x128xf32, #tpu.memory_space<hbm>> -> memref<8x1x8x128xf32, #tpu.memory_space<hbm>>
    %dma_start3A_71 = tpu.memref_squeeze %dma_start3A_70 : memref<8x1x8x128xf32, #tpu.memory_space<hbm>> -> memref<8x8x128xf32, #tpu.memory_space<hbm>>
    tpu.enqueue_dma source(%dma_start3A_71 : memref<8x8x128xf32, #tpu.memory_space<hbm>>) target(%arg7 : memref<8x8x128xf32, #tpu.memory_space<vmem>>) target_semaphore(%arg15 : memref<!tpu.dma_semaphore, #tpu.memory_space<semaphore_mem>>)
    %scan3A = arith.constant 0 : i32
    %scan3A_72 = arith.constant 0 : i32
    %scan3A_73 = arith.constant 62 : i32
    %scan3A_74 = arith.addi %scan3A_72, %scan3A_73 : i32
    %scan3A_75 = arith.constant 1 : i32
    %scan3A_76 = scf.for %scan3A_133 = %scan3A_72 to %scan3A_74 step %scan3A_75 iter_args(%scan3A_134 = %scan3A) -> (i32)  : i32 {
      %mul3A_135 = arith.constant 4 : i32
      %mul3A_136 = arith.muli %scan3A_133, %mul3A_135 : i32
      %add3A_137 = arith.constant 0 : i32
      %add3A_138 = arith.addi %mul3A_136, %add3A_137 : i32
      %mul3A_139 = arith.constant 32 : i32
      %mul3A_140 = arith.muli %add3A_138, %mul3A_139 : i32
      %add3A_141 = arith.addi %mul3A_140, %add3A : i32
      %dma_wait3A_142 = arith.constant 0 : i32
      %dma_wait3A_143 = arith.constant 0 : i32
      %dma_wait3A_144 = arith.constant 0 : i32
      %dma_wait3A_145 = tpu.memref_slice %arg2[%dma_wait3A_142, %add3A_141, %dma_wait3A_143, %dma_wait3A_144] : memref<8x7936x8x128xf32, #tpu.memory_space<hbm>> -> memref<8x1x8x128xf32, #tpu.memory_space<hbm>>
      %dma_wait3A_146 = tpu.memref_squeeze %dma_wait3A_145 : memref<8x1x8x128xf32, #tpu.memory_space<hbm>> -> memref<8x8x128xf32, #tpu.memory_space<hbm>>
      %dma_wait3A_147 = arith.constant 0 : i32
      %dma_wait3A_148 = arith.constant 0 : i32
      %dma_wait3A_149 = arith.constant 0 : i32
      %dma_wait3A_150 = tpu.memref_slice %arg2[%dma_wait3A_147, %add3A_141, %dma_wait3A_148, %dma_wait3A_149] : memref<8x7936x8x128xf32, #tpu.memory_space<hbm>> -> memref<8x1x8x128xf32, #tpu.memory_space<hbm>>
      %dma_wait3A_151 = tpu.memref_squeeze %dma_wait3A_150 : memref<8x1x8x128xf32, #tpu.memory_space<hbm>> -> memref<8x8x128xf32, #tpu.memory_space<hbm>>
      tpu.wait_dma2 semaphore(%arg12 : memref<!tpu.dma_semaphore, #tpu.memory_space<semaphore_mem>>) src(%dma_wait3A_151 : memref<8x8x128xf32, #tpu.memory_space<hbm>>) dst(%arg4 : memref<8x8x128xf32, #tpu.memory_space<vmem>>)
      %gt3A = arith.constant 0 : i32
      %gt3A_152 = arith.cmpi sgt, %scan3A_133, %gt3A : i32
      %convert_element_type3A = arith.extui %gt3A_152 : i1 to i32
      %cond3A = arith.constant 0 : i32
      %cond3A_153 = arith.cmpi ne, %convert_element_type3A, %cond3A : i32
      scf.if %cond3A_153 {
        %mul3A_311 = arith.constant 32 : i32
        %mul3A_312 = arith.muli %add3A_138, %mul3A_311 : i32
        %add3A_313 = arith.addi %mul3A_312, %add3A : i32
        %mul3A_314 = arith.constant 128 : i32
        %mul3A_315 = arith.muli %add3A_313, %mul3A_314 : i32
        %dma_wait3A_316 = arith.constant 0 : i32
        %dma_wait3A_317 = arith.constant 0 : i32
        %dma_wait3A_318 = tpu.memref_slice %arg8[%dma_wait3A_316, %dma_wait3A_317] : memref<128x65xf32, #tpu.memory_space<vmem>> -> memref<128x64xf32, #tpu.memory_space<vmem>>
        %dma_wait3A_319 = arith.constant 0 : i32
        %dma_wait3A_320 = tpu.memref_slice %arg3[%mul3A_315, %dma_wait3A_319] : memref<1015808x64xf32, #tpu.memory_space<hbm>> -> memref<128x64xf32, #tpu.memory_space<hbm>>
        %dma_wait3A_321 = arith.constant 0 : i32
        %dma_wait3A_322 = tpu.memref_slice %arg3[%mul3A_315, %dma_wait3A_321] : memref<1015808x64xf32, #tpu.memory_space<hbm>> -> memref<128x64xf32, #tpu.memory_space<hbm>>
        %dma_wait3A_323 = arith.constant 0 : i32
        %dma_wait3A_324 = arith.constant 0 : i32
        %dma_wait3A_325 = tpu.memref_slice %arg8[%dma_wait3A_323, %dma_wait3A_324] : memref<128x65xf32, #tpu.memory_space<vmem>> -> memref<128x64xf32, #tpu.memory_space<vmem>>
        tpu.wait_dma2 semaphore(%arg16 : memref<!tpu.dma_semaphore, #tpu.memory_space<semaphore_mem>>) src(%dma_wait3A_325 : memref<128x64xf32, #tpu.memory_space<vmem>>) dst(%dma_wait3A_322 : memref<128x64xf32, #tpu.memory_space<hbm>>)
      } else {
      }
      %parallel_loop3A = arith.constant 0 : i32
      %parallel_loop3A_154 = arith.constant 64 : i32
      %parallel_loop3A_155 = arith.constant 1 : i32
      scf.for %parallel_loop3A_311 = %parallel_loop3A to %parallel_loop3A_154 step %parallel_loop3A_155  : i32 {
        %parallel_loop3A_312 = vector.broadcast %parallel_loop3A_311 : i32 to vector<16xi32>
        %parallel_loop3A_313 = arith.constant 8 : i32
        %parallel_loop3A_314 = arith.divsi %parallel_loop3A_311, %parallel_loop3A_313 : i32
        %parallel_loop3A_315 = arith.constant 0 : i32
        %parallel_loop3A_316 = arith.cmpi sgt, %parallel_loop3A_311, %parallel_loop3A_315 : i32
        %parallel_loop3A_317 = arith.extui %parallel_loop3A_316 : i1 to i32
        %parallel_loop3A_318 = arith.constant 0 : i32
        %parallel_loop3A_319 = arith.cmpi slt, %parallel_loop3A_311, %parallel_loop3A_318 : i32
        %parallel_loop3A_320 = arith.extui %parallel_loop3A_319 : i1 to i32
        %parallel_loop3A_321 = arith.subi %parallel_loop3A_317, %parallel_loop3A_320 : i32
        %parallel_loop3A_322 = arith.constant 0 : i32
        %parallel_loop3A_323 = arith.cmpi sgt, %parallel_loop3A_313, %parallel_loop3A_322 : i32
        %parallel_loop3A_324 = arith.extui %parallel_loop3A_323 : i1 to i32
        %parallel_loop3A_325 = arith.constant 0 : i32
        %parallel_loop3A_326 = arith.cmpi slt, %parallel_loop3A_313, %parallel_loop3A_325 : i32
        %parallel_loop3A_327 = arith.extui %parallel_loop3A_326 : i1 to i32
        %parallel_loop3A_328 = arith.subi %parallel_loop3A_324, %parallel_loop3A_327 : i32
        %parallel_loop3A_329 = arith.cmpi ne, %parallel_loop3A_321, %parallel_loop3A_328 : i32
        %parallel_loop3A_330 = arith.remsi %parallel_loop3A_311, %parallel_loop3A_313 : i32
        %parallel_loop3A_331 = arith.constant 0 : i32
        %parallel_loop3A_332 = arith.cmpi ne, %parallel_loop3A_330, %parallel_loop3A_331 : i32
        %parallel_loop3A_333 = arith.andi %parallel_loop3A_329, %parallel_loop3A_332 : i1
        %parallel_loop3A_334 = arith.constant 1 : i32
        %parallel_loop3A_335 = arith.subi %parallel_loop3A_314, %parallel_loop3A_334 : i32
        %parallel_loop3A_336 = arith.select %parallel_loop3A_333, %parallel_loop3A_335, %parallel_loop3A_314 : i32
        %parallel_loop3A_337 = arith.constant 8 : i32
        %parallel_loop3A_338 = arith.constant 0 : i32
        %parallel_loop3A_339 = arith.cmpi eq, %parallel_loop3A_337, %parallel_loop3A_338 : i32
        %parallel_loop3A_340 = arith.constant 1 : i32
        %parallel_loop3A_341 = arith.select %parallel_loop3A_339, %parallel_loop3A_340, %parallel_loop3A_337 : i32
        %parallel_loop3A_342 = arith.remsi %parallel_loop3A_311, %parallel_loop3A_341 : i32
        %parallel_loop3A_343 = arith.constant 0 : i32
        %parallel_loop3A_344 = arith.cmpi ne, %parallel_loop3A_342, %parallel_loop3A_343 : i32
        %parallel_loop3A_345 = arith.constant 0 : i32
        %parallel_loop3A_346 = arith.cmpi slt, %parallel_loop3A_342, %parallel_loop3A_345 : i32
        %parallel_loop3A_347 = arith.constant 0 : i32
        %parallel_loop3A_348 = arith.cmpi slt, %parallel_loop3A_341, %parallel_loop3A_347 : i32
        %parallel_loop3A_349 = arith.xori %parallel_loop3A_346, %parallel_loop3A_348 : i1
        %parallel_loop3A_350 = arith.andi %parallel_loop3A_349, %parallel_loop3A_344 : i1
        %parallel_loop3A_351 = arith.addi %parallel_loop3A_342, %parallel_loop3A_341 : i32
        %parallel_loop3A_352 = arith.select %parallel_loop3A_350, %parallel_loop3A_351, %parallel_loop3A_342 : i32
        %parallel_loop3A_353 = arith.index_cast %parallel_loop3A_336 : i32 to index
        %parallel_loop3A_354 = arith.index_cast %parallel_loop3A_352 : i32 to index
        %parallel_loop3A_355 = arith.constant 0 : index
        %parallel_loop3A_356 = tpu.vector_load %arg4[%parallel_loop3A_353, %parallel_loop3A_354, %parallel_loop3A_355] {strides = array<i32>} : memref<8x8x128xf32, #tpu.memory_space<vmem>>, vector<16xf32>,
        tpu.vector_store_idx %arg8[%add3A_3, %parallel_loop3A_312], %parallel_loop3A_356 : memref<128x65xf32, #tpu.memory_space<vmem>>[vector<16xi32>, vector<16xi32>], vector<16xf32>,
        %parallel_loop3A_357 = arith.index_cast %parallel_loop3A_336 : i32 to index
        %parallel_loop3A_358 = arith.index_cast %parallel_loop3A_352 : i32 to index
        %parallel_loop3A_359 = arith.constant 16 : index
        %parallel_loop3A_360 = tpu.vector_load %arg4[%parallel_loop3A_357, %parallel_loop3A_358, %parallel_loop3A_359] {strides = array<i32>} : memref<8x8x128xf32, #tpu.memory_space<vmem>>, vector<16xf32>,
        tpu.vector_store_idx %arg8[%add3A_6, %parallel_loop3A_312], %parallel_loop3A_360 : memref<128x65xf32, #tpu.memory_space<vmem>>[vector<16xi32>, vector<16xi32>], vector<16xf32>,
        %parallel_loop3A_361 = arith.index_cast %parallel_loop3A_336 : i32 to index
        %parallel_loop3A_362 = arith.index_cast %parallel_loop3A_352 : i32 to index
        %parallel_loop3A_363 = arith.constant 32 : index
        %parallel_loop3A_364 = tpu.vector_load %arg4[%parallel_loop3A_361, %parallel_loop3A_362, %parallel_loop3A_363] {strides = array<i32>} : memref<8x8x128xf32, #tpu.memory_space<vmem>>, vector<16xf32>,
        tpu.vector_store_idx %arg8[%add3A_9, %parallel_loop3A_312], %parallel_loop3A_364 : memref<128x65xf32, #tpu.memory_space<vmem>>[vector<16xi32>, vector<16xi32>], vector<16xf32>,
        %parallel_loop3A_365 = arith.index_cast %parallel_loop3A_336 : i32 to index
        %parallel_loop3A_366 = arith.index_cast %parallel_loop3A_352 : i32 to index
        %parallel_loop3A_367 = arith.constant 48 : index
        %parallel_loop3A_368 = tpu.vector_load %arg4[%parallel_loop3A_365, %parallel_loop3A_366, %parallel_loop3A_367] {strides = array<i32>} : memref<8x8x128xf32, #tpu.memory_space<vmem>>, vector<16xf32>,
        tpu.vector_store_idx %arg8[%add3A_12, %parallel_loop3A_312], %parallel_loop3A_368 : memref<128x65xf32, #tpu.memory_space<vmem>>[vector<16xi32>, vector<16xi32>], vector<16xf32>,
        %parallel_loop3A_369 = arith.index_cast %parallel_loop3A_336 : i32 to index
        %parallel_loop3A_370 = arith.index_cast %parallel_loop3A_352 : i32 to index
        %parallel_loop3A_371 = arith.constant 64 : index
        %parallel_loop3A_372 = tpu.vector_load %arg4[%parallel_loop3A_369, %parallel_loop3A_370, %parallel_loop3A_371] {strides = array<i32>} : memref<8x8x128xf32, #tpu.memory_space<vmem>>, vector<16xf32>,
        tpu.vector_store_idx %arg8[%add3A_15, %parallel_loop3A_312], %parallel_loop3A_372 : memref<128x65xf32, #tpu.memory_space<vmem>>[vector<16xi32>, vector<16xi32>], vector<16xf32>,
        %parallel_loop3A_373 = arith.index_cast %parallel_loop3A_336 : i32 to index
        %parallel_loop3A_374 = arith.index_cast %parallel_loop3A_352 : i32 to index
        %parallel_loop3A_375 = arith.constant 80 : index
        %parallel_loop3A_376 = tpu.vector_load %arg4[%parallel_loop3A_373, %parallel_loop3A_374, %parallel_loop3A_375] {strides = array<i32>} : memref<8x8x128xf32, #tpu.memory_space<vmem>>, vector<16xf32>,
        tpu.vector_store_idx %arg8[%add3A_18, %parallel_loop3A_312], %parallel_loop3A_376 : memref<128x65xf32, #tpu.memory_space<vmem>>[vector<16xi32>, vector<16xi32>], vector<16xf32>,
        %parallel_loop3A_377 = arith.index_cast %parallel_loop3A_336 : i32 to index
        %parallel_loop3A_378 = arith.index_cast %parallel_loop3A_352 : i32 to index
        %parallel_loop3A_379 = arith.constant 96 : index
        %parallel_loop3A_380 = tpu.vector_load %arg4[%parallel_loop3A_377, %parallel_loop3A_378, %parallel_loop3A_379] {strides = array<i32>} : memref<8x8x128xf32, #tpu.memory_space<vmem>>, vector<16xf32>,
        tpu.vector_store_idx %arg8[%add3A_21, %parallel_loop3A_312], %parallel_loop3A_380 : memref<128x65xf32, #tpu.memory_space<vmem>>[vector<16xi32>, vector<16xi32>], vector<16xf32>,
        %parallel_loop3A_381 = arith.index_cast %parallel_loop3A_336 : i32 to index
        %parallel_loop3A_382 = arith.index_cast %parallel_loop3A_352 : i32 to index
        %parallel_loop3A_383 = arith.constant 112 : index
        %parallel_loop3A_384 = tpu.vector_load %arg4[%parallel_loop3A_381, %parallel_loop3A_382, %parallel_loop3A_383] {strides = array<i32>} : memref<8x8x128xf32, #tpu.memory_space<vmem>>, vector<16xf32>,
        tpu.vector_store_idx %arg8[%add3A_24, %parallel_loop3A_312], %parallel_loop3A_384 : memref<128x65xf32, #tpu.memory_space<vmem>>[vector<16xi32>, vector<16xi32>], vector<16xf32>,
      } {sc.loop_unroll_factor = 4 : i64, sc.parallel_access}
      %mul3A_156 = arith.constant 32 : i32
      %mul3A_157 = arith.muli %add3A_138, %mul3A_156 : i32
      %add3A_158 = arith.addi %mul3A_157, %add3A : i32
      %mul3A_159 = arith.constant 128 : i32
      %mul3A_160 = arith.muli %add3A_158, %mul3A_159 : i32
      %dma_start3A_161 = arith.constant 0 : i32
      %dma_start3A_162 = arith.constant 0 : i32
      %dma_start3A_163 = tpu.memref_slice %arg8[%dma_start3A_161, %dma_start3A_162] : memref<128x65xf32, #tpu.memory_space<vmem>> -> memref<128x64xf32, #tpu.memory_space<vmem>>
      %dma_start3A_164 = arith.constant 0 : i32
      %dma_start3A_165 = tpu.memref_slice %arg3[%mul3A_160, %dma_start3A_164] : memref<1015808x64xf32, #tpu.memory_space<hbm>> -> memref<128x64xf32, #tpu.memory_space<hbm>>
      %dma_start3A_166 = arith.constant 0 : i32
      %dma_start3A_167 = tpu.memref_slice %arg3[%mul3A_160, %dma_start3A_166] : memref<1015808x64xf32, #tpu.memory_space<hbm>> -> memref<128x64xf32, #tpu.memory_space<hbm>>
      %dma_start3A_168 = arith.constant 0 : i32
      %dma_start3A_169 = arith.constant 0 : i32
      %dma_start3A_170 = tpu.memref_slice %arg8[%dma_start3A_168, %dma_start3A_169] : memref<128x65xf32, #tpu.memory_space<vmem>> -> memref<128x64xf32, #tpu.memory_space<vmem>>
      tpu.enqueue_dma source(%dma_start3A_170 : memref<128x64xf32, #tpu.memory_space<vmem>>) target(%dma_start3A_167 : memref<128x64xf32, #tpu.memory_space<hbm>>) target_semaphore(%arg16 : memref<!tpu.dma_semaphore, #tpu.memory_space<semaphore_mem>>)
      %lt3A = arith.constant 61 : i32
      %lt3A_171 = arith.cmpi slt, %scan3A_133, %lt3A : i32
      %convert_element_type3A_172 = arith.extui %lt3A_171 : i1 to i32
      %cond3A_173 = arith.constant 0 : i32
      %cond3A_174 = arith.cmpi ne, %convert_element_type3A_172, %cond3A_173 : i32
      scf.if %cond3A_174 {
        %add3A_311 = arith.constant 4 : i32
        %add3A_312 = arith.addi %add3A_138, %add3A_311 : i32
        %mul3A_313 = arith.constant 32 : i32
        %mul3A_314 = arith.muli %add3A_312, %mul3A_313 : i32
        %add3A_315 = arith.addi %mul3A_314, %add3A : i32
        %dma_start3A_316 = arith.constant 0 : i32
        %dma_start3A_317 = arith.constant 0 : i32
        %dma_start3A_318 = arith.constant 0 : i32
        %dma_start3A_319 = tpu.memref_slice %arg2[%dma_start3A_316, %add3A_315, %dma_start3A_317, %dma_start3A_318] : memref<8x7936x8x128xf32, #tpu.memory_space<hbm>> -> memref<8x1x8x128xf32, #tpu.memory_space<hbm>>
        %dma_start3A_320 = tpu.memref_squeeze %dma_start3A_319 : memref<8x1x8x128xf32, #tpu.memory_space<hbm>> -> memref<8x8x128xf32, #tpu.memory_space<hbm>>
        %dma_start3A_321 = arith.constant 0 : i32
        %dma_start3A_322 = arith.constant 0 : i32
        %dma_start3A_323 = arith.constant 0 : i32
        %dma_start3A_324 = tpu.memref_slice %arg2[%dma_start3A_321, %add3A_315, %dma_start3A_322, %dma_start3A_323] : memref<8x7936x8x128xf32, #tpu.memory_space<hbm>> -> memref<8x1x8x128xf32, #tpu.memory_space<hbm>>
        %dma_start3A_325 = tpu.memref_squeeze %dma_start3A_324 : memref<8x1x8x128xf32, #tpu.memory_space<hbm>> -> memref<8x8x128xf32, #tpu.memory_space<hbm>>
        tpu.enqueue_dma source(%dma_start3A_325 : memref<8x8x128xf32, #tpu.memory_space<hbm>>) target(%arg4 : memref<8x8x128xf32, #tpu.memory_space<vmem>>) target_semaphore(%arg12 : memref<!tpu.dma_semaphore, #tpu.memory_space<semaphore_mem>>)
      } else {
      }
      %mul3A_175 = arith.constant 4 : i32
      %mul3A_176 = arith.muli %scan3A_133, %mul3A_175 : i32
      %add3A_177 = arith.constant 1 : i32
      %add3A_178 = arith.addi %mul3A_176, %add3A_177 : i32
      %mul3A_179 = arith.constant 32 : i32
      %mul3A_180 = arith.muli %add3A_178, %mul3A_179 : i32
      %add3A_181 = arith.addi %mul3A_180, %add3A : i32
      %dma_wait3A_182 = arith.constant 0 : i32
      %dma_wait3A_183 = arith.constant 0 : i32
      %dma_wait3A_184 = arith.constant 0 : i32
      %dma_wait3A_185 = tpu.memref_slice %arg2[%dma_wait3A_182, %add3A_181, %dma_wait3A_183, %dma_wait3A_184] : memref<8x7936x8x128xf32, #tpu.memory_space<hbm>> -> memref<8x1x8x128xf32, #tpu.memory_space<hbm>>
      %dma_wait3A_186 = tpu.memref_squeeze %dma_wait3A_185 : memref<8x1x8x128xf32, #tpu.memory_space<hbm>> -> memref<8x8x128xf32, #tpu.memory_space<hbm>>
      %dma_wait3A_187 = arith.constant 0 : i32
      %dma_wait3A_188 = arith.constant 0 : i32
      %dma_wait3A_189 = arith.constant 0 : i32
      %dma_wait3A_190 = tpu.memref_slice %arg2[%dma_wait3A_187, %add3A_181, %dma_wait3A_188, %dma_wait3A_189] : memref<8x7936x8x128xf32, #tpu.memory_space<hbm>> -> memref<8x1x8x128xf32, #tpu.memory_space<hbm>>
      %dma_wait3A_191 = tpu.memref_squeeze %dma_wait3A_190 : memref<8x1x8x128xf32, #tpu.memory_space<hbm>> -> memref<8x8x128xf32, #tpu.memory_space<hbm>>
      tpu.wait_dma2 semaphore(%arg13 : memref<!tpu.dma_semaphore, #tpu.memory_space<semaphore_mem>>) src(%dma_wait3A_191 : memref<8x8x128xf32, #tpu.memory_space<hbm>>) dst(%arg5 : memref<8x8x128xf32, #tpu.memory_space<vmem>>)
      %gt3A_192 = arith.constant 0 : i32
      %gt3A_193 = arith.cmpi sgt, %scan3A_133, %gt3A_192 : i32
      %convert_element_type3A_194 = arith.extui %gt3A_193 : i1 to i32
      %cond3A_195 = arith.constant 0 : i32
      %cond3A_196 = arith.cmpi ne, %convert_element_type3A_194, %cond3A_195 : i32
      scf.if %cond3A_196 {
        %mul3A_311 = arith.constant 32 : i32
        %mul3A_312 = arith.muli %add3A_178, %mul3A_311 : i32
        %add3A_313 = arith.addi %mul3A_312, %add3A : i32
        %mul3A_314 = arith.constant 128 : i32
        %mul3A_315 = arith.muli %add3A_313, %mul3A_314 : i32
        %dma_wait3A_316 = arith.constant 0 : i32
        %dma_wait3A_317 = arith.constant 0 : i32
        %dma_wait3A_318 = tpu.memref_slice %arg9[%dma_wait3A_316, %dma_wait3A_317] : memref<128x65xf32, #tpu.memory_space<vmem>> -> memref<128x64xf32, #tpu.memory_space<vmem>>
        %dma_wait3A_319 = arith.constant 0 : i32
        %dma_wait3A_320 = tpu.memref_slice %arg3[%mul3A_315, %dma_wait3A_319] : memref<1015808x64xf32, #tpu.memory_space<hbm>> -> memref<128x64xf32, #tpu.memory_space<hbm>>
        %dma_wait3A_321 = arith.constant 0 : i32
        %dma_wait3A_322 = tpu.memref_slice %arg3[%mul3A_315, %dma_wait3A_321] : memref<1015808x64xf32, #tpu.memory_space<hbm>> -> memref<128x64xf32, #tpu.memory_space<hbm>>
        %dma_wait3A_323 = arith.constant 0 : i32
        %dma_wait3A_324 = arith.constant 0 : i32
        %dma_wait3A_325 = tpu.memref_slice %arg9[%dma_wait3A_323, %dma_wait3A_324] : memref<128x65xf32, #tpu.memory_space<vmem>> -> memref<128x64xf32, #tpu.memory_space<vmem>>
        tpu.wait_dma2 semaphore(%arg17 : memref<!tpu.dma_semaphore, #tpu.memory_space<semaphore_mem>>) src(%dma_wait3A_325 : memref<128x64xf32, #tpu.memory_space<vmem>>) dst(%dma_wait3A_322 : memref<128x64xf32, #tpu.memory_space<hbm>>)
      } else {
      }
      %parallel_loop3A_197 = arith.constant 0 : i32
      %parallel_loop3A_198 = arith.constant 64 : i32
      %parallel_loop3A_199 = arith.constant 1 : i32
      scf.for %parallel_loop3A_311 = %parallel_loop3A_197 to %parallel_loop3A_198 step %parallel_loop3A_199  : i32 {
        %parallel_loop3A_312 = vector.broadcast %parallel_loop3A_311 : i32 to vector<16xi32>
        %parallel_loop3A_313 = arith.constant 8 : i32
        %parallel_loop3A_314 = arith.divsi %parallel_loop3A_311, %parallel_loop3A_313 : i32
        %parallel_loop3A_315 = arith.constant 0 : i32
        %parallel_loop3A_316 = arith.cmpi sgt, %parallel_loop3A_311, %parallel_loop3A_315 : i32
        %parallel_loop3A_317 = arith.extui %parallel_loop3A_316 : i1 to i32
        %parallel_loop3A_318 = arith.constant 0 : i32
        %parallel_loop3A_319 = arith.cmpi slt, %parallel_loop3A_311, %parallel_loop3A_318 : i32
        %parallel_loop3A_320 = arith.extui %parallel_loop3A_319 : i1 to i32
        %parallel_loop3A_321 = arith.subi %parallel_loop3A_317, %parallel_loop3A_320 : i32
        %parallel_loop3A_322 = arith.constant 0 : i32
        %parallel_loop3A_323 = arith.cmpi sgt, %parallel_loop3A_313, %parallel_loop3A_322 : i32
        %parallel_loop3A_324 = arith.extui %parallel_loop3A_323 : i1 to i32
        %parallel_loop3A_325 = arith.constant 0 : i32
        %parallel_loop3A_326 = arith.cmpi slt, %parallel_loop3A_313, %parallel_loop3A_325 : i32
        %parallel_loop3A_327 = arith.extui %parallel_loop3A_326 : i1 to i32
        %parallel_loop3A_328 = arith.subi %parallel_loop3A_324, %parallel_loop3A_327 : i32
        %parallel_loop3A_329 = arith.cmpi ne, %parallel_loop3A_321, %parallel_loop3A_328 : i32
        %parallel_loop3A_330 = arith.remsi %parallel_loop3A_311, %parallel_loop3A_313 : i32
        %parallel_loop3A_331 = arith.constant 0 : i32
        %parallel_loop3A_332 = arith.cmpi ne, %parallel_loop3A_330, %parallel_loop3A_331 : i32
        %parallel_loop3A_333 = arith.andi %parallel_loop3A_329, %parallel_loop3A_332 : i1
        %parallel_loop3A_334 = arith.constant 1 : i32
        %parallel_loop3A_335 = arith.subi %parallel_loop3A_314, %parallel_loop3A_334 : i32
        %parallel_loop3A_336 = arith.select %parallel_loop3A_333, %parallel_loop3A_335, %parallel_loop3A_314 : i32
        %parallel_loop3A_337 = arith.constant 8 : i32
        %parallel_loop3A_338 = arith.constant 0 : i32
        %parallel_loop3A_339 = arith.cmpi eq, %parallel_loop3A_337, %parallel_loop3A_338 : i32
        %parallel_loop3A_340 = arith.constant 1 : i32
        %parallel_loop3A_341 = arith.select %parallel_loop3A_339, %parallel_loop3A_340, %parallel_loop3A_337 : i32
        %parallel_loop3A_342 = arith.remsi %parallel_loop3A_311, %parallel_loop3A_341 : i32
        %parallel_loop3A_343 = arith.constant 0 : i32
        %parallel_loop3A_344 = arith.cmpi ne, %parallel_loop3A_342, %parallel_loop3A_343 : i32
        %parallel_loop3A_345 = arith.constant 0 : i32
        %parallel_loop3A_346 = arith.cmpi slt, %parallel_loop3A_342, %parallel_loop3A_345 : i32
        %parallel_loop3A_347 = arith.constant 0 : i32
        %parallel_loop3A_348 = arith.cmpi slt, %parallel_loop3A_341, %parallel_loop3A_347 : i32
        %parallel_loop3A_349 = arith.xori %parallel_loop3A_346, %parallel_loop3A_348 : i1
        %parallel_loop3A_350 = arith.andi %parallel_loop3A_349, %parallel_loop3A_344 : i1
        %parallel_loop3A_351 = arith.addi %parallel_loop3A_342, %parallel_loop3A_341 : i32
        %parallel_loop3A_352 = arith.select %parallel_loop3A_350, %parallel_loop3A_351, %parallel_loop3A_342 : i32
        %parallel_loop3A_353 = arith.index_cast %parallel_loop3A_336 : i32 to index
        %parallel_loop3A_354 = arith.index_cast %parallel_loop3A_352 : i32 to index
        %parallel_loop3A_355 = arith.constant 0 : index
        %parallel_loop3A_356 = tpu.vector_load %arg5[%parallel_loop3A_353, %parallel_loop3A_354, %parallel_loop3A_355] {strides = array<i32>} : memref<8x8x128xf32, #tpu.memory_space<vmem>>, vector<16xf32>,
        tpu.vector_store_idx %arg9[%add3A_3, %parallel_loop3A_312], %parallel_loop3A_356 : memref<128x65xf32, #tpu.memory_space<vmem>>[vector<16xi32>, vector<16xi32>], vector<16xf32>,
        %parallel_loop3A_357 = arith.index_cast %parallel_loop3A_336 : i32 to index
        %parallel_loop3A_358 = arith.index_cast %parallel_loop3A_352 : i32 to index
        %parallel_loop3A_359 = arith.constant 16 : index
        %parallel_loop3A_360 = tpu.vector_load %arg5[%parallel_loop3A_357, %parallel_loop3A_358, %parallel_loop3A_359] {strides = array<i32>} : memref<8x8x128xf32, #tpu.memory_space<vmem>>, vector<16xf32>,
        tpu.vector_store_idx %arg9[%add3A_6, %parallel_loop3A_312], %parallel_loop3A_360 : memref<128x65xf32, #tpu.memory_space<vmem>>[vector<16xi32>, vector<16xi32>], vector<16xf32>,
        %parallel_loop3A_361 = arith.index_cast %parallel_loop3A_336 : i32 to index
        %parallel_loop3A_362 = arith.index_cast %parallel_loop3A_352 : i32 to index
        %parallel_loop3A_363 = arith.constant 32 : index
        %parallel_loop3A_364 = tpu.vector_load %arg5[%parallel_loop3A_361, %parallel_loop3A_362, %parallel_loop3A_363] {strides = array<i32>} : memref<8x8x128xf32, #tpu.memory_space<vmem>>, vector<16xf32>,
        tpu.vector_store_idx %arg9[%add3A_9, %parallel_loop3A_312], %parallel_loop3A_364 : memref<128x65xf32, #tpu.memory_space<vmem>>[vector<16xi32>, vector<16xi32>], vector<16xf32>,
        %parallel_loop3A_365 = arith.index_cast %parallel_loop3A_336 : i32 to index
        %parallel_loop3A_366 = arith.index_cast %parallel_loop3A_352 : i32 to index
        %parallel_loop3A_367 = arith.constant 48 : index
        %parallel_loop3A_368 = tpu.vector_load %arg5[%parallel_loop3A_365, %parallel_loop3A_366, %parallel_loop3A_367] {strides = array<i32>} : memref<8x8x128xf32, #tpu.memory_space<vmem>>, vector<16xf32>,
        tpu.vector_store_idx %arg9[%add3A_12, %parallel_loop3A_312], %parallel_loop3A_368 : memref<128x65xf32, #tpu.memory_space<vmem>>[vector<16xi32>, vector<16xi32>], vector<16xf32>,
        %parallel_loop3A_369 = arith.index_cast %parallel_loop3A_336 : i32 to index
        %parallel_loop3A_370 = arith.index_cast %parallel_loop3A_352 : i32 to index
        %parallel_loop3A_371 = arith.constant 64 : index
        %parallel_loop3A_372 = tpu.vector_load %arg5[%parallel_loop3A_369, %parallel_loop3A_370, %parallel_loop3A_371] {strides = array<i32>} : memref<8x8x128xf32, #tpu.memory_space<vmem>>, vector<16xf32>,
        tpu.vector_store_idx %arg9[%add3A_15, %parallel_loop3A_312], %parallel_loop3A_372 : memref<128x65xf32, #tpu.memory_space<vmem>>[vector<16xi32>, vector<16xi32>], vector<16xf32>,
        %parallel_loop3A_373 = arith.index_cast %parallel_loop3A_336 : i32 to index
        %parallel_loop3A_374 = arith.index_cast %parallel_loop3A_352 : i32 to index
        %parallel_loop3A_375 = arith.constant 80 : index
        %parallel_loop3A_376 = tpu.vector_load %arg5[%parallel_loop3A_373, %parallel_loop3A_374, %parallel_loop3A_375] {strides = array<i32>} : memref<8x8x128xf32, #tpu.memory_space<vmem>>, vector<16xf32>,
        tpu.vector_store_idx %arg9[%add3A_18, %parallel_loop3A_312], %parallel_loop3A_376 : memref<128x65xf32, #tpu.memory_space<vmem>>[vector<16xi32>, vector<16xi32>], vector<16xf32>,
        %parallel_loop3A_377 = arith.index_cast %parallel_loop3A_336 : i32 to index
        %parallel_loop3A_378 = arith.index_cast %parallel_loop3A_352 : i32 to index
        %parallel_loop3A_379 = arith.constant 96 : index
        %parallel_loop3A_380 = tpu.vector_load %arg5[%parallel_loop3A_377, %parallel_loop3A_378, %parallel_loop3A_379] {strides = array<i32>} : memref<8x8x128xf32, #tpu.memory_space<vmem>>, vector<16xf32>,
        tpu.vector_store_idx %arg9[%add3A_21, %parallel_loop3A_312], %parallel_loop3A_380 : memref<128x65xf32, #tpu.memory_space<vmem>>[vector<16xi32>, vector<16xi32>], vector<16xf32>,
        %parallel_loop3A_381 = arith.index_cast %parallel_loop3A_336 : i32 to index
        %parallel_loop3A_382 = arith.index_cast %parallel_loop3A_352 : i32 to index
        %parallel_loop3A_383 = arith.constant 112 : index
        %parallel_loop3A_384 = tpu.vector_load %arg5[%parallel_loop3A_381, %parallel_loop3A_382, %parallel_loop3A_383] {strides = array<i32>} : memref<8x8x128xf32, #tpu.memory_space<vmem>>, vector<16xf32>,
        tpu.vector_store_idx %arg9[%add3A_24, %parallel_loop3A_312], %parallel_loop3A_384 : memref<128x65xf32, #tpu.memory_space<vmem>>[vector<16xi32>, vector<16xi32>], vector<16xf32>,
      } {sc.loop_unroll_factor = 4 : i64, sc.parallel_access}
      %mul3A_200 = arith.constant 32 : i32
      %mul3A_201 = arith.muli %add3A_178, %mul3A_200 : i32
      %add3A_202 = arith.addi %mul3A_201, %add3A : i32
      %mul3A_203 = arith.constant 128 : i32
      %mul3A_204 = arith.muli %add3A_202, %mul3A_203 : i32
      %dma_start3A_205 = arith.constant 0 : i32
      %dma_start3A_206 = arith.constant 0 : i32
      %dma_start3A_207 = tpu.memref_slice %arg9[%dma_start3A_205, %dma_start3A_206] : memref<128x65xf32, #tpu.memory_space<vmem>> -> memref<128x64xf32, #tpu.memory_space<vmem>>
      %dma_start3A_208 = arith.constant 0 : i32
      %dma_start3A_209 = tpu.memref_slice %arg3[%mul3A_204, %dma_start3A_208] : memref<1015808x64xf32, #tpu.memory_space<hbm>> -> memref<128x64xf32, #tpu.memory_space<hbm>>
      %dma_start3A_210 = arith.constant 0 : i32
      %dma_start3A_211 = tpu.memref_slice %arg3[%mul3A_204, %dma_start3A_210] : memref<1015808x64xf32, #tpu.memory_space<hbm>> -> memref<128x64xf32, #tpu.memory_space<hbm>>
      %dma_start3A_212 = arith.constant 0 : i32
      %dma_start3A_213 = arith.constant 0 : i32
      %dma_start3A_214 = tpu.memref_slice %arg9[%dma_start3A_212, %dma_start3A_213] : memref<128x65xf32, #tpu.memory_space<vmem>> -> memref<128x64xf32, #tpu.memory_space<vmem>>
      tpu.enqueue_dma source(%dma_start3A_214 : memref<128x64xf32, #tpu.memory_space<vmem>>) target(%dma_start3A_211 : memref<128x64xf32, #tpu.memory_space<hbm>>) target_semaphore(%arg17 : memref<!tpu.dma_semaphore, #tpu.memory_space<semaphore_mem>>)
      %lt3A_215 = arith.constant 61 : i32
      %lt3A_216 = arith.cmpi slt, %scan3A_133, %lt3A_215 : i32
      %convert_element_type3A_217 = arith.extui %lt3A_216 : i1 to i32
      %cond3A_218 = arith.constant 0 : i32
      %cond3A_219 = arith.cmpi ne, %convert_element_type3A_217, %cond3A_218 : i32
      scf.if %cond3A_219 {
        %add3A_311 = arith.constant 4 : i32
        %add3A_312 = arith.addi %add3A_178, %add3A_311 : i32
        %mul3A_313 = arith.constant 32 : i32
        %mul3A_314 = arith.muli %add3A_312, %mul3A_313 : i32
        %add3A_315 = arith.addi %mul3A_314, %add3A : i32
        %dma_start3A_316 = arith.constant 0 : i32
        %dma_start3A_317 = arith.constant 0 : i32
        %dma_start3A_318 = arith.constant 0 : i32
        %dma_start3A_319 = tpu.memref_slice %arg2[%dma_start3A_316, %add3A_315, %dma_start3A_317, %dma_start3A_318] : memref<8x7936x8x128xf32, #tpu.memory_space<hbm>> -> memref<8x1x8x128xf32, #tpu.memory_space<hbm>>
        %dma_start3A_320 = tpu.memref_squeeze %dma_start3A_319 : memref<8x1x8x128xf32, #tpu.memory_space<hbm>> -> memref<8x8x128xf32, #tpu.memory_space<hbm>>
        %dma_start3A_321 = arith.constant 0 : i32
        %dma_start3A_322 = arith.constant 0 : i32
        %dma_start3A_323 = arith.constant 0 : i32
        %dma_start3A_324 = tpu.memref_slice %arg2[%dma_start3A_321, %add3A_315, %dma_start3A_322, %dma_start3A_323] : memref<8x7936x8x128xf32, #tpu.memory_space<hbm>> -> memref<8x1x8x128xf32, #tpu.memory_space<hbm>>
        %dma_start3A_325 = tpu.memref_squeeze %dma_start3A_324 : memref<8x1x8x128xf32, #tpu.memory_space<hbm>> -> memref<8x8x128xf32, #tpu.memory_space<hbm>>
        tpu.enqueue_dma source(%dma_start3A_325 : memref<8x8x128xf32, #tpu.memory_space<hbm>>) target(%arg5 : memref<8x8x128xf32, #tpu.memory_space<vmem>>) target_semaphore(%arg13 : memref<!tpu.dma_semaphore, #tpu.memory_space<semaphore_mem>>)
      } else {
      }
      %mul3A_220 = arith.constant 4 : i32
      %mul3A_221 = arith.muli %scan3A_133, %mul3A_220 : i32
      %add3A_222 = arith.constant 2 : i32
      %add3A_223 = arith.addi %mul3A_221, %add3A_222 : i32
      %mul3A_224 = arith.constant 32 : i32
      %mul3A_225 = arith.muli %add3A_223, %mul3A_224 : i32
      %add3A_226 = arith.addi %mul3A_225, %add3A : i32
      %dma_wait3A_227 = arith.constant 0 : i32
      %dma_wait3A_228 = arith.constant 0 : i32
      %dma_wait3A_229 = arith.constant 0 : i32
      %dma_wait3A_230 = tpu.memref_slice %arg2[%dma_wait3A_227, %add3A_226, %dma_wait3A_228, %dma_wait3A_229] : memref<8x7936x8x128xf32, #tpu.memory_space<hbm>> -> memref<8x1x8x128xf32, #tpu.memory_space<hbm>>
      %dma_wait3A_231 = tpu.memref_squeeze %dma_wait3A_230 : memref<8x1x8x128xf32, #tpu.memory_space<hbm>> -> memref<8x8x128xf32, #tpu.memory_space<hbm>>
      %dma_wait3A_232 = arith.constant 0 : i32
      %dma_wait3A_233 = arith.constant 0 : i32
      %dma_wait3A_234 = arith.constant 0 : i32
      %dma_wait3A_235 = tpu.memref_slice %arg2[%dma_wait3A_232, %add3A_226, %dma_wait3A_233, %dma_wait3A_234] : memref<8x7936x8x128xf32, #tpu.memory_space<hbm>> -> memref<8x1x8x128xf32, #tpu.memory_space<hbm>>
      %dma_wait3A_236 = tpu.memref_squeeze %dma_wait3A_235 : memref<8x1x8x128xf32, #tpu.memory_space<hbm>> -> memref<8x8x128xf32, #tpu.memory_space<hbm>>
      tpu.wait_dma2 semaphore(%arg14 : memref<!tpu.dma_semaphore, #tpu.memory_space<semaphore_mem>>) src(%dma_wait3A_236 : memref<8x8x128xf32, #tpu.memory_space<hbm>>) dst(%arg6 : memref<8x8x128xf32, #tpu.memory_space<vmem>>)
      %gt3A_237 = arith.constant 0 : i32
      %gt3A_238 = arith.cmpi sgt, %scan3A_133, %gt3A_237 : i32
      %convert_element_type3A_239 = arith.extui %gt3A_238 : i1 to i32
      %cond3A_240 = arith.constant 0 : i32
      %cond3A_241 = arith.cmpi ne, %convert_element_type3A_239, %cond3A_240 : i32
      scf.if %cond3A_241 {
        %mul3A_311 = arith.constant 32 : i32
        %mul3A_312 = arith.muli %add3A_223, %mul3A_311 : i32
        %add3A_313 = arith.addi %mul3A_312, %add3A : i32
        %mul3A_314 = arith.constant 128 : i32
        %mul3A_315 = arith.muli %add3A_313, %mul3A_314 : i32
        %dma_wait3A_316 = arith.constant 0 : i32
        %dma_wait3A_317 = arith.constant 0 : i32
        %dma_wait3A_318 = tpu.memref_slice %arg10[%dma_wait3A_316, %dma_wait3A_317] : memref<128x65xf32, #tpu.memory_space<vmem>> -> memref<128x64xf32, #tpu.memory_space<vmem>>
        %dma_wait3A_319 = arith.constant 0 : i32
        %dma_wait3A_320 = tpu.memref_slice %arg3[%mul3A_315, %dma_wait3A_319] : memref<1015808x64xf32, #tpu.memory_space<hbm>> -> memref<128x64xf32, #tpu.memory_space<hbm>>
        %dma_wait3A_321 = arith.constant 0 : i32
        %dma_wait3A_322 = tpu.memref_slice %arg3[%mul3A_315, %dma_wait3A_321] : memref<1015808x64xf32, #tpu.memory_space<hbm>> -> memref<128x64xf32, #tpu.memory_space<hbm>>
        %dma_wait3A_323 = arith.constant 0 : i32
        %dma_wait3A_324 = arith.constant 0 : i32
        %dma_wait3A_325 = tpu.memref_slice %arg10[%dma_wait3A_323, %dma_wait3A_324] : memref<128x65xf32, #tpu.memory_space<vmem>> -> memref<128x64xf32, #tpu.memory_space<vmem>>
        tpu.wait_dma2 semaphore(%arg18 : memref<!tpu.dma_semaphore, #tpu.memory_space<semaphore_mem>>) src(%dma_wait3A_325 : memref<128x64xf32, #tpu.memory_space<vmem>>) dst(%dma_wait3A_322 : memref<128x64xf32, #tpu.memory_space<hbm>>)
      } else {
      }
      %parallel_loop3A_242 = arith.constant 0 : i32
      %parallel_loop3A_243 = arith.constant 64 : i32
      %parallel_loop3A_244 = arith.constant 1 : i32
      scf.for %parallel_loop3A_311 = %parallel_loop3A_242 to %parallel_loop3A_243 step %parallel_loop3A_244  : i32 {
        %parallel_loop3A_312 = vector.broadcast %parallel_loop3A_311 : i32 to vector<16xi32>
        %parallel_loop3A_313 = arith.constant 8 : i32
        %parallel_loop3A_314 = arith.divsi %parallel_loop3A_311, %parallel_loop3A_313 : i32
        %parallel_loop3A_315 = arith.constant 0 : i32
        %parallel_loop3A_316 = arith.cmpi sgt, %parallel_loop3A_311, %parallel_loop3A_315 : i32
        %parallel_loop3A_317 = arith.extui %parallel_loop3A_316 : i1 to i32
        %parallel_loop3A_318 = arith.constant 0 : i32
        %parallel_loop3A_319 = arith.cmpi slt, %parallel_loop3A_311, %parallel_loop3A_318 : i32
        %parallel_loop3A_320 = arith.extui %parallel_loop3A_319 : i1 to i32
        %parallel_loop3A_321 = arith.subi %parallel_loop3A_317, %parallel_loop3A_320 : i32
        %parallel_loop3A_322 = arith.constant 0 : i32
        %parallel_loop3A_323 = arith.cmpi sgt, %parallel_loop3A_313, %parallel_loop3A_322 : i32
        %parallel_loop3A_324 = arith.extui %parallel_loop3A_323 : i1 to i32
        %parallel_loop3A_325 = arith.constant 0 : i32
        %parallel_loop3A_326 = arith.cmpi slt, %parallel_loop3A_313, %parallel_loop3A_325 : i32
        %parallel_loop3A_327 = arith.extui %parallel_loop3A_326 : i1 to i32
        %parallel_loop3A_328 = arith.subi %parallel_loop3A_324, %parallel_loop3A_327 : i32
        %parallel_loop3A_329 = arith.cmpi ne, %parallel_loop3A_321, %parallel_loop3A_328 : i32
        %parallel_loop3A_330 = arith.remsi %parallel_loop3A_311, %parallel_loop3A_313 : i32
        %parallel_loop3A_331 = arith.constant 0 : i32
        %parallel_loop3A_332 = arith.cmpi ne, %parallel_loop3A_330, %parallel_loop3A_331 : i32
        %parallel_loop3A_333 = arith.andi %parallel_loop3A_329, %parallel_loop3A_332 : i1
        %parallel_loop3A_334 = arith.constant 1 : i32
        %parallel_loop3A_335 = arith.subi %parallel_loop3A_314, %parallel_loop3A_334 : i32
        %parallel_loop3A_336 = arith.select %parallel_loop3A_333, %parallel_loop3A_335, %parallel_loop3A_314 : i32
        %parallel_loop3A_337 = arith.constant 8 : i32
        %parallel_loop3A_338 = arith.constant 0 : i32
        %parallel_loop3A_339 = arith.cmpi eq, %parallel_loop3A_337, %parallel_loop3A_338 : i32
        %parallel_loop3A_340 = arith.constant 1 : i32
        %parallel_loop3A_341 = arith.select %parallel_loop3A_339, %parallel_loop3A_340, %parallel_loop3A_337 : i32
        %parallel_loop3A_342 = arith.remsi %parallel_loop3A_311, %parallel_loop3A_341 : i32
        %parallel_loop3A_343 = arith.constant 0 : i32
        %parallel_loop3A_344 = arith.cmpi ne, %parallel_loop3A_342, %parallel_loop3A_343 : i32
        %parallel_loop3A_345 = arith.constant 0 : i32
        %parallel_loop3A_346 = arith.cmpi slt, %parallel_loop3A_342, %parallel_loop3A_345 : i32
        %parallel_loop3A_347 = arith.constant 0 : i32
        %parallel_loop3A_348 = arith.cmpi slt, %parallel_loop3A_341, %parallel_loop3A_347 : i32
        %parallel_loop3A_349 = arith.xori %parallel_loop3A_346, %parallel_loop3A_348 : i1
        %parallel_loop3A_350 = arith.andi %parallel_loop3A_349, %parallel_loop3A_344 : i1
        %parallel_loop3A_351 = arith.addi %parallel_loop3A_342, %parallel_loop3A_341 : i32
        %parallel_loop3A_352 = arith.select %parallel_loop3A_350, %parallel_loop3A_351, %parallel_loop3A_342 : i32
        %parallel_loop3A_353 = arith.index_cast %parallel_loop3A_336 : i32 to index
        %parallel_loop3A_354 = arith.index_cast %parallel_loop3A_352 : i32 to index
        %parallel_loop3A_355 = arith.constant 0 : index
        %parallel_loop3A_356 = tpu.vector_load %arg6[%parallel_loop3A_353, %parallel_loop3A_354, %parallel_loop3A_355] {strides = array<i32>} : memref<8x8x128xf32, #tpu.memory_space<vmem>>, vector<16xf32>,
        tpu.vector_store_idx %arg10[%add3A_3, %parallel_loop3A_312], %parallel_loop3A_356 : memref<128x65xf32, #tpu.memory_space<vmem>>[vector<16xi32>, vector<16xi32>], vector<16xf32>,
        %parallel_loop3A_357 = arith.index_cast %parallel_loop3A_336 : i32 to index
        %parallel_loop3A_358 = arith.index_cast %parallel_loop3A_352 : i32 to index
        %parallel_loop3A_359 = arith.constant 16 : index
        %parallel_loop3A_360 = tpu.vector_load %arg6[%parallel_loop3A_357, %parallel_loop3A_358, %parallel_loop3A_359] {strides = array<i32>} : memref<8x8x128xf32, #tpu.memory_space<vmem>>, vector<16xf32>,
        tpu.vector_store_idx %arg10[%add3A_6, %parallel_loop3A_312], %parallel_loop3A_360 : memref<128x65xf32, #tpu.memory_space<vmem>>[vector<16xi32>, vector<16xi32>], vector<16xf32>,
        %parallel_loop3A_361 = arith.index_cast %parallel_loop3A_336 : i32 to index
        %parallel_loop3A_362 = arith.index_cast %parallel_loop3A_352 : i32 to index
        %parallel_loop3A_363 = arith.constant 32 : index
        %parallel_loop3A_364 = tpu.vector_load %arg6[%parallel_loop3A_361, %parallel_loop3A_362, %parallel_loop3A_363] {strides = array<i32>} : memref<8x8x128xf32, #tpu.memory_space<vmem>>, vector<16xf32>,
        tpu.vector_store_idx %arg10[%add3A_9, %parallel_loop3A_312], %parallel_loop3A_364 : memref<128x65xf32, #tpu.memory_space<vmem>>[vector<16xi32>, vector<16xi32>], vector<16xf32>,
        %parallel_loop3A_365 = arith.index_cast %parallel_loop3A_336 : i32 to index
        %parallel_loop3A_366 = arith.index_cast %parallel_loop3A_352 : i32 to index
        %parallel_loop3A_367 = arith.constant 48 : index
        %parallel_loop3A_368 = tpu.vector_load %arg6[%parallel_loop3A_365, %parallel_loop3A_366, %parallel_loop3A_367] {strides = array<i32>} : memref<8x8x128xf32, #tpu.memory_space<vmem>>, vector<16xf32>,
        tpu.vector_store_idx %arg10[%add3A_12, %parallel_loop3A_312], %parallel_loop3A_368 : memref<128x65xf32, #tpu.memory_space<vmem>>[vector<16xi32>, vector<16xi32>], vector<16xf32>,
        %parallel_loop3A_369 = arith.index_cast %parallel_loop3A_336 : i32 to index
        %parallel_loop3A_370 = arith.index_cast %parallel_loop3A_352 : i32 to index
        %parallel_loop3A_371 = arith.constant 64 : index
        %parallel_loop3A_372 = tpu.vector_load %arg6[%parallel_loop3A_369, %parallel_loop3A_370, %parallel_loop3A_371] {strides = array<i32>} : memref<8x8x128xf32, #tpu.memory_space<vmem>>, vector<16xf32>,
        tpu.vector_store_idx %arg10[%add3A_15, %parallel_loop3A_312], %parallel_loop3A_372 : memref<128x65xf32, #tpu.memory_space<vmem>>[vector<16xi32>, vector<16xi32>], vector<16xf32>,
        %parallel_loop3A_373 = arith.index_cast %parallel_loop3A_336 : i32 to index
        %parallel_loop3A_374 = arith.index_cast %parallel_loop3A_352 : i32 to index
        %parallel_loop3A_375 = arith.constant 80 : index
        %parallel_loop3A_376 = tpu.vector_load %arg6[%parallel_loop3A_373, %parallel_loop3A_374, %parallel_loop3A_375] {strides = array<i32>} : memref<8x8x128xf32, #tpu.memory_space<vmem>>, vector<16xf32>,
        tpu.vector_store_idx %arg10[%add3A_18, %parallel_loop3A_312], %parallel_loop3A_376 : memref<128x65xf32, #tpu.memory_space<vmem>>[vector<16xi32>, vector<16xi32>], vector<16xf32>,
        %parallel_loop3A_377 = arith.index_cast %parallel_loop3A_336 : i32 to index
        %parallel_loop3A_378 = arith.index_cast %parallel_loop3A_352 : i32 to index
        %parallel_loop3A_379 = arith.constant 96 : index
        %parallel_loop3A_380 = tpu.vector_load %arg6[%parallel_loop3A_377, %parallel_loop3A_378, %parallel_loop3A_379] {strides = array<i32>} : memref<8x8x128xf32, #tpu.memory_space<vmem>>, vector<16xf32>,
        tpu.vector_store_idx %arg10[%add3A_21, %parallel_loop3A_312], %parallel_loop3A_380 : memref<128x65xf32, #tpu.memory_space<vmem>>[vector<16xi32>, vector<16xi32>], vector<16xf32>,
        %parallel_loop3A_381 = arith.index_cast %parallel_loop3A_336 : i32 to index
        %parallel_loop3A_382 = arith.index_cast %parallel_loop3A_352 : i32 to index
        %parallel_loop3A_383 = arith.constant 112 : index
        %parallel_loop3A_384 = tpu.vector_load %arg6[%parallel_loop3A_381, %parallel_loop3A_382, %parallel_loop3A_383] {strides = array<i32>} : memref<8x8x128xf32, #tpu.memory_space<vmem>>, vector<16xf32>,
        tpu.vector_store_idx %arg10[%add3A_24, %parallel_loop3A_312], %parallel_loop3A_384 : memref<128x65xf32, #tpu.memory_space<vmem>>[vector<16xi32>, vector<16xi32>], vector<16xf32>,
      } {sc.loop_unroll_factor = 4 : i64, sc.parallel_access}
      %mul3A_245 = arith.constant 32 : i32
      %mul3A_246 = arith.muli %add3A_223, %mul3A_245 : i32
      %add3A_247 = arith.addi %mul3A_246, %add3A : i32
      %mul3A_248 = arith.constant 128 : i32
      %mul3A_249 = arith.muli %add3A_247, %mul3A_248 : i32
      %dma_start3A_250 = arith.constant 0 : i32
      %dma_start3A_251 = arith.constant 0 : i32
      %dma_start3A_252 = tpu.memref_slice %arg10[%dma_start3A_250, %dma_start3A_251] : memref<128x65xf32, #tpu.memory_space<vmem>> -> memref<128x64xf32, #tpu.memory_space<vmem>>
      %dma_start3A_253 = arith.constant 0 : i32
      %dma_start3A_254 = tpu.memref_slice %arg3[%mul3A_249, %dma_start3A_253] : memref<1015808x64xf32, #tpu.memory_space<hbm>> -> memref<128x64xf32, #tpu.memory_space<hbm>>
      %dma_start3A_255 = arith.constant 0 : i32
      %dma_start3A_256 = tpu.memref_slice %arg3[%mul3A_249, %dma_start3A_255] : memref<1015808x64xf32, #tpu.memory_space<hbm>> -> memref<128x64xf32, #tpu.memory_space<hbm>>
      %dma_start3A_257 = arith.constant 0 : i32
      %dma_start3A_258 = arith.constant 0 : i32
      %dma_start3A_259 = tpu.memref_slice %arg10[%dma_start3A_257, %dma_start3A_258] : memref<128x65xf32, #tpu.memory_space<vmem>> -> memref<128x64xf32, #tpu.memory_space<vmem>>
      tpu.enqueue_dma source(%dma_start3A_259 : memref<128x64xf32, #tpu.memory_space<vmem>>) target(%dma_start3A_256 : memref<128x64xf32, #tpu.memory_space<hbm>>) target_semaphore(%arg18 : memref<!tpu.dma_semaphore, #tpu.memory_space<semaphore_mem>>)
      %lt3A_260 = arith.constant 61 : i32
      %lt3A_261 = arith.cmpi slt, %scan3A_133, %lt3A_260 : i32
      %convert_element_type3A_262 = arith.extui %lt3A_261 : i1 to i32
      %cond3A_263 = arith.constant 0 : i32
      %cond3A_264 = arith.cmpi ne, %convert_element_type3A_262, %cond3A_263 : i32
      scf.if %cond3A_264 {
        %add3A_311 = arith.constant 4 : i32
        %add3A_312 = arith.addi %add3A_223, %add3A_311 : i32
        %mul3A_313 = arith.constant 32 : i32
        %mul3A_314 = arith.muli %add3A_312, %mul3A_313 : i32
        %add3A_315 = arith.addi %mul3A_314, %add3A : i32
        %dma_start3A_316 = arith.constant 0 : i32
        %dma_start3A_317 = arith.constant 0 : i32
        %dma_start3A_318 = arith.constant 0 : i32
        %dma_start3A_319 = tpu.memref_slice %arg2[%dma_start3A_316, %add3A_315, %dma_start3A_317, %dma_start3A_318] : memref<8x7936x8x128xf32, #tpu.memory_space<hbm>> -> memref<8x1x8x128xf32, #tpu.memory_space<hbm>>
        %dma_start3A_320 = tpu.memref_squeeze %dma_start3A_319 : memref<8x1x8x128xf32, #tpu.memory_space<hbm>> -> memref<8x8x128xf32, #tpu.memory_space<hbm>>
        %dma_start3A_321 = arith.constant 0 : i32
        %dma_start3A_322 = arith.constant 0 : i32
        %dma_start3A_323 = arith.constant 0 : i32
        %dma_start3A_324 = tpu.memref_slice %arg2[%dma_start3A_321, %add3A_315, %dma_start3A_322, %dma_start3A_323] : memref<8x7936x8x128xf32, #tpu.memory_space<hbm>> -> memref<8x1x8x128xf32, #tpu.memory_space<hbm>>
        %dma_start3A_325 = tpu.memref_squeeze %dma_start3A_324 : memref<8x1x8x128xf32, #tpu.memory_space<hbm>> -> memref<8x8x128xf32, #tpu.memory_space<hbm>>
        tpu.enqueue_dma source(%dma_start3A_325 : memref<8x8x128xf32, #tpu.memory_space<hbm>>) target(%arg6 : memref<8x8x128xf32, #tpu.memory_space<vmem>>) target_semaphore(%arg14 : memref<!tpu.dma_semaphore, #tpu.memory_space<semaphore_mem>>)
      } else {
      }
      %mul3A_265 = arith.constant 4 : i32
      %mul3A_266 = arith.muli %scan3A_133, %mul3A_265 : i32
      %add3A_267 = arith.constant 3 : i32
      %add3A_268 = arith.addi %mul3A_266, %add3A_267 : i32
      %mul3A_269 = arith.constant 32 : i32
      %mul3A_270 = arith.muli %add3A_268, %mul3A_269 : i32
      %add3A_271 = arith.addi %mul3A_270, %add3A : i32
      %dma_wait3A_272 = arith.constant 0 : i32
      %dma_wait3A_273 = arith.constant 0 : i32
      %dma_wait3A_274 = arith.constant 0 : i32
      %dma_wait3A_275 = tpu.memref_slice %arg2[%dma_wait3A_272, %add3A_271, %dma_wait3A_273, %dma_wait3A_274] : memref<8x7936x8x128xf32, #tpu.memory_space<hbm>> -> memref<8x1x8x128xf32, #tpu.memory_space<hbm>>
      %dma_wait3A_276 = tpu.memref_squeeze %dma_wait3A_275 : memref<8x1x8x128xf32, #tpu.memory_space<hbm>> -> memref<8x8x128xf32, #tpu.memory_space<hbm>>
      %dma_wait3A_277 = arith.constant 0 : i32
      %dma_wait3A_278 = arith.constant 0 : i32
      %dma_wait3A_279 = arith.constant 0 : i32
      %dma_wait3A_280 = tpu.memref_slice %arg2[%dma_wait3A_277, %add3A_271, %dma_wait3A_278, %dma_wait3A_279] : memref<8x7936x8x128xf32, #tpu.memory_space<hbm>> -> memref<8x1x8x128xf32, #tpu.memory_space<hbm>>
      %dma_wait3A_281 = tpu.memref_squeeze %dma_wait3A_280 : memref<8x1x8x128xf32, #tpu.memory_space<hbm>> -> memref<8x8x128xf32, #tpu.memory_space<hbm>>
      tpu.wait_dma2 semaphore(%arg15 : memref<!tpu.dma_semaphore, #tpu.memory_space<semaphore_mem>>) src(%dma_wait3A_281 : memref<8x8x128xf32, #tpu.memory_space<hbm>>) dst(%arg7 : memref<8x8x128xf32, #tpu.memory_space<vmem>>)
      %gt3A_282 = arith.constant 0 : i32
      %gt3A_283 = arith.cmpi sgt, %scan3A_133, %gt3A_282 : i32
      %convert_element_type3A_284 = arith.extui %gt3A_283 : i1 to i32
      %cond3A_285 = arith.constant 0 : i32
      %cond3A_286 = arith.cmpi ne, %convert_element_type3A_284, %cond3A_285 : i32
      scf.if %cond3A_286 {
        %mul3A_311 = arith.constant 32 : i32
        %mul3A_312 = arith.muli %add3A_268, %mul3A_311 : i32
        %add3A_313 = arith.addi %mul3A_312, %add3A : i32
        %mul3A_314 = arith.constant 128 : i32
        %mul3A_315 = arith.muli %add3A_313, %mul3A_314 : i32
        %dma_wait3A_316 = arith.constant 0 : i32
        %dma_wait3A_317 = arith.constant 0 : i32
        %dma_wait3A_318 = tpu.memref_slice %arg11[%dma_wait3A_316, %dma_wait3A_317] : memref<128x65xf32, #tpu.memory_space<vmem>> -> memref<128x64xf32, #tpu.memory_space<vmem>>
        %dma_wait3A_319 = arith.constant 0 : i32
        %dma_wait3A_320 = tpu.memref_slice %arg3[%mul3A_315, %dma_wait3A_319] : memref<1015808x64xf32, #tpu.memory_space<hbm>> -> memref<128x64xf32, #tpu.memory_space<hbm>>
        %dma_wait3A_321 = arith.constant 0 : i32
        %dma_wait3A_322 = tpu.memref_slice %arg3[%mul3A_315, %dma_wait3A_321] : memref<1015808x64xf32, #tpu.memory_space<hbm>> -> memref<128x64xf32, #tpu.memory_space<hbm>>
        %dma_wait3A_323 = arith.constant 0 : i32
        %dma_wait3A_324 = arith.constant 0 : i32
        %dma_wait3A_325 = tpu.memref_slice %arg11[%dma_wait3A_323, %dma_wait3A_324] : memref<128x65xf32, #tpu.memory_space<vmem>> -> memref<128x64xf32, #tpu.memory_space<vmem>>
        tpu.wait_dma2 semaphore(%arg19 : memref<!tpu.dma_semaphore, #tpu.memory_space<semaphore_mem>>) src(%dma_wait3A_325 : memref<128x64xf32, #tpu.memory_space<vmem>>) dst(%dma_wait3A_322 : memref<128x64xf32, #tpu.memory_space<hbm>>)
      } else {
      }
      %parallel_loop3A_287 = arith.constant 0 : i32
      %parallel_loop3A_288 = arith.constant 64 : i32
      %parallel_loop3A_289 = arith.constant 1 : i32
      scf.for %parallel_loop3A_311 = %parallel_loop3A_287 to %parallel_loop3A_288 step %parallel_loop3A_289  : i32 {
        %parallel_loop3A_312 = vector.broadcast %parallel_loop3A_311 : i32 to vector<16xi32>
        %parallel_loop3A_313 = arith.constant 8 : i32
        %parallel_loop3A_314 = arith.divsi %parallel_loop3A_311, %parallel_loop3A_313 : i32
        %parallel_loop3A_315 = arith.constant 0 : i32
        %parallel_loop3A_316 = arith.cmpi sgt, %parallel_loop3A_311, %parallel_loop3A_315 : i32
        %parallel_loop3A_317 = arith.extui %parallel_loop3A_316 : i1 to i32
        %parallel_loop3A_318 = arith.constant 0 : i32
        %parallel_loop3A_319 = arith.cmpi slt, %parallel_loop3A_311, %parallel_loop3A_318 : i32
        %parallel_loop3A_320 = arith.extui %parallel_loop3A_319 : i1 to i32
        %parallel_loop3A_321 = arith.subi %parallel_loop3A_317, %parallel_loop3A_320 : i32
        %parallel_loop3A_322 = arith.constant 0 : i32
        %parallel_loop3A_323 = arith.cmpi sgt, %parallel_loop3A_313, %parallel_loop3A_322 : i32
        %parallel_loop3A_324 = arith.extui %parallel_loop3A_323 : i1 to i32
        %parallel_loop3A_325 = arith.constant 0 : i32
        %parallel_loop3A_326 = arith.cmpi slt, %parallel_loop3A_313, %parallel_loop3A_325 : i32
        %parallel_loop3A_327 = arith.extui %parallel_loop3A_326 : i1 to i32
        %parallel_loop3A_328 = arith.subi %parallel_loop3A_324, %parallel_loop3A_327 : i32
        %parallel_loop3A_329 = arith.cmpi ne, %parallel_loop3A_321, %parallel_loop3A_328 : i32
        %parallel_loop3A_330 = arith.remsi %parallel_loop3A_311, %parallel_loop3A_313 : i32
        %parallel_loop3A_331 = arith.constant 0 : i32
        %parallel_loop3A_332 = arith.cmpi ne, %parallel_loop3A_330, %parallel_loop3A_331 : i32
        %parallel_loop3A_333 = arith.andi %parallel_loop3A_329, %parallel_loop3A_332 : i1
        %parallel_loop3A_334 = arith.constant 1 : i32
        %parallel_loop3A_335 = arith.subi %parallel_loop3A_314, %parallel_loop3A_334 : i32
        %parallel_loop3A_336 = arith.select %parallel_loop3A_333, %parallel_loop3A_335, %parallel_loop3A_314 : i32
        %parallel_loop3A_337 = arith.constant 8 : i32
        %parallel_loop3A_338 = arith.constant 0 : i32
        %parallel_loop3A_339 = arith.cmpi eq, %parallel_loop3A_337, %parallel_loop3A_338 : i32
        %parallel_loop3A_340 = arith.constant 1 : i32
        %parallel_loop3A_341 = arith.select %parallel_loop3A_339, %parallel_loop3A_340, %parallel_loop3A_337 : i32
        %parallel_loop3A_342 = arith.remsi %parallel_loop3A_311, %parallel_loop3A_341 : i32
        %parallel_loop3A_343 = arith.constant 0 : i32
        %parallel_loop3A_344 = arith.cmpi ne, %parallel_loop3A_342, %parallel_loop3A_343 : i32
        %parallel_loop3A_345 = arith.constant 0 : i32
        %parallel_loop3A_346 = arith.cmpi slt, %parallel_loop3A_342, %parallel_loop3A_345 : i32
        %parallel_loop3A_347 = arith.constant 0 : i32
        %parallel_loop3A_348 = arith.cmpi slt, %parallel_loop3A_341, %parallel_loop3A_347 : i32
        %parallel_loop3A_349 = arith.xori %parallel_loop3A_346, %parallel_loop3A_348 : i1
        %parallel_loop3A_350 = arith.andi %parallel_loop3A_349, %parallel_loop3A_344 : i1
        %parallel_loop3A_351 = arith.addi %parallel_loop3A_342, %parallel_loop3A_341 : i32
        %parallel_loop3A_352 = arith.select %parallel_loop3A_350, %parallel_loop3A_351, %parallel_loop3A_342 : i32
        %parallel_loop3A_353 = arith.index_cast %parallel_loop3A_336 : i32 to index
        %parallel_loop3A_354 = arith.index_cast %parallel_loop3A_352 : i32 to index
        %parallel_loop3A_355 = arith.constant 0 : index
        %parallel_loop3A_356 = tpu.vector_load %arg7[%parallel_loop3A_353, %parallel_loop3A_354, %parallel_loop3A_355] {strides = array<i32>} : memref<8x8x128xf32, #tpu.memory_space<vmem>>, vector<16xf32>,
        tpu.vector_store_idx %arg11[%add3A_3, %parallel_loop3A_312], %parallel_loop3A_356 : memref<128x65xf32, #tpu.memory_space<vmem>>[vector<16xi32>, vector<16xi32>], vector<16xf32>,
        %parallel_loop3A_357 = arith.index_cast %parallel_loop3A_336 : i32 to index
        %parallel_loop3A_358 = arith.index_cast %parallel_loop3A_352 : i32 to index
        %parallel_loop3A_359 = arith.constant 16 : index
        %parallel_loop3A_360 = tpu.vector_load %arg7[%parallel_loop3A_357, %parallel_loop3A_358, %parallel_loop3A_359] {strides = array<i32>} : memref<8x8x128xf32, #tpu.memory_space<vmem>>, vector<16xf32>,
        tpu.vector_store_idx %arg11[%add3A_6, %parallel_loop3A_312], %parallel_loop3A_360 : memref<128x65xf32, #tpu.memory_space<vmem>>[vector<16xi32>, vector<16xi32>], vector<16xf32>,
        %parallel_loop3A_361 = arith.index_cast %parallel_loop3A_336 : i32 to index
        %parallel_loop3A_362 = arith.index_cast %parallel_loop3A_352 : i32 to index
        %parallel_loop3A_363 = arith.constant 32 : index
        %parallel_loop3A_364 = tpu.vector_load %arg7[%parallel_loop3A_361, %parallel_loop3A_362, %parallel_loop3A_363] {strides = array<i32>} : memref<8x8x128xf32, #tpu.memory_space<vmem>>, vector<16xf32>,
        tpu.vector_store_idx %arg11[%add3A_9, %parallel_loop3A_312], %parallel_loop3A_364 : memref<128x65xf32, #tpu.memory_space<vmem>>[vector<16xi32>, vector<16xi32>], vector<16xf32>,
        %parallel_loop3A_365 = arith.index_cast %parallel_loop3A_336 : i32 to index
        %parallel_loop3A_366 = arith.index_cast %parallel_loop3A_352 : i32 to index
        %parallel_loop3A_367 = arith.constant 48 : index
        %parallel_loop3A_368 = tpu.vector_load %arg7[%parallel_loop3A_365, %parallel_loop3A_366, %parallel_loop3A_367] {strides = array<i32>} : memref<8x8x128xf32, #tpu.memory_space<vmem>>, vector<16xf32>,
        tpu.vector_store_idx %arg11[%add3A_12, %parallel_loop3A_312], %parallel_loop3A_368 : memref<128x65xf32, #tpu.memory_space<vmem>>[vector<16xi32>, vector<16xi32>], vector<16xf32>,
        %parallel_loop3A_369 = arith.index_cast %parallel_loop3A_336 : i32 to index
        %parallel_loop3A_370 = arith.index_cast %parallel_loop3A_352 : i32 to index
        %parallel_loop3A_371 = arith.constant 64 : index
        %parallel_loop3A_372 = tpu.vector_load %arg7[%parallel_loop3A_369, %parallel_loop3A_370, %parallel_loop3A_371] {strides = array<i32>} : memref<8x8x128xf32, #tpu.memory_space<vmem>>, vector<16xf32>,
        tpu.vector_store_idx %arg11[%add3A_15, %parallel_loop3A_312], %parallel_loop3A_372 : memref<128x65xf32, #tpu.memory_space<vmem>>[vector<16xi32>, vector<16xi32>], vector<16xf32>,
        %parallel_loop3A_373 = arith.index_cast %parallel_loop3A_336 : i32 to index
        %parallel_loop3A_374 = arith.index_cast %parallel_loop3A_352 : i32 to index
        %parallel_loop3A_375 = arith.constant 80 : index
        %parallel_loop3A_376 = tpu.vector_load %arg7[%parallel_loop3A_373, %parallel_loop3A_374, %parallel_loop3A_375] {strides = array<i32>} : memref<8x8x128xf32, #tpu.memory_space<vmem>>, vector<16xf32>,
        tpu.vector_store_idx %arg11[%add3A_18, %parallel_loop3A_312], %parallel_loop3A_376 : memref<128x65xf32, #tpu.memory_space<vmem>>[vector<16xi32>, vector<16xi32>], vector<16xf32>,
        %parallel_loop3A_377 = arith.index_cast %parallel_loop3A_336 : i32 to index
        %parallel_loop3A_378 = arith.index_cast %parallel_loop3A_352 : i32 to index
        %parallel_loop3A_379 = arith.constant 96 : index
        %parallel_loop3A_380 = tpu.vector_load %arg7[%parallel_loop3A_377, %parallel_loop3A_378, %parallel_loop3A_379] {strides = array<i32>} : memref<8x8x128xf32, #tpu.memory_space<vmem>>, vector<16xf32>,
        tpu.vector_store_idx %arg11[%add3A_21, %parallel_loop3A_312], %parallel_loop3A_380 : memref<128x65xf32, #tpu.memory_space<vmem>>[vector<16xi32>, vector<16xi32>], vector<16xf32>,
        %parallel_loop3A_381 = arith.index_cast %parallel_loop3A_336 : i32 to index
        %parallel_loop3A_382 = arith.index_cast %parallel_loop3A_352 : i32 to index
        %parallel_loop3A_383 = arith.constant 112 : index
        %parallel_loop3A_384 = tpu.vector_load %arg7[%parallel_loop3A_381, %parallel_loop3A_382, %parallel_loop3A_383] {strides = array<i32>} : memref<8x8x128xf32, #tpu.memory_space<vmem>>, vector<16xf32>,
        tpu.vector_store_idx %arg11[%add3A_24, %parallel_loop3A_312], %parallel_loop3A_384 : memref<128x65xf32, #tpu.memory_space<vmem>>[vector<16xi32>, vector<16xi32>], vector<16xf32>,
      } {sc.loop_unroll_factor = 4 : i64, sc.parallel_access}
      %mul3A_290 = arith.constant 32 : i32
      %mul3A_291 = arith.muli %add3A_268, %mul3A_290 : i32
      %add3A_292 = arith.addi %mul3A_291, %add3A : i32
      %mul3A_293 = arith.constant 128 : i32
      %mul3A_294 = arith.muli %add3A_292, %mul3A_293 : i32
      %dma_start3A_295 = arith.constant 0 : i32
      %dma_start3A_296 = arith.constant 0 : i32
      %dma_start3A_297 = tpu.memref_slice %arg11[%dma_start3A_295, %dma_start3A_296] : memref<128x65xf32, #tpu.memory_space<vmem>> -> memref<128x64xf32, #tpu.memory_space<vmem>>
      %dma_start3A_298 = arith.constant 0 : i32
      %dma_start3A_299 = tpu.memref_slice %arg3[%mul3A_294, %dma_start3A_298] : memref<1015808x64xf32, #tpu.memory_space<hbm>> -> memref<128x64xf32, #tpu.memory_space<hbm>>
      %dma_start3A_300 = arith.constant 0 : i32
      %dma_start3A_301 = tpu.memref_slice %arg3[%mul3A_294, %dma_start3A_300] : memref<1015808x64xf32, #tpu.memory_space<hbm>> -> memref<128x64xf32, #tpu.memory_space<hbm>>
      %dma_start3A_302 = arith.constant 0 : i32
      %dma_start3A_303 = arith.constant 0 : i32
      %dma_start3A_304 = tpu.memref_slice %arg11[%dma_start3A_302, %dma_start3A_303] : memref<128x65xf32, #tpu.memory_space<vmem>> -> memref<128x64xf32, #tpu.memory_space<vmem>>
      tpu.enqueue_dma source(%dma_start3A_304 : memref<128x64xf32, #tpu.memory_space<vmem>>) target(%dma_start3A_301 : memref<128x64xf32, #tpu.memory_space<hbm>>) target_semaphore(%arg19 : memref<!tpu.dma_semaphore, #tpu.memory_space<semaphore_mem>>)
      %lt3A_305 = arith.constant 61 : i32
      %lt3A_306 = arith.cmpi slt, %scan3A_133, %lt3A_305 : i32
      %convert_element_type3A_307 = arith.extui %lt3A_306 : i1 to i32
      %cond3A_308 = arith.constant 0 : i32
      %cond3A_309 = arith.cmpi ne, %convert_element_type3A_307, %cond3A_308 : i32
      scf.if %cond3A_309 {
        %add3A_311 = arith.constant 4 : i32
        %add3A_312 = arith.addi %add3A_268, %add3A_311 : i32
        %mul3A_313 = arith.constant 32 : i32
        %mul3A_314 = arith.muli %add3A_312, %mul3A_313 : i32
        %add3A_315 = arith.addi %mul3A_314, %add3A : i32
        %dma_start3A_316 = arith.constant 0 : i32
        %dma_start3A_317 = arith.constant 0 : i32
        %dma_start3A_318 = arith.constant 0 : i32
        %dma_start3A_319 = tpu.memref_slice %arg2[%dma_start3A_316, %add3A_315, %dma_start3A_317, %dma_start3A_318] : memref<8x7936x8x128xf32, #tpu.memory_space<hbm>> -> memref<8x1x8x128xf32, #tpu.memory_space<hbm>>
        %dma_start3A_320 = tpu.memref_squeeze %dma_start3A_319 : memref<8x1x8x128xf32, #tpu.memory_space<hbm>> -> memref<8x8x128xf32, #tpu.memory_space<hbm>>
        %dma_start3A_321 = arith.constant 0 : i32
        %dma_start3A_322 = arith.constant 0 : i32
        %dma_start3A_323 = arith.constant 0 : i32
        %dma_start3A_324 = tpu.memref_slice %arg2[%dma_start3A_321, %add3A_315, %dma_start3A_322, %dma_start3A_323] : memref<8x7936x8x128xf32, #tpu.memory_space<hbm>> -> memref<8x1x8x128xf32, #tpu.memory_space<hbm>>
        %dma_start3A_325 = tpu.memref_squeeze %dma_start3A_324 : memref<8x1x8x128xf32, #tpu.memory_space<hbm>> -> memref<8x8x128xf32, #tpu.memory_space<hbm>>
        tpu.enqueue_dma source(%dma_start3A_325 : memref<8x8x128xf32, #tpu.memory_space<hbm>>) target(%arg7 : memref<8x8x128xf32, #tpu.memory_space<vmem>>) target_semaphore(%arg15 : memref<!tpu.dma_semaphore, #tpu.memory_space<semaphore_mem>>)
      } else {
      }
      %scan3A_310 = arith.constant 0 : i32
      scf.yield %scan3A_310 : i32
    }
    %scan3A_77 = arith.constant 62 : i32
    %add3A_78 = arith.constant 7808 : i32
    %add3A_79 = arith.addi %add3A_78, %add3A : i32
    %mul3A_80 = arith.constant 128 : i32
    %mul3A_81 = arith.muli %add3A_79, %mul3A_80 : i32
    %dma_wait3A = arith.constant 0 : i32
    %dma_wait3A_82 = arith.constant 0 : i32
    %dma_wait3A_83 = tpu.memref_slice %arg8[%dma_wait3A, %dma_wait3A_82] : memref<128x65xf32, #tpu.memory_space<vmem>> -> memref<128x64xf32, #tpu.memory_space<vmem>>
    %dma_wait3A_84 = arith.constant 0 : i32
    %dma_wait3A_85 = tpu.memref_slice %arg3[%mul3A_81, %dma_wait3A_84] : memref<1015808x64xf32, #tpu.memory_space<hbm>> -> memref<128x64xf32, #tpu.memory_space<hbm>>
    %dma_wait3A_86 = arith.constant 0 : i32
    %dma_wait3A_87 = tpu.memref_slice %arg3[%mul3A_81, %dma_wait3A_86] : memref<1015808x64xf32, #tpu.memory_space<hbm>> -> memref<128x64xf32, #tpu.memory_space<hbm>>
    %dma_wait3A_88 = arith.constant 0 : i32
    %dma_wait3A_89 = arith.constant 0 : i32
    %dma_wait3A_90 = tpu.memref_slice %arg8[%dma_wait3A_88, %dma_wait3A_89] : memref<128x65xf32, #tpu.memory_space<vmem>> -> memref<128x64xf32, #tpu.memory_space<vmem>>
    tpu.wait_dma2 semaphore(%arg16 : memref<!tpu.dma_semaphore, #tpu.memory_space<semaphore_mem>>) src(%dma_wait3A_90 : memref<128x64xf32, #tpu.memory_space<vmem>>) dst(%dma_wait3A_87 : memref<128x64xf32, #tpu.memory_space<hbm>>)
    %add3A_91 = arith.constant 7840 : i32
    %add3A_92 = arith.addi %add3A_91, %add3A : i32
    %mul3A_93 = arith.constant 128 : i32
    %mul3A_94 = arith.muli %add3A_92, %mul3A_93 : i32
    %dma_wait3A_95 = arith.constant 0 : i32
    %dma_wait3A_96 = arith.constant 0 : i32
    %dma_wait3A_97 = tpu.memref_slice %arg9[%dma_wait3A_95, %dma_wait3A_96] : memref<128x65xf32, #tpu.memory_space<vmem>> -> memref<128x64xf32, #tpu.memory_space<vmem>>
    %dma_wait3A_98 = arith.constant 0 : i32
    %dma_wait3A_99 = tpu.memref_slice %arg3[%mul3A_94, %dma_wait3A_98] : memref<1015808x64xf32, #tpu.memory_space<hbm>> -> memref<128x64xf32, #tpu.memory_space<hbm>>
    %dma_wait3A_100 = arith.constant 0 : i32
    %dma_wait3A_101 = tpu.memref_slice %arg3[%mul3A_94, %dma_wait3A_100] : memref<1015808x64xf32, #tpu.memory_space<hbm>> -> memref<128x64xf32, #tpu.memory_space<hbm>>
    %dma_wait3A_102 = arith.constant 0 : i32
    %dma_wait3A_103 = arith.constant 0 : i32
    %dma_wait3A_104 = tpu.memref_slice %arg9[%dma_wait3A_102, %dma_wait3A_103] : memref<128x65xf32, #tpu.memory_space<vmem>> -> memref<128x64xf32, #tpu.memory_space<vmem>>
    tpu.wait_dma2 semaphore(%arg17 : memref<!tpu.dma_semaphore, #tpu.memory_space<semaphore_mem>>) src(%dma_wait3A_104 : memref<128x64xf32, #tpu.memory_space<vmem>>) dst(%dma_wait3A_101 : memref<128x64xf32, #tpu.memory_space<hbm>>)
    %add3A_105 = arith.constant 7872 : i32
    %add3A_106 = arith.addi %add3A_105, %add3A : i32
    %mul3A_107 = arith.constant 128 : i32
    %mul3A_108 = arith.muli %add3A_106, %mul3A_107 : i32
    %dma_wait3A_109 = arith.constant 0 : i32
    %dma_wait3A_110 = arith.constant 0 : i32
    %dma_wait3A_111 = tpu.memref_slice %arg10[%dma_wait3A_109, %dma_wait3A_110] : memref<128x65xf32, #tpu.memory_space<vmem>> -> memref<128x64xf32, #tpu.memory_space<vmem>>
    %dma_wait3A_112 = arith.constant 0 : i32
    %dma_wait3A_113 = tpu.memref_slice %arg3[%mul3A_108, %dma_wait3A_112] : memref<1015808x64xf32, #tpu.memory_space<hbm>> -> memref<128x64xf32, #tpu.memory_space<hbm>>
    %dma_wait3A_114 = arith.constant 0 : i32
    %dma_wait3A_115 = tpu.memref_slice %arg3[%mul3A_108, %dma_wait3A_114] : memref<1015808x64xf32, #tpu.memory_space<hbm>> -> memref<128x64xf32, #tpu.memory_space<hbm>>
    %dma_wait3A_116 = arith.constant 0 : i32
    %dma_wait3A_117 = arith.constant 0 : i32
    %dma_wait3A_118 = tpu.memref_slice %arg10[%dma_wait3A_116, %dma_wait3A_117] : memref<128x65xf32, #tpu.memory_space<vmem>> -> memref<128x64xf32, #tpu.memory_space<vmem>>
    tpu.wait_dma2 semaphore(%arg18 : memref<!tpu.dma_semaphore, #tpu.memory_space<semaphore_mem>>) src(%dma_wait3A_118 : memref<128x64xf32, #tpu.memory_space<vmem>>) dst(%dma_wait3A_115 : memref<128x64xf32, #tpu.memory_space<hbm>>)
    %add3A_119 = arith.constant 7904 : i32
    %add3A_120 = arith.addi %add3A_119, %add3A : i32
    %mul3A_121 = arith.constant 128 : i32
    %mul3A_122 = arith.muli %add3A_120, %mul3A_121 : i32
    %dma_wait3A_123 = arith.constant 0 : i32
    %dma_wait3A_124 = arith.constant 0 : i32
    %dma_wait3A_125 = tpu.memref_slice %arg11[%dma_wait3A_123, %dma_wait3A_124] : memref<128x65xf32, #tpu.memory_space<vmem>> -> memref<128x64xf32, #tpu.memory_space<vmem>>
    %dma_wait3A_126 = arith.constant 0 : i32
    %dma_wait3A_127 = tpu.memref_slice %arg3[%mul3A_122, %dma_wait3A_126] : memref<1015808x64xf32, #tpu.memory_space<hbm>> -> memref<128x64xf32, #tpu.memory_space<hbm>>
    %dma_wait3A_128 = arith.constant 0 : i32
    %dma_wait3A_129 = tpu.memref_slice %arg3[%mul3A_122, %dma_wait3A_128] : memref<1015808x64xf32, #tpu.memory_space<hbm>> -> memref<128x64xf32, #tpu.memory_space<hbm>>
    %dma_wait3A_130 = arith.constant 0 : i32
    %dma_wait3A_131 = arith.constant 0 : i32
    %dma_wait3A_132 = tpu.memref_slice %arg11[%dma_wait3A_130, %dma_wait3A_131] : memref<128x65xf32, #tpu.memory_space<vmem>> -> memref<128x64xf32, #tpu.memory_space<vmem>>
    tpu.wait_dma2 semaphore(%arg19 : memref<!tpu.dma_semaphore, #tpu.memory_space<semaphore_mem>>) src(%dma_wait3A_132 : memref<128x64xf32, #tpu.memory_space<vmem>>) dst(%dma_wait3A_129 : memref<128x64xf32, #tpu.memory_space<hbm>>)
    return
  }
}

#map = affine_map<(d0, d1) -> (0, 0)>
#map1 = affine_map<(d0, d1) -> (0, 0, 0, 0, 0)>
module attributes {stable_mosaic.version = 14 : i64} {
  func.func @emb(%arg0: i32, %arg1: i32, %arg2: memref<1015808x64xf32, #tpu.memory_space<hbm>>, %arg3: memref<200x4096xi32, #tpu.memory_space<hbm>>, %arg4: memref<200x8x32x8x128xf32, #tpu.memory_space<hbm>>, %arg5: memref<200x128xi32, #tpu.memory_space<vmem>>, %arg6: memref<128x64xf32, #tpu.memory_space<vmem>>, %arg7: memref<128x64xf32, #tpu.memory_space<vmem>>, %arg8: memref<128x64xf32, #tpu.memory_space<vmem>>, %arg9: memref<128x64xf32, #tpu.memory_space<vmem>>, %arg10: memref<8x8x129xf32, #tpu.memory_space<vmem>>, %arg11: memref<8x8x129xf32, #tpu.memory_space<vmem>>, %arg12: memref<8x8x129xf32, #tpu.memory_space<vmem>>, %arg13: memref<8x8x129xf32, #tpu.memory_space<vmem>>, %arg14: memref<!tpu.dma_semaphore, #tpu.memory_space<semaphore_mem>>, %arg15: memref<!tpu.dma_semaphore, #tpu.memory_space<semaphore_mem>>, %arg16: memref<!tpu.dma_semaphore, #tpu.memory_space<semaphore_mem>>, %arg17: memref<!tpu.dma_semaphore, #tpu.memory_space<semaphore_mem>>, %arg18: memref<!tpu.dma_semaphore, #tpu.memory_space<semaphore_mem>>, %arg19: memref<!tpu.dma_semaphore, #tpu.memory_space<semaphore_mem>>, %arg20: memref<!tpu.dma_semaphore, #tpu.memory_space<semaphore_mem>>, %arg21: memref<!tpu.dma_semaphore, #tpu.memory_space<semaphore_mem>>) attributes {dimension_semantics = [#tpu.dimension_semantics<core_parallel>, #tpu.dimension_semantics<subcore_parallel>], iteration_bounds = array<i64: 2, 16>, scalar_prefetch = 0 : i64, scratch_operands = 17 : i64, tpu.core_type = #tpu.core_type<sc_vector_subcore>, window_params = [{transform_indices = #map}, {transform_indices = #map}, {transform_indices = #map1}]} {
    %mul3A = arith.constant 16 : i32
    %mul3A_0 = arith.muli %arg0, %mul3A : i32
    %add3A = arith.addi %mul3A_0, %arg1 : i32
    %mul3A_1 = arith.constant 128 : i32
    %mul3A_2 = arith.muli %add3A, %mul3A_1 : i32
    "tpu.region"() ({
      %run_scoped3A = tpu.sem_alloc : memref<!tpu.dma_semaphore, #tpu.memory_space<semaphore_mem>>
      %dma_start3A_337 = arith.constant 0 : i32
      %dma_start3A_338 = tpu.memref_slice %arg3[%dma_start3A_337, %mul3A_2] : memref<200x4096xi32, #tpu.memory_space<hbm>> -> memref<200x128xi32, #tpu.memory_space<hbm>>
      %dma_start3A_339 = arith.constant 0 : i32
      %dma_start3A_340 = tpu.memref_slice %arg3[%dma_start3A_339, %mul3A_2] : memref<200x4096xi32, #tpu.memory_space<hbm>> -> memref<200x128xi32, #tpu.memory_space<hbm>>
      tpu.enqueue_dma source(%dma_start3A_340 : memref<200x128xi32, #tpu.memory_space<hbm>>) target(%arg5 : memref<200x128xi32, #tpu.memory_space<vmem>>) target_semaphore(%run_scoped3A : memref<!tpu.dma_semaphore, #tpu.memory_space<semaphore_mem>>)
      %dma_wait3A_341 = arith.constant 0 : i32
      %dma_wait3A_342 = tpu.memref_slice %arg3[%dma_wait3A_341, %mul3A_2] : memref<200x4096xi32, #tpu.memory_space<hbm>> -> memref<200x128xi32, #tpu.memory_space<hbm>>
      %dma_wait3A_343 = arith.constant 0 : i32
      %dma_wait3A_344 = tpu.memref_slice %arg3[%dma_wait3A_343, %mul3A_2] : memref<200x4096xi32, #tpu.memory_space<hbm>> -> memref<200x128xi32, #tpu.memory_space<hbm>>
      tpu.wait_dma2 semaphore(%run_scoped3A : memref<!tpu.dma_semaphore, #tpu.memory_space<semaphore_mem>>) src(%dma_wait3A_344 : memref<200x128xi32, #tpu.memory_space<hbm>>) dst(%arg5 : memref<200x128xi32, #tpu.memory_space<vmem>>)
      tpu.yield
    }) : () -> ()
    %iota3A = tpu.iota {dimensions = array<i32: 0>} : vector<16xi32>
    %add3A_3 = arith.constant 0 : i32
    %add3A_4 = vector.broadcast %add3A_3 : i32 to vector<16xi32>
    %add3A_5 = arith.addi %add3A_4, %iota3A : vector<16xi32>
    %jit3A = arith.constant 8 : i32
    %div3A = vector.broadcast %jit3A : i32 to vector<16xi32>
    %div3A_6 = arith.divsi %add3A_5, %div3A : vector<16xi32>
    %sign3A = arith.constant 0 : i32
    %sign3A_7 = vector.broadcast %sign3A : i32 to vector<16xi32>
    %sign3A_8 = arith.cmpi sgt, %add3A_5, %sign3A_7 : vector<16xi32>
    %sign3A_9 = arith.extui %sign3A_8 : vector<16xi1> to vector<16xi32>
    %sign3A_10 = arith.constant 0 : i32
    %sign3A_11 = vector.broadcast %sign3A_10 : i32 to vector<16xi32>
    %sign3A_12 = arith.cmpi slt, %add3A_5, %sign3A_11 : vector<16xi32>
    %sign3A_13 = arith.extui %sign3A_12 : vector<16xi1> to vector<16xi32>
    %sign3A_14 = arith.subi %sign3A_9, %sign3A_13 : vector<16xi32>
    %sign3A_15 = arith.constant 0 : i32
    %sign3A_16 = arith.cmpi sgt, %jit3A, %sign3A_15 : i32
    %sign3A_17 = arith.extui %sign3A_16 : i1 to i32
    %sign3A_18 = arith.constant 0 : i32
    %sign3A_19 = arith.cmpi slt, %jit3A, %sign3A_18 : i32
    %sign3A_20 = arith.extui %sign3A_19 : i1 to i32
    %sign3A_21 = arith.subi %sign3A_17, %sign3A_20 : i32
    %ne3A = vector.broadcast %sign3A_21 : i32 to vector<16xi32>
    %ne3A_22 = arith.cmpi ne, %sign3A_14, %ne3A : vector<16xi32>
    %rem3A = vector.broadcast %jit3A : i32 to vector<16xi32>
    %rem3A_23 = arith.remsi %add3A_5, %rem3A : vector<16xi32>
    %ne3A_24 = arith.constant 0 : i32
    %ne3A_25 = vector.broadcast %ne3A_24 : i32 to vector<16xi32>
    %ne3A_26 = arith.cmpi ne, %rem3A_23, %ne3A_25 : vector<16xi32>
    %and3A = arith.andi %ne3A_22, %ne3A_26 : vector<16xi1>
    %sub3A = arith.constant 1 : i32
    %sub3A_27 = vector.broadcast %sub3A : i32 to vector<16xi32>
    %sub3A_28 = arith.subi %div3A_6, %sub3A_27 : vector<16xi32>
    %select_n3A = arith.select %and3A, %sub3A_28, %div3A_6 : vector<16xi1>, vector<16xi32>
    %add3A_29 = arith.constant 16 : i32
    %add3A_30 = vector.broadcast %add3A_29 : i32 to vector<16xi32>
    %add3A_31 = arith.addi %add3A_30, %iota3A : vector<16xi32>
    %jit3A_32 = arith.constant 8 : i32
    %div3A_33 = vector.broadcast %jit3A_32 : i32 to vector<16xi32>
    %div3A_34 = arith.divsi %add3A_31, %div3A_33 : vector<16xi32>
    %sign3A_35 = arith.constant 0 : i32
    %sign3A_36 = vector.broadcast %sign3A_35 : i32 to vector<16xi32>
    %sign3A_37 = arith.cmpi sgt, %add3A_31, %sign3A_36 : vector<16xi32>
    %sign3A_38 = arith.extui %sign3A_37 : vector<16xi1> to vector<16xi32>
    %sign3A_39 = arith.constant 0 : i32
    %sign3A_40 = vector.broadcast %sign3A_39 : i32 to vector<16xi32>
    %sign3A_41 = arith.cmpi slt, %add3A_31, %sign3A_40 : vector<16xi32>
    %sign3A_42 = arith.extui %sign3A_41 : vector<16xi1> to vector<16xi32>
    %sign3A_43 = arith.subi %sign3A_38, %sign3A_42 : vector<16xi32>
    %sign3A_44 = arith.constant 0 : i32
    %sign3A_45 = arith.cmpi sgt, %jit3A_32, %sign3A_44 : i32
    %sign3A_46 = arith.extui %sign3A_45 : i1 to i32
    %sign3A_47 = arith.constant 0 : i32
    %sign3A_48 = arith.cmpi slt, %jit3A_32, %sign3A_47 : i32
    %sign3A_49 = arith.extui %sign3A_48 : i1 to i32
    %sign3A_50 = arith.subi %sign3A_46, %sign3A_49 : i32
    %ne3A_51 = vector.broadcast %sign3A_50 : i32 to vector<16xi32>
    %ne3A_52 = arith.cmpi ne, %sign3A_43, %ne3A_51 : vector<16xi32>
    %rem3A_53 = vector.broadcast %jit3A_32 : i32 to vector<16xi32>
    %rem3A_54 = arith.remsi %add3A_31, %rem3A_53 : vector<16xi32>
    %ne3A_55 = arith.constant 0 : i32
    %ne3A_56 = vector.broadcast %ne3A_55 : i32 to vector<16xi32>
    %ne3A_57 = arith.cmpi ne, %rem3A_54, %ne3A_56 : vector<16xi32>
    %and3A_58 = arith.andi %ne3A_52, %ne3A_57 : vector<16xi1>
    %sub3A_59 = arith.constant 1 : i32
    %sub3A_60 = vector.broadcast %sub3A_59 : i32 to vector<16xi32>
    %sub3A_61 = arith.subi %div3A_34, %sub3A_60 : vector<16xi32>
    %select_n3A_62 = arith.select %and3A_58, %sub3A_61, %div3A_34 : vector<16xi1>, vector<16xi32>
    %add3A_63 = arith.constant 32 : i32
    %add3A_64 = vector.broadcast %add3A_63 : i32 to vector<16xi32>
    %add3A_65 = arith.addi %add3A_64, %iota3A : vector<16xi32>
    %jit3A_66 = arith.constant 8 : i32
    %div3A_67 = vector.broadcast %jit3A_66 : i32 to vector<16xi32>
    %div3A_68 = arith.divsi %add3A_65, %div3A_67 : vector<16xi32>
    %sign3A_69 = arith.constant 0 : i32
    %sign3A_70 = vector.broadcast %sign3A_69 : i32 to vector<16xi32>
    %sign3A_71 = arith.cmpi sgt, %add3A_65, %sign3A_70 : vector<16xi32>
    %sign3A_72 = arith.extui %sign3A_71 : vector<16xi1> to vector<16xi32>
    %sign3A_73 = arith.constant 0 : i32
    %sign3A_74 = vector.broadcast %sign3A_73 : i32 to vector<16xi32>
    %sign3A_75 = arith.cmpi slt, %add3A_65, %sign3A_74 : vector<16xi32>
    %sign3A_76 = arith.extui %sign3A_75 : vector<16xi1> to vector<16xi32>
    %sign3A_77 = arith.subi %sign3A_72, %sign3A_76 : vector<16xi32>
    %sign3A_78 = arith.constant 0 : i32
    %sign3A_79 = arith.cmpi sgt, %jit3A_66, %sign3A_78 : i32
    %sign3A_80 = arith.extui %sign3A_79 : i1 to i32
    %sign3A_81 = arith.constant 0 : i32
    %sign3A_82 = arith.cmpi slt, %jit3A_66, %sign3A_81 : i32
    %sign3A_83 = arith.extui %sign3A_82 : i1 to i32
    %sign3A_84 = arith.subi %sign3A_80, %sign3A_83 : i32
    %ne3A_85 = vector.broadcast %sign3A_84 : i32 to vector<16xi32>
    %ne3A_86 = arith.cmpi ne, %sign3A_77, %ne3A_85 : vector<16xi32>
    %rem3A_87 = vector.broadcast %jit3A_66 : i32 to vector<16xi32>
    %rem3A_88 = arith.remsi %add3A_65, %rem3A_87 : vector<16xi32>
    %ne3A_89 = arith.constant 0 : i32
    %ne3A_90 = vector.broadcast %ne3A_89 : i32 to vector<16xi32>
    %ne3A_91 = arith.cmpi ne, %rem3A_88, %ne3A_90 : vector<16xi32>
    %and3A_92 = arith.andi %ne3A_86, %ne3A_91 : vector<16xi1>
    %sub3A_93 = arith.constant 1 : i32
    %sub3A_94 = vector.broadcast %sub3A_93 : i32 to vector<16xi32>
    %sub3A_95 = arith.subi %div3A_68, %sub3A_94 : vector<16xi32>
    %select_n3A_96 = arith.select %and3A_92, %sub3A_95, %div3A_68 : vector<16xi1>, vector<16xi32>
    %add3A_97 = arith.constant 48 : i32
    %add3A_98 = vector.broadcast %add3A_97 : i32 to vector<16xi32>
    %add3A_99 = arith.addi %add3A_98, %iota3A : vector<16xi32>
    %jit3A_100 = arith.constant 8 : i32
    %div3A_101 = vector.broadcast %jit3A_100 : i32 to vector<16xi32>
    %div3A_102 = arith.divsi %add3A_99, %div3A_101 : vector<16xi32>
    %sign3A_103 = arith.constant 0 : i32
    %sign3A_104 = vector.broadcast %sign3A_103 : i32 to vector<16xi32>
    %sign3A_105 = arith.cmpi sgt, %add3A_99, %sign3A_104 : vector<16xi32>
    %sign3A_106 = arith.extui %sign3A_105 : vector<16xi1> to vector<16xi32>
    %sign3A_107 = arith.constant 0 : i32
    %sign3A_108 = vector.broadcast %sign3A_107 : i32 to vector<16xi32>
    %sign3A_109 = arith.cmpi slt, %add3A_99, %sign3A_108 : vector<16xi32>
    %sign3A_110 = arith.extui %sign3A_109 : vector<16xi1> to vector<16xi32>
    %sign3A_111 = arith.subi %sign3A_106, %sign3A_110 : vector<16xi32>
    %sign3A_112 = arith.constant 0 : i32
    %sign3A_113 = arith.cmpi sgt, %jit3A_100, %sign3A_112 : i32
    %sign3A_114 = arith.extui %sign3A_113 : i1 to i32
    %sign3A_115 = arith.constant 0 : i32
    %sign3A_116 = arith.cmpi slt, %jit3A_100, %sign3A_115 : i32
    %sign3A_117 = arith.extui %sign3A_116 : i1 to i32
    %sign3A_118 = arith.subi %sign3A_114, %sign3A_117 : i32
    %ne3A_119 = vector.broadcast %sign3A_118 : i32 to vector<16xi32>
    %ne3A_120 = arith.cmpi ne, %sign3A_111, %ne3A_119 : vector<16xi32>
    %rem3A_121 = vector.broadcast %jit3A_100 : i32 to vector<16xi32>
    %rem3A_122 = arith.remsi %add3A_99, %rem3A_121 : vector<16xi32>
    %ne3A_123 = arith.constant 0 : i32
    %ne3A_124 = vector.broadcast %ne3A_123 : i32 to vector<16xi32>
    %ne3A_125 = arith.cmpi ne, %rem3A_122, %ne3A_124 : vector<16xi32>
    %and3A_126 = arith.andi %ne3A_120, %ne3A_125 : vector<16xi1>
    %sub3A_127 = arith.constant 1 : i32
    %sub3A_128 = vector.broadcast %sub3A_127 : i32 to vector<16xi32>
    %sub3A_129 = arith.subi %div3A_102, %sub3A_128 : vector<16xi32>
    %select_n3A_130 = arith.select %and3A_126, %sub3A_129, %div3A_102 : vector<16xi1>, vector<16xi32>
    %add3A_131 = arith.constant 0 : i32
    %add3A_132 = vector.broadcast %add3A_131 : i32 to vector<16xi32>
    %add3A_133 = arith.addi %add3A_132, %iota3A : vector<16xi32>
    %jit3A_134 = arith.constant 8 : i32
    %eq3A = arith.constant 0 : i32
    %eq3A_135 = arith.cmpi eq, %jit3A_134, %eq3A : i32
    %jit3A_136 = arith.constant 1 : i32
    %select_n3A_137 = arith.select %eq3A_135, %jit3A_136, %jit3A_134 : i32
    %rem3A_138 = vector.broadcast %select_n3A_137 : i32 to vector<16xi32>
    %rem3A_139 = arith.remsi %add3A_133, %rem3A_138 : vector<16xi32>
    %ne3A_140 = arith.constant 0 : i32
    %ne3A_141 = vector.broadcast %ne3A_140 : i32 to vector<16xi32>
    %ne3A_142 = arith.cmpi ne, %rem3A_139, %ne3A_141 : vector<16xi32>
    %lt3A = arith.constant 0 : i32
    %lt3A_143 = vector.broadcast %lt3A : i32 to vector<16xi32>
    %lt3A_144 = arith.cmpi slt, %rem3A_139, %lt3A_143 : vector<16xi32>
    %lt3A_145 = arith.constant 0 : i32
    %lt3A_146 = arith.cmpi slt, %select_n3A_137, %lt3A_145 : i32
    %ne3A_147 = vector.broadcast %lt3A_146 : i1 to vector<16xi1>
    %ne3A_148 = vector.broadcast %ne3A_147 : vector<16xi1> to vector<16xi1>
    %ne3A_149 = arith.xori %lt3A_144, %ne3A_148 : vector<16xi1>
    %and3A_150 = arith.andi %ne3A_149, %ne3A_142 : vector<16xi1>
    %add3A_151 = vector.broadcast %select_n3A_137 : i32 to vector<16xi32>
    %add3A_152 = arith.addi %rem3A_139, %add3A_151 : vector<16xi32>
    %select_n3A_153 = arith.select %and3A_150, %add3A_152, %rem3A_139 : vector<16xi1>, vector<16xi32>
    %add3A_154 = arith.constant 16 : i32
    %add3A_155 = vector.broadcast %add3A_154 : i32 to vector<16xi32>
    %add3A_156 = arith.addi %add3A_155, %iota3A : vector<16xi32>
    %jit3A_157 = arith.constant 8 : i32
    %eq3A_158 = arith.constant 0 : i32
    %eq3A_159 = arith.cmpi eq, %jit3A_157, %eq3A_158 : i32
    %jit3A_160 = arith.constant 1 : i32
    %select_n3A_161 = arith.select %eq3A_159, %jit3A_160, %jit3A_157 : i32
    %rem3A_162 = vector.broadcast %select_n3A_161 : i32 to vector<16xi32>
    %rem3A_163 = arith.remsi %add3A_156, %rem3A_162 : vector<16xi32>
    %ne3A_164 = arith.constant 0 : i32
    %ne3A_165 = vector.broadcast %ne3A_164 : i32 to vector<16xi32>
    %ne3A_166 = arith.cmpi ne, %rem3A_163, %ne3A_165 : vector<16xi32>
    %lt3A_167 = arith.constant 0 : i32
    %lt3A_168 = vector.broadcast %lt3A_167 : i32 to vector<16xi32>
    %lt3A_169 = arith.cmpi slt, %rem3A_163, %lt3A_168 : vector<16xi32>
    %lt3A_170 = arith.constant 0 : i32
    %lt3A_171 = arith.cmpi slt, %select_n3A_161, %lt3A_170 : i32
    %ne3A_172 = vector.broadcast %lt3A_171 : i1 to vector<16xi1>
    %ne3A_173 = vector.broadcast %ne3A_172 : vector<16xi1> to vector<16xi1>
    %ne3A_174 = arith.xori %lt3A_169, %ne3A_173 : vector<16xi1>
    %and3A_175 = arith.andi %ne3A_174, %ne3A_166 : vector<16xi1>
    %add3A_176 = vector.broadcast %select_n3A_161 : i32 to vector<16xi32>
    %add3A_177 = arith.addi %rem3A_163, %add3A_176 : vector<16xi32>
    %select_n3A_178 = arith.select %and3A_175, %add3A_177, %rem3A_163 : vector<16xi1>, vector<16xi32>
    %add3A_179 = arith.constant 32 : i32
    %add3A_180 = vector.broadcast %add3A_179 : i32 to vector<16xi32>
    %add3A_181 = arith.addi %add3A_180, %iota3A : vector<16xi32>
    %jit3A_182 = arith.constant 8 : i32
    %eq3A_183 = arith.constant 0 : i32
    %eq3A_184 = arith.cmpi eq, %jit3A_182, %eq3A_183 : i32
    %jit3A_185 = arith.constant 1 : i32
    %select_n3A_186 = arith.select %eq3A_184, %jit3A_185, %jit3A_182 : i32
    %rem3A_187 = vector.broadcast %select_n3A_186 : i32 to vector<16xi32>
    %rem3A_188 = arith.remsi %add3A_181, %rem3A_187 : vector<16xi32>
    %ne3A_189 = arith.constant 0 : i32
    %ne3A_190 = vector.broadcast %ne3A_189 : i32 to vector<16xi32>
    %ne3A_191 = arith.cmpi ne, %rem3A_188, %ne3A_190 : vector<16xi32>
    %lt3A_192 = arith.constant 0 : i32
    %lt3A_193 = vector.broadcast %lt3A_192 : i32 to vector<16xi32>
    %lt3A_194 = arith.cmpi slt, %rem3A_188, %lt3A_193 : vector<16xi32>
    %lt3A_195 = arith.constant 0 : i32
    %lt3A_196 = arith.cmpi slt, %select_n3A_186, %lt3A_195 : i32
    %ne3A_197 = vector.broadcast %lt3A_196 : i1 to vector<16xi1>
    %ne3A_198 = vector.broadcast %ne3A_197 : vector<16xi1> to vector<16xi1>
    %ne3A_199 = arith.xori %lt3A_194, %ne3A_198 : vector<16xi1>
    %and3A_200 = arith.andi %ne3A_199, %ne3A_191 : vector<16xi1>
    %add3A_201 = vector.broadcast %select_n3A_186 : i32 to vector<16xi32>
    %add3A_202 = arith.addi %rem3A_188, %add3A_201 : vector<16xi32>
    %select_n3A_203 = arith.select %and3A_200, %add3A_202, %rem3A_188 : vector<16xi1>, vector<16xi32>
    %add3A_204 = arith.constant 48 : i32
    %add3A_205 = vector.broadcast %add3A_204 : i32 to vector<16xi32>
    %add3A_206 = arith.addi %add3A_205, %iota3A : vector<16xi32>
    %jit3A_207 = arith.constant 8 : i32
    %eq3A_208 = arith.constant 0 : i32
    %eq3A_209 = arith.cmpi eq, %jit3A_207, %eq3A_208 : i32
    %jit3A_210 = arith.constant 1 : i32
    %select_n3A_211 = arith.select %eq3A_209, %jit3A_210, %jit3A_207 : i32
    %rem3A_212 = vector.broadcast %select_n3A_211 : i32 to vector<16xi32>
    %rem3A_213 = arith.remsi %add3A_206, %rem3A_212 : vector<16xi32>
    %ne3A_214 = arith.constant 0 : i32
    %ne3A_215 = vector.broadcast %ne3A_214 : i32 to vector<16xi32>
    %ne3A_216 = arith.cmpi ne, %rem3A_213, %ne3A_215 : vector<16xi32>
    %lt3A_217 = arith.constant 0 : i32
    %lt3A_218 = vector.broadcast %lt3A_217 : i32 to vector<16xi32>
    %lt3A_219 = arith.cmpi slt, %rem3A_213, %lt3A_218 : vector<16xi32>
    %lt3A_220 = arith.constant 0 : i32
    %lt3A_221 = arith.cmpi slt, %select_n3A_211, %lt3A_220 : i32
    %ne3A_222 = vector.broadcast %lt3A_221 : i1 to vector<16xi1>
    %ne3A_223 = vector.broadcast %ne3A_222 : vector<16xi1> to vector<16xi1>
    %ne3A_224 = arith.xori %lt3A_219, %ne3A_223 : vector<16xi1>
    %and3A_225 = arith.andi %ne3A_224, %ne3A_216 : vector<16xi1>
    %add3A_226 = vector.broadcast %select_n3A_211 : i32 to vector<16xi32>
    %add3A_227 = arith.addi %rem3A_213, %add3A_226 : vector<16xi32>
    %select_n3A_228 = arith.select %and3A_225, %add3A_227, %rem3A_213 : vector<16xi1>, vector<16xi32>
    %dma_start3A = arith.constant 0 : i32
    %dma_start3A_229 = arith.constant 0 : i32
    %dma_start3A_230 = tpu.memref_slice %arg5[%dma_start3A, %dma_start3A_229] : memref<200x128xi32, #tpu.memory_space<vmem>> -> memref<1x128xi32, #tpu.memory_space<vmem>>
    %dma_start3A_231 = tpu.memref_squeeze %dma_start3A_230 : memref<1x128xi32, #tpu.memory_space<vmem>> -> memref<128xi32, #tpu.memory_space<vmem>>
    %dma_start3A_232 = arith.constant 0 : i32
    %dma_start3A_233 = arith.constant 0 : i32
    %dma_start3A_234 = tpu.memref_slice %arg2[%dma_start3A_232, %dma_start3A_233] : memref<1015808x64xf32, #tpu.memory_space<hbm>> -> memref<1015808x64xf32, #tpu.memory_space<hbm>>
    tpu.enqueue_indirect_dma source(%dma_start3A_234 : memref<1015808x64xf32, #tpu.memory_space<hbm>>) target(%arg6 : memref<128x64xf32, #tpu.memory_space<vmem>>) offsets(%dma_start3A_231 : memref<128xi32, #tpu.memory_space<vmem>>) semaphore(%arg14 : memref<!tpu.dma_semaphore, #tpu.memory_space<semaphore_mem>>)
    %dma_start3A_235 = arith.constant 1 : i32
    %dma_start3A_236 = arith.constant 0 : i32
    %dma_start3A_237 = tpu.memref_slice %arg5[%dma_start3A_235, %dma_start3A_236] : memref<200x128xi32, #tpu.memory_space<vmem>> -> memref<1x128xi32, #tpu.memory_space<vmem>>
    %dma_start3A_238 = tpu.memref_squeeze %dma_start3A_237 : memref<1x128xi32, #tpu.memory_space<vmem>> -> memref<128xi32, #tpu.memory_space<vmem>>
    %dma_start3A_239 = arith.constant 0 : i32
    %dma_start3A_240 = arith.constant 0 : i32
    %dma_start3A_241 = tpu.memref_slice %arg2[%dma_start3A_239, %dma_start3A_240] : memref<1015808x64xf32, #tpu.memory_space<hbm>> -> memref<1015808x64xf32, #tpu.memory_space<hbm>>
    tpu.enqueue_indirect_dma source(%dma_start3A_241 : memref<1015808x64xf32, #tpu.memory_space<hbm>>) target(%arg7 : memref<128x64xf32, #tpu.memory_space<vmem>>) offsets(%dma_start3A_238 : memref<128xi32, #tpu.memory_space<vmem>>) semaphore(%arg15 : memref<!tpu.dma_semaphore, #tpu.memory_space<semaphore_mem>>)
    %dma_start3A_242 = arith.constant 2 : i32
    %dma_start3A_243 = arith.constant 0 : i32
    %dma_start3A_244 = tpu.memref_slice %arg5[%dma_start3A_242, %dma_start3A_243] : memref<200x128xi32, #tpu.memory_space<vmem>> -> memref<1x128xi32, #tpu.memory_space<vmem>>
    %dma_start3A_245 = tpu.memref_squeeze %dma_start3A_244 : memref<1x128xi32, #tpu.memory_space<vmem>> -> memref<128xi32, #tpu.memory_space<vmem>>
    %dma_start3A_246 = arith.constant 0 : i32
    %dma_start3A_247 = arith.constant 0 : i32
    %dma_start3A_248 = tpu.memref_slice %arg2[%dma_start3A_246, %dma_start3A_247] : memref<1015808x64xf32, #tpu.memory_space<hbm>> -> memref<1015808x64xf32, #tpu.memory_space<hbm>>
    tpu.enqueue_indirect_dma source(%dma_start3A_248 : memref<1015808x64xf32, #tpu.memory_space<hbm>>) target(%arg8 : memref<128x64xf32, #tpu.memory_space<vmem>>) offsets(%dma_start3A_245 : memref<128xi32, #tpu.memory_space<vmem>>) semaphore(%arg16 : memref<!tpu.dma_semaphore, #tpu.memory_space<semaphore_mem>>)
    %dma_start3A_249 = arith.constant 3 : i32
    %dma_start3A_250 = arith.constant 0 : i32
    %dma_start3A_251 = tpu.memref_slice %arg5[%dma_start3A_249, %dma_start3A_250] : memref<200x128xi32, #tpu.memory_space<vmem>> -> memref<1x128xi32, #tpu.memory_space<vmem>>
    %dma_start3A_252 = tpu.memref_squeeze %dma_start3A_251 : memref<1x128xi32, #tpu.memory_space<vmem>> -> memref<128xi32, #tpu.memory_space<vmem>>
    %dma_start3A_253 = arith.constant 0 : i32
    %dma_start3A_254 = arith.constant 0 : i32
    %dma_start3A_255 = tpu.memref_slice %arg2[%dma_start3A_253, %dma_start3A_254] : memref<1015808x64xf32, #tpu.memory_space<hbm>> -> memref<1015808x64xf32, #tpu.memory_space<hbm>>
    tpu.enqueue_indirect_dma source(%dma_start3A_255 : memref<1015808x64xf32, #tpu.memory_space<hbm>>) target(%arg9 : memref<128x64xf32, #tpu.memory_space<vmem>>) offsets(%dma_start3A_252 : memref<128xi32, #tpu.memory_space<vmem>>) semaphore(%arg17 : memref<!tpu.dma_semaphore, #tpu.memory_space<semaphore_mem>>)
    %scan3A = arith.constant 0 : i32
    %scan3A_256 = arith.constant 0 : i32
    %scan3A_257 = arith.constant 50 : i32
    %scan3A_258 = arith.addi %scan3A_256, %scan3A_257 : i32
    %scan3A_259 = arith.constant 1 : i32
    %scan3A_260 = scf.for %scan3A_337 = %scan3A_256 to %scan3A_258 step %scan3A_259 iter_args(%scan3A_338 = %scan3A) -> (i32)  : i32 {
      %mul3A_339 = arith.constant 4 : i32
      %mul3A_340 = arith.muli %scan3A_337, %mul3A_339 : i32
      %add3A_341 = arith.constant 0 : i32
      %add3A_342 = arith.addi %mul3A_340, %add3A_341 : i32
      %dma_wait3A_343 = arith.constant 0 : i32
      %dma_wait3A_344 = tpu.memref_slice %arg5[%add3A_342, %dma_wait3A_343] : memref<200x128xi32, #tpu.memory_space<vmem>> -> memref<1x128xi32, #tpu.memory_space<vmem>>
      %dma_wait3A_345 = tpu.memref_squeeze %dma_wait3A_344 : memref<1x128xi32, #tpu.memory_space<vmem>> -> memref<128xi32, #tpu.memory_space<vmem>>
      %dma_wait3A_346 = arith.constant 0 : i32
      %dma_wait3A_347 = arith.constant 0 : i32
      %dma_wait3A_348 = tpu.memref_slice %arg2[%dma_wait3A_346, %dma_wait3A_347] : memref<1015808x64xf32, #tpu.memory_space<hbm>> -> memref<1015808x64xf32, #tpu.memory_space<hbm>>
      tpu.wait_indirect_dma semaphore(%arg14 : memref<!tpu.dma_semaphore, #tpu.memory_space<semaphore_mem>>) src(%dma_wait3A_348 : memref<1015808x64xf32, #tpu.memory_space<hbm>>) dst(%arg6 : memref<128x64xf32, #tpu.memory_space<vmem>>)
      %gt3A = arith.constant 0 : i32
      %gt3A_349 = arith.cmpi sgt, %scan3A_337, %gt3A : i32
      %convert_element_type3A = arith.extui %gt3A_349 : i1 to i32
      %cond3A = arith.constant 0 : i32
      %cond3A_350 = arith.cmpi ne, %convert_element_type3A, %cond3A : i32
      scf.if %cond3A_350 {
        %dma_wait3A_500 = arith.constant 0 : i32
        %dma_wait3A_501 = arith.constant 0 : i32
        %dma_wait3A_502 = arith.constant 0 : i32
        %dma_wait3A_503 = tpu.memref_slice %arg10[%dma_wait3A_500, %dma_wait3A_501, %dma_wait3A_502] : memref<8x8x129xf32, #tpu.memory_space<vmem>> -> memref<8x8x128xf32, #tpu.memory_space<vmem>>
        %dma_wait3A_504 = arith.constant 0 : i32
        %dma_wait3A_505 = arith.constant 0 : i32
        %dma_wait3A_506 = arith.constant 0 : i32
        %dma_wait3A_507 = tpu.memref_slice %arg4[%add3A_342, %dma_wait3A_504, %add3A, %dma_wait3A_505, %dma_wait3A_506] : memref<200x8x32x8x128xf32, #tpu.memory_space<hbm>> -> memref<1x8x1x8x128xf32, #tpu.memory_space<hbm>>
        %dma_wait3A_508 = tpu.memref_squeeze %dma_wait3A_507 : memref<1x8x1x8x128xf32, #tpu.memory_space<hbm>> -> memref<8x8x128xf32, #tpu.memory_space<hbm>>
        %dma_wait3A_509 = arith.constant 0 : i32
        %dma_wait3A_510 = arith.constant 0 : i32
        %dma_wait3A_511 = arith.constant 0 : i32
        %dma_wait3A_512 = tpu.memref_slice %arg4[%add3A_342, %dma_wait3A_509, %add3A, %dma_wait3A_510, %dma_wait3A_511] : memref<200x8x32x8x128xf32, #tpu.memory_space<hbm>> -> memref<1x8x1x8x128xf32, #tpu.memory_space<hbm>>
        %dma_wait3A_513 = tpu.memref_squeeze %dma_wait3A_512 : memref<1x8x1x8x128xf32, #tpu.memory_space<hbm>> -> memref<8x8x128xf32, #tpu.memory_space<hbm>>
        %dma_wait3A_514 = arith.constant 0 : i32
        %dma_wait3A_515 = arith.constant 0 : i32
        %dma_wait3A_516 = arith.constant 0 : i32
        %dma_wait3A_517 = tpu.memref_slice %arg10[%dma_wait3A_514, %dma_wait3A_515, %dma_wait3A_516] : memref<8x8x129xf32, #tpu.memory_space<vmem>> -> memref<8x8x128xf32, #tpu.memory_space<vmem>>
        tpu.wait_dma2 semaphore(%arg18 : memref<!tpu.dma_semaphore, #tpu.memory_space<semaphore_mem>>) src(%dma_wait3A_517 : memref<8x8x128xf32, #tpu.memory_space<vmem>>) dst(%dma_wait3A_513 : memref<8x8x128xf32, #tpu.memory_space<hbm>>)
      } else {
      }
      %parallel_loop3A = arith.constant 0 : i32
      %parallel_loop3A_351 = arith.constant 128 : i32
      %parallel_loop3A_352 = arith.constant 1 : i32
      scf.for %parallel_loop3A_500 = %parallel_loop3A to %parallel_loop3A_351 step %parallel_loop3A_352  : i32 {
        %parallel_loop3A_501 = vector.broadcast %parallel_loop3A_500 : i32 to vector<16xi32>
        %parallel_loop3A_502 = arith.index_cast %parallel_loop3A_500 : i32 to index
        %parallel_loop3A_503 = arith.constant 0 : index
        %parallel_loop3A_504 = tpu.vector_load %arg6[%parallel_loop3A_502, %parallel_loop3A_503] {strides = array<i32>} : memref<128x64xf32, #tpu.memory_space<vmem>>, vector<16xf32>,
        %parallel_loop3A_505 = arith.constant 8.000000e+00 : f32
        %parallel_loop3A_506 = vector.broadcast %parallel_loop3A_505 : f32 to vector<16xf32>
        %parallel_loop3A_507 = arith.mulf %parallel_loop3A_504, %parallel_loop3A_506 : vector<16xf32>
        tpu.vector_store_idx %arg10[%select_n3A, %select_n3A_153, %parallel_loop3A_501], %parallel_loop3A_507 : memref<8x8x129xf32, #tpu.memory_space<vmem>>[vector<16xi32>, vector<16xi32>, vector<16xi32>], vector<16xf32>,
        %parallel_loop3A_508 = arith.index_cast %parallel_loop3A_500 : i32 to index
        %parallel_loop3A_509 = arith.constant 16 : index
        %parallel_loop3A_510 = tpu.vector_load %arg6[%parallel_loop3A_508, %parallel_loop3A_509] {strides = array<i32>} : memref<128x64xf32, #tpu.memory_space<vmem>>, vector<16xf32>,
        %parallel_loop3A_511 = arith.constant 8.000000e+00 : f32
        %parallel_loop3A_512 = vector.broadcast %parallel_loop3A_511 : f32 to vector<16xf32>
        %parallel_loop3A_513 = arith.mulf %parallel_loop3A_510, %parallel_loop3A_512 : vector<16xf32>
        tpu.vector_store_idx %arg10[%select_n3A_62, %select_n3A_178, %parallel_loop3A_501], %parallel_loop3A_513 : memref<8x8x129xf32, #tpu.memory_space<vmem>>[vector<16xi32>, vector<16xi32>, vector<16xi32>], vector<16xf32>,
        %parallel_loop3A_514 = arith.index_cast %parallel_loop3A_500 : i32 to index
        %parallel_loop3A_515 = arith.constant 32 : index
        %parallel_loop3A_516 = tpu.vector_load %arg6[%parallel_loop3A_514, %parallel_loop3A_515] {strides = array<i32>} : memref<128x64xf32, #tpu.memory_space<vmem>>, vector<16xf32>,
        %parallel_loop3A_517 = arith.constant 8.000000e+00 : f32
        %parallel_loop3A_518 = vector.broadcast %parallel_loop3A_517 : f32 to vector<16xf32>
        %parallel_loop3A_519 = arith.mulf %parallel_loop3A_516, %parallel_loop3A_518 : vector<16xf32>
        tpu.vector_store_idx %arg10[%select_n3A_96, %select_n3A_203, %parallel_loop3A_501], %parallel_loop3A_519 : memref<8x8x129xf32, #tpu.memory_space<vmem>>[vector<16xi32>, vector<16xi32>, vector<16xi32>], vector<16xf32>,
        %parallel_loop3A_520 = arith.index_cast %parallel_loop3A_500 : i32 to index
        %parallel_loop3A_521 = arith.constant 48 : index
        %parallel_loop3A_522 = tpu.vector_load %arg6[%parallel_loop3A_520, %parallel_loop3A_521] {strides = array<i32>} : memref<128x64xf32, #tpu.memory_space<vmem>>, vector<16xf32>,
        %parallel_loop3A_523 = arith.constant 8.000000e+00 : f32
        %parallel_loop3A_524 = vector.broadcast %parallel_loop3A_523 : f32 to vector<16xf32>
        %parallel_loop3A_525 = arith.mulf %parallel_loop3A_522, %parallel_loop3A_524 : vector<16xf32>
        tpu.vector_store_idx %arg10[%select_n3A_130, %select_n3A_228, %parallel_loop3A_501], %parallel_loop3A_525 : memref<8x8x129xf32, #tpu.memory_space<vmem>>[vector<16xi32>, vector<16xi32>, vector<16xi32>], vector<16xf32>,
      } {sc.loop_unroll_factor = 4 : i64, sc.parallel_access}
      %dma_start3A_353 = arith.constant 0 : i32
      %dma_start3A_354 = arith.constant 0 : i32
      %dma_start3A_355 = arith.constant 0 : i32
      %dma_start3A_356 = tpu.memref_slice %arg10[%dma_start3A_353, %dma_start3A_354, %dma_start3A_355] : memref<8x8x129xf32, #tpu.memory_space<vmem>> -> memref<8x8x128xf32, #tpu.memory_space<vmem>>
      %dma_start3A_357 = arith.constant 0 : i32
      %dma_start3A_358 = arith.constant 0 : i32
      %dma_start3A_359 = arith.constant 0 : i32
      %dma_start3A_360 = tpu.memref_slice %arg4[%add3A_342, %dma_start3A_357, %add3A, %dma_start3A_358, %dma_start3A_359] : memref<200x8x32x8x128xf32, #tpu.memory_space<hbm>> -> memref<1x8x1x8x128xf32, #tpu.memory_space<hbm>>
      %dma_start3A_361 = tpu.memref_squeeze %dma_start3A_360 : memref<1x8x1x8x128xf32, #tpu.memory_space<hbm>> -> memref<8x8x128xf32, #tpu.memory_space<hbm>>
      %dma_start3A_362 = arith.constant 0 : i32
      %dma_start3A_363 = arith.constant 0 : i32
      %dma_start3A_364 = arith.constant 0 : i32
      %dma_start3A_365 = tpu.memref_slice %arg4[%add3A_342, %dma_start3A_362, %add3A, %dma_start3A_363, %dma_start3A_364] : memref<200x8x32x8x128xf32, #tpu.memory_space<hbm>> -> memref<1x8x1x8x128xf32, #tpu.memory_space<hbm>>
      %dma_start3A_366 = tpu.memref_squeeze %dma_start3A_365 : memref<1x8x1x8x128xf32, #tpu.memory_space<hbm>> -> memref<8x8x128xf32, #tpu.memory_space<hbm>>
      %dma_start3A_367 = arith.constant 0 : i32
      %dma_start3A_368 = arith.constant 0 : i32
      %dma_start3A_369 = arith.constant 0 : i32
      %dma_start3A_370 = tpu.memref_slice %arg10[%dma_start3A_367, %dma_start3A_368, %dma_start3A_369] : memref<8x8x129xf32, #tpu.memory_space<vmem>> -> memref<8x8x128xf32, #tpu.memory_space<vmem>>
      tpu.enqueue_dma source(%dma_start3A_370 : memref<8x8x128xf32, #tpu.memory_space<vmem>>) target(%dma_start3A_366 : memref<8x8x128xf32, #tpu.memory_space<hbm>>) target_semaphore(%arg18 : memref<!tpu.dma_semaphore, #tpu.memory_space<semaphore_mem>>)
      %lt3A_371 = arith.constant 49 : i32
      %lt3A_372 = arith.cmpi slt, %scan3A_337, %lt3A_371 : i32
      %convert_element_type3A_373 = arith.extui %lt3A_372 : i1 to i32
      %cond3A_374 = arith.constant 0 : i32
      %cond3A_375 = arith.cmpi ne, %convert_element_type3A_373, %cond3A_374 : i32
      scf.if %cond3A_375 {
        %add3A_500 = arith.constant 4 : i32
        %add3A_501 = arith.addi %add3A_342, %add3A_500 : i32
        %dma_start3A_502 = arith.constant 0 : i32
        %dma_start3A_503 = tpu.memref_slice %arg5[%add3A_501, %dma_start3A_502] : memref<200x128xi32, #tpu.memory_space<vmem>> -> memref<1x128xi32, #tpu.memory_space<vmem>>
        %dma_start3A_504 = tpu.memref_squeeze %dma_start3A_503 : memref<1x128xi32, #tpu.memory_space<vmem>> -> memref<128xi32, #tpu.memory_space<vmem>>
        %dma_start3A_505 = arith.constant 0 : i32
        %dma_start3A_506 = arith.constant 0 : i32
        %dma_start3A_507 = tpu.memref_slice %arg2[%dma_start3A_505, %dma_start3A_506] : memref<1015808x64xf32, #tpu.memory_space<hbm>> -> memref<1015808x64xf32, #tpu.memory_space<hbm>>
        tpu.enqueue_indirect_dma source(%dma_start3A_507 : memref<1015808x64xf32, #tpu.memory_space<hbm>>) target(%arg6 : memref<128x64xf32, #tpu.memory_space<vmem>>) offsets(%dma_start3A_504 : memref<128xi32, #tpu.memory_space<vmem>>) semaphore(%arg14 : memref<!tpu.dma_semaphore, #tpu.memory_space<semaphore_mem>>)
      } else {
      }
      %mul3A_376 = arith.constant 4 : i32
      %mul3A_377 = arith.muli %scan3A_337, %mul3A_376 : i32
      %add3A_378 = arith.constant 1 : i32
      %add3A_379 = arith.addi %mul3A_377, %add3A_378 : i32
      %dma_wait3A_380 = arith.constant 0 : i32
      %dma_wait3A_381 = tpu.memref_slice %arg5[%add3A_379, %dma_wait3A_380] : memref<200x128xi32, #tpu.memory_space<vmem>> -> memref<1x128xi32, #tpu.memory_space<vmem>>
      %dma_wait3A_382 = tpu.memref_squeeze %dma_wait3A_381 : memref<1x128xi32, #tpu.memory_space<vmem>> -> memref<128xi32, #tpu.memory_space<vmem>>
      %dma_wait3A_383 = arith.constant 0 : i32
      %dma_wait3A_384 = arith.constant 0 : i32
      %dma_wait3A_385 = tpu.memref_slice %arg2[%dma_wait3A_383, %dma_wait3A_384] : memref<1015808x64xf32, #tpu.memory_space<hbm>> -> memref<1015808x64xf32, #tpu.memory_space<hbm>>
      tpu.wait_indirect_dma semaphore(%arg15 : memref<!tpu.dma_semaphore, #tpu.memory_space<semaphore_mem>>) src(%dma_wait3A_385 : memref<1015808x64xf32, #tpu.memory_space<hbm>>) dst(%arg7 : memref<128x64xf32, #tpu.memory_space<vmem>>)
      %gt3A_386 = arith.constant 0 : i32
      %gt3A_387 = arith.cmpi sgt, %scan3A_337, %gt3A_386 : i32
      %convert_element_type3A_388 = arith.extui %gt3A_387 : i1 to i32
      %cond3A_389 = arith.constant 0 : i32
      %cond3A_390 = arith.cmpi ne, %convert_element_type3A_388, %cond3A_389 : i32
      scf.if %cond3A_390 {
        %dma_wait3A_500 = arith.constant 0 : i32
        %dma_wait3A_501 = arith.constant 0 : i32
        %dma_wait3A_502 = arith.constant 0 : i32
        %dma_wait3A_503 = tpu.memref_slice %arg11[%dma_wait3A_500, %dma_wait3A_501, %dma_wait3A_502] : memref<8x8x129xf32, #tpu.memory_space<vmem>> -> memref<8x8x128xf32, #tpu.memory_space<vmem>>
        %dma_wait3A_504 = arith.constant 0 : i32
        %dma_wait3A_505 = arith.constant 0 : i32
        %dma_wait3A_506 = arith.constant 0 : i32
        %dma_wait3A_507 = tpu.memref_slice %arg4[%add3A_379, %dma_wait3A_504, %add3A, %dma_wait3A_505, %dma_wait3A_506] : memref<200x8x32x8x128xf32, #tpu.memory_space<hbm>> -> memref<1x8x1x8x128xf32, #tpu.memory_space<hbm>>
        %dma_wait3A_508 = tpu.memref_squeeze %dma_wait3A_507 : memref<1x8x1x8x128xf32, #tpu.memory_space<hbm>> -> memref<8x8x128xf32, #tpu.memory_space<hbm>>
        %dma_wait3A_509 = arith.constant 0 : i32
        %dma_wait3A_510 = arith.constant 0 : i32
        %dma_wait3A_511 = arith.constant 0 : i32
        %dma_wait3A_512 = tpu.memref_slice %arg4[%add3A_379, %dma_wait3A_509, %add3A, %dma_wait3A_510, %dma_wait3A_511] : memref<200x8x32x8x128xf32, #tpu.memory_space<hbm>> -> memref<1x8x1x8x128xf32, #tpu.memory_space<hbm>>
        %dma_wait3A_513 = tpu.memref_squeeze %dma_wait3A_512 : memref<1x8x1x8x128xf32, #tpu.memory_space<hbm>> -> memref<8x8x128xf32, #tpu.memory_space<hbm>>
        %dma_wait3A_514 = arith.constant 0 : i32
        %dma_wait3A_515 = arith.constant 0 : i32
        %dma_wait3A_516 = arith.constant 0 : i32
        %dma_wait3A_517 = tpu.memref_slice %arg11[%dma_wait3A_514, %dma_wait3A_515, %dma_wait3A_516] : memref<8x8x129xf32, #tpu.memory_space<vmem>> -> memref<8x8x128xf32, #tpu.memory_space<vmem>>
        tpu.wait_dma2 semaphore(%arg19 : memref<!tpu.dma_semaphore, #tpu.memory_space<semaphore_mem>>) src(%dma_wait3A_517 : memref<8x8x128xf32, #tpu.memory_space<vmem>>) dst(%dma_wait3A_513 : memref<8x8x128xf32, #tpu.memory_space<hbm>>)
      } else {
      }
      %parallel_loop3A_391 = arith.constant 0 : i32
      %parallel_loop3A_392 = arith.constant 128 : i32
      %parallel_loop3A_393 = arith.constant 1 : i32
      scf.for %parallel_loop3A_500 = %parallel_loop3A_391 to %parallel_loop3A_392 step %parallel_loop3A_393  : i32 {
        %parallel_loop3A_501 = vector.broadcast %parallel_loop3A_500 : i32 to vector<16xi32>
        %parallel_loop3A_502 = arith.index_cast %parallel_loop3A_500 : i32 to index
        %parallel_loop3A_503 = arith.constant 0 : index
        %parallel_loop3A_504 = tpu.vector_load %arg7[%parallel_loop3A_502, %parallel_loop3A_503] {strides = array<i32>} : memref<128x64xf32, #tpu.memory_space<vmem>>, vector<16xf32>,
        %parallel_loop3A_505 = arith.constant 8.000000e+00 : f32
        %parallel_loop3A_506 = vector.broadcast %parallel_loop3A_505 : f32 to vector<16xf32>
        %parallel_loop3A_507 = arith.mulf %parallel_loop3A_504, %parallel_loop3A_506 : vector<16xf32>
        tpu.vector_store_idx %arg11[%select_n3A, %select_n3A_153, %parallel_loop3A_501], %parallel_loop3A_507 : memref<8x8x129xf32, #tpu.memory_space<vmem>>[vector<16xi32>, vector<16xi32>, vector<16xi32>], vector<16xf32>,
        %parallel_loop3A_508 = arith.index_cast %parallel_loop3A_500 : i32 to index
        %parallel_loop3A_509 = arith.constant 16 : index
        %parallel_loop3A_510 = tpu.vector_load %arg7[%parallel_loop3A_508, %parallel_loop3A_509] {strides = array<i32>} : memref<128x64xf32, #tpu.memory_space<vmem>>, vector<16xf32>,
        %parallel_loop3A_511 = arith.constant 8.000000e+00 : f32
        %parallel_loop3A_512 = vector.broadcast %parallel_loop3A_511 : f32 to vector<16xf32>
        %parallel_loop3A_513 = arith.mulf %parallel_loop3A_510, %parallel_loop3A_512 : vector<16xf32>
        tpu.vector_store_idx %arg11[%select_n3A_62, %select_n3A_178, %parallel_loop3A_501], %parallel_loop3A_513 : memref<8x8x129xf32, #tpu.memory_space<vmem>>[vector<16xi32>, vector<16xi32>, vector<16xi32>], vector<16xf32>,
        %parallel_loop3A_514 = arith.index_cast %parallel_loop3A_500 : i32 to index
        %parallel_loop3A_515 = arith.constant 32 : index
        %parallel_loop3A_516 = tpu.vector_load %arg7[%parallel_loop3A_514, %parallel_loop3A_515] {strides = array<i32>} : memref<128x64xf32, #tpu.memory_space<vmem>>, vector<16xf32>,
        %parallel_loop3A_517 = arith.constant 8.000000e+00 : f32
        %parallel_loop3A_518 = vector.broadcast %parallel_loop3A_517 : f32 to vector<16xf32>
        %parallel_loop3A_519 = arith.mulf %parallel_loop3A_516, %parallel_loop3A_518 : vector<16xf32>
        tpu.vector_store_idx %arg11[%select_n3A_96, %select_n3A_203, %parallel_loop3A_501], %parallel_loop3A_519 : memref<8x8x129xf32, #tpu.memory_space<vmem>>[vector<16xi32>, vector<16xi32>, vector<16xi32>], vector<16xf32>,
        %parallel_loop3A_520 = arith.index_cast %parallel_loop3A_500 : i32 to index
        %parallel_loop3A_521 = arith.constant 48 : index
        %parallel_loop3A_522 = tpu.vector_load %arg7[%parallel_loop3A_520, %parallel_loop3A_521] {strides = array<i32>} : memref<128x64xf32, #tpu.memory_space<vmem>>, vector<16xf32>,
        %parallel_loop3A_523 = arith.constant 8.000000e+00 : f32
        %parallel_loop3A_524 = vector.broadcast %parallel_loop3A_523 : f32 to vector<16xf32>
        %parallel_loop3A_525 = arith.mulf %parallel_loop3A_522, %parallel_loop3A_524 : vector<16xf32>
        tpu.vector_store_idx %arg11[%select_n3A_130, %select_n3A_228, %parallel_loop3A_501], %parallel_loop3A_525 : memref<8x8x129xf32, #tpu.memory_space<vmem>>[vector<16xi32>, vector<16xi32>, vector<16xi32>], vector<16xf32>,
      } {sc.loop_unroll_factor = 4 : i64, sc.parallel_access}
      %dma_start3A_394 = arith.constant 0 : i32
      %dma_start3A_395 = arith.constant 0 : i32
      %dma_start3A_396 = arith.constant 0 : i32
      %dma_start3A_397 = tpu.memref_slice %arg11[%dma_start3A_394, %dma_start3A_395, %dma_start3A_396] : memref<8x8x129xf32, #tpu.memory_space<vmem>> -> memref<8x8x128xf32, #tpu.memory_space<vmem>>
      %dma_start3A_398 = arith.constant 0 : i32
      %dma_start3A_399 = arith.constant 0 : i32
      %dma_start3A_400 = arith.constant 0 : i32
      %dma_start3A_401 = tpu.memref_slice %arg4[%add3A_379, %dma_start3A_398, %add3A, %dma_start3A_399, %dma_start3A_400] : memref<200x8x32x8x128xf32, #tpu.memory_space<hbm>> -> memref<1x8x1x8x128xf32, #tpu.memory_space<hbm>>
      %dma_start3A_402 = tpu.memref_squeeze %dma_start3A_401 : memref<1x8x1x8x128xf32, #tpu.memory_space<hbm>> -> memref<8x8x128xf32, #tpu.memory_space<hbm>>
      %dma_start3A_403 = arith.constant 0 : i32
      %dma_start3A_404 = arith.constant 0 : i32
      %dma_start3A_405 = arith.constant 0 : i32
      %dma_start3A_406 = tpu.memref_slice %arg4[%add3A_379, %dma_start3A_403, %add3A, %dma_start3A_404, %dma_start3A_405] : memref<200x8x32x8x128xf32, #tpu.memory_space<hbm>> -> memref<1x8x1x8x128xf32, #tpu.memory_space<hbm>>
      %dma_start3A_407 = tpu.memref_squeeze %dma_start3A_406 : memref<1x8x1x8x128xf32, #tpu.memory_space<hbm>> -> memref<8x8x128xf32, #tpu.memory_space<hbm>>
      %dma_start3A_408 = arith.constant 0 : i32
      %dma_start3A_409 = arith.constant 0 : i32
      %dma_start3A_410 = arith.constant 0 : i32
      %dma_start3A_411 = tpu.memref_slice %arg11[%dma_start3A_408, %dma_start3A_409, %dma_start3A_410] : memref<8x8x129xf32, #tpu.memory_space<vmem>> -> memref<8x8x128xf32, #tpu.memory_space<vmem>>
      tpu.enqueue_dma source(%dma_start3A_411 : memref<8x8x128xf32, #tpu.memory_space<vmem>>) target(%dma_start3A_407 : memref<8x8x128xf32, #tpu.memory_space<hbm>>) target_semaphore(%arg19 : memref<!tpu.dma_semaphore, #tpu.memory_space<semaphore_mem>>)
      %lt3A_412 = arith.constant 49 : i32
      %lt3A_413 = arith.cmpi slt, %scan3A_337, %lt3A_412 : i32
      %convert_element_type3A_414 = arith.extui %lt3A_413 : i1 to i32
      %cond3A_415 = arith.constant 0 : i32
      %cond3A_416 = arith.cmpi ne, %convert_element_type3A_414, %cond3A_415 : i32
      scf.if %cond3A_416 {
        %add3A_500 = arith.constant 4 : i32
        %add3A_501 = arith.addi %add3A_379, %add3A_500 : i32
        %dma_start3A_502 = arith.constant 0 : i32
        %dma_start3A_503 = tpu.memref_slice %arg5[%add3A_501, %dma_start3A_502] : memref<200x128xi32, #tpu.memory_space<vmem>> -> memref<1x128xi32, #tpu.memory_space<vmem>>
        %dma_start3A_504 = tpu.memref_squeeze %dma_start3A_503 : memref<1x128xi32, #tpu.memory_space<vmem>> -> memref<128xi32, #tpu.memory_space<vmem>>
        %dma_start3A_505 = arith.constant 0 : i32
        %dma_start3A_506 = arith.constant 0 : i32
        %dma_start3A_507 = tpu.memref_slice %arg2[%dma_start3A_505, %dma_start3A_506] : memref<1015808x64xf32, #tpu.memory_space<hbm>> -> memref<1015808x64xf32, #tpu.memory_space<hbm>>
        tpu.enqueue_indirect_dma source(%dma_start3A_507 : memref<1015808x64xf32, #tpu.memory_space<hbm>>) target(%arg7 : memref<128x64xf32, #tpu.memory_space<vmem>>) offsets(%dma_start3A_504 : memref<128xi32, #tpu.memory_space<vmem>>) semaphore(%arg15 : memref<!tpu.dma_semaphore, #tpu.memory_space<semaphore_mem>>)
      } else {
      }
      %mul3A_417 = arith.constant 4 : i32
      %mul3A_418 = arith.muli %scan3A_337, %mul3A_417 : i32
      %add3A_419 = arith.constant 2 : i32
      %add3A_420 = arith.addi %mul3A_418, %add3A_419 : i32
      %dma_wait3A_421 = arith.constant 0 : i32
      %dma_wait3A_422 = tpu.memref_slice %arg5[%add3A_420, %dma_wait3A_421] : memref<200x128xi32, #tpu.memory_space<vmem>> -> memref<1x128xi32, #tpu.memory_space<vmem>>
      %dma_wait3A_423 = tpu.memref_squeeze %dma_wait3A_422 : memref<1x128xi32, #tpu.memory_space<vmem>> -> memref<128xi32, #tpu.memory_space<vmem>>
      %dma_wait3A_424 = arith.constant 0 : i32
      %dma_wait3A_425 = arith.constant 0 : i32
      %dma_wait3A_426 = tpu.memref_slice %arg2[%dma_wait3A_424, %dma_wait3A_425] : memref<1015808x64xf32, #tpu.memory_space<hbm>> -> memref<1015808x64xf32, #tpu.memory_space<hbm>>
      tpu.wait_indirect_dma semaphore(%arg16 : memref<!tpu.dma_semaphore, #tpu.memory_space<semaphore_mem>>) src(%dma_wait3A_426 : memref<1015808x64xf32, #tpu.memory_space<hbm>>) dst(%arg8 : memref<128x64xf32, #tpu.memory_space<vmem>>)
      %gt3A_427 = arith.constant 0 : i32
      %gt3A_428 = arith.cmpi sgt, %scan3A_337, %gt3A_427 : i32
      %convert_element_type3A_429 = arith.extui %gt3A_428 : i1 to i32
      %cond3A_430 = arith.constant 0 : i32
      %cond3A_431 = arith.cmpi ne, %convert_element_type3A_429, %cond3A_430 : i32
      scf.if %cond3A_431 {
        %dma_wait3A_500 = arith.constant 0 : i32
        %dma_wait3A_501 = arith.constant 0 : i32
        %dma_wait3A_502 = arith.constant 0 : i32
        %dma_wait3A_503 = tpu.memref_slice %arg12[%dma_wait3A_500, %dma_wait3A_501, %dma_wait3A_502] : memref<8x8x129xf32, #tpu.memory_space<vmem>> -> memref<8x8x128xf32, #tpu.memory_space<vmem>>
        %dma_wait3A_504 = arith.constant 0 : i32
        %dma_wait3A_505 = arith.constant 0 : i32
        %dma_wait3A_506 = arith.constant 0 : i32
        %dma_wait3A_507 = tpu.memref_slice %arg4[%add3A_420, %dma_wait3A_504, %add3A, %dma_wait3A_505, %dma_wait3A_506] : memref<200x8x32x8x128xf32, #tpu.memory_space<hbm>> -> memref<1x8x1x8x128xf32, #tpu.memory_space<hbm>>
        %dma_wait3A_508 = tpu.memref_squeeze %dma_wait3A_507 : memref<1x8x1x8x128xf32, #tpu.memory_space<hbm>> -> memref<8x8x128xf32, #tpu.memory_space<hbm>>
        %dma_wait3A_509 = arith.constant 0 : i32
        %dma_wait3A_510 = arith.constant 0 : i32
        %dma_wait3A_511 = arith.constant 0 : i32
        %dma_wait3A_512 = tpu.memref_slice %arg4[%add3A_420, %dma_wait3A_509, %add3A, %dma_wait3A_510, %dma_wait3A_511] : memref<200x8x32x8x128xf32, #tpu.memory_space<hbm>> -> memref<1x8x1x8x128xf32, #tpu.memory_space<hbm>>
        %dma_wait3A_513 = tpu.memref_squeeze %dma_wait3A_512 : memref<1x8x1x8x128xf32, #tpu.memory_space<hbm>> -> memref<8x8x128xf32, #tpu.memory_space<hbm>>
        %dma_wait3A_514 = arith.constant 0 : i32
        %dma_wait3A_515 = arith.constant 0 : i32
        %dma_wait3A_516 = arith.constant 0 : i32
        %dma_wait3A_517 = tpu.memref_slice %arg12[%dma_wait3A_514, %dma_wait3A_515, %dma_wait3A_516] : memref<8x8x129xf32, #tpu.memory_space<vmem>> -> memref<8x8x128xf32, #tpu.memory_space<vmem>>
        tpu.wait_dma2 semaphore(%arg20 : memref<!tpu.dma_semaphore, #tpu.memory_space<semaphore_mem>>) src(%dma_wait3A_517 : memref<8x8x128xf32, #tpu.memory_space<vmem>>) dst(%dma_wait3A_513 : memref<8x8x128xf32, #tpu.memory_space<hbm>>)
      } else {
      }
      %parallel_loop3A_432 = arith.constant 0 : i32
      %parallel_loop3A_433 = arith.constant 128 : i32
      %parallel_loop3A_434 = arith.constant 1 : i32
      scf.for %parallel_loop3A_500 = %parallel_loop3A_432 to %parallel_loop3A_433 step %parallel_loop3A_434  : i32 {
        %parallel_loop3A_501 = vector.broadcast %parallel_loop3A_500 : i32 to vector<16xi32>
        %parallel_loop3A_502 = arith.index_cast %parallel_loop3A_500 : i32 to index
        %parallel_loop3A_503 = arith.constant 0 : index
        %parallel_loop3A_504 = tpu.vector_load %arg8[%parallel_loop3A_502, %parallel_loop3A_503] {strides = array<i32>} : memref<128x64xf32, #tpu.memory_space<vmem>>, vector<16xf32>,
        %parallel_loop3A_505 = arith.constant 8.000000e+00 : f32
        %parallel_loop3A_506 = vector.broadcast %parallel_loop3A_505 : f32 to vector<16xf32>
        %parallel_loop3A_507 = arith.mulf %parallel_loop3A_504, %parallel_loop3A_506 : vector<16xf32>
        tpu.vector_store_idx %arg12[%select_n3A, %select_n3A_153, %parallel_loop3A_501], %parallel_loop3A_507 : memref<8x8x129xf32, #tpu.memory_space<vmem>>[vector<16xi32>, vector<16xi32>, vector<16xi32>], vector<16xf32>,
        %parallel_loop3A_508 = arith.index_cast %parallel_loop3A_500 : i32 to index
        %parallel_loop3A_509 = arith.constant 16 : index
        %parallel_loop3A_510 = tpu.vector_load %arg8[%parallel_loop3A_508, %parallel_loop3A_509] {strides = array<i32>} : memref<128x64xf32, #tpu.memory_space<vmem>>, vector<16xf32>,
        %parallel_loop3A_511 = arith.constant 8.000000e+00 : f32
        %parallel_loop3A_512 = vector.broadcast %parallel_loop3A_511 : f32 to vector<16xf32>
        %parallel_loop3A_513 = arith.mulf %parallel_loop3A_510, %parallel_loop3A_512 : vector<16xf32>
        tpu.vector_store_idx %arg12[%select_n3A_62, %select_n3A_178, %parallel_loop3A_501], %parallel_loop3A_513 : memref<8x8x129xf32, #tpu.memory_space<vmem>>[vector<16xi32>, vector<16xi32>, vector<16xi32>], vector<16xf32>,
        %parallel_loop3A_514 = arith.index_cast %parallel_loop3A_500 : i32 to index
        %parallel_loop3A_515 = arith.constant 32 : index
        %parallel_loop3A_516 = tpu.vector_load %arg8[%parallel_loop3A_514, %parallel_loop3A_515] {strides = array<i32>} : memref<128x64xf32, #tpu.memory_space<vmem>>, vector<16xf32>,
        %parallel_loop3A_517 = arith.constant 8.000000e+00 : f32
        %parallel_loop3A_518 = vector.broadcast %parallel_loop3A_517 : f32 to vector<16xf32>
        %parallel_loop3A_519 = arith.mulf %parallel_loop3A_516, %parallel_loop3A_518 : vector<16xf32>
        tpu.vector_store_idx %arg12[%select_n3A_96, %select_n3A_203, %parallel_loop3A_501], %parallel_loop3A_519 : memref<8x8x129xf32, #tpu.memory_space<vmem>>[vector<16xi32>, vector<16xi32>, vector<16xi32>], vector<16xf32>,
        %parallel_loop3A_520 = arith.index_cast %parallel_loop3A_500 : i32 to index
        %parallel_loop3A_521 = arith.constant 48 : index
        %parallel_loop3A_522 = tpu.vector_load %arg8[%parallel_loop3A_520, %parallel_loop3A_521] {strides = array<i32>} : memref<128x64xf32, #tpu.memory_space<vmem>>, vector<16xf32>,
        %parallel_loop3A_523 = arith.constant 8.000000e+00 : f32
        %parallel_loop3A_524 = vector.broadcast %parallel_loop3A_523 : f32 to vector<16xf32>
        %parallel_loop3A_525 = arith.mulf %parallel_loop3A_522, %parallel_loop3A_524 : vector<16xf32>
        tpu.vector_store_idx %arg12[%select_n3A_130, %select_n3A_228, %parallel_loop3A_501], %parallel_loop3A_525 : memref<8x8x129xf32, #tpu.memory_space<vmem>>[vector<16xi32>, vector<16xi32>, vector<16xi32>], vector<16xf32>,
      } {sc.loop_unroll_factor = 4 : i64, sc.parallel_access}
      %dma_start3A_435 = arith.constant 0 : i32
      %dma_start3A_436 = arith.constant 0 : i32
      %dma_start3A_437 = arith.constant 0 : i32
      %dma_start3A_438 = tpu.memref_slice %arg12[%dma_start3A_435, %dma_start3A_436, %dma_start3A_437] : memref<8x8x129xf32, #tpu.memory_space<vmem>> -> memref<8x8x128xf32, #tpu.memory_space<vmem>>
      %dma_start3A_439 = arith.constant 0 : i32
      %dma_start3A_440 = arith.constant 0 : i32
      %dma_start3A_441 = arith.constant 0 : i32
      %dma_start3A_442 = tpu.memref_slice %arg4[%add3A_420, %dma_start3A_439, %add3A, %dma_start3A_440, %dma_start3A_441] : memref<200x8x32x8x128xf32, #tpu.memory_space<hbm>> -> memref<1x8x1x8x128xf32, #tpu.memory_space<hbm>>
      %dma_start3A_443 = tpu.memref_squeeze %dma_start3A_442 : memref<1x8x1x8x128xf32, #tpu.memory_space<hbm>> -> memref<8x8x128xf32, #tpu.memory_space<hbm>>
      %dma_start3A_444 = arith.constant 0 : i32
      %dma_start3A_445 = arith.constant 0 : i32
      %dma_start3A_446 = arith.constant 0 : i32
      %dma_start3A_447 = tpu.memref_slice %arg4[%add3A_420, %dma_start3A_444, %add3A, %dma_start3A_445, %dma_start3A_446] : memref<200x8x32x8x128xf32, #tpu.memory_space<hbm>> -> memref<1x8x1x8x128xf32, #tpu.memory_space<hbm>>
      %dma_start3A_448 = tpu.memref_squeeze %dma_start3A_447 : memref<1x8x1x8x128xf32, #tpu.memory_space<hbm>> -> memref<8x8x128xf32, #tpu.memory_space<hbm>>
      %dma_start3A_449 = arith.constant 0 : i32
      %dma_start3A_450 = arith.constant 0 : i32
      %dma_start3A_451 = arith.constant 0 : i32
      %dma_start3A_452 = tpu.memref_slice %arg12[%dma_start3A_449, %dma_start3A_450, %dma_start3A_451] : memref<8x8x129xf32, #tpu.memory_space<vmem>> -> memref<8x8x128xf32, #tpu.memory_space<vmem>>
      tpu.enqueue_dma source(%dma_start3A_452 : memref<8x8x128xf32, #tpu.memory_space<vmem>>) target(%dma_start3A_448 : memref<8x8x128xf32, #tpu.memory_space<hbm>>) target_semaphore(%arg20 : memref<!tpu.dma_semaphore, #tpu.memory_space<semaphore_mem>>)
      %lt3A_453 = arith.constant 49 : i32
      %lt3A_454 = arith.cmpi slt, %scan3A_337, %lt3A_453 : i32
      %convert_element_type3A_455 = arith.extui %lt3A_454 : i1 to i32
      %cond3A_456 = arith.constant 0 : i32
      %cond3A_457 = arith.cmpi ne, %convert_element_type3A_455, %cond3A_456 : i32
      scf.if %cond3A_457 {
        %add3A_500 = arith.constant 4 : i32
        %add3A_501 = arith.addi %add3A_420, %add3A_500 : i32
        %dma_start3A_502 = arith.constant 0 : i32
        %dma_start3A_503 = tpu.memref_slice %arg5[%add3A_501, %dma_start3A_502] : memref<200x128xi32, #tpu.memory_space<vmem>> -> memref<1x128xi32, #tpu.memory_space<vmem>>
        %dma_start3A_504 = tpu.memref_squeeze %dma_start3A_503 : memref<1x128xi32, #tpu.memory_space<vmem>> -> memref<128xi32, #tpu.memory_space<vmem>>
        %dma_start3A_505 = arith.constant 0 : i32
        %dma_start3A_506 = arith.constant 0 : i32
        %dma_start3A_507 = tpu.memref_slice %arg2[%dma_start3A_505, %dma_start3A_506] : memref<1015808x64xf32, #tpu.memory_space<hbm>> -> memref<1015808x64xf32, #tpu.memory_space<hbm>>
        tpu.enqueue_indirect_dma source(%dma_start3A_507 : memref<1015808x64xf32, #tpu.memory_space<hbm>>) target(%arg8 : memref<128x64xf32, #tpu.memory_space<vmem>>) offsets(%dma_start3A_504 : memref<128xi32, #tpu.memory_space<vmem>>) semaphore(%arg16 : memref<!tpu.dma_semaphore, #tpu.memory_space<semaphore_mem>>)
      } else {
      }
      %mul3A_458 = arith.constant 4 : i32
      %mul3A_459 = arith.muli %scan3A_337, %mul3A_458 : i32
      %add3A_460 = arith.constant 3 : i32
      %add3A_461 = arith.addi %mul3A_459, %add3A_460 : i32
      %dma_wait3A_462 = arith.constant 0 : i32
      %dma_wait3A_463 = tpu.memref_slice %arg5[%add3A_461, %dma_wait3A_462] : memref<200x128xi32, #tpu.memory_space<vmem>> -> memref<1x128xi32, #tpu.memory_space<vmem>>
      %dma_wait3A_464 = tpu.memref_squeeze %dma_wait3A_463 : memref<1x128xi32, #tpu.memory_space<vmem>> -> memref<128xi32, #tpu.memory_space<vmem>>
      %dma_wait3A_465 = arith.constant 0 : i32
      %dma_wait3A_466 = arith.constant 0 : i32
      %dma_wait3A_467 = tpu.memref_slice %arg2[%dma_wait3A_465, %dma_wait3A_466] : memref<1015808x64xf32, #tpu.memory_space<hbm>> -> memref<1015808x64xf32, #tpu.memory_space<hbm>>
      tpu.wait_indirect_dma semaphore(%arg17 : memref<!tpu.dma_semaphore, #tpu.memory_space<semaphore_mem>>) src(%dma_wait3A_467 : memref<1015808x64xf32, #tpu.memory_space<hbm>>) dst(%arg9 : memref<128x64xf32, #tpu.memory_space<vmem>>)
      %gt3A_468 = arith.constant 0 : i32
      %gt3A_469 = arith.cmpi sgt, %scan3A_337, %gt3A_468 : i32
      %convert_element_type3A_470 = arith.extui %gt3A_469 : i1 to i32
      %cond3A_471 = arith.constant 0 : i32
      %cond3A_472 = arith.cmpi ne, %convert_element_type3A_470, %cond3A_471 : i32
      scf.if %cond3A_472 {
        %dma_wait3A_500 = arith.constant 0 : i32
        %dma_wait3A_501 = arith.constant 0 : i32
        %dma_wait3A_502 = arith.constant 0 : i32
        %dma_wait3A_503 = tpu.memref_slice %arg13[%dma_wait3A_500, %dma_wait3A_501, %dma_wait3A_502] : memref<8x8x129xf32, #tpu.memory_space<vmem>> -> memref<8x8x128xf32, #tpu.memory_space<vmem>>
        %dma_wait3A_504 = arith.constant 0 : i32
        %dma_wait3A_505 = arith.constant 0 : i32
        %dma_wait3A_506 = arith.constant 0 : i32
        %dma_wait3A_507 = tpu.memref_slice %arg4[%add3A_461, %dma_wait3A_504, %add3A, %dma_wait3A_505, %dma_wait3A_506] : memref<200x8x32x8x128xf32, #tpu.memory_space<hbm>> -> memref<1x8x1x8x128xf32, #tpu.memory_space<hbm>>
        %dma_wait3A_508 = tpu.memref_squeeze %dma_wait3A_507 : memref<1x8x1x8x128xf32, #tpu.memory_space<hbm>> -> memref<8x8x128xf32, #tpu.memory_space<hbm>>
        %dma_wait3A_509 = arith.constant 0 : i32
        %dma_wait3A_510 = arith.constant 0 : i32
        %dma_wait3A_511 = arith.constant 0 : i32
        %dma_wait3A_512 = tpu.memref_slice %arg4[%add3A_461, %dma_wait3A_509, %add3A, %dma_wait3A_510, %dma_wait3A_511] : memref<200x8x32x8x128xf32, #tpu.memory_space<hbm>> -> memref<1x8x1x8x128xf32, #tpu.memory_space<hbm>>
        %dma_wait3A_513 = tpu.memref_squeeze %dma_wait3A_512 : memref<1x8x1x8x128xf32, #tpu.memory_space<hbm>> -> memref<8x8x128xf32, #tpu.memory_space<hbm>>
        %dma_wait3A_514 = arith.constant 0 : i32
        %dma_wait3A_515 = arith.constant 0 : i32
        %dma_wait3A_516 = arith.constant 0 : i32
        %dma_wait3A_517 = tpu.memref_slice %arg13[%dma_wait3A_514, %dma_wait3A_515, %dma_wait3A_516] : memref<8x8x129xf32, #tpu.memory_space<vmem>> -> memref<8x8x128xf32, #tpu.memory_space<vmem>>
        tpu.wait_dma2 semaphore(%arg21 : memref<!tpu.dma_semaphore, #tpu.memory_space<semaphore_mem>>) src(%dma_wait3A_517 : memref<8x8x128xf32, #tpu.memory_space<vmem>>) dst(%dma_wait3A_513 : memref<8x8x128xf32, #tpu.memory_space<hbm>>)
      } else {
      }
      %parallel_loop3A_473 = arith.constant 0 : i32
      %parallel_loop3A_474 = arith.constant 128 : i32
      %parallel_loop3A_475 = arith.constant 1 : i32
      scf.for %parallel_loop3A_500 = %parallel_loop3A_473 to %parallel_loop3A_474 step %parallel_loop3A_475  : i32 {
        %parallel_loop3A_501 = vector.broadcast %parallel_loop3A_500 : i32 to vector<16xi32>
        %parallel_loop3A_502 = arith.index_cast %parallel_loop3A_500 : i32 to index
        %parallel_loop3A_503 = arith.constant 0 : index
        %parallel_loop3A_504 = tpu.vector_load %arg9[%parallel_loop3A_502, %parallel_loop3A_503] {strides = array<i32>} : memref<128x64xf32, #tpu.memory_space<vmem>>, vector<16xf32>,
        %parallel_loop3A_505 = arith.constant 8.000000e+00 : f32
        %parallel_loop3A_506 = vector.broadcast %parallel_loop3A_505 : f32 to vector<16xf32>
        %parallel_loop3A_507 = arith.mulf %parallel_loop3A_504, %parallel_loop3A_506 : vector<16xf32>
        tpu.vector_store_idx %arg13[%select_n3A, %select_n3A_153, %parallel_loop3A_501], %parallel_loop3A_507 : memref<8x8x129xf32, #tpu.memory_space<vmem>>[vector<16xi32>, vector<16xi32>, vector<16xi32>], vector<16xf32>,
        %parallel_loop3A_508 = arith.index_cast %parallel_loop3A_500 : i32 to index
        %parallel_loop3A_509 = arith.constant 16 : index
        %parallel_loop3A_510 = tpu.vector_load %arg9[%parallel_loop3A_508, %parallel_loop3A_509] {strides = array<i32>} : memref<128x64xf32, #tpu.memory_space<vmem>>, vector<16xf32>,
        %parallel_loop3A_511 = arith.constant 8.000000e+00 : f32
        %parallel_loop3A_512 = vector.broadcast %parallel_loop3A_511 : f32 to vector<16xf32>
        %parallel_loop3A_513 = arith.mulf %parallel_loop3A_510, %parallel_loop3A_512 : vector<16xf32>
        tpu.vector_store_idx %arg13[%select_n3A_62, %select_n3A_178, %parallel_loop3A_501], %parallel_loop3A_513 : memref<8x8x129xf32, #tpu.memory_space<vmem>>[vector<16xi32>, vector<16xi32>, vector<16xi32>], vector<16xf32>,
        %parallel_loop3A_514 = arith.index_cast %parallel_loop3A_500 : i32 to index
        %parallel_loop3A_515 = arith.constant 32 : index
        %parallel_loop3A_516 = tpu.vector_load %arg9[%parallel_loop3A_514, %parallel_loop3A_515] {strides = array<i32>} : memref<128x64xf32, #tpu.memory_space<vmem>>, vector<16xf32>,
        %parallel_loop3A_517 = arith.constant 8.000000e+00 : f32
        %parallel_loop3A_518 = vector.broadcast %parallel_loop3A_517 : f32 to vector<16xf32>
        %parallel_loop3A_519 = arith.mulf %parallel_loop3A_516, %parallel_loop3A_518 : vector<16xf32>
        tpu.vector_store_idx %arg13[%select_n3A_96, %select_n3A_203, %parallel_loop3A_501], %parallel_loop3A_519 : memref<8x8x129xf32, #tpu.memory_space<vmem>>[vector<16xi32>, vector<16xi32>, vector<16xi32>], vector<16xf32>,
        %parallel_loop3A_520 = arith.index_cast %parallel_loop3A_500 : i32 to index
        %parallel_loop3A_521 = arith.constant 48 : index
        %parallel_loop3A_522 = tpu.vector_load %arg9[%parallel_loop3A_520, %parallel_loop3A_521] {strides = array<i32>} : memref<128x64xf32, #tpu.memory_space<vmem>>, vector<16xf32>,
        %parallel_loop3A_523 = arith.constant 8.000000e+00 : f32
        %parallel_loop3A_524 = vector.broadcast %parallel_loop3A_523 : f32 to vector<16xf32>
        %parallel_loop3A_525 = arith.mulf %parallel_loop3A_522, %parallel_loop3A_524 : vector<16xf32>
        tpu.vector_store_idx %arg13[%select_n3A_130, %select_n3A_228, %parallel_loop3A_501], %parallel_loop3A_525 : memref<8x8x129xf32, #tpu.memory_space<vmem>>[vector<16xi32>, vector<16xi32>, vector<16xi32>], vector<16xf32>,
      } {sc.loop_unroll_factor = 4 : i64, sc.parallel_access}
      %dma_start3A_476 = arith.constant 0 : i32
      %dma_start3A_477 = arith.constant 0 : i32
      %dma_start3A_478 = arith.constant 0 : i32
      %dma_start3A_479 = tpu.memref_slice %arg13[%dma_start3A_476, %dma_start3A_477, %dma_start3A_478] : memref<8x8x129xf32, #tpu.memory_space<vmem>> -> memref<8x8x128xf32, #tpu.memory_space<vmem>>
      %dma_start3A_480 = arith.constant 0 : i32
      %dma_start3A_481 = arith.constant 0 : i32
      %dma_start3A_482 = arith.constant 0 : i32
      %dma_start3A_483 = tpu.memref_slice %arg4[%add3A_461, %dma_start3A_480, %add3A, %dma_start3A_481, %dma_start3A_482] : memref<200x8x32x8x128xf32, #tpu.memory_space<hbm>> -> memref<1x8x1x8x128xf32, #tpu.memory_space<hbm>>
      %dma_start3A_484 = tpu.memref_squeeze %dma_start3A_483 : memref<1x8x1x8x128xf32, #tpu.memory_space<hbm>> -> memref<8x8x128xf32, #tpu.memory_space<hbm>>
      %dma_start3A_485 = arith.constant 0 : i32
      %dma_start3A_486 = arith.constant 0 : i32
      %dma_start3A_487 = arith.constant 0 : i32
      %dma_start3A_488 = tpu.memref_slice %arg4[%add3A_461, %dma_start3A_485, %add3A, %dma_start3A_486, %dma_start3A_487] : memref<200x8x32x8x128xf32, #tpu.memory_space<hbm>> -> memref<1x8x1x8x128xf32, #tpu.memory_space<hbm>>
      %dma_start3A_489 = tpu.memref_squeeze %dma_start3A_488 : memref<1x8x1x8x128xf32, #tpu.memory_space<hbm>> -> memref<8x8x128xf32, #tpu.memory_space<hbm>>
      %dma_start3A_490 = arith.constant 0 : i32
      %dma_start3A_491 = arith.constant 0 : i32
      %dma_start3A_492 = arith.constant 0 : i32
      %dma_start3A_493 = tpu.memref_slice %arg13[%dma_start3A_490, %dma_start3A_491, %dma_start3A_492] : memref<8x8x129xf32, #tpu.memory_space<vmem>> -> memref<8x8x128xf32, #tpu.memory_space<vmem>>
      tpu.enqueue_dma source(%dma_start3A_493 : memref<8x8x128xf32, #tpu.memory_space<vmem>>) target(%dma_start3A_489 : memref<8x8x128xf32, #tpu.memory_space<hbm>>) target_semaphore(%arg21 : memref<!tpu.dma_semaphore, #tpu.memory_space<semaphore_mem>>)
      %lt3A_494 = arith.constant 49 : i32
      %lt3A_495 = arith.cmpi slt, %scan3A_337, %lt3A_494 : i32
      %convert_element_type3A_496 = arith.extui %lt3A_495 : i1 to i32
      %cond3A_497 = arith.constant 0 : i32
      %cond3A_498 = arith.cmpi ne, %convert_element_type3A_496, %cond3A_497 : i32
      scf.if %cond3A_498 {
        %add3A_500 = arith.constant 4 : i32
        %add3A_501 = arith.addi %add3A_461, %add3A_500 : i32
        %dma_start3A_502 = arith.constant 0 : i32
        %dma_start3A_503 = tpu.memref_slice %arg5[%add3A_501, %dma_start3A_502] : memref<200x128xi32, #tpu.memory_space<vmem>> -> memref<1x128xi32, #tpu.memory_space<vmem>>
        %dma_start3A_504 = tpu.memref_squeeze %dma_start3A_503 : memref<1x128xi32, #tpu.memory_space<vmem>> -> memref<128xi32, #tpu.memory_space<vmem>>
        %dma_start3A_505 = arith.constant 0 : i32
        %dma_start3A_506 = arith.constant 0 : i32
        %dma_start3A_507 = tpu.memref_slice %arg2[%dma_start3A_505, %dma_start3A_506] : memref<1015808x64xf32, #tpu.memory_space<hbm>> -> memref<1015808x64xf32, #tpu.memory_space<hbm>>
        tpu.enqueue_indirect_dma source(%dma_start3A_507 : memref<1015808x64xf32, #tpu.memory_space<hbm>>) target(%arg9 : memref<128x64xf32, #tpu.memory_space<vmem>>) offsets(%dma_start3A_504 : memref<128xi32, #tpu.memory_space<vmem>>) semaphore(%arg17 : memref<!tpu.dma_semaphore, #tpu.memory_space<semaphore_mem>>)
      } else {
      }
      %scan3A_499 = arith.constant 0 : i32
      scf.yield %scan3A_499 : i32
    }
    %scan3A_261 = arith.constant 50 : i32
    %dma_wait3A = arith.constant 196 : i32
    %dma_wait3A_262 = arith.constant 0 : i32
    %dma_wait3A_263 = arith.constant 0 : i32
    %dma_wait3A_264 = arith.constant 0 : i32
    %dma_wait3A_265 = tpu.memref_slice %arg10[%dma_wait3A_262, %dma_wait3A_263, %dma_wait3A_264] : memref<8x8x129xf32, #tpu.memory_space<vmem>> -> memref<8x8x128xf32, #tpu.memory_space<vmem>>
    %dma_wait3A_266 = arith.constant 0 : i32
    %dma_wait3A_267 = arith.constant 0 : i32
    %dma_wait3A_268 = arith.constant 0 : i32
    %dma_wait3A_269 = tpu.memref_slice %arg4[%dma_wait3A, %dma_wait3A_266, %add3A, %dma_wait3A_267, %dma_wait3A_268] : memref<200x8x32x8x128xf32, #tpu.memory_space<hbm>> -> memref<1x8x1x8x128xf32, #tpu.memory_space<hbm>>
    %dma_wait3A_270 = tpu.memref_squeeze %dma_wait3A_269 : memref<1x8x1x8x128xf32, #tpu.memory_space<hbm>> -> memref<8x8x128xf32, #tpu.memory_space<hbm>>
    %dma_wait3A_271 = arith.constant 0 : i32
    %dma_wait3A_272 = arith.constant 0 : i32
    %dma_wait3A_273 = arith.constant 0 : i32
    %dma_wait3A_274 = tpu.memref_slice %arg4[%dma_wait3A, %dma_wait3A_271, %add3A, %dma_wait3A_272, %dma_wait3A_273] : memref<200x8x32x8x128xf32, #tpu.memory_space<hbm>> -> memref<1x8x1x8x128xf32, #tpu.memory_space<hbm>>
    %dma_wait3A_275 = tpu.memref_squeeze %dma_wait3A_274 : memref<1x8x1x8x128xf32, #tpu.memory_space<hbm>> -> memref<8x8x128xf32, #tpu.memory_space<hbm>>
    %dma_wait3A_276 = arith.constant 0 : i32
    %dma_wait3A_277 = arith.constant 0 : i32
    %dma_wait3A_278 = arith.constant 0 : i32
    %dma_wait3A_279 = tpu.memref_slice %arg10[%dma_wait3A_276, %dma_wait3A_277, %dma_wait3A_278] : memref<8x8x129xf32, #tpu.memory_space<vmem>> -> memref<8x8x128xf32, #tpu.memory_space<vmem>>
    tpu.wait_dma2 semaphore(%arg18 : memref<!tpu.dma_semaphore, #tpu.memory_space<semaphore_mem>>) src(%dma_wait3A_279 : memref<8x8x128xf32, #tpu.memory_space<vmem>>) dst(%dma_wait3A_275 : memref<8x8x128xf32, #tpu.memory_space<hbm>>)
    %dma_wait3A_280 = arith.constant 197 : i32
    %dma_wait3A_281 = arith.constant 0 : i32
    %dma_wait3A_282 = arith.constant 0 : i32
    %dma_wait3A_283 = arith.constant 0 : i32
    %dma_wait3A_284 = tpu.memref_slice %arg11[%dma_wait3A_281, %dma_wait3A_282, %dma_wait3A_283] : memref<8x8x129xf32, #tpu.memory_space<vmem>> -> memref<8x8x128xf32, #tpu.memory_space<vmem>>
    %dma_wait3A_285 = arith.constant 0 : i32
    %dma_wait3A_286 = arith.constant 0 : i32
    %dma_wait3A_287 = arith.constant 0 : i32
    %dma_wait3A_288 = tpu.memref_slice %arg4[%dma_wait3A_280, %dma_wait3A_285, %add3A, %dma_wait3A_286, %dma_wait3A_287] : memref<200x8x32x8x128xf32, #tpu.memory_space<hbm>> -> memref<1x8x1x8x128xf32, #tpu.memory_space<hbm>>
    %dma_wait3A_289 = tpu.memref_squeeze %dma_wait3A_288 : memref<1x8x1x8x128xf32, #tpu.memory_space<hbm>> -> memref<8x8x128xf32, #tpu.memory_space<hbm>>
    %dma_wait3A_290 = arith.constant 0 : i32
    %dma_wait3A_291 = arith.constant 0 : i32
    %dma_wait3A_292 = arith.constant 0 : i32
    %dma_wait3A_293 = tpu.memref_slice %arg4[%dma_wait3A_280, %dma_wait3A_290, %add3A, %dma_wait3A_291, %dma_wait3A_292] : memref<200x8x32x8x128xf32, #tpu.memory_space<hbm>> -> memref<1x8x1x8x128xf32, #tpu.memory_space<hbm>>
    %dma_wait3A_294 = tpu.memref_squeeze %dma_wait3A_293 : memref<1x8x1x8x128xf32, #tpu.memory_space<hbm>> -> memref<8x8x128xf32, #tpu.memory_space<hbm>>
    %dma_wait3A_295 = arith.constant 0 : i32
    %dma_wait3A_296 = arith.constant 0 : i32
    %dma_wait3A_297 = arith.constant 0 : i32
    %dma_wait3A_298 = tpu.memref_slice %arg11[%dma_wait3A_295, %dma_wait3A_296, %dma_wait3A_297] : memref<8x8x129xf32, #tpu.memory_space<vmem>> -> memref<8x8x128xf32, #tpu.memory_space<vmem>>
    tpu.wait_dma2 semaphore(%arg19 : memref<!tpu.dma_semaphore, #tpu.memory_space<semaphore_mem>>) src(%dma_wait3A_298 : memref<8x8x128xf32, #tpu.memory_space<vmem>>) dst(%dma_wait3A_294 : memref<8x8x128xf32, #tpu.memory_space<hbm>>)
    %dma_wait3A_299 = arith.constant 198 : i32
    %dma_wait3A_300 = arith.constant 0 : i32
    %dma_wait3A_301 = arith.constant 0 : i32
    %dma_wait3A_302 = arith.constant 0 : i32
    %dma_wait3A_303 = tpu.memref_slice %arg12[%dma_wait3A_300, %dma_wait3A_301, %dma_wait3A_302] : memref<8x8x129xf32, #tpu.memory_space<vmem>> -> memref<8x8x128xf32, #tpu.memory_space<vmem>>
    %dma_wait3A_304 = arith.constant 0 : i32
    %dma_wait3A_305 = arith.constant 0 : i32
    %dma_wait3A_306 = arith.constant 0 : i32
    %dma_wait3A_307 = tpu.memref_slice %arg4[%dma_wait3A_299, %dma_wait3A_304, %add3A, %dma_wait3A_305, %dma_wait3A_306] : memref<200x8x32x8x128xf32, #tpu.memory_space<hbm>> -> memref<1x8x1x8x128xf32, #tpu.memory_space<hbm>>
    %dma_wait3A_308 = tpu.memref_squeeze %dma_wait3A_307 : memref<1x8x1x8x128xf32, #tpu.memory_space<hbm>> -> memref<8x8x128xf32, #tpu.memory_space<hbm>>
    %dma_wait3A_309 = arith.constant 0 : i32
    %dma_wait3A_310 = arith.constant 0 : i32
    %dma_wait3A_311 = arith.constant 0 : i32
    %dma_wait3A_312 = tpu.memref_slice %arg4[%dma_wait3A_299, %dma_wait3A_309, %add3A, %dma_wait3A_310, %dma_wait3A_311] : memref<200x8x32x8x128xf32, #tpu.memory_space<hbm>> -> memref<1x8x1x8x128xf32, #tpu.memory_space<hbm>>
    %dma_wait3A_313 = tpu.memref_squeeze %dma_wait3A_312 : memref<1x8x1x8x128xf32, #tpu.memory_space<hbm>> -> memref<8x8x128xf32, #tpu.memory_space<hbm>>
    %dma_wait3A_314 = arith.constant 0 : i32
    %dma_wait3A_315 = arith.constant 0 : i32
    %dma_wait3A_316 = arith.constant 0 : i32
    %dma_wait3A_317 = tpu.memref_slice %arg12[%dma_wait3A_314, %dma_wait3A_315, %dma_wait3A_316] : memref<8x8x129xf32, #tpu.memory_space<vmem>> -> memref<8x8x128xf32, #tpu.memory_space<vmem>>
    tpu.wait_dma2 semaphore(%arg20 : memref<!tpu.dma_semaphore, #tpu.memory_space<semaphore_mem>>) src(%dma_wait3A_317 : memref<8x8x128xf32, #tpu.memory_space<vmem>>) dst(%dma_wait3A_313 : memref<8x8x128xf32, #tpu.memory_space<hbm>>)
    %dma_wait3A_318 = arith.constant 199 : i32
    %dma_wait3A_319 = arith.constant 0 : i32
    %dma_wait3A_320 = arith.constant 0 : i32
    %dma_wait3A_321 = arith.constant 0 : i32
    %dma_wait3A_322 = tpu.memref_slice %arg13[%dma_wait3A_319, %dma_wait3A_320, %dma_wait3A_321] : memref<8x8x129xf32, #tpu.memory_space<vmem>> -> memref<8x8x128xf32, #tpu.memory_space<vmem>>
    %dma_wait3A_323 = arith.constant 0 : i32
    %dma_wait3A_324 = arith.constant 0 : i32
    %dma_wait3A_325 = arith.constant 0 : i32
    %dma_wait3A_326 = tpu.memref_slice %arg4[%dma_wait3A_318, %dma_wait3A_323, %add3A, %dma_wait3A_324, %dma_wait3A_325] : memref<200x8x32x8x128xf32, #tpu.memory_space<hbm>> -> memref<1x8x1x8x128xf32, #tpu.memory_space<hbm>>
    %dma_wait3A_327 = tpu.memref_squeeze %dma_wait3A_326 : memref<1x8x1x8x128xf32, #tpu.memory_space<hbm>> -> memref<8x8x128xf32, #tpu.memory_space<hbm>>
    %dma_wait3A_328 = arith.constant 0 : i32
    %dma_wait3A_329 = arith.constant 0 : i32
    %dma_wait3A_330 = arith.constant 0 : i32
    %dma_wait3A_331 = tpu.memref_slice %arg4[%dma_wait3A_318, %dma_wait3A_328, %add3A, %dma_wait3A_329, %dma_wait3A_330] : memref<200x8x32x8x128xf32, #tpu.memory_space<hbm>> -> memref<1x8x1x8x128xf32, #tpu.memory_space<hbm>>
    %dma_wait3A_332 = tpu.memref_squeeze %dma_wait3A_331 : memref<1x8x1x8x128xf32, #tpu.memory_space<hbm>> -> memref<8x8x128xf32, #tpu.memory_space<hbm>>
    %dma_wait3A_333 = arith.constant 0 : i32
    %dma_wait3A_334 = arith.constant 0 : i32
    %dma_wait3A_335 = arith.constant 0 : i32
    %dma_wait3A_336 = tpu.memref_slice %arg13[%dma_wait3A_333, %dma_wait3A_334, %dma_wait3A_335] : memref<8x8x129xf32, #tpu.memory_space<vmem>> -> memref<8x8x128xf32, #tpu.memory_space<vmem>>
    tpu.wait_dma2 semaphore(%arg21 : memref<!tpu.dma_semaphore, #tpu.memory_space<semaphore_mem>>) src(%dma_wait3A_336 : memref<8x8x128xf32, #tpu.memory_space<vmem>>) dst(%dma_wait3A_332 : memref<8x8x128xf32, #tpu.memory_space<hbm>>)
    return
  }
}

</mosaic_0001>

<sc_bundles>
// kernel: kernel.4.cloned.1.call-start
scs
__scs_entry_jumppad:
0x0: {  	(pc) =	sbr.rel $0x88, $3  }
0x1: {  	(tag) =	ssettag $0x0;
	lr =	simm.s32 $0x1  }
0x2: {  	[smem:$0x3F9F] =	sst lr;
	_ =	strace $0xD0000000  }
0x3: {  	_ = 	snop  }
0x4: {  	_ = 	snop  }
0x5: {  	_ = 	snop  }
0x6: {  	_ = 	snop  }
0x7: {  	_ = 	snop  }
__scs_overlays_trampoline_lowered:
0x8: {  	[smem:$0x3FAE] =	sst s0  }
0x9: {  	[smem:$0x3FAF] =	sst s1  }
0xa: {  	[smem:$0x3FB0] =	sst s2  }
0xb: {  	[smem:$0x3FB1] =	sst s3  }
0xc: {  	[smem:$0x3FB2] =	sst s4  }
0xd: {  	[smem:$0x3FB3] =	sst s5  }
0xe: {  	[smem:$0x3FB4] =	sst s6  }
0xf: {  	[smem:$0x3FB5] =	sst s7  }
0x10: {  	[smem:$0x3FB6] =	sst s8  }
0x11: {  	[smem:$0x3FB7] =	sst s9;
	s0 =	simm.s32 @!p0 $0x0  }
0x12: {  	s1 =	sld [smem:$0x3F9D];
	s0 =	simm.s32 @p0 $0x1  }
0x13: {  	[smem:$0x3FB8] =	sst s0;
	s0 =	simm.s32 @!p1 $0x0  }
0x14: {  	s2 =	sld [smem:$0x3F9C];
	s0 =	simm.s32 @p1 $0x1  }
0x15: {  	[smem:$0x3FB9] =	sst s0;
	s0 =	simm.s32 @!p2 $0x0  }
0x16: {  	s3 =	sld [smem:$0x3FDB];
	s0 =	simm.s32 @p2 $0x1  }
0x17: {  	s4 =	simm.s32 $0x1BF5;
	[smem:$0x3FBB] =	sst s0  }
0x18: {  	s0 =	sld [smem:$0x3F9E];
	_ =	swait.ge [sflag:s4], $0x0  }
0x19: {  	s7 =	sld [smem:$0x3F9F]  }
0x1a: {  	s8 =	sadd.s32 $0xFFFFE003, lr  }
0x1b: {  	s9 =	sadd.s32 $0xFFFFFEF7, lr;
	s5 =	simm.s32 $0xFFFFFFFF;
	p2 =	slt.u32 s8, $0xFFFFF086  }
0x1c: {  	p1 =	slt.u32 s9, $0xF7A;
	s5 =	simm.s32 @!p2 $0x0  }
0x1d: {  	s5 =	simm.s32 @p1 $0x1;
	p0 =	seq.s32 s7, s2  }
0x1e: {  	s7 =	smul.u32 @!p0 $0xF7A, s2;
	p2 =	seq.s32 @!p0 s5, $0x0  }
0x1f: {  	s9 =	smul.u32 $0xF7A, s1;
	s8 =	simm.s32 @!p0 $0x1BF5;
	p2 =	por !p2, p0  }
0x20: {  	[sflag:s8] =	ssyncset.s32 @!p0 $0xFFFFF086;
	s6 =	sadd.s32 @!p0 s3, s7;
	s7 =	simm.s32 @!p0 $0x108  }
0x21: {  	s3 =	sadd.s32 s3, s9;
	s6 =	sadd.s32 @!p0 $0x88, s6;
	s7 =	simm.s32 @p2 $0x1082  }
0x22: {  	[simem:s7], [sflag:s8] =	dma.local @!p0 [hbm:s6], $0xF7A  }
0x23: {  	s9 =	sor.u32 $0xD0000000, s2;
	s6 =	simm.s32 $0x108;
	_ =	swait.ge @!p0 [sflag:s8], $0x0  }
0x24: {  	s3 =	sadd.s32 $0x88, s3;
	s6 =	simm.s32 @!p1 $0x1082;
	[sflag:s4] =	ssyncset.s32 $0xFFFFF086  }
0x25: {  	[simem:s6], [sflag:s4] =	dma.local [hbm:s3], $0xF7A  }
0x26: {  	[smem:$0x3F9F] =	sst s1;
	(tag) =	ssettag s2;
	_ =	strace s9  }
0x27: {  	s1 =	sld [smem:$0x3FAF]  }
0x28: {  	s2 =	sld [smem:$0x3FB0]  }
0x29: {  	s4 =	sld [smem:$0x3FB2]  }
0x2a: {  	p0 =	seq.s32 s5, $0x0;
	s5 =	sld [smem:$0x3FB3]  }
0x2b: {  	s6 =	sld [smem:$0x3FB4]  }
0x2c: {  	s7 =	sld [smem:$0x3FB5]  }
0x2d: {  	s3 =	simm.s32 $0x108;
	s8 =	sld [smem:$0x3FB6]  }
0x2e: {  	s3 =	simm.s32 @!p0 $0x1082;
	s9 =	sld [smem:$0x3FB7]  }
0x2f: {  	lr =	sadd.s32 s0, s3;
	s0 =	sld [smem:$0x3FAE]  }
0x30: {  	s3 =	sld [smem:$0x3FB1]  }
0x31: {  	[smem:$0x3FBA] =	sst s10  }
0x32: {  	s10 =	sld [smem:$0x3FB8];
	_ =	sdelay $0x3  }
0x33: {  	p0 =	seq.s32 s10, $0x1;
	s10 =	sld [smem:$0x3FBA];
	_ =	sdelay $0x3  }
0x34: {  	[smem:$0x3FBA] =	sst s10  }
0x35: {  	s10 =	sld [smem:$0x3FB9];
	_ =	sdelay $0x3  }
0x36: {  	p1 =	seq.s32 s10, $0x1;
	s10 =	sld [smem:$0x3FBA];
	_ =	sdelay $0x3  }
0x37: {  	[smem:$0x3FBA] =	sst s10  }
0x38: {  	s10 =	sld [smem:$0x3FBB]  }
0x39: {  	_ = 	snop;
	(pc) =	sbr.ind lr, $3  }
0x3a: {  	_ = 	snop  }
0x3b: {  	_ = 	snop  }
0x3c: {  	p2 =	seq.s32 s10, $0x1;
	s10 =	sld [smem:$0x3FBA]  }
0x3d: {  	_ =	shalt  }
0x3e: {  	_ =	shalt  }
0x3f: {  	_ =	shalt  }
0x40: {  	_ =	shalt  }
0x41: {  	_ =	shalt  }
0x42: {  	_ =	shalt  }
0x43: {  	_ =	shalt  }
0x44: {  	_ =	shalt  }
0x45: {  	_ =	shalt  }
0x46: {  	_ =	shalt  }
0x47: {  	_ =	shalt  }
0x48: {  	_ =	shalt  }
0x49: {  	_ =	shalt  }
0x4a: {  	_ =	shalt  }
0x4b: {  	_ =	shalt  }
0x4c: {  	_ =	shalt  }
0x4d: {  	_ =	shalt  }
0x4e: {  	_ =	shalt  }
0x4f: {  	_ =	shalt  }
0x50: {  	_ =	shalt  }
0x51: {  	_ =	shalt  }
0x52: {  	_ =	shalt  }
0x53: {  	_ =	shalt  }
0x54: {  	_ =	shalt  }
0x55: {  	_ =	shalt  }
0x56: {  	_ =	shalt  }
0x57: {  	_ =	shalt  }
0x58: {  	_ =	shalt  }
0x59: {  	_ =	shalt  }
0x5a: {  	_ =	shalt  }
0x5b: {  	_ =	shalt  }
0x5c: {  	_ =	shalt  }
0x5d: {  	_ =	shalt  }
0x5e: {  	_ =	shalt  }
0x5f: {  	_ =	shalt  }
0x60: {  	_ =	shalt  }
0x61: {  	_ =	shalt  }
0x62: {  	_ =	shalt  }
0x63: {  	_ =	shalt  }
0x64: {  	_ =	shalt  }
0x65: {  	_ =	shalt  }
0x66: {  	_ =	shalt  }
0x67: {  	_ =	shalt  }
0x68: {  	_ =	shalt  }
0x69: {  	_ =	shalt  }
0x6a: {  	_ =	shalt  }
0x6b: {  	_ =	shalt  }
0x6c: {  	_ =	shalt  }
0x6d: {  	_ =	shalt  }
0x6e: {  	_ =	shalt  }
0x6f: {  	_ =	shalt  }
0x70: {  	_ =	shalt  }
0x71: {  	_ =	shalt  }
0x72: {  	_ =	shalt  }
0x73: {  	_ =	shalt  }
0x74: {  	_ =	shalt  }
0x75: {  	_ =	shalt  }
0x76: {  	_ =	shalt  }
0x77: {  	_ =	shalt  }
0x78: {  	_ =	shalt  }
0x79: {  	_ =	shalt  }
0x7a: {  	_ =	shalt  }
0x7b: {  	_ =	shalt  }
0x7c: {  	_ =	shalt  }
0x7d: {  	_ =	shalt  }
0x7e: {  	_ =	shalt  }
0x7f: {  	_ =	shalt  }
0x80: {  	_ =	shalt  }
0x81: {  	_ =	shalt  }
0x82: {  	_ =	shalt  }
0x83: {  	_ =	shalt  }
0x84: {  	_ =	shalt  }
0x85: {  	_ =	shalt  }
0x86: {  	_ =	shalt  }
0x87: {  	_ =	shalt  }
.Lfunc_end0:
.L_simem_size_0:
called_computation_lowered:
.L_overlay_start_0:
0x88: {  	s2 =	sld [smem:$0x3FD9]  }
0x89: {  	s3 =	sld [smem:$0x3FFE];
	_ =	sdelay $0x1  }
0x8a: {  	s1 =	srdreg.scid  }
0x8b: {  	s0 =	sand.u32 $0x1, s1  }
0x8c: {  	s16 =	sshll.u32 s0, $0xA;
	s2 =	sadd.s32 s3, s2  }
0x8d: {  	s2 =	sadd.s32 s2, s16  }
0x8e: {  	[smem:$0x3FC6] =	sst s2  }
0x8f: {  	_ = 	snop  }
0x90: {  	(tm) =	ssettm $0x1  }
0x91: {  	s17 =	sld [smem:$0x3FFB];
	_ =	sdelay $0x3  }
0x92: {  	_ =	strace s17  }
0x93: {  	s2 =	sld [smem:$0x3FFC];
	_ =	sdelay $0x3  }
0x94: {  	_ =	strace s2  }
0x95: {  	s2 =	sld [smem:$0x3FFD];
	_ =	sdelay $0x3  }
0x96: {  	_ =	strace s2  }
0x97: {  	_ =	strace $0x8FFFFFFF  }
0x98: {  	s18 =	sld [smem:$0x3FDB];
	_ =	sdelay $0x1  }
0x99: {  	s19 =	simm.s32 $_scs_section_size  }
0x9a: {  	s4 =	simm.s32 $_size__tile_overlayer_lowered;
	s5 =	simm.s32 $_tile_overlayer_lowered  }
0x9b: {  	s22 =	simm.s32 $0x1BFF;
	s21 =	sshll.u32 s5, $0x1;
	s2 =	sadd.s32 s19, s18  }
0x9c: {  	s6 =	simm.s32 $0x0;
	s20 =	sshll.u32 s4, $0x1;
	s4 =	sadd.s32 s21, s2  }
0x9d: {  	[timem:s6], [sflag:s22] =	dma.local [hbm:s4], s20  }
0x9e: {  	_ =	swait.ge [sflag:s22], s20  }
0x9f: {  	s3 =	ssub.s32 $0x0, s20;
	[sflag:s22] =	ssyncset.done $0x0  }
0xa0: {  	[sflag:s22] =	ssyncadd.s32 s3;
	_ =	sdelay $0x1  }
0xa1: {  	s23 =	simm.s32 $0x1B8B  }
0xa2: {  	_ =	swait.ge [sflag:s23], $0x1  }
0xa3: {  	[sflag:s23] =	ssyncset.done $0x0  }
0xa4: {  	s25 =	simm.s32 $0x1B8E;
	s24 =	sld [smem:$0x3FFE];
	[sflag:s23] =	ssyncadd.s32 $0xFFFFFFFF  }
0xa5: {  	s26 =	simm.s32 $execute0_lowered;
	[smem:$0x3FD2] =	sst s25  }
0xa6: {  	s4 =	sshll.u32 s26, $0x1;
	_ =	strace $0x80000046;
	[dreg:$0x1] =	wrdreg $0xFFFFFFFF  }
0xa7: {  	s28 =	simm.s32 $_size_execute0_lowered;
	s2 =	sadd.s32 s2, s4;
	[dreg:$0x0] =	wrdreg $0x0  }
0xa8: {  	s4 =	sshll.u32 s28, $0x1;
	[dreg:$0x2] =	wrdreg s2  }
0xa9: {  	[dreg:$0x3] =	wrdreg s4  }
0xaa: {  	[dreg:$0x4] =	wrdreg $0xC0  }
0xab: {  	_ =	task [dreg:s6], $0x5FFFF  }
0xac: {  	[dreg:$0x1] =	wrdreg $0xFFFFFFFF  }
0xad: {  	[dreg:$0x0] =	wrdreg $0x60  }
0xae: {  	[dreg:$0x2] =	wrdreg s24  }
0xaf: {  	[dreg:$0x3] =	wrdreg $0x9  }
0xb0: {  	_ =	task.clear_ibuf [dreg:s6], $0x4FFFF;
	_ =	strace $0x90000046  }
0xb1: {  	s29 =	simm.s32 $0x9;
	_ =	strace $0x80000048  }
0xb2: {  	_ =	swait.ge [sflag:s29], $0x1  }
0xb3: {  	[sflag:s29] =	ssyncadd.s32 $0xFFFFFFFF  }
0xb4: {  	_ =	strace $0x90000048  }
0xb5: {  	_ =	sfence  }
0xb6: {  	s30 =	sld [smem:$0x0];
	_ =	sdelay $0x2  }
0xb7: {  	s31 =	sshll.u32 s1, $0xD;
	s1 =	sshrl.u32 s1, $0x2  }
0xb8: {  	s3 =	sand.u32 $0x4000, s31;
	s1 =	sadd.s32 s1, s30  }
0xb9: {  	s0 =	sor.u32 s3, s0;
	s1 =	sshll.u32 s1, $0x11  }
0xba: {  	s0 =	sor.u32 s1, s0  }
0xbb: {  	s0 =	sadd.s32 $0x8F2B, s0  }
0xbc: {  	[sflag:s0] =	ssyncadd.remote.s32 $0x1  }
0xbd: {  	_ =	sfence.sel $0xFFFF  }
0xbe: {  	[dreg:$0x0] =	wrdreg $0xFFFFFFFF;
	(pc) =	sbr.abs _section_cstart, $3  }
0xbf: {  	[dreg:$0x1] =	wrdreg $0xFFFFFFFF  }
0xc0: {  	_ =	task.clear_ibuf [dreg:s6], $0x2FFFF;
	_ =	strace $0x9FFFFFFF  }
0xc1: {  	(tm) =	ssettm $0x7FFFFFFF  }
tec
execute0_lowered:
.L_overlay_start_1:
0x0: {  	(tag) =	ssettag $0x1  }
0x1: {  	s0 =	rddreg [dreg:$0x0]  }
0x2: {  	s1 =	srdreg.scid;
	s2 =	simm.s32 $0x0;
	s4 =	stileid.u32  }
0x3: {  	s28 =	simm.s32 $0xA400;
	s29 =	simm.s32 $0x3;
	s31 =	simm.s32 $0xC800  }
0x4: {  	s1 =	sand.u32 $0x1, s1;
	[smem:$0x7FF] =	sst s2;
	s7 =	sadd.s32 $0x7C0A00, s0  }
0x5: {  	s25 =	sadd.s32 $0x7C8A00, s0;
	_ =	strace $0x80000047;
	[dreg:$0x2] =	wrdreg s7  }
0x6: {  	s26 =	sadd.s32 $0x7D0A00, s0;
	s3 =	sshll.u32 s1, $0x4;
	[dreg:$0xc] =	wrdreg s25  }
0x7: {  	s1 =	ssub.s32 $0x2, s1;
	[dreg:$0xd] =	wrdreg s26;
	s25 =	simm.s32 $0x2  }
0x8: {  	s4 =	sor.u32 s4, s3;
	s3 =	sadd.s32 $0xA00, s0;
	s0 =	sadd.s32 $0x7D8A00, s0  }
0x9: {  	s7 =	simm.s32 $0xEC00;
	s19 =	sshll.u32 s4, $0xA;
	[dreg:$0xe] =	wrdreg s0  }
0xa: {  	s5 =	sshrl.u32 s1, $0x1;
	s22 =	sor.u32 $0x80, s4;
	[dreg:$0x4] =	wrdreg s19  }
0xb: {  	s6 =	sshll.u32 s4, $0x7;
	s23 =	sor.u32 $0xA0, s4;
	[dreg:$0x8] =	wrdreg s22  }
0xc: {  	s1 =	ssub.s32 s1, s5;
	s24 =	sor.u32 $0xC0, s4;
	[dreg:$0x9] =	wrdreg s23  }
0xd: {  	s4 =	sor.u32 $0xE0, s4;
	s0 =	simm.s32 $0x4;
	[dreg:$0xa] =	wrdreg s24  }
0xe: {  	v0 =	vlaneseq.u32;
	s18 =	sadd.s32 s3, s6;
	[dreg:$0xb] =	wrdreg s4;
	s30 =	smax.u32 s1, $0x1  }
.Ltmp0:
0xf: {  	v0 =	vmul.u32 $0x48, v0;
	s19 =	simm.s32 $0x7C0000;
	[dreg:$0x3] =	wrdreg s18;
	(pc) =	sbr.rel .LBB2_1-.Ltmp0, $4  }
0x10: {  	s23 =	simm.s32 $0x1;
	s20 =	sadd.s32 $0x1000, s18;
	[dreg:$0xf] =	wrdreg s30  }
0x11: {  	v1 =	vadd.s32 $0x480, v0;
	s24 =	simm.s32 $0x8000;
	s21 =	sadd.s32 $0x2000, s18;
	[dreg:$0x5] =	wrdreg s20  }
0x12: {  	v2 =	vadd.s32 $0x900, v0;
	v3 =	vadd.s32 $0xD80, v0;
	v4 =	vadd.s32 $0x1200, v0;
	s1 =	simm.s32 $0x8;
	s5 =	sadd.s32 $0x3000, s18;
	[dreg:$0x6] =	wrdreg s21  }
0x13: {  	v5 =	vadd.s32 $0x1680, v0;
	v6 =	vadd.s32 $0x1B00, v0;
	v7 =	vadd.s32 $0x1F80, v0;
	s18 =	simm.s32 $0x400;
	[dreg:$0x7] =	wrdreg s5;
	s5 =	simm.s32 $0x0  }
.LBB2_32:
0x14: {  	s4 =	simm.s32 $0x5  }
0x15: {  	_ =	swait.ge [sflag:s4], $0x2000  }
0x16: {  	[sflag:s4] =	ssyncset.done $0x0  }
0x17: {  	s22 =	simm.s32 $0x6;
	[sflag:s4] =	ssyncadd.s32 $0xFFFFE000  }
0x18: {  	_ =	swait.ge [sflag:s22], $0x2000  }
0x19: {  	[sflag:s22] =	ssyncset.done $0x0  }
0x1a: {  	s26 =	simm.s32 $0x7;
	[sflag:s22] =	ssyncadd.s32 $0xFFFFE000  }
0x1b: {  	_ =	swait.ge [sflag:s26], $0x2000  }
0x1c: {  	[sflag:s26] =	ssyncset.done $0x0  }
0x1d: {  	[sflag:s26] =	ssyncadd.s32 $0xFFFFE000  }
0x1e: {  	_ =	swait.ge [sflag:s1], $0x2000  }
0x1f: {  	s5 =	rddreg [dreg:$0x10]  }
0x20: {  	s30 =	rddreg [dreg:$0xf];
	s5 =	sadd.s32 $0x1, s5  }
0x21: {  	p0 =	sne.s32 s5, s30  }
.Ltmp1:
0x22: {  	_ = 	snop;
	(pc) =	sbr.rel @!p0 .LBB2_33-.Ltmp1, $3  }
0x23: {  	_ =	sdelay $0x1  }
0x24: {  	[sflag:s1] =	ssyncset.done $0x0  }
0x25: {  	[sflag:s1] =	ssyncadd.s32 $0xFFFFE000  }
.LBB2_1:
0x26: {  	[dreg:$0x10] =	wrdreg s5  }
0x27: {  	s4 =	rddreg [dreg:$0x3]  }
0x28: {  	[tilespmem:s2], [sflag:$0x1] =	stream.strided.gather [hbm4b:s4+s18], $0x2000, s19, s18, $0x38;
	[tilespmem:$0x11000] =	vst v63  }
0x29: {  	s17 =	rddreg [dreg:$0x5];
	s20 =	simm.s32 $0x2000  }
0x2a: {  	[tilespmem:s20], [sflag:$0x2] =	stream.strided.gather [hbm4b:s17+s18], $0x2000, s19, s18, $0x38;
	[tilespmem:$0x11000] =	vst v63  }
0x2b: {  	s21 =	rddreg [dreg:$0x6];
	s22 =	simm.s32 $0x4000  }
0x2c: {  	[tilespmem:s22], [sflag:$0x3] =	stream.strided.gather [hbm4b:s21+s18], $0x2000, s19, s18, $0x38;
	[tilespmem:$0x11000] =	vst v63  }
0x2d: {  	s26 =	rddreg [dreg:$0x7];
	s30 =	simm.s32 $0x6000;
	s17 =	simm.s32 $0x0  }
0x2e: {  	[tilespmem:s30], [sflag:$0x4] =	stream.strided.gather [hbm4b:s26+s18], $0x2000, s19, s18, $0x38;
	[tilespmem:$0x11000] =	vst v63  }
.LBB2_2:
0x2f: {  	_ =	swait.ge [sflag:s23], $0x2000  }
0x30: {  	p0 =	seq.s32 s17, $0x0;
	s5 =	simm.s32 $0x0;
	[sflag:s23] =	ssyncset.done $0x0  }
0x31: {  	s6 =	simm.s32 $0x2;
	s4 =	simm.s32 @!p0 $0x5;
	[sflag:s23] =	ssyncadd.s32 $0xFFFFE000  }
0x32: {  	s8 =	simm.s32 $0x100;
	s9 =	simm.s32 $0x0;
	_ =	swait.ge @!p0 [sflag:s4], $0x2000  }
0x33: {  	s10 =	sand.u32 $0x1C00, s5;
	v8 =	vmov s6;
	s8 =	sand.u32 $0x300, s8;
	[sflag:s4] =	ssyncset.done @!p0 $0x0  }
0x34: {  	v9 =	vmov s9;
	v17 =	vand.u32 $0x3E, v8;
	[sflag:s4] =	ssyncadd.s32 @!p0 $0xFFFFE000;
	s4 =	sor.u32 s8, s10  }
0x35: {  	s5 =	simm.s32 $0x40;
	v8 =	vand.u32 $0x3C, v9;
	v10 =	vadd.s32 v0, v17;
	v9 =	vld [tilespmem:s4+$0x0]  }
0x36: {  	s11 =	simm.s32 $0x180;
	s12 =	simm.s32 $0x3;
	v13 =	vadd.s32 v0, v8;
	v11 =	vld [tilespmem:s5+$0xFFFFFFC0]  }
0x37: {  	v12 =	vmov s12;
	s6 =	sand.u32 $0x380, s11  }
0x38: {  	v19 =	vand.u32 $0x3F, v12;
	s8 =	sor.u32 s6, s10  }
0x39: {  	v12 =	vadd.s32 v0, v19;
	v14 =	vld [tilespmem:s8+$0x0]  }
0x3a: {  	[tilespmem:v10+s24+$0x0] =	vst.idx.msk $0xffff, v9  }
0x3b: {  	[tilespmem:v13+s24+$0x0] =	vst.idx.msk $0xffff, v11;
	v11 =	vadd.s32 v1, v17;
	v10 =	vld [tilespmem:s4+$0x10]  }
0x3c: {  	v13 =	vadd.s32 v1, v8;
	v15 =	vld [tilespmem:s5+$0xFFFFFFD0]  }
0x3d: {  	s13 =	simm.s32 $0x1;
	s14 =	simm.s32 $0x80  }
0x3e: {  	s15 =	sand.u32 $0x280, s14;
	[tilespmem:v12+s24+$0x0] =	vst.idx.msk $0xffff, v14;
	v9 =	vmov s13  }
0x3f: {  	s9 =	sor.u32 s15, s10;
	v14 =	vadd.s32 v1, v19;
	v12 =	vld [tilespmem:s8+$0x10];
	v9 =	vand.u32 $0x3D, v9  }
0x40: {  	v18 =	vld [tilespmem:s9+$0x0];
	v16 =	vadd.s32 v0, v9;
	[tilespmem:v11+s24+$0x0] =	vst.idx.msk $0xffff, v10  }
0x41: {  	[tilespmem:v13+s24+$0x0] =	vst.idx.msk $0xffff, v15;
	v11 =	vadd.s32 v2, v17;
	v10 =	vld [tilespmem:s4+$0x20]  }
0x42: {  	v15 =	vadd.s32 v2, v8;
	v13 =	vld [tilespmem:s5+$0xFFFFFFE0];
	_ =	sdelay $0x1  }
0x43: {  	[tilespmem:v14+s24+$0x0] =	vst.idx.msk $0xffff, v12  }
0x44: {  	v14 =	vadd.s32 v2, v19;
	v12 =	vld [tilespmem:s8+$0x20];
	[tilespmem:v16+s24+$0x0] =	vst.idx.msk $0xffff, v18  }
0x45: {  	v16 =	vadd.s32 v1, v9;
	v18 =	vld [tilespmem:s9+$0x10];
	[tilespmem:v11+s24+$0x0] =	vst.idx.msk $0xffff, v10  }
0x46: {  	[tilespmem:v15+s24+$0x0] =	vst.idx.msk $0xffff, v13;
	v11 =	vadd.s32 v3, v17;
	v10 =	vld [tilespmem:s4+$0x30]  }
0x47: {  	v15 =	vadd.s32 v3, v8;
	v13 =	vld [tilespmem:s5+$0xFFFFFFF0];
	_ =	sdelay $0x1  }
0x48: {  	[tilespmem:v14+s24+$0x0] =	vst.idx.msk $0xffff, v12  }
0x49: {  	v14 =	vadd.s32 v3, v19;
	v12 =	vld [tilespmem:s8+$0x30];
	[tilespmem:v16+s24+$0x0] =	vst.idx.msk $0xffff, v18  }
0x4a: {  	s16 =	simm.s32 $0x4;
	[tilespmem:v11+s24+$0x0] =	vst.idx.msk $0xffff, v10  }
0x4b: {  	s21 =	simm.s32 $0x380;
	s20 =	simm.s32 $0x240;
	s22 =	simm.s32 $0x200;
	v18 =	vadd.s32 v2, v9;
	v16 =	vld [tilespmem:s9+$0x20];
	[tilespmem:v15+s24+$0x0] =	vst.idx.msk $0xffff, v13;
	v10 =	vmov s16  }
0x4c: {  	s30 =	simm.s32 $0x300;
	s11 =	simm.s32 $0x5;
	v20 =	vadd.s32 v4, v8;
	s13 =	simm.s32 $0x280;
	v21 =	vld [tilespmem:s5+$0x0];
	v10 =	vand.u32 $0x3C, v10  }
0x4d: {  	s12 =	simm.s32 $0x7;
	s6 =	sand.u32 $0x1C00, s22;
	v22 =	vld [tilespmem:s20+$0xFFFFFFC0];
	s26 =	sand.u32 $0x280, s13;
	v11 =	vmov s11;
	v23 =	vadd.s32 v0, v10  }
0x4e: {  	s14 =	simm.s32 $0x6;
	s10 =	sand.u32 $0x380, s21;
	[tilespmem:v14+s24+$0x0] =	vst.idx.msk $0xffff, v12;
	v14 =	vadd.s32 v4, v17;
	v12 =	vmov s12;
	s11 =	sor.u32 s26, s6;
	v15 =	vld [tilespmem:s4+$0x40];
	v11 =	vand.u32 $0x3D, v11  }
0x4f: {  	s10 =	sor.u32 s10, s6;
	s12 =	sand.u32 $0x300, s30;
	v13 =	vand.u32 $0x3F, v12;
	v12 =	vmov s14;
	v26 =	vld [tilespmem:s11+$0x0];
	v25 =	vadd.s32 v0, v11  }
0x50: {  	[tilespmem:v18+s24+$0x0] =	vst.idx.msk $0xffff, v16;
	s12 =	sor.u32 s12, s6;
	v18 =	vld [tilespmem:s10+$0x0];
	v12 =	vand.u32 $0x3E, v12;
	v16 =	vadd.s32 v0, v13  }
0x51: {  	[tilespmem:v20+s24+$0x0] =	vst.idx.msk $0xffff, v21;
	v20 =	vld [tilespmem:s12+$0x0];
	v21 =	vadd.s32 v0, v12  }
0x52: {  	v24 =	vld [tilespmem:s8+$0x40];
	[tilespmem:v23+s24+$0x0] =	vst.idx.msk $0xffff, v22;
	v23 =	vadd.s32 v4, v19  }
0x53: {  	[tilespmem:v14+s24+$0x0] =	vst.idx.msk $0xffff, v15;
	v14 =	vadd.s32 v1, v10;
	v15 =	vld [tilespmem:s20+$0xFFFFFFD0]  }
0x54: {  	[tilespmem:v25+s24+$0x0] =	vst.idx.msk $0xffff, v26;
	v25 =	vld [tilespmem:s9+$0x30];
	v26 =	vadd.s32 v3, v9  }
0x55: {  	v27 =	vadd.s32 v1, v11;
	[tilespmem:v16+s24+$0x0] =	vst.idx.msk $0xffff, v18;
	v28 =	vld [tilespmem:s11+$0x10]  }
0x56: {  	v18 =	vadd.s32 v1, v13;
	v16 =	vld [tilespmem:s10+$0x10];
	[tilespmem:v21+s24+$0x0] =	vst.idx.msk $0xffff, v20  }
0x57: {  	v21 =	vadd.s32 v1, v12;
	v20 =	vld [tilespmem:s12+$0x10];
	[tilespmem:v23+s24+$0x0] =	vst.idx.msk $0xffff, v24  }
0x58: {  	v22 =	vld [tilespmem:s5+$0x10];
	[tilespmem:v14+s24+$0x0] =	vst.idx.msk $0xffff, v15;
	v14 =	vadd.s32 v5, v8  }
0x59: {  	[tilespmem:v26+s24+$0x0] =	vst.idx.msk $0xffff, v25;
	v24 =	vadd.s32 v5, v17;
	v15 =	vld [tilespmem:s4+$0x50]  }
0x5a: {  	v26 =	vadd.s32 v4, v9;
	[tilespmem:v27+s24+$0x0] =	vst.idx.msk $0xffff, v28;
	v25 =	vld [tilespmem:s9+$0x40]  }
0x5b: {  	v27 =	vadd.s32 v2, v10;
	[tilespmem:v18+s24+$0x0] =	vst.idx.msk $0xffff, v16;
	v23 =	vld [tilespmem:s20+$0xFFFFFFE0]  }
0x5c: {  	v29 =	vadd.s32 v5, v19;
	v30 =	vld [tilespmem:s8+$0x50];
	[tilespmem:v21+s24+$0x0] =	vst.idx.msk $0xffff, v20  }
0x5d: {  	v18 =	vadd.s32 v2, v13;
	v16 =	vld [tilespmem:s10+$0x20];
	[tilespmem:v14+s24+$0x0] =	vst.idx.msk $0xffff, v22  }
0x5e: {  	v21 =	vadd.s32 v2, v12;
	v20 =	vld [tilespmem:s12+$0x20];
	[tilespmem:v24+s24+$0x0] =	vst.idx.msk $0xffff, v15  }
0x5f: {  	v22 =	vadd.s32 v6, v8;
	[tilespmem:v26+s24+$0x0] =	vst.idx.msk $0xffff, v25;
	v14 =	vld [tilespmem:s5+$0x20]  }
0x60: {  	v25 =	vadd.s32 v5, v9;
	[tilespmem:v27+s24+$0x0] =	vst.idx.msk $0xffff, v23;
	v23 =	vld [tilespmem:s9+$0x50]  }
0x61: {  	v24 =	vadd.s32 v6, v17;
	[tilespmem:v29+s24+$0x0] =	vst.idx.msk $0xffff, v30;
	v15 =	vld [tilespmem:s4+$0x60]  }
0x62: {  	v33 =	vadd.s32 v2, v11;
	v28 =	vld [tilespmem:s11+$0x20];
	[tilespmem:v18+s24+$0x0] =	vst.idx.msk $0xffff, v16  }
0x63: {  	v27 =	vadd.s32 v3, v10;
	v26 =	vld [tilespmem:s20+$0xFFFFFFF0];
	[tilespmem:v21+s24+$0x0] =	vst.idx.msk $0xffff, v20  }
0x64: {  	v32 =	vadd.s32 v3, v12;
	v31 =	vld [tilespmem:s12+$0x30];
	[tilespmem:v22+s24+$0x0] =	vst.idx.msk $0xffff, v14  }
0x65: {  	[tilespmem:v25+s24+$0x0] =	vst.idx.msk $0xffff, v23;
	v25 =	vadd.s32 v7, v17;
	v17 =	vld [tilespmem:s8+$0x60]  }
0x66: {  	[tilespmem:v24+s24+$0x0] =	vst.idx.msk $0xffff, v15;
	v18 =	vld [tilespmem:s5+$0x30]  }
0x67: {  	[tilespmem:v33+s24+$0x0] =	vst.idx.msk $0xffff, v28;
	v21 =	vld [tilespmem:s4+$0x70]  }
0x68: {  	v16 =	vadd.s32 v4, v10;
	v22 =	vadd.s32 v6, v9;
	[tilespmem:v27+s24+$0x0] =	vst.idx.msk $0xffff, v26;
	v20 =	vld [tilespmem:s9+$0x60]  }
0x69: {  	s13 =	simm.s32 $0x440;
	v15 =	vadd.s32 v7, v19;
	v26 =	vld [tilespmem:s10+$0x30];
	v27 =	vadd.s32 v3, v13;
	[tilespmem:v32+s24+$0x0] =	vst.idx.msk $0xffff, v31  }
0x6a: {  	s14 =	simm.s32 $0x8;
	v14 =	vadd.s32 v7, v13;
	v19 =	vadd.s32 v6, v19;
	v24 =	vadd.s32 v4, v12;
	s5 =	sshll.u32 s17, $0x7;
	s4 =	simm.s32 $0x580;
	v23 =	vld [tilespmem:s12+$0x40]  }
.LBB2_3:
0x6b: {  	s6 =	sadd.s32 $0xFFFFFE80, s4;
	v30 =	vadd.s32 v7, v8  }
0x6c: {  	v28 =	vmov s14;
	s21 =	sadd.s32 $0x1, s14;
	s22 =	sadd.s32 $0x3, s14;
	v29 =	vld [tilespmem:s20+$0x0];
	v31 =	vadd.s32 v7, v9;
	[tilespmem:v25+s24+$0x0] =	vst.idx.msk $0xffff, v21;
	v8 =	vmovc v10;
	v9 =	vmov v11;
	s15 =	smov.u32 s14  }
0x6d: {  	s15 =	sand.u32 $0x1C00, s6;
	v21 =	vld [tilespmem:s13+$0xFFFFFFC0];
	v10 =	vand.u32 $0x3C, v28;
	v11 =	vmov s21;
	s6 =	sadd.s32 $0xFFFFFF00, s4;
	s21 =	sadd.s32 $0x2, s14;
	v25 =	vmov s22;
	[tilespmem:v22+s24+$0x0] =	vst.idx.msk $0xffff, v20  }
0x6e: {  	s16 =	sadd.s32 $0xFFFFFF80, s4;
	v20 =	vadd.s32 v0, v10;
	s22 =	sand.u32 $0x280, s6;
	v11 =	vand.u32 $0x3D, v11;
	v22 =	vand.u32 $0x3F, v25;
	s6 =	sadd.s32 $0x4, s14;
	[tilespmem:v27+s24+$0x0] =	vst.idx.msk $0xffff, v26;
	v25 =	vld [tilespmem:s9+$0x70]  }
0x6f: {  	s16 =	sand.u32 $0x300, s16;
	v26 =	vadd.s32 v4, v10;
	v28 =	vmov s21;
	s9 =	sand.u32 $0x380, s4;
	s22 =	sor.u32 s22, s15;
	v27 =	vadd.s32 v0, v11;
	v32 =	vld [tilespmem:s10+$0x40];
	[tilespmem:v19+s24+$0x0] =	vst.idx.msk $0xffff, v17  }
0x70: {  	p1 =	slt.u32 s14, $0x3C;
	v17 =	vand.u32 $0x3E, v28;
	s21 =	sor.u32 s9, s15;
	v19 =	vadd.s32 v7, v22;
	s9 =	smov.u32 s11;
	[tilespmem:v24+s24+$0x0] =	vst.idx.msk $0xffff, v23;
	v23 =	vld [tilespmem:s8+$0x70]  }
0x71: {  	v28 =	vadd.s32 v0, v22;
	s11 =	smov.u32 s22;
	s8 =	smov.u32 s10;
	s10 =	smov.u32 s21;
	v24 =	vld [tilespmem:s22+$0x0];
	[tilespmem:v16+s24+$0x0] =	vst.idx.msk $0xffff, v29;
	v16 =	vmov v26  }
0x72: {  	s14 =	sor.u32 s16, s15;
	v26 =	vld [tilespmem:s10+$0x0];
	[tilespmem:v30+s24+$0x0] =	vst.idx.msk $0xffff, v18  }
0x73: {  	v29 =	vadd.s32 v0, v17;
	v18 =	vld [tilespmem:s14+$0x0];
	[tilespmem:v31+s24+$0x0] =	vst.idx.msk $0xffff, v25  }
0x74: {  	v25 =	vadd.s32 v4, v13;
	[tilespmem:v20+s24+$0x0] =	vst.idx.msk $0xffff, v21;
	v20 =	vadd.s32 v1, v10;
	v21 =	vld [tilespmem:s20+$0x10]  }
0x75: {  	v30 =	vld [tilespmem:s13+$0xFFFFFFD0];
	[tilespmem:v15+s24+$0x0] =	vst.idx.msk $0xffff, v23;
	v15 =	vmov v14;
	v14 =	vmov v19  }
0x76: {  	v19 =	vadd.s32 v1, v11;
	[tilespmem:v27+s24+$0x0] =	vst.idx.msk $0xffff, v24;
	v23 =	vld [tilespmem:s9+$0x30];
	v24 =	vadd.s32 v3, v9  }
0x77: {  	v27 =	vld [tilespmem:s11+$0x10];
	[tilespmem:v28+s24+$0x0] =	vst.idx.msk $0xffff, v26  }
0x78: {  	v26 =	vadd.s32 v1, v22;
	[tilespmem:v29+s24+$0x0] =	vst.idx.msk $0xffff, v18;
	v18 =	vld [tilespmem:s10+$0x10]  }
0x79: {  	v29 =	vadd.s32 v1, v17;
	v28 =	vld [tilespmem:s14+$0x10];
	[tilespmem:v25+s24+$0x0] =	vst.idx.msk $0xffff, v32  }
0x7a: {  	[tilespmem:v20+s24+$0x0] =	vst.idx.msk $0xffff, v30;
	v20 =	vadd.s32 v5, v8;
	v25 =	vld [tilespmem:s12+$0x50]  }
0x7b: {  	v30 =	vld [tilespmem:s13+$0xFFFFFFE0];
	[tilespmem:v24+s24+$0x0] =	vst.idx.msk $0xffff, v23;
	v23 =	vadd.s32 v5, v12  }
0x7c: {  	v24 =	vadd.s32 v4, v9;
	[tilespmem:v19+s24+$0x0] =	vst.idx.msk $0xffff, v27;
	v19 =	vld [tilespmem:s9+$0x40]  }
0x7d: {  	v27 =	vadd.s32 v2, v10;
	v31 =	vld [tilespmem:s11+$0x20];
	[tilespmem:v26+s24+$0x0] =	vst.idx.msk $0xffff, v18  }
0x7e: {  	v26 =	vadd.s32 v2, v22;
	[tilespmem:v29+s24+$0x0] =	vst.idx.msk $0xffff, v28;
	v18 =	vld [tilespmem:s10+$0x20]  }
0x7f: {  	v29 =	vadd.s32 v2, v17;
	v28 =	vld [tilespmem:s14+$0x20];
	[tilespmem:v20+s24+$0x0] =	vst.idx.msk $0xffff, v21  }
0x80: {  	v21 =	vadd.s32 v6, v8;
	v20 =	vld [tilespmem:s20+$0x20];
	[tilespmem:v23+s24+$0x0] =	vst.idx.msk $0xffff, v25;
	v23 =	vadd.s32 v5, v13  }
0x81: {  	[tilespmem:v24+s24+$0x0] =	vst.idx.msk $0xffff, v19;
	v19 =	vld [tilespmem:s12+$0x60];
	v24 =	vadd.s32 v6, v12  }
0x82: {  	[tilespmem:v27+s24+$0x0] =	vst.idx.msk $0xffff, v30;
	v25 =	vld [tilespmem:s9+$0x50];
	v27 =	vadd.s32 v5, v9  }
0x83: {  	v32 =	vadd.s32 v3, v10;
	v30 =	vld [tilespmem:s13+$0xFFFFFFF0];
	[tilespmem:v26+s24+$0x0] =	vst.idx.msk $0xffff, v18  }
0x84: {  	[tilespmem:v29+s24+$0x0] =	vst.idx.msk $0xffff, v28;
	v28 =	vld [tilespmem:s8+$0x50]  }
0x85: {  	v33 =	vadd.s32 v3, v17;
	v29 =	vld [tilespmem:s14+$0x30];
	[tilespmem:v21+s24+$0x0] =	vst.idx.msk $0xffff, v20  }
0x86: {  	v34 =	vadd.s32 v2, v11;
	v18 =	vld [tilespmem:s20+$0x30];
	[tilespmem:v24+s24+$0x0] =	vst.idx.msk $0xffff, v19;
	v19 =	vadd.s32 v6, v13;
	v13 =	vmov v22;
	s20 =	smov.u32 s13  }
.Ltmp2:
0x87: {  	[tilespmem:v27+s24+$0x0] =	vst.idx.msk $0xffff, v25;
	v21 =	vld [tilespmem:s12+$0x70];
	v25 =	vadd.s32 v7, v12;
	v12 =	vmov v17;
	s12 =	smov.u32 s14;
	(pc) =	sbr.rel @p1 .LBB2_3-.Ltmp2, $4  }
0x88: {  	v22 =	vadd.s32 v6, v9;
	[tilespmem:v32+s24+$0x0] =	vst.idx.msk $0xffff, v30;
	v20 =	vld [tilespmem:s9+$0x60]  }
0x89: {  	v27 =	vadd.s32 v3, v13;
	v26 =	vld [tilespmem:s10+$0x30];
	[tilespmem:v23+s24+$0x0] =	vst.idx.msk $0xffff, v28  }
0x8a: {  	[tilespmem:v33+s24+$0x0] =	vst.idx.msk $0xffff, v29;
	v17 =	vld [tilespmem:s8+$0x60]  }
0x8b: {  	s4 =	sadd.s32 $0x200, s4;
	s13 =	sadd.s32 $0x200, s13;
	s14 =	smov.u32 s6;
	v24 =	vadd.s32 v4, v12;
	[tilespmem:v34+s24+$0x0] =	vst.idx.msk $0xffff, v31;
	v23 =	vld [tilespmem:s12+$0x40]  }
0x8c: {  	v28 =	vld [tilespmem:s11+$0x30];
	v29 =	vadd.s32 v3, v11;
	_ =	sdelay $0x4  }
0x8d: {  	v30 =	vld [tilespmem:s20+$0x0];
	[tilespmem:v29+s24+$0x0] =	vst.idx.msk $0xffff, v28  }
0x8e: {  	v40 =	vadd.s32 v4, v11;
	v39 =	vld [tilespmem:s11+$0x40];
	_ =	sdelay $0x1  }
0x8f: {  	[tilespmem:v27+s24+$0x0] =	vst.idx.msk $0xffff, v26  }
0x90: {  	v42 =	vadd.s32 v4, v13;
	v41 =	vld [tilespmem:s10+$0x40];
	[tilespmem:v24+s24+$0x0] =	vst.idx.msk $0xffff, v23  }
0x91: {  	v44 =	vadd.s32 v5, v12;
	[tilespmem:v16+s24+$0x0] =	vst.idx.msk $0xffff, v30;
	v43 =	vld [tilespmem:s12+$0x50]  }
0x92: {  	v46 =	vadd.s32 v5, v10;
	v45 =	vld [tilespmem:s20+$0x10];
	[tilespmem:v40+s24+$0x0] =	vst.idx.msk $0xffff, v39  }
0x93: {  	v47 =	vadd.s32 v5, v11;
	[tilespmem:v25+s24+$0x0] =	vst.idx.msk $0xffff, v21;
	v27 =	vld [tilespmem:s11+$0x50]  }
0x94: {  	[tilespmem:v22+s24+$0x0] =	vst.idx.msk $0xffff, v20  }
0x95: {  	v8 =	vadd.s32 v7, v8;
	[tilespmem:v42+s24+$0x0] =	vst.idx.msk $0xffff, v41  }
0x96: {  	v48 =	vadd.s32 v5, v13;
	v49 =	vld [tilespmem:s10+$0x50];
	[tilespmem:v44+s24+$0x0] =	vst.idx.msk $0xffff, v43  }
0x97: {  	v50 =	vadd.s32 v6, v12;
	[tilespmem:v46+s24+$0x0] =	vst.idx.msk $0xffff, v45;
	v16 =	vld [tilespmem:s12+$0x60]  }
0x98: {  	v52 =	vadd.s32 v6, v10;
	v51 =	vld [tilespmem:s20+$0x20];
	[tilespmem:v47+s24+$0x0] =	vst.idx.msk $0xffff, v27  }
0x99: {  	v54 =	vadd.s32 v6, v11;
	[tilespmem:v19+s24+$0x0] =	vst.idx.msk $0xffff, v17;
	v53 =	vld [tilespmem:s11+$0x60]  }
0x9a: {  	v9 =	vadd.s32 v7, v9;
	v57 =	vld [tilespmem:s9+$0x70];
	[tilespmem:v8+s24+$0x0] =	vst.idx.msk $0xffff, v18  }
0x9b: {  	v8 =	vld [tilespmem:s8+$0x70];
	[tilespmem:v48+s24+$0x0] =	vst.idx.msk $0xffff, v49  }
0x9c: {  	v55 =	vadd.s32 v6, v13;
	v56 =	vld [tilespmem:s10+$0x60];
	[tilespmem:v50+s24+$0x0] =	vst.idx.msk $0xffff, v16  }
0x9d: {  	v58 =	vadd.s32 v7, v12;
	[tilespmem:v52+s24+$0x0] =	vst.idx.msk $0xffff, v51;
	v16 =	vld [tilespmem:s12+$0x70]  }
0x9e: {  	v60 =	vadd.s32 v7, v10;
	v59 =	vld [tilespmem:s20+$0x30];
	[tilespmem:v54+s24+$0x0] =	vst.idx.msk $0xffff, v53  }
0x9f: {  	v61 =	vadd.s32 v7, v11;
	[tilespmem:v9+s24+$0x0] =	vst.idx.msk $0xffff, v57;
	v62 =	vld [tilespmem:s11+$0x70]  }
0xa0: {  	[tilespmem:v15+s24+$0x0] =	vst.idx.msk $0xffff, v8  }
0xa1: {  	[tilespmem:v55+s24+$0x0] =	vst.idx.msk $0xffff, v56  }
0xa2: {  	v63 =	vld [tilespmem:s10+$0x70];
	[tilespmem:v58+s24+$0x0] =	vst.idx.msk $0xffff, v16  }
0xa3: {  	[tilespmem:v60+s24+$0x0] =	vst.idx.msk $0xffff, v59  }
0xa4: {  	s4 =	sshll.u32 s17, $0x11;
	s6 =	rddreg [dreg:$0x4];
	[tilespmem:v61+s24+$0x0] =	vst.idx.msk $0xffff, v62  }
0xa5: {  	s8 =	sor.u32 s6, s4;
	s30 =	rddreg [dreg:$0x2]  }
0xa6: {  	s9 =	simm.s32 $0x8;
	s4 =	sadd.s32 s30, s8  }
0xa7: {  	s10 =	simm.s32 $0x8048;
	s6 =	simm.s32 $0x8000;
	[tilespmem:v14+s24+$0x0] =	vst.idx.msk $0xffff, v63;
	s11 =	sadd.s32 $0x0, s4  }
.LBB2_5:
0xa8: {  	[hbm4b:s11+s2] =	stream.linear.scatter [tilespmem:s6], [sflag:$0x5], $0x40, $0x38;
	[tilespmem:$0x11000] =	vst v63  }
0xa9: {  	s11 =	smov.u32 s9;
	s6 =	smov.u32 s10;
	p1 =	sne.s32 s9, $0x3F8  }
.Ltmp3:
0xaa: {  	s9 =	sadd.s32 $0x8, s9;
	(pc) =	sbr.rel @p1 .LBB2_5-.Ltmp3, $2  }
0xab: {  	_ =	sdelay $0x2  }
0xac: {  	s10 =	sadd.s32 $0x48, s10;
	s11 =	sadd.s32 s11, s4  }
0xad: {  	p1 =	sne.s32 s17, $0x3D  }
.Ltmp4:
0xae: {  	_ = 	snop;
	(pc) =	sbr.rel @p1 .LBB2_8-.Ltmp4, $2  }
0xaf: {  	_ =	sdelay $0x2  }
0xb0: {  	[hbm4b:s11+s2] =	stream.linear.scatter [tilespmem:s6], [sflag:$0x5], $0x40, $0x38;
	[tilespmem:$0x11000] =	vst v63  }
.Ltmp5:
0xb1: {  	(pc) =	sbr.rel .LBB2_9-.Ltmp5, $4  }
0xb2: {  	_ = 	snop  }
0xb3: {  	_ =	swait.ge [sflag:s25], $0x2000  }
0xb4: {  	[sflag:s25] =	ssyncset.done $0x0  }
0xb5: {  	[sflag:s25] =	ssyncadd.s32 $0xFFFFE000  }
.LBB2_8:
0xb6: {  	s4 =	rddreg [dreg:$0x8]  }
0xb7: {  	s4 =	sadd.s32 s4, s5  }
0xb8: {  	s4 =	sshll.u32 s4, $0x7  }
.Ltmp6:
0xb9: {  	s4 =	sadd.s32 s3, s4;
	(pc) =	sbr.rel @p0 .LBB2_10-.Ltmp6, $4  }
0xba: {  	[tilespmem:s2], [sflag:$0x1] =	stream.strided.gather [hbm4b:s4+s18], $0x2000, s19, s18, $0x38;
	[tilespmem:$0x11000] =	vst v63  }
0xbb: {  	_ =	swait.ge [sflag:s25], $0x2000  }
0xbc: {  	[sflag:s25] =	ssyncset.done $0x0  }
0xbd: {  	[sflag:s25] =	ssyncadd.s32 $0xFFFFE000  }
.LBB2_9:
0xbe: {  	s4 =	simm.s32 $0x6  }
0xbf: {  	_ =	swait.ge [sflag:s4], $0x2000  }
0xc0: {  	[sflag:s4] =	ssyncset.done $0x0  }
0xc1: {  	[sflag:s4] =	ssyncadd.s32 $0xFFFFE000  }
.LBB2_10:
0xc2: {  	s4 =	simm.s32 $0x0;
	s6 =	simm.s32 $0x180  }
0xc3: {  	s9 =	simm.s32 $0x3;
	s15 =	simm.s32 $0x2;
	s4 =	sand.u32 $0x1C00, s4  }
0xc4: {  	s10 =	simm.s32 $0x100;
	v8 =	vmov s9;
	s14 =	sand.u32 $0x380, s6;
	s13 =	sor.u32 $0x2000, s4  }
0xc5: {  	s16 =	sand.u32 $0x300, s10;
	v10 =	vand.u32 $0x3F, v8;
	v8 =	vmov s15;
	s4 =	sor.u32 s14, s13  }
0xc6: {  	s20 =	simm.s32 $0x1;
	s11 =	simm.s32 $0x80;
	v9 =	vadd.s32 v0, v10;
	v11 =	vand.u32 $0x3E, v8;
	s21 =	sor.u32 s16, s13;
	v12 =	vld [tilespmem:s4+$0x0]  }
0xc7: {  	s22 =	sand.u32 $0x280, s11;
	v8 =	vmov s20;
	v13 =	vadd.s32 v0, v11;
	v14 =	vld [tilespmem:s21+$0x0]  }
0xc8: {  	s9 =	sor.u32 s22, s13;
	v8 =	vand.u32 $0x3D, v8  }
0xc9: {  	v16 =	vld [tilespmem:s9+$0x0];
	v15 =	vadd.s32 v0, v8;
	_ =	sdelay $0x1  }
0xca: {  	s26 =	simm.s32 $0x0;
	[tilespmem:v9+s28+$0x0] =	vst.idx.msk $0xffff, v12  }
0xcb: {  	v17 =	vadd.s32 v1, v10;
	v9 =	vmov s26;
	[tilespmem:v13+s28+$0x0] =	vst.idx.msk $0xffff, v14;
	v12 =	vld [tilespmem:s4+$0x10]  }
0xcc: {  	s20 =	simm.s32 $0x2040;
	v14 =	vadd.s32 v1, v11;
	v9 =	vand.u32 $0x3C, v9;
	v13 =	vld [tilespmem:s21+$0x10]  }
0xcd: {  	[tilespmem:v15+s28+$0x0] =	vst.idx.msk $0xffff, v16;
	v15 =	vld [tilespmem:s20+$0xFFFFFFC0];
	v18 =	vadd.s32 v0, v9  }
0xce: {  	v16 =	vadd.s32 v1, v8;
	v19 =	vld [tilespmem:s9+$0x10];
	_ =	sdelay $0x1  }
0xcf: {  	[tilespmem:v17+s28+$0x0] =	vst.idx.msk $0xffff, v12  }
0xd0: {  	v17 =	vadd.s32 v2, v10;
	[tilespmem:v14+s28+$0x0] =	vst.idx.msk $0xffff, v13;
	v12 =	vld [tilespmem:s4+$0x20]  }
0xd1: {  	v14 =	vadd.s32 v2, v11;
	[tilespmem:v18+s28+$0x0] =	vst.idx.msk $0xffff, v15;
	v13 =	vld [tilespmem:s21+$0x20]  }
0xd2: {  	[tilespmem:v16+s28+$0x0] =	vst.idx.msk $0xffff, v19;
	v16 =	vadd.s32 v1, v9;
	v15 =	vld [tilespmem:s20+$0xFFFFFFD0];
	_ =	sdelay $0x2  }
0xd3: {  	s14 =	simm.s32 $0x200;
	v18 =	vld [tilespmem:s9+$0x20];
	[tilespmem:v17+s28+$0x0] =	vst.idx.msk $0xffff, v12;
	v12 =	vadd.s32 v2, v8  }
0xd4: {  	s30 =	simm.s32 $0x380;
	s12 =	simm.s32 $0x7;
	s10 =	sand.u32 $0x1C00, s14;
	v19 =	vadd.s32 v3, v10;
	[tilespmem:v14+s28+$0x0] =	vst.idx.msk $0xffff, v13;
	v17 =	vld [tilespmem:s4+$0x30]  }
0xd5: {  	s6 =	sand.u32 $0x380, s30;
	s14 =	sor.u32 $0x2000, s10;
	v13 =	vmov s12;
	[tilespmem:v16+s28+$0x0] =	vst.idx.msk $0xffff, v15  }
0xd6: {  	s11 =	sor.u32 s6, s14;
	v20 =	vadd.s32 v2, v9;
	v14 =	vand.u32 $0x3F, v13;
	v16 =	vld [tilespmem:s20+$0xFFFFFFE0]  }
0xd7: {  	v25 =	vld [tilespmem:s11+$0x0];
	v24 =	vadd.s32 v0, v14  }
0xd8: {  	s22 =	simm.s32 $0x6;
	v26 =	vadd.s32 v3, v11;
	s26 =	simm.s32 $0x300;
	v15 =	vld [tilespmem:s21+$0x30];
	[tilespmem:v12+s28+$0x0] =	vst.idx.msk $0xffff, v18  }
0xd9: {  	s15 =	simm.s32 $0x5;
	s13 =	simm.s32 $0x280;
	s12 =	sand.u32 $0x300, s26;
	v13 =	vmov s22;
	v18 =	vadd.s32 v3, v8;
	[tilespmem:v19+s28+$0x0] =	vst.idx.msk $0xffff, v17;
	v17 =	vld [tilespmem:s9+$0x30]  }
0xda: {  	v21 =	vadd.s32 v4, v10;
	s16 =	sand.u32 $0x280, s13;
	s12 =	sor.u32 s12, s14;
	v13 =	vand.u32 $0x3E, v13;
	v12 =	vmov s15;
	v19 =	vld [tilespmem:s4+$0x40]  }
0xdb: {  	s30 =	simm.s32 $0x4;
	s10 =	sor.u32 s16, s14;
	v12 =	vand.u32 $0x3D, v12;
	[tilespmem:v20+s28+$0x0] =	vst.idx.msk $0xffff, v16;
	v16 =	vadd.s32 v0, v13;
	v20 =	vld [tilespmem:s12+$0x0]  }
0xdc: {  	v23 =	vld [tilespmem:s10+$0x0];
	v22 =	vadd.s32 v0, v12;
	[tilespmem:v24+s28+$0x0] =	vst.idx.msk $0xffff, v25;
	v24 =	vmov s30  }
0xdd: {  	s22 =	simm.s32 $0x2240;
	[tilespmem:v26+s28+$0x0] =	vst.idx.msk $0xffff, v15;
	v15 =	vand.u32 $0x3C, v24  }
0xde: {  	v28 =	vld [tilespmem:s22+$0xFFFFFFC0];
	v26 =	vadd.s32 v0, v15;
	[tilespmem:v18+s28+$0x0] =	vst.idx.msk $0xffff, v17  }
0xdf: {  	v18 =	vadd.s32 v4, v8;
	[tilespmem:v21+s28+$0x0] =	vst.idx.msk $0xffff, v19;
	v17 =	vld [tilespmem:s9+$0x40]  }
0xe0: {  	[tilespmem:v16+s28+$0x0] =	vst.idx.msk $0xffff, v20;
	v16 =	vld [tilespmem:s11+$0x10];
	v20 =	vadd.s32 v1, v14  }
0xe1: {  	[tilespmem:v22+s28+$0x0] =	vst.idx.msk $0xffff, v23;
	v21 =	vadd.s32 v5, v10;
	v19 =	vld [tilespmem:s4+$0x50]  }
0xe2: {  	v22 =	vadd.s32 v1, v12;
	v23 =	vld [tilespmem:s10+$0x10]  }
0xe3: {  	v25 =	vadd.s32 v1, v13;
	v24 =	vld [tilespmem:s12+$0x10];
	[tilespmem:v26+s28+$0x0] =	vst.idx.msk $0xffff, v28  }
0xe4: {  	v27 =	vld [tilespmem:s20+$0xFFFFFFF0];
	[tilespmem:v18+s28+$0x0] =	vst.idx.msk $0xffff, v17  }
0xe5: {  	v26 =	vld [tilespmem:s22+$0xFFFFFFD0];
	v17 =	vadd.s32 v3, v9;
	[tilespmem:v20+s28+$0x0] =	vst.idx.msk $0xffff, v16  }
0xe6: {  	v18 =	vld [tilespmem:s21+$0x40];
	v16 =	vadd.s32 v4, v11;
	[tilespmem:v21+s28+$0x0] =	vst.idx.msk $0xffff, v19  }
0xe7: {  	[tilespmem:v22+s28+$0x0] =	vst.idx.msk $0xffff, v23;
	v21 =	vld [tilespmem:s9+$0x50];
	v22 =	vadd.s32 v5, v8  }
0xe8: {  	[tilespmem:v25+s28+$0x0] =	vst.idx.msk $0xffff, v24;
	v20 =	vld [tilespmem:s11+$0x20];
	v23 =	vadd.s32 v2, v14  }
0xe9: {  	v25 =	vadd.s32 v2, v13;
	v24 =	vld [tilespmem:s12+$0x20]  }
0xea: {  	v28 =	vadd.s32 v1, v15;
	v19 =	vld [tilespmem:s10+$0x20];
	[tilespmem:v17+s28+$0x0] =	vst.idx.msk $0xffff, v27  }
0xeb: {  	v17 =	vadd.s32 v4, v9;
	[tilespmem:v16+s28+$0x0] =	vst.idx.msk $0xffff, v18;
	v27 =	vld [tilespmem:s20+$0x0]  }
0xec: {  	v18 =	vld [tilespmem:s4+$0x60];
	[tilespmem:v22+s28+$0x0] =	vst.idx.msk $0xffff, v21;
	v21 =	vadd.s32 v6, v10  }
0xed: {  	[tilespmem:v23+s28+$0x0] =	vst.idx.msk $0xffff, v20;
	v20 =	vld [tilespmem:s21+$0x50];
	v22 =	vadd.s32 v5, v11  }
0xee: {  	[tilespmem:v25+s28+$0x0] =	vst.idx.msk $0xffff, v24;
	v23 =	vld [tilespmem:s11+$0x30];
	v24 =	vadd.s32 v3, v14  }
0xef: {  	v31 =	vadd.s32 v3, v13;
	[tilespmem:v28+s28+$0x0] =	vst.idx.msk $0xffff, v26;
	v30 =	vld [tilespmem:s12+$0x30]  }
0xf0: {  	v28 =	vld [tilespmem:s22+$0xFFFFFFE0];
	[tilespmem:v17+s28+$0x0] =	vst.idx.msk $0xffff, v27  }
0xf1: {  	v29 =	vadd.s32 v2, v15;
	v26 =	vadd.s32 v6, v11;
	[tilespmem:v21+s28+$0x0] =	vst.idx.msk $0xffff, v18;
	v25 =	vld [tilespmem:s20+$0x10]  }
0xf2: {  	v16 =	vadd.s32 v6, v12;
	v21 =	vadd.s32 v5, v9;
	[tilespmem:v22+s28+$0x0] =	vst.idx.msk $0xffff, v20;
	v20 =	vld [tilespmem:s4+$0x70]  }
0xf3: {  	v17 =	vadd.s32 v6, v8;
	v27 =	vadd.s32 v2, v12;
	[tilespmem:v24+s28+$0x0] =	vst.idx.msk $0xffff, v23;
	v23 =	vld [tilespmem:s21+$0x60]  }
0xf4: {  	s13 =	simm.s32 $0x580;
	s14 =	simm.s32 $0x8;
	v18 =	vadd.s32 v6, v9;
	v24 =	vadd.s32 v4, v14;
	s4 =	simm.s32 $0x2440;
	[tilespmem:v31+s28+$0x0] =	vst.idx.msk $0xffff, v30;
	v22 =	vld [tilespmem:s11+$0x40]  }
.LBB2_11:
0xf5: {  	s6 =	sadd.s32 $0xFFFFFE80, s13  }
0xf6: {  	v30 =	vmov s14;
	s15 =	sadd.s32 $0x1, s14;
	s16 =	sadd.s32 $0x3, s14;
	[tilespmem:v29+s28+$0x0] =	vst.idx.msk $0xffff, v28;
	v28 =	vld [tilespmem:s9+$0x60];
	v29 =	vadd.s32 v7, v10;
	v10 =	vmov v14;
	s26 =	smov.u32 s14  }
0xf7: {  	s30 =	sand.u32 $0x1C00, s6;
	v30 =	vand.u32 $0x3C, v30;
	v14 =	vmov s15;
	s15 =	sadd.s32 $0xFFFFFF00, s13;
	v31 =	vmov s16;
	s6 =	sadd.s32 $0x4, s14;
	v32 =	vld [tilespmem:s22+$0xFFFFFFF0];
	[tilespmem:v21+s28+$0x0] =	vst.idx.msk $0xffff, v25  }
0xf8: {  	s16 =	sadd.s32 $0x2, s26;
	s26 =	sadd.s32 $0xFFFFFF80, s13;
	v21 =	vadd.s32 v0, v30;
	s15 =	sand.u32 $0x280, s15;
	v25 =	vand.u32 $0x3D, v14;
	v14 =	vand.u32 $0x3F, v31;
	[tilespmem:v27+s28+$0x0] =	vst.idx.msk $0xffff, v19;
	v19 =	vld [tilespmem:s20+$0x20]  }
0xf9: {  	p2 =	slt.u32 s14, $0x3C;
	v34 =	vadd.s32 v3, v12;
	s30 =	sor.u32 $0x2000, s30;
	v31 =	vmov s16;
	s16 =	sand.u32 $0x300, s26;
	v27 =	vadd.s32 v6, v25;
	v33 =	vld [tilespmem:s10+$0x30];
	[tilespmem:v26+s28+$0x0] =	vst.idx.msk $0xffff, v23  }
0xfa: {  	s14 =	sand.u32 $0x380, s13;
	s15 =	sor.u32 s15, s30;
	v23 =	vadd.s32 v0, v25;
	v26 =	vand.u32 $0x3E, v31;
	[tilespmem:v24+s28+$0x0] =	vst.idx.msk $0xffff, v22;
	v22 =	vld [tilespmem:s21+$0x70];
	v24 =	vadd.s32 v7, v11;
	s21 =	smov.u32 s12  }
0xfb: {  	s14 =	sor.u32 s14, s30;
	v35 =	vadd.s32 v0, v26;
	v11 =	vmovc v13;
	v31 =	vld [tilespmem:s15+$0x0];
	[tilespmem:v17+s28+$0x0] =	vst.idx.msk $0xffff, v28;
	v17 =	vmov v16;
	v16 =	vmov v27  }
0xfc: {  	v36 =	vadd.s32 v7, v8;
	v8 =	vmov v12;
	s12 =	sor.u32 s16, s30;
	v27 =	vadd.s32 v0, v14;
	v28 =	vld [tilespmem:s9+$0x70];
	[tilespmem:v29+s28+$0x0] =	vst.idx.msk $0xffff, v20;
	s9 =	smov.u32 s10;
	s10 =	smov.u32 s15  }
0xfd: {  	v12 =	vmov v25;
	v13 =	vmov v26;
	v20 =	vld [tilespmem:s14+$0x0];
	[tilespmem:v18+s28+$0x0] =	vst.idx.msk $0xffff, v19  }
0xfe: {  	v19 =	vadd.s32 v7, v9;
	v9 =	vmov v15;
	v15 =	vmov v30;
	v18 =	vld [tilespmem:s12+$0x0];
	[tilespmem:v34+s28+$0x0] =	vst.idx.msk $0xffff, v33  }
0xff: {  	v25 =	vld [tilespmem:s20+$0x30];
	[tilespmem:v24+s28+$0x0] =	vst.idx.msk $0xffff, v22;
	s20 =	smov.u32 s22;
	s22 =	smov.u32 s4  }
0x100: {  	v22 =	vadd.s32 v1, v12;
	v24 =	vadd.s32 v4, v8;
	[tilespmem:v23+s28+$0x0] =	vst.idx.msk $0xffff, v31;
	v23 =	vld [tilespmem:s9+$0x40]  }
0x101: {  	v29 =	vadd.s32 v5, v10;
	v26 =	vld [tilespmem:s11+$0x50];
	[tilespmem:v36+s28+$0x0] =	vst.idx.msk $0xffff, v28  }
0x102: {  	v28 =	vld [tilespmem:s10+$0x10];
	[tilespmem:v27+s28+$0x0] =	vst.idx.msk $0xffff, v20  }
0x103: {  	v20 =	vadd.s32 v1, v14;
	[tilespmem:v35+s28+$0x0] =	vst.idx.msk $0xffff, v18;
	v18 =	vld [tilespmem:s14+$0x10]  }
0x104: {  	v30 =	vadd.s32 v1, v13;
	v31 =	vadd.s32 v4, v9;
	v27 =	vld [tilespmem:s12+$0x10];
	[tilespmem:v19+s28+$0x0] =	vst.idx.msk $0xffff, v25  }
0x105: {  	v25 =	vld [tilespmem:s4+$0xFFFFFFC0];
	[tilespmem:v24+s28+$0x0] =	vst.idx.msk $0xffff, v23  }
0x106: {  	v23 =	vadd.s32 v3, v9;
	v24 =	vld [tilespmem:s21+$0x40];
	[tilespmem:v29+s28+$0x0] =	vst.idx.msk $0xffff, v26  }
0x107: {  	v26 =	vadd.s32 v5, v8;
	[tilespmem:v22+s28+$0x0] =	vst.idx.msk $0xffff, v28;
	v22 =	vld [tilespmem:s9+$0x50]  }
0x108: {  	v19 =	vld [tilespmem:s10+$0x20];
	[tilespmem:v20+s28+$0x0] =	vst.idx.msk $0xffff, v18;
	v18 =	vadd.s32 v4, v11  }
0x109: {  	[tilespmem:v30+s28+$0x0] =	vst.idx.msk $0xffff, v27;
	v20 =	vld [tilespmem:s14+$0x20];
	v27 =	vadd.s32 v2, v14  }
0x10a: {  	v28 =	vadd.s32 v2, v13;
	[tilespmem:v21+s28+$0x0] =	vst.idx.msk $0xffff, v25;
	v25 =	vld [tilespmem:s12+$0x20];
	v21 =	vadd.s32 v5, v9  }
0x10b: {  	v30 =	vadd.s32 v1, v15;
	v29 =	vld [tilespmem:s4+$0xFFFFFFD0];
	[tilespmem:v23+s28+$0x0] =	vst.idx.msk $0xffff, v32  }
0x10c: {  	v23 =	vld [tilespmem:s20+$0x0];
	[tilespmem:v26+s28+$0x0] =	vst.idx.msk $0xffff, v22  }
0x10d: {  	[tilespmem:v18+s28+$0x0] =	vst.idx.msk $0xffff, v24;
	v22 =	vld [tilespmem:s11+$0x60];
	v24 =	vadd.s32 v6, v10  }
0x10e: {  	v26 =	vadd.s32 v5, v11;
	[tilespmem:v27+s28+$0x0] =	vst.idx.msk $0xffff, v20;
	v20 =	vld [tilespmem:s21+$0x50]  }
0x10f: {  	v33 =	vadd.s32 v3, v14;
	[tilespmem:v28+s28+$0x0] =	vst.idx.msk $0xffff, v25;
	v32 =	vld [tilespmem:s14+$0x30]  }
0x110: {  	v34 =	vadd.s32 v3, v13;
	v18 =	vadd.s32 v6, v9;
	[tilespmem:v30+s28+$0x0] =	vst.idx.msk $0xffff, v29;
	v30 =	vld [tilespmem:s12+$0x30]  }
.Ltmp7:
0x111: {  	v29 =	vadd.s32 v2, v15;
	v28 =	vld [tilespmem:s4+$0xFFFFFFE0];
	[tilespmem:v31+s28+$0x0] =	vst.idx.msk $0xffff, v23;
	(pc) =	sbr.rel @p2 .LBB2_11-.Ltmp7, $4  }
0x112: {  	v25 =	vld [tilespmem:s20+$0x10];
	[tilespmem:v24+s28+$0x0] =	vst.idx.msk $0xffff, v22  }
0x113: {  	v27 =	vadd.s32 v2, v12;
	[tilespmem:v26+s28+$0x0] =	vst.idx.msk $0xffff, v20;
	v20 =	vld [tilespmem:s11+$0x70];
	s11 =	smov.u32 s14  }
0x114: {  	v26 =	vadd.s32 v6, v11;
	[tilespmem:v33+s28+$0x0] =	vst.idx.msk $0xffff, v32;
	v23 =	vld [tilespmem:s21+$0x60]  }
0x115: {  	s13 =	sadd.s32 $0x200, s13;
	s4 =	sadd.s32 $0x200, s4;
	v24 =	vadd.s32 v4, v14;
	s14 =	smov.u32 s6;
	[tilespmem:v34+s28+$0x0] =	vst.idx.msk $0xffff, v30;
	v22 =	vld [tilespmem:s11+$0x40]  }
0x116: {  	_ =	sdelay $0x3  }
0x117: {  	[tilespmem:v27+s28+$0x0] =	vst.idx.msk $0xffff, v19  }
0x118: {  	v35 =	vadd.s32 v3, v12;
	v19 =	vld [tilespmem:s10+$0x30];
	_ =	sdelay $0x1  }
0x119: {  	[tilespmem:v29+s28+$0x0] =	vst.idx.msk $0xffff, v28  }
0x11a: {  	v36 =	vadd.s32 v3, v15;
	v28 =	vld [tilespmem:s22+$0xFFFFFFF0];
	_ =	sdelay $0x1  }
0x11b: {  	v37 =	vld [tilespmem:s12+$0x40];
	v38 =	vadd.s32 v4, v13;
	[tilespmem:v35+s28+$0x0] =	vst.idx.msk $0xffff, v19  }
0x11c: {  	v40 =	vadd.s32 v4, v12;
	[tilespmem:v21+s28+$0x0] =	vst.idx.msk $0xffff, v25;
	v39 =	vld [tilespmem:s10+$0x40]  }
0x11d: {  	v43 =	vld [tilespmem:s9+$0x60];
	[tilespmem:v26+s28+$0x0] =	vst.idx.msk $0xffff, v23  }
0x11e: {  	v10 =	vadd.s32 v7, v10;
	[tilespmem:v36+s28+$0x0] =	vst.idx.msk $0xffff, v28  }
0x11f: {  	v41 =	vadd.s32 v4, v15;
	[tilespmem:v24+s28+$0x0] =	vst.idx.msk $0xffff, v22;
	v42 =	vld [tilespmem:s22+$0x0]  }
0x120: {  	v44 =	vadd.s32 v5, v14;
	v22 =	vld [tilespmem:s11+$0x50];
	[tilespmem:v38+s28+$0x0] =	vst.idx.msk $0xffff, v37  }
0x121: {  	v45 =	vadd.s32 v5, v13;
	v19 =	vld [tilespmem:s12+$0x50];
	[tilespmem:v40+s28+$0x0] =	vst.idx.msk $0xffff, v39  }
0x122: {  	v47 =	vadd.s32 v5, v12;
	[tilespmem:v17+s28+$0x0] =	vst.idx.msk $0xffff, v43;
	v46 =	vld [tilespmem:s10+$0x50]  }
0x123: {  	v49 =	vld [tilespmem:s20+$0x20];
	[tilespmem:v10+s28+$0x0] =	vst.idx.msk $0xffff, v20  }
0x124: {  	v11 =	vadd.s32 v7, v11;
	v50 =	vld [tilespmem:s21+$0x70];
	[tilespmem:v41+s28+$0x0] =	vst.idx.msk $0xffff, v42  }
0x125: {  	v48 =	vadd.s32 v5, v15;
	[tilespmem:v44+s28+$0x0] =	vst.idx.msk $0xffff, v22;
	v21 =	vld [tilespmem:s22+$0x10]  }
0x126: {  	v52 =	vadd.s32 v6, v14;
	v51 =	vld [tilespmem:s11+$0x60];
	[tilespmem:v45+s28+$0x0] =	vst.idx.msk $0xffff, v19  }
0x127: {  	v53 =	vadd.s32 v6, v13;
	v19 =	vld [tilespmem:s12+$0x60];
	[tilespmem:v47+s28+$0x0] =	vst.idx.msk $0xffff, v46  }
0x128: {  	[tilespmem:v18+s28+$0x0] =	vst.idx.msk $0xffff, v49;
	v54 =	vld [tilespmem:s10+$0x60]  }
0x129: {  	v8 =	vadd.s32 v7, v8;
	v57 =	vld [tilespmem:s9+$0x70];
	[tilespmem:v11+s28+$0x0] =	vst.idx.msk $0xffff, v50  }
0x12a: {  	v9 =	vadd.s32 v7, v9;
	v58 =	vld [tilespmem:s20+$0x30];
	[tilespmem:v48+s28+$0x0] =	vst.idx.msk $0xffff, v21  }
0x12b: {  	v55 =	vadd.s32 v6, v15;
	[tilespmem:v52+s28+$0x0] =	vst.idx.msk $0xffff, v51;
	v56 =	vld [tilespmem:s22+$0x20]  }
0x12c: {  	v60 =	vadd.s32 v7, v14;
	v59 =	vld [tilespmem:s11+$0x70];
	[tilespmem:v53+s28+$0x0] =	vst.idx.msk $0xffff, v19  }
0x12d: {  	v61 =	vadd.s32 v7, v13;
	v19 =	vld [tilespmem:s12+$0x70];
	[tilespmem:v16+s28+$0x0] =	vst.idx.msk $0xffff, v54  }
0x12e: {  	v62 =	vadd.s32 v7, v12;
	[tilespmem:v8+s28+$0x0] =	vst.idx.msk $0xffff, v57;
	v16 =	vld [tilespmem:s10+$0x70]  }
0x12f: {  	[tilespmem:v9+s28+$0x0] =	vst.idx.msk $0xffff, v58  }
0x130: {  	[tilespmem:v55+s28+$0x0] =	vst.idx.msk $0xffff, v56  }
0x131: {  	v8 =	vadd.s32 v7, v15;
	[tilespmem:v60+s28+$0x0] =	vst.idx.msk $0xffff, v59;
	v63 =	vld [tilespmem:s22+$0x30]  }
0x132: {  	[tilespmem:v61+s28+$0x0] =	vst.idx.msk $0xffff, v19  }
0x133: {  	[tilespmem:v62+s28+$0x0] =	vst.idx.msk $0xffff, v16  }
0x134: {  	s4 =	rddreg [dreg:$0xc]  }
0x135: {  	s6 =	simm.s32 $0xA400;
	s4 =	sadd.s32 s8, s4  }
0x136: {  	s9 =	simm.s32 $0x8;
	s10 =	simm.s32 $0xA448;
	[tilespmem:v8+s28+$0x0] =	vst.idx.msk $0xffff, v63;
	s11 =	sadd.s32 $0x0, s4  }
.LBB2_13:
0x137: {  	[hbm4b:s11+s2] =	stream.linear.scatter [tilespmem:s6], [sflag:$0x6], $0x40, $0x38;
	[tilespmem:$0x11000] =	vst v63  }
0x138: {  	s11 =	smov.u32 s9;
	s6 =	smov.u32 s10;
	p2 =	sne.s32 s9, $0x3F8  }
.Ltmp8:
0x139: {  	s9 =	sadd.s32 $0x8, s9;
	(pc) =	sbr.rel @p2 .LBB2_13-.Ltmp8, $2  }
0x13a: {  	_ =	sdelay $0x2  }
0x13b: {  	s10 =	sadd.s32 $0x48, s10;
	s11 =	sadd.s32 s11, s4  }
.Ltmp9:
0x13c: {  	(pc) =	sbr.rel @p1 .LBB2_16-.Ltmp9, $2  }
0x13d: {  	_ =	sdelay $0x2  }
0x13e: {  	[hbm4b:s11+s2] =	stream.linear.scatter [tilespmem:s6], [sflag:$0x6], $0x40, $0x38;
	[tilespmem:$0x11000] =	vst v63  }
.Ltmp10:
0x13f: {  	(pc) =	sbr.rel .LBB2_17-.Ltmp10, $4  }
0x140: {  	_ = 	snop  }
0x141: {  	_ =	swait.ge [sflag:s29], $0x2000  }
0x142: {  	[sflag:s29] =	ssyncset.done $0x0  }
0x143: {  	[sflag:s29] =	ssyncadd.s32 $0xFFFFE000  }
.LBB2_16:
0x144: {  	s4 =	rddreg [dreg:$0x9]  }
0x145: {  	s4 =	sadd.s32 s4, s5  }
0x146: {  	s4 =	sshll.u32 s4, $0x7  }
.Ltmp11:
0x147: {  	s6 =	simm.s32 $0x2000;
	s4 =	sadd.s32 s3, s4;
	(pc) =	sbr.rel @p0 .LBB2_18-.Ltmp11, $4  }
0x148: {  	[tilespmem:s6], [sflag:$0x2] =	stream.strided.gather [hbm4b:s4+s18], $0x2000, s19, s18, $0x38;
	[tilespmem:$0x11000] =	vst v63  }
0x149: {  	_ =	swait.ge [sflag:s29], $0x2000  }
0x14a: {  	[sflag:s29] =	ssyncset.done $0x0  }
0x14b: {  	[sflag:s29] =	ssyncadd.s32 $0xFFFFE000  }
.LBB2_17:
0x14c: {  	s4 =	simm.s32 $0x7  }
0x14d: {  	_ =	swait.ge [sflag:s4], $0x2000  }
0x14e: {  	[sflag:s4] =	ssyncset.done $0x0  }
0x14f: {  	[sflag:s4] =	ssyncadd.s32 $0xFFFFE000  }
.LBB2_18:
0x150: {  	s4 =	simm.s32 $0x0;
	s6 =	simm.s32 $0x180  }
0x151: {  	s9 =	simm.s32 $0x3;
	s15 =	simm.s32 $0x2;
	s4 =	sand.u32 $0x1C00, s4  }
0x152: {  	s10 =	simm.s32 $0x100;
	v8 =	vmov s9;
	s14 =	sand.u32 $0x380, s6;
	s13 =	sor.u32 $0x4000, s4  }
0x153: {  	s16 =	sand.u32 $0x300, s10;
	v10 =	vand.u32 $0x3F, v8;
	v8 =	vmov s15;
	s4 =	sor.u32 s14, s13  }
0x154: {  	s20 =	simm.s32 $0x1;
	s11 =	simm.s32 $0x80;
	v9 =	vadd.s32 v0, v10;
	v11 =	vand.u32 $0x3E, v8;
	s21 =	sor.u32 s16, s13;
	v12 =	vld [tilespmem:s4+$0x0]  }
0x155: {  	s22 =	sand.u32 $0x280, s11;
	v8 =	vmov s20;
	v13 =	vadd.s32 v0, v11;
	v14 =	vld [tilespmem:s21+$0x0]  }
0x156: {  	s9 =	sor.u32 s22, s13;
	v8 =	vand.u32 $0x3D, v8  }
0x157: {  	v16 =	vld [tilespmem:s9+$0x0];
	v15 =	vadd.s32 v0, v8;
	_ =	sdelay $0x1  }
0x158: {  	s26 =	simm.s32 $0x0;
	[tilespmem:v9+s31+$0x0] =	vst.idx.msk $0xffff, v12  }
0x159: {  	v17 =	vadd.s32 v1, v10;
	v9 =	vmov s26;
	[tilespmem:v13+s31+$0x0] =	vst.idx.msk $0xffff, v14;
	v12 =	vld [tilespmem:s4+$0x10]  }
0x15a: {  	s20 =	simm.s32 $0x4040;
	v14 =	vadd.s32 v1, v11;
	v9 =	vand.u32 $0x3C, v9;
	v13 =	vld [tilespmem:s21+$0x10]  }
0x15b: {  	[tilespmem:v15+s31+$0x0] =	vst.idx.msk $0xffff, v16;
	v15 =	vld [tilespmem:s20+$0xFFFFFFC0];
	v18 =	vadd.s32 v0, v9  }
0x15c: {  	v16 =	vadd.s32 v1, v8;
	v19 =	vld [tilespmem:s9+$0x10];
	_ =	sdelay $0x1  }
0x15d: {  	[tilespmem:v17+s31+$0x0] =	vst.idx.msk $0xffff, v12  }
0x15e: {  	v17 =	vadd.s32 v2, v10;
	[tilespmem:v14+s31+$0x0] =	vst.idx.msk $0xffff, v13;
	v12 =	vld [tilespmem:s4+$0x20]  }
0x15f: {  	v14 =	vadd.s32 v2, v11;
	[tilespmem:v18+s31+$0x0] =	vst.idx.msk $0xffff, v15;
	v13 =	vld [tilespmem:s21+$0x20]  }
0x160: {  	[tilespmem:v16+s31+$0x0] =	vst.idx.msk $0xffff, v19;
	v16 =	vadd.s32 v1, v9;
	v15 =	vld [tilespmem:s20+$0xFFFFFFD0];
	_ =	sdelay $0x2  }
0x161: {  	s14 =	simm.s32 $0x200;
	v18 =	vld [tilespmem:s9+$0x20];
	[tilespmem:v17+s31+$0x0] =	vst.idx.msk $0xffff, v12;
	v12 =	vadd.s32 v2, v8  }
0x162: {  	s30 =	simm.s32 $0x380;
	s12 =	simm.s32 $0x7;
	s10 =	sand.u32 $0x1C00, s14;
	v19 =	vadd.s32 v3, v10;
	[tilespmem:v14+s31+$0x0] =	vst.idx.msk $0xffff, v13;
	v17 =	vld [tilespmem:s4+$0x30]  }
0x163: {  	s6 =	sand.u32 $0x380, s30;
	s14 =	sor.u32 $0x4000, s10;
	v13 =	vmov s12;
	[tilespmem:v16+s31+$0x0] =	vst.idx.msk $0xffff, v15  }
0x164: {  	s11 =	sor.u32 s6, s14;
	v20 =	vadd.s32 v2, v9;
	v14 =	vand.u32 $0x3F, v13;
	v16 =	vld [tilespmem:s20+$0xFFFFFFE0]  }
0x165: {  	v25 =	vld [tilespmem:s11+$0x0];
	v24 =	vadd.s32 v0, v14  }
0x166: {  	s22 =	simm.s32 $0x6;
	v26 =	vadd.s32 v3, v11;
	s26 =	simm.s32 $0x300;
	v15 =	vld [tilespmem:s21+$0x30];
	[tilespmem:v12+s31+$0x0] =	vst.idx.msk $0xffff, v18  }
0x167: {  	s15 =	simm.s32 $0x5;
	s13 =	simm.s32 $0x280;
	s12 =	sand.u32 $0x300, s26;
	v13 =	vmov s22;
	v18 =	vadd.s32 v3, v8;
	[tilespmem:v19+s31+$0x0] =	vst.idx.msk $0xffff, v17;
	v17 =	vld [tilespmem:s9+$0x30]  }
0x168: {  	v21 =	vadd.s32 v4, v10;
	s16 =	sand.u32 $0x280, s13;
	s12 =	sor.u32 s12, s14;
	v13 =	vand.u32 $0x3E, v13;
	v12 =	vmov s15;
	v19 =	vld [tilespmem:s4+$0x40]  }
0x169: {  	s30 =	simm.s32 $0x4;
	s10 =	sor.u32 s16, s14;
	v12 =	vand.u32 $0x3D, v12;
	[tilespmem:v20+s31+$0x0] =	vst.idx.msk $0xffff, v16;
	v16 =	vadd.s32 v0, v13;
	v20 =	vld [tilespmem:s12+$0x0]  }
0x16a: {  	v23 =	vld [tilespmem:s10+$0x0];
	v22 =	vadd.s32 v0, v12;
	[tilespmem:v24+s31+$0x0] =	vst.idx.msk $0xffff, v25;
	v24 =	vmov s30  }
0x16b: {  	s22 =	simm.s32 $0x4240;
	[tilespmem:v26+s31+$0x0] =	vst.idx.msk $0xffff, v15;
	v15 =	vand.u32 $0x3C, v24  }
0x16c: {  	v28 =	vld [tilespmem:s22+$0xFFFFFFC0];
	v26 =	vadd.s32 v0, v15;
	[tilespmem:v18+s31+$0x0] =	vst.idx.msk $0xffff, v17  }
0x16d: {  	v18 =	vadd.s32 v4, v8;
	[tilespmem:v21+s31+$0x0] =	vst.idx.msk $0xffff, v19;
	v17 =	vld [tilespmem:s9+$0x40]  }
0x16e: {  	[tilespmem:v16+s31+$0x0] =	vst.idx.msk $0xffff, v20;
	v16 =	vld [tilespmem:s11+$0x10];
	v20 =	vadd.s32 v1, v14  }
0x16f: {  	[tilespmem:v22+s31+$0x0] =	vst.idx.msk $0xffff, v23;
	v21 =	vadd.s32 v5, v10;
	v19 =	vld [tilespmem:s4+$0x50]  }
0x170: {  	v22 =	vadd.s32 v1, v12;
	v23 =	vld [tilespmem:s10+$0x10]  }
0x171: {  	v25 =	vadd.s32 v1, v13;
	v24 =	vld [tilespmem:s12+$0x10];
	[tilespmem:v26+s31+$0x0] =	vst.idx.msk $0xffff, v28  }
0x172: {  	v27 =	vld [tilespmem:s20+$0xFFFFFFF0];
	[tilespmem:v18+s31+$0x0] =	vst.idx.msk $0xffff, v17  }
0x173: {  	v26 =	vld [tilespmem:s22+$0xFFFFFFD0];
	v17 =	vadd.s32 v3, v9;
	[tilespmem:v20+s31+$0x0] =	vst.idx.msk $0xffff, v16  }
0x174: {  	v18 =	vld [tilespmem:s21+$0x40];
	v16 =	vadd.s32 v4, v11;
	[tilespmem:v21+s31+$0x0] =	vst.idx.msk $0xffff, v19  }
0x175: {  	[tilespmem:v22+s31+$0x0] =	vst.idx.msk $0xffff, v23;
	v21 =	vld [tilespmem:s9+$0x50];
	v22 =	vadd.s32 v5, v8  }
0x176: {  	[tilespmem:v25+s31+$0x0] =	vst.idx.msk $0xffff, v24;
	v20 =	vld [tilespmem:s11+$0x20];
	v23 =	vadd.s32 v2, v14  }
0x177: {  	v25 =	vadd.s32 v2, v13;
	v24 =	vld [tilespmem:s12+$0x20]  }
0x178: {  	v28 =	vadd.s32 v1, v15;
	v19 =	vld [tilespmem:s10+$0x20];
	[tilespmem:v17+s31+$0x0] =	vst.idx.msk $0xffff, v27  }
0x179: {  	v17 =	vadd.s32 v4, v9;
	[tilespmem:v16+s31+$0x0] =	vst.idx.msk $0xffff, v18;
	v27 =	vld [tilespmem:s20+$0x0]  }
0x17a: {  	v18 =	vld [tilespmem:s4+$0x60];
	[tilespmem:v22+s31+$0x0] =	vst.idx.msk $0xffff, v21;
	v21 =	vadd.s32 v6, v10  }
0x17b: {  	[tilespmem:v23+s31+$0x0] =	vst.idx.msk $0xffff, v20;
	v20 =	vld [tilespmem:s21+$0x50];
	v22 =	vadd.s32 v5, v11  }
0x17c: {  	[tilespmem:v25+s31+$0x0] =	vst.idx.msk $0xffff, v24;
	v23 =	vld [tilespmem:s11+$0x30];
	v24 =	vadd.s32 v3, v14  }
0x17d: {  	v31 =	vadd.s32 v3, v13;
	[tilespmem:v28+s31+$0x0] =	vst.idx.msk $0xffff, v26;
	v30 =	vld [tilespmem:s12+$0x30]  }
0x17e: {  	v28 =	vld [tilespmem:s22+$0xFFFFFFE0];
	[tilespmem:v17+s31+$0x0] =	vst.idx.msk $0xffff, v27  }
0x17f: {  	v29 =	vadd.s32 v2, v15;
	v26 =	vadd.s32 v6, v11;
	[tilespmem:v21+s31+$0x0] =	vst.idx.msk $0xffff, v18;
	v25 =	vld [tilespmem:s20+$0x10]  }
0x180: {  	v16 =	vadd.s32 v6, v12;
	v21 =	vadd.s32 v5, v9;
	[tilespmem:v22+s31+$0x0] =	vst.idx.msk $0xffff, v20;
	v20 =	vld [tilespmem:s4+$0x70]  }
0x181: {  	v17 =	vadd.s32 v6, v8;
	v27 =	vadd.s32 v2, v12;
	[tilespmem:v24+s31+$0x0] =	vst.idx.msk $0xffff, v23;
	v23 =	vld [tilespmem:s21+$0x60]  }
0x182: {  	s13 =	simm.s32 $0x580;
	s14 =	simm.s32 $0x8;
	v18 =	vadd.s32 v6, v9;
	v24 =	vadd.s32 v4, v14;
	s4 =	simm.s32 $0x4440;
	[tilespmem:v31+s31+$0x0] =	vst.idx.msk $0xffff, v30;
	v22 =	vld [tilespmem:s11+$0x40]  }
.LBB2_19:
0x183: {  	s6 =	sadd.s32 $0xFFFFFE80, s13  }
0x184: {  	v30 =	vmov s14;
	s15 =	sadd.s32 $0x1, s14;
	s16 =	sadd.s32 $0x3, s14;
	[tilespmem:v29+s31+$0x0] =	vst.idx.msk $0xffff, v28;
	v28 =	vld [tilespmem:s9+$0x60];
	v29 =	vadd.s32 v7, v10;
	v10 =	vmov v14;
	s26 =	smov.u32 s14  }
0x185: {  	s30 =	sand.u32 $0x1C00, s6;
	v30 =	vand.u32 $0x3C, v30;
	v14 =	vmov s15;
	s15 =	sadd.s32 $0xFFFFFF00, s13;
	v31 =	vmov s16;
	s6 =	sadd.s32 $0x4, s14;
	v32 =	vld [tilespmem:s22+$0xFFFFFFF0];
	[tilespmem:v21+s31+$0x0] =	vst.idx.msk $0xffff, v25  }
0x186: {  	s16 =	sadd.s32 $0x2, s26;
	s26 =	sadd.s32 $0xFFFFFF80, s13;
	v21 =	vadd.s32 v0, v30;
	s15 =	sand.u32 $0x280, s15;
	v25 =	vand.u32 $0x3D, v14;
	v14 =	vand.u32 $0x3F, v31;
	[tilespmem:v27+s31+$0x0] =	vst.idx.msk $0xffff, v19;
	v19 =	vld [tilespmem:s20+$0x20]  }
0x187: {  	p2 =	slt.u32 s14, $0x3C;
	v34 =	vadd.s32 v3, v12;
	s30 =	sor.u32 $0x4000, s30;
	v31 =	vmov s16;
	s16 =	sand.u32 $0x300, s26;
	v27 =	vadd.s32 v6, v25;
	v33 =	vld [tilespmem:s10+$0x30];
	[tilespmem:v26+s31+$0x0] =	vst.idx.msk $0xffff, v23  }
0x188: {  	s14 =	sand.u32 $0x380, s13;
	s15 =	sor.u32 s15, s30;
	v23 =	vadd.s32 v0, v25;
	v26 =	vand.u32 $0x3E, v31;
	[tilespmem:v24+s31+$0x0] =	vst.idx.msk $0xffff, v22;
	v22 =	vld [tilespmem:s21+$0x70];
	v24 =	vadd.s32 v7, v11;
	s21 =	smov.u32 s12  }
0x189: {  	s14 =	sor.u32 s14, s30;
	v35 =	vadd.s32 v0, v26;
	v11 =	vmovc v13;
	v31 =	vld [tilespmem:s15+$0x0];
	[tilespmem:v17+s31+$0x0] =	vst.idx.msk $0xffff, v28;
	v17 =	vmov v16;
	v16 =	vmov v27  }
0x18a: {  	v36 =	vadd.s32 v7, v8;
	v8 =	vmov v12;
	s12 =	sor.u32 s16, s30;
	v27 =	vadd.s32 v0, v14;
	v28 =	vld [tilespmem:s9+$0x70];
	[tilespmem:v29+s31+$0x0] =	vst.idx.msk $0xffff, v20;
	s9 =	smov.u32 s10;
	s10 =	smov.u32 s15  }
0x18b: {  	v12 =	vmov v25;
	v13 =	vmov v26;
	v20 =	vld [tilespmem:s14+$0x0];
	[tilespmem:v18+s31+$0x0] =	vst.idx.msk $0xffff, v19  }
0x18c: {  	v19 =	vadd.s32 v7, v9;
	v9 =	vmov v15;
	v15 =	vmov v30;
	v18 =	vld [tilespmem:s12+$0x0];
	[tilespmem:v34+s31+$0x0] =	vst.idx.msk $0xffff, v33  }
0x18d: {  	v25 =	vld [tilespmem:s20+$0x30];
	[tilespmem:v24+s31+$0x0] =	vst.idx.msk $0xffff, v22;
	s20 =	smov.u32 s22;
	s22 =	smov.u32 s4  }
0x18e: {  	v22 =	vadd.s32 v1, v12;
	v24 =	vadd.s32 v4, v8;
	[tilespmem:v23+s31+$0x0] =	vst.idx.msk $0xffff, v31;
	v23 =	vld [tilespmem:s9+$0x40]  }
0x18f: {  	v29 =	vadd.s32 v5, v10;
	v26 =	vld [tilespmem:s11+$0x50];
	[tilespmem:v36+s31+$0x0] =	vst.idx.msk $0xffff, v28  }
0x190: {  	v28 =	vld [tilespmem:s10+$0x10];
	[tilespmem:v27+s31+$0x0] =	vst.idx.msk $0xffff, v20  }
0x191: {  	v20 =	vadd.s32 v1, v14;
	[tilespmem:v35+s31+$0x0] =	vst.idx.msk $0xffff, v18;
	v18 =	vld [tilespmem:s14+$0x10]  }
0x192: {  	v30 =	vadd.s32 v1, v13;
	v31 =	vadd.s32 v4, v9;
	v27 =	vld [tilespmem:s12+$0x10];
	[tilespmem:v19+s31+$0x0] =	vst.idx.msk $0xffff, v25  }
0x193: {  	v25 =	vld [tilespmem:s4+$0xFFFFFFC0];
	[tilespmem:v24+s31+$0x0] =	vst.idx.msk $0xffff, v23  }
0x194: {  	v23 =	vadd.s32 v3, v9;
	v24 =	vld [tilespmem:s21+$0x40];
	[tilespmem:v29+s31+$0x0] =	vst.idx.msk $0xffff, v26  }
0x195: {  	v26 =	vadd.s32 v5, v8;
	[tilespmem:v22+s31+$0x0] =	vst.idx.msk $0xffff, v28;
	v22 =	vld [tilespmem:s9+$0x50]  }
0x196: {  	v19 =	vld [tilespmem:s10+$0x20];
	[tilespmem:v20+s31+$0x0] =	vst.idx.msk $0xffff, v18;
	v18 =	vadd.s32 v4, v11  }
0x197: {  	[tilespmem:v30+s31+$0x0] =	vst.idx.msk $0xffff, v27;
	v20 =	vld [tilespmem:s14+$0x20];
	v27 =	vadd.s32 v2, v14  }
0x198: {  	v28 =	vadd.s32 v2, v13;
	[tilespmem:v21+s31+$0x0] =	vst.idx.msk $0xffff, v25;
	v25 =	vld [tilespmem:s12+$0x20];
	v21 =	vadd.s32 v5, v9  }
0x199: {  	v30 =	vadd.s32 v1, v15;
	v29 =	vld [tilespmem:s4+$0xFFFFFFD0];
	[tilespmem:v23+s31+$0x0] =	vst.idx.msk $0xffff, v32  }
0x19a: {  	v23 =	vld [tilespmem:s20+$0x0];
	[tilespmem:v26+s31+$0x0] =	vst.idx.msk $0xffff, v22  }
0x19b: {  	[tilespmem:v18+s31+$0x0] =	vst.idx.msk $0xffff, v24;
	v22 =	vld [tilespmem:s11+$0x60];
	v24 =	vadd.s32 v6, v10  }
0x19c: {  	v26 =	vadd.s32 v5, v11;
	[tilespmem:v27+s31+$0x0] =	vst.idx.msk $0xffff, v20;
	v20 =	vld [tilespmem:s21+$0x50]  }
0x19d: {  	v33 =	vadd.s32 v3, v14;
	[tilespmem:v28+s31+$0x0] =	vst.idx.msk $0xffff, v25;
	v32 =	vld [tilespmem:s14+$0x30]  }
0x19e: {  	v34 =	vadd.s32 v3, v13;
	v18 =	vadd.s32 v6, v9;
	[tilespmem:v30+s31+$0x0] =	vst.idx.msk $0xffff, v29;
	v30 =	vld [tilespmem:s12+$0x30]  }
.Ltmp12:
0x19f: {  	v29 =	vadd.s32 v2, v15;
	v28 =	vld [tilespmem:s4+$0xFFFFFFE0];
	[tilespmem:v31+s31+$0x0] =	vst.idx.msk $0xffff, v23;
	(pc) =	sbr.rel @p2 .LBB2_19-.Ltmp12, $4  }
0x1a0: {  	v25 =	vld [tilespmem:s20+$0x10];
	[tilespmem:v24+s31+$0x0] =	vst.idx.msk $0xffff, v22  }
0x1a1: {  	v27 =	vadd.s32 v2, v12;
	[tilespmem:v26+s31+$0x0] =	vst.idx.msk $0xffff, v20;
	v20 =	vld [tilespmem:s11+$0x70];
	s11 =	smov.u32 s14  }
0x1a2: {  	v26 =	vadd.s32 v6, v11;
	[tilespmem:v33+s31+$0x0] =	vst.idx.msk $0xffff, v32;
	v23 =	vld [tilespmem:s21+$0x60]  }
0x1a3: {  	s13 =	sadd.s32 $0x200, s13;
	s4 =	sadd.s32 $0x200, s4;
	v24 =	vadd.s32 v4, v14;
	s14 =	smov.u32 s6;
	[tilespmem:v34+s31+$0x0] =	vst.idx.msk $0xffff, v30;
	v22 =	vld [tilespmem:s11+$0x40]  }
0x1a4: {  	_ =	sdelay $0x3  }
0x1a5: {  	[tilespmem:v27+s31+$0x0] =	vst.idx.msk $0xffff, v19  }
0x1a6: {  	v35 =	vadd.s32 v3, v12;
	v19 =	vld [tilespmem:s10+$0x30];
	_ =	sdelay $0x1  }
0x1a7: {  	[tilespmem:v29+s31+$0x0] =	vst.idx.msk $0xffff, v28  }
0x1a8: {  	v36 =	vadd.s32 v3, v15;
	v28 =	vld [tilespmem:s22+$0xFFFFFFF0];
	_ =	sdelay $0x1  }
0x1a9: {  	v37 =	vld [tilespmem:s12+$0x40];
	v38 =	vadd.s32 v4, v13;
	[tilespmem:v35+s31+$0x0] =	vst.idx.msk $0xffff, v19  }
0x1aa: {  	v40 =	vadd.s32 v4, v12;
	[tilespmem:v21+s31+$0x0] =	vst.idx.msk $0xffff, v25;
	v39 =	vld [tilespmem:s10+$0x40]  }
0x1ab: {  	v43 =	vld [tilespmem:s9+$0x60];
	[tilespmem:v26+s31+$0x0] =	vst.idx.msk $0xffff, v23  }
0x1ac: {  	v10 =	vadd.s32 v7, v10;
	[tilespmem:v36+s31+$0x0] =	vst.idx.msk $0xffff, v28  }
0x1ad: {  	v41 =	vadd.s32 v4, v15;
	[tilespmem:v24+s31+$0x0] =	vst.idx.msk $0xffff, v22;
	v42 =	vld [tilespmem:s22+$0x0]  }
0x1ae: {  	v44 =	vadd.s32 v5, v14;
	v22 =	vld [tilespmem:s11+$0x50];
	[tilespmem:v38+s31+$0x0] =	vst.idx.msk $0xffff, v37  }
0x1af: {  	v45 =	vadd.s32 v5, v13;
	v19 =	vld [tilespmem:s12+$0x50];
	[tilespmem:v40+s31+$0x0] =	vst.idx.msk $0xffff, v39  }
0x1b0: {  	v47 =	vadd.s32 v5, v12;
	[tilespmem:v17+s31+$0x0] =	vst.idx.msk $0xffff, v43;
	v46 =	vld [tilespmem:s10+$0x50]  }
0x1b1: {  	v49 =	vld [tilespmem:s20+$0x20];
	[tilespmem:v10+s31+$0x0] =	vst.idx.msk $0xffff, v20  }
0x1b2: {  	v11 =	vadd.s32 v7, v11;
	v50 =	vld [tilespmem:s21+$0x70];
	[tilespmem:v41+s31+$0x0] =	vst.idx.msk $0xffff, v42  }
0x1b3: {  	v48 =	vadd.s32 v5, v15;
	[tilespmem:v44+s31+$0x0] =	vst.idx.msk $0xffff, v22;
	v21 =	vld [tilespmem:s22+$0x10]  }
0x1b4: {  	v52 =	vadd.s32 v6, v14;
	v51 =	vld [tilespmem:s11+$0x60];
	[tilespmem:v45+s31+$0x0] =	vst.idx.msk $0xffff, v19  }
0x1b5: {  	v53 =	vadd.s32 v6, v13;
	v19 =	vld [tilespmem:s12+$0x60];
	[tilespmem:v47+s31+$0x0] =	vst.idx.msk $0xffff, v46  }
0x1b6: {  	[tilespmem:v18+s31+$0x0] =	vst.idx.msk $0xffff, v49;
	v54 =	vld [tilespmem:s10+$0x60]  }
0x1b7: {  	v8 =	vadd.s32 v7, v8;
	v57 =	vld [tilespmem:s9+$0x70];
	[tilespmem:v11+s31+$0x0] =	vst.idx.msk $0xffff, v50  }
0x1b8: {  	v9 =	vadd.s32 v7, v9;
	v58 =	vld [tilespmem:s20+$0x30];
	[tilespmem:v48+s31+$0x0] =	vst.idx.msk $0xffff, v21  }
0x1b9: {  	v55 =	vadd.s32 v6, v15;
	[tilespmem:v52+s31+$0x0] =	vst.idx.msk $0xffff, v51;
	v56 =	vld [tilespmem:s22+$0x20]  }
0x1ba: {  	v60 =	vadd.s32 v7, v14;
	v59 =	vld [tilespmem:s11+$0x70];
	[tilespmem:v53+s31+$0x0] =	vst.idx.msk $0xffff, v19  }
0x1bb: {  	v61 =	vadd.s32 v7, v13;
	v19 =	vld [tilespmem:s12+$0x70];
	[tilespmem:v16+s31+$0x0] =	vst.idx.msk $0xffff, v54  }
0x1bc: {  	v62 =	vadd.s32 v7, v12;
	[tilespmem:v8+s31+$0x0] =	vst.idx.msk $0xffff, v57;
	v16 =	vld [tilespmem:s10+$0x70]  }
0x1bd: {  	[tilespmem:v9+s31+$0x0] =	vst.idx.msk $0xffff, v58  }
0x1be: {  	[tilespmem:v55+s31+$0x0] =	vst.idx.msk $0xffff, v56  }
0x1bf: {  	v8 =	vadd.s32 v7, v15;
	[tilespmem:v60+s31+$0x0] =	vst.idx.msk $0xffff, v59;
	v63 =	vld [tilespmem:s22+$0x30]  }
0x1c0: {  	[tilespmem:v61+s31+$0x0] =	vst.idx.msk $0xffff, v19  }
0x1c1: {  	[tilespmem:v62+s31+$0x0] =	vst.idx.msk $0xffff, v16  }
0x1c2: {  	s4 =	rddreg [dreg:$0xd]  }
0x1c3: {  	s6 =	simm.s32 $0xC800;
	s4 =	sadd.s32 s8, s4  }
0x1c4: {  	s9 =	simm.s32 $0x8;
	s10 =	simm.s32 $0xC848;
	[tilespmem:v8+s31+$0x0] =	vst.idx.msk $0xffff, v63;
	s11 =	sadd.s32 $0x0, s4  }
.LBB2_21:
0x1c5: {  	[hbm4b:s11+s2] =	stream.linear.scatter [tilespmem:s6], [sflag:$0x7], $0x40, $0x38;
	[tilespmem:$0x11000] =	vst v63  }
0x1c6: {  	s11 =	smov.u32 s9;
	s6 =	smov.u32 s10;
	p2 =	sne.s32 s9, $0x3F8  }
.Ltmp13:
0x1c7: {  	s9 =	sadd.s32 $0x8, s9;
	(pc) =	sbr.rel @p2 .LBB2_21-.Ltmp13, $2  }
0x1c8: {  	_ =	sdelay $0x2  }
0x1c9: {  	s10 =	sadd.s32 $0x48, s10;
	s11 =	sadd.s32 s11, s4  }
.Ltmp14:
0x1ca: {  	(pc) =	sbr.rel @p1 .LBB2_24-.Ltmp14, $2  }
0x1cb: {  	_ =	sdelay $0x2  }
0x1cc: {  	[hbm4b:s11+s2] =	stream.linear.scatter [tilespmem:s6], [sflag:$0x7], $0x40, $0x38;
	[tilespmem:$0x11000] =	vst v63  }
.Ltmp15:
0x1cd: {  	(pc) =	sbr.rel .LBB2_25-.Ltmp15, $4  }
0x1ce: {  	_ = 	snop  }
0x1cf: {  	_ =	swait.ge [sflag:s0], $0x2000  }
0x1d0: {  	[sflag:s0] =	ssyncset.done $0x0  }
0x1d1: {  	[sflag:s0] =	ssyncadd.s32 $0xFFFFE000  }
.LBB2_24:
0x1d2: {  	s4 =	rddreg [dreg:$0xa]  }
0x1d3: {  	s4 =	sadd.s32 s4, s5  }
0x1d4: {  	s4 =	sshll.u32 s4, $0x7  }
.Ltmp16:
0x1d5: {  	s6 =	simm.s32 $0x4000;
	s4 =	sadd.s32 s3, s4;
	(pc) =	sbr.rel @p0 .LBB2_26-.Ltmp16, $4  }
0x1d6: {  	[tilespmem:s6], [sflag:$0x3] =	stream.strided.gather [hbm4b:s4+s18], $0x2000, s19, s18, $0x38;
	[tilespmem:$0x11000] =	vst v63  }
0x1d7: {  	_ =	swait.ge [sflag:s0], $0x2000  }
0x1d8: {  	[sflag:s0] =	ssyncset.done $0x0  }
0x1d9: {  	[sflag:s0] =	ssyncadd.s32 $0xFFFFE000  }
.LBB2_25:
0x1da: {  	_ =	swait.ge [sflag:s1], $0x2000  }
0x1db: {  	[sflag:s1] =	ssyncset.done $0x0  }
0x1dc: {  	[sflag:s1] =	ssyncadd.s32 $0xFFFFE000  }
.LBB2_26:
0x1dd: {  	s4 =	simm.s32 $0x0;
	s6 =	simm.s32 $0x180  }
0x1de: {  	s9 =	simm.s32 $0x3;
	s15 =	simm.s32 $0x2;
	s4 =	sand.u32 $0x1C00, s4  }
0x1df: {  	s10 =	simm.s32 $0x100;
	v8 =	vmov s9;
	s14 =	sand.u32 $0x380, s6;
	s13 =	sor.u32 $0x6000, s4  }
0x1e0: {  	s16 =	sand.u32 $0x300, s10;
	v10 =	vand.u32 $0x3F, v8;
	v8 =	vmov s15;
	s4 =	sor.u32 s14, s13  }
0x1e1: {  	s20 =	simm.s32 $0x1;
	s11 =	simm.s32 $0x80;
	v9 =	vadd.s32 v0, v10;
	v11 =	vand.u32 $0x3E, v8;
	s21 =	sor.u32 s16, s13;
	v12 =	vld [tilespmem:s4+$0x0]  }
0x1e2: {  	s22 =	sand.u32 $0x280, s11;
	v8 =	vmov s20;
	v13 =	vadd.s32 v0, v11;
	v14 =	vld [tilespmem:s21+$0x0]  }
0x1e3: {  	s9 =	sor.u32 s22, s13;
	v8 =	vand.u32 $0x3D, v8  }
0x1e4: {  	v16 =	vld [tilespmem:s9+$0x0];
	v15 =	vadd.s32 v0, v8;
	_ =	sdelay $0x1  }
0x1e5: {  	s26 =	simm.s32 $0x0;
	[tilespmem:v9+s7+$0x0] =	vst.idx.msk $0xffff, v12  }
0x1e6: {  	v17 =	vadd.s32 v1, v10;
	v9 =	vmov s26;
	[tilespmem:v13+s7+$0x0] =	vst.idx.msk $0xffff, v14;
	v12 =	vld [tilespmem:s4+$0x10]  }
0x1e7: {  	s20 =	simm.s32 $0x6040;
	v14 =	vadd.s32 v1, v11;
	v9 =	vand.u32 $0x3C, v9;
	v13 =	vld [tilespmem:s21+$0x10]  }
0x1e8: {  	[tilespmem:v15+s7+$0x0] =	vst.idx.msk $0xffff, v16;
	v15 =	vld [tilespmem:s20+$0xFFFFFFC0];
	v18 =	vadd.s32 v0, v9  }
0x1e9: {  	v16 =	vadd.s32 v1, v8;
	v19 =	vld [tilespmem:s9+$0x10];
	_ =	sdelay $0x1  }
0x1ea: {  	[tilespmem:v17+s7+$0x0] =	vst.idx.msk $0xffff, v12  }
0x1eb: {  	v17 =	vadd.s32 v2, v10;
	[tilespmem:v14+s7+$0x0] =	vst.idx.msk $0xffff, v13;
	v12 =	vld [tilespmem:s4+$0x20]  }
0x1ec: {  	v14 =	vadd.s32 v2, v11;
	[tilespmem:v18+s7+$0x0] =	vst.idx.msk $0xffff, v15;
	v13 =	vld [tilespmem:s21+$0x20]  }
0x1ed: {  	[tilespmem:v16+s7+$0x0] =	vst.idx.msk $0xffff, v19;
	v16 =	vadd.s32 v1, v9;
	v15 =	vld [tilespmem:s20+$0xFFFFFFD0];
	_ =	sdelay $0x2  }
0x1ee: {  	s14 =	simm.s32 $0x200;
	v18 =	vld [tilespmem:s9+$0x20];
	[tilespmem:v17+s7+$0x0] =	vst.idx.msk $0xffff, v12;
	v12 =	vadd.s32 v2, v8  }
0x1ef: {  	s30 =	simm.s32 $0x380;
	s12 =	simm.s32 $0x7;
	s10 =	sand.u32 $0x1C00, s14;
	v19 =	vadd.s32 v3, v10;
	[tilespmem:v14+s7+$0x0] =	vst.idx.msk $0xffff, v13;
	v17 =	vld [tilespmem:s4+$0x30]  }
0x1f0: {  	s6 =	sand.u32 $0x380, s30;
	s14 =	sor.u32 $0x6000, s10;
	v13 =	vmov s12;
	[tilespmem:v16+s7+$0x0] =	vst.idx.msk $0xffff, v15  }
0x1f1: {  	s11 =	sor.u32 s6, s14;
	v20 =	vadd.s32 v2, v9;
	v14 =	vand.u32 $0x3F, v13;
	v16 =	vld [tilespmem:s20+$0xFFFFFFE0]  }
0x1f2: {  	v25 =	vld [tilespmem:s11+$0x0];
	v24 =	vadd.s32 v0, v14  }
0x1f3: {  	s22 =	simm.s32 $0x6;
	v26 =	vadd.s32 v3, v11;
	s26 =	simm.s32 $0x300;
	v15 =	vld [tilespmem:s21+$0x30];
	[tilespmem:v12+s7+$0x0] =	vst.idx.msk $0xffff, v18  }
0x1f4: {  	s15 =	simm.s32 $0x5;
	s13 =	simm.s32 $0x280;
	s12 =	sand.u32 $0x300, s26;
	v13 =	vmov s22;
	v18 =	vadd.s32 v3, v8;
	[tilespmem:v19+s7+$0x0] =	vst.idx.msk $0xffff, v17;
	v17 =	vld [tilespmem:s9+$0x30]  }
0x1f5: {  	v21 =	vadd.s32 v4, v10;
	s16 =	sand.u32 $0x280, s13;
	s12 =	sor.u32 s12, s14;
	v13 =	vand.u32 $0x3E, v13;
	v12 =	vmov s15;
	v19 =	vld [tilespmem:s4+$0x40]  }
0x1f6: {  	s30 =	simm.s32 $0x4;
	s10 =	sor.u32 s16, s14;
	v12 =	vand.u32 $0x3D, v12;
	[tilespmem:v20+s7+$0x0] =	vst.idx.msk $0xffff, v16;
	v16 =	vadd.s32 v0, v13;
	v20 =	vld [tilespmem:s12+$0x0]  }
0x1f7: {  	v23 =	vld [tilespmem:s10+$0x0];
	v22 =	vadd.s32 v0, v12;
	[tilespmem:v24+s7+$0x0] =	vst.idx.msk $0xffff, v25;
	v24 =	vmov s30  }
0x1f8: {  	s22 =	simm.s32 $0x6240;
	[tilespmem:v26+s7+$0x0] =	vst.idx.msk $0xffff, v15;
	v15 =	vand.u32 $0x3C, v24  }
0x1f9: {  	v28 =	vld [tilespmem:s22+$0xFFFFFFC0];
	v26 =	vadd.s32 v0, v15;
	[tilespmem:v18+s7+$0x0] =	vst.idx.msk $0xffff, v17  }
0x1fa: {  	v18 =	vadd.s32 v4, v8;
	[tilespmem:v21+s7+$0x0] =	vst.idx.msk $0xffff, v19;
	v17 =	vld [tilespmem:s9+$0x40]  }
0x1fb: {  	[tilespmem:v16+s7+$0x0] =	vst.idx.msk $0xffff, v20;
	v16 =	vld [tilespmem:s11+$0x10];
	v20 =	vadd.s32 v1, v14  }
0x1fc: {  	[tilespmem:v22+s7+$0x0] =	vst.idx.msk $0xffff, v23;
	v21 =	vadd.s32 v5, v10;
	v19 =	vld [tilespmem:s4+$0x50]  }
0x1fd: {  	v22 =	vadd.s32 v1, v12;
	v23 =	vld [tilespmem:s10+$0x10]  }
0x1fe: {  	v25 =	vadd.s32 v1, v13;
	v24 =	vld [tilespmem:s12+$0x10];
	[tilespmem:v26+s7+$0x0] =	vst.idx.msk $0xffff, v28  }
0x1ff: {  	v27 =	vld [tilespmem:s20+$0xFFFFFFF0];
	[tilespmem:v18+s7+$0x0] =	vst.idx.msk $0xffff, v17  }
0x200: {  	v26 =	vld [tilespmem:s22+$0xFFFFFFD0];
	v17 =	vadd.s32 v3, v9;
	[tilespmem:v20+s7+$0x0] =	vst.idx.msk $0xffff, v16  }
0x201: {  	v18 =	vld [tilespmem:s21+$0x40];
	v16 =	vadd.s32 v4, v11;
	[tilespmem:v21+s7+$0x0] =	vst.idx.msk $0xffff, v19  }
0x202: {  	[tilespmem:v22+s7+$0x0] =	vst.idx.msk $0xffff, v23;
	v21 =	vld [tilespmem:s9+$0x50];
	v22 =	vadd.s32 v5, v8  }
0x203: {  	[tilespmem:v25+s7+$0x0] =	vst.idx.msk $0xffff, v24;
	v20 =	vld [tilespmem:s11+$0x20];
	v23 =	vadd.s32 v2, v14  }
0x204: {  	v25 =	vadd.s32 v2, v13;
	v24 =	vld [tilespmem:s12+$0x20]  }
0x205: {  	v28 =	vadd.s32 v1, v15;
	v19 =	vld [tilespmem:s10+$0x20];
	[tilespmem:v17+s7+$0x0] =	vst.idx.msk $0xffff, v27  }
0x206: {  	v17 =	vadd.s32 v4, v9;
	[tilespmem:v16+s7+$0x0] =	vst.idx.msk $0xffff, v18;
	v27 =	vld [tilespmem:s20+$0x0]  }
0x207: {  	v18 =	vld [tilespmem:s4+$0x60];
	[tilespmem:v22+s7+$0x0] =	vst.idx.msk $0xffff, v21;
	v21 =	vadd.s32 v6, v10  }
0x208: {  	[tilespmem:v23+s7+$0x0] =	vst.idx.msk $0xffff, v20;
	v20 =	vld [tilespmem:s21+$0x50];
	v22 =	vadd.s32 v5, v11  }
0x209: {  	[tilespmem:v25+s7+$0x0] =	vst.idx.msk $0xffff, v24;
	v23 =	vld [tilespmem:s11+$0x30];
	v24 =	vadd.s32 v3, v14  }
0x20a: {  	v31 =	vadd.s32 v3, v13;
	[tilespmem:v28+s7+$0x0] =	vst.idx.msk $0xffff, v26;
	v30 =	vld [tilespmem:s12+$0x30]  }
0x20b: {  	v28 =	vld [tilespmem:s22+$0xFFFFFFE0];
	[tilespmem:v17+s7+$0x0] =	vst.idx.msk $0xffff, v27  }
0x20c: {  	v29 =	vadd.s32 v2, v15;
	v26 =	vadd.s32 v6, v11;
	[tilespmem:v21+s7+$0x0] =	vst.idx.msk $0xffff, v18;
	v25 =	vld [tilespmem:s20+$0x10]  }
0x20d: {  	v16 =	vadd.s32 v6, v12;
	v21 =	vadd.s32 v5, v9;
	[tilespmem:v22+s7+$0x0] =	vst.idx.msk $0xffff, v20;
	v20 =	vld [tilespmem:s4+$0x70]  }
0x20e: {  	v17 =	vadd.s32 v6, v8;
	v27 =	vadd.s32 v2, v12;
	[tilespmem:v24+s7+$0x0] =	vst.idx.msk $0xffff, v23;
	v23 =	vld [tilespmem:s21+$0x60]  }
0x20f: {  	s13 =	simm.s32 $0x580;
	s14 =	simm.s32 $0x8;
	v18 =	vadd.s32 v6, v9;
	v24 =	vadd.s32 v4, v14;
	s4 =	simm.s32 $0x6440;
	[tilespmem:v31+s7+$0x0] =	vst.idx.msk $0xffff, v30;
	v22 =	vld [tilespmem:s11+$0x40]  }
.LBB2_27:
0x210: {  	s6 =	sadd.s32 $0xFFFFFE80, s13  }
0x211: {  	v30 =	vmov s14;
	s15 =	sadd.s32 $0x1, s14;
	s16 =	sadd.s32 $0x3, s14;
	[tilespmem:v29+s7+$0x0] =	vst.idx.msk $0xffff, v28;
	v28 =	vld [tilespmem:s9+$0x60];
	v29 =	vadd.s32 v7, v10;
	v10 =	vmov v14;
	s26 =	smov.u32 s14  }
0x212: {  	s30 =	sand.u32 $0x1C00, s6;
	v30 =	vand.u32 $0x3C, v30;
	v14 =	vmov s15;
	s15 =	sadd.s32 $0xFFFFFF00, s13;
	v31 =	vmov s16;
	s6 =	sadd.s32 $0x4, s14;
	v32 =	vld [tilespmem:s22+$0xFFFFFFF0];
	[tilespmem:v21+s7+$0x0] =	vst.idx.msk $0xffff, v25  }
0x213: {  	s16 =	sadd.s32 $0x2, s26;
	s26 =	sadd.s32 $0xFFFFFF80, s13;
	v21 =	vadd.s32 v0, v30;
	s15 =	sand.u32 $0x280, s15;
	v25 =	vand.u32 $0x3D, v14;
	v14 =	vand.u32 $0x3F, v31;
	[tilespmem:v27+s7+$0x0] =	vst.idx.msk $0xffff, v19;
	v19 =	vld [tilespmem:s20+$0x20]  }
0x214: {  	p0 =	slt.u32 s14, $0x3C;
	v34 =	vadd.s32 v3, v12;
	s30 =	sor.u32 $0x6000, s30;
	v31 =	vmov s16;
	s16 =	sand.u32 $0x300, s26;
	v27 =	vadd.s32 v6, v25;
	v33 =	vld [tilespmem:s10+$0x30];
	[tilespmem:v26+s7+$0x0] =	vst.idx.msk $0xffff, v23  }
0x215: {  	s14 =	sand.u32 $0x380, s13;
	s15 =	sor.u32 s15, s30;
	v23 =	vadd.s32 v0, v25;
	v26 =	vand.u32 $0x3E, v31;
	[tilespmem:v24+s7+$0x0] =	vst.idx.msk $0xffff, v22;
	v22 =	vld [tilespmem:s21+$0x70];
	v24 =	vadd.s32 v7, v11;
	s21 =	smov.u32 s12  }
0x216: {  	s14 =	sor.u32 s14, s30;
	v35 =	vadd.s32 v0, v26;
	v11 =	vmovc v13;
	v31 =	vld [tilespmem:s15+$0x0];
	[tilespmem:v17+s7+$0x0] =	vst.idx.msk $0xffff, v28;
	v17 =	vmov v16;
	v16 =	vmov v27  }
0x217: {  	v36 =	vadd.s32 v7, v8;
	v8 =	vmov v12;
	s12 =	sor.u32 s16, s30;
	v27 =	vadd.s32 v0, v14;
	v28 =	vld [tilespmem:s9+$0x70];
	[tilespmem:v29+s7+$0x0] =	vst.idx.msk $0xffff, v20;
	s9 =	smov.u32 s10;
	s10 =	smov.u32 s15  }
0x218: {  	v12 =	vmov v25;
	v13 =	vmov v26;
	v20 =	vld [tilespmem:s14+$0x0];
	[tilespmem:v18+s7+$0x0] =	vst.idx.msk $0xffff, v19  }
0x219: {  	v19 =	vadd.s32 v7, v9;
	v9 =	vmov v15;
	v15 =	vmov v30;
	v18 =	vld [tilespmem:s12+$0x0];
	[tilespmem:v34+s7+$0x0] =	vst.idx.msk $0xffff, v33  }
0x21a: {  	v25 =	vld [tilespmem:s20+$0x30];
	[tilespmem:v24+s7+$0x0] =	vst.idx.msk $0xffff, v22;
	s20 =	smov.u32 s22;
	s22 =	smov.u32 s4  }
0x21b: {  	v22 =	vadd.s32 v1, v12;
	v24 =	vadd.s32 v4, v8;
	[tilespmem:v23+s7+$0x0] =	vst.idx.msk $0xffff, v31;
	v23 =	vld [tilespmem:s9+$0x40]  }
0x21c: {  	v29 =	vadd.s32 v5, v10;
	v26 =	vld [tilespmem:s11+$0x50];
	[tilespmem:v36+s7+$0x0] =	vst.idx.msk $0xffff, v28  }
0x21d: {  	v28 =	vld [tilespmem:s10+$0x10];
	[tilespmem:v27+s7+$0x0] =	vst.idx.msk $0xffff, v20  }
0x21e: {  	v20 =	vadd.s32 v1, v14;
	[tilespmem:v35+s7+$0x0] =	vst.idx.msk $0xffff, v18;
	v18 =	vld [tilespmem:s14+$0x10]  }
0x21f: {  	v30 =	vadd.s32 v1, v13;
	v31 =	vadd.s32 v4, v9;
	v27 =	vld [tilespmem:s12+$0x10];
	[tilespmem:v19+s7+$0x0] =	vst.idx.msk $0xffff, v25  }
0x220: {  	v25 =	vld [tilespmem:s4+$0xFFFFFFC0];
	[tilespmem:v24+s7+$0x0] =	vst.idx.msk $0xffff, v23  }
0x221: {  	v23 =	vadd.s32 v3, v9;
	v24 =	vld [tilespmem:s21+$0x40];
	[tilespmem:v29+s7+$0x0] =	vst.idx.msk $0xffff, v26  }
0x222: {  	v26 =	vadd.s32 v5, v8;
	[tilespmem:v22+s7+$0x0] =	vst.idx.msk $0xffff, v28;
	v22 =	vld [tilespmem:s9+$0x50]  }
0x223: {  	v19 =	vld [tilespmem:s10+$0x20];
	[tilespmem:v20+s7+$0x0] =	vst.idx.msk $0xffff, v18;
	v18 =	vadd.s32 v4, v11  }
0x224: {  	[tilespmem:v30+s7+$0x0] =	vst.idx.msk $0xffff, v27;
	v20 =	vld [tilespmem:s14+$0x20];
	v27 =	vadd.s32 v2, v14  }
0x225: {  	v28 =	vadd.s32 v2, v13;
	[tilespmem:v21+s7+$0x0] =	vst.idx.msk $0xffff, v25;
	v25 =	vld [tilespmem:s12+$0x20];
	v21 =	vadd.s32 v5, v9  }
0x226: {  	v30 =	vadd.s32 v1, v15;
	v29 =	vld [tilespmem:s4+$0xFFFFFFD0];
	[tilespmem:v23+s7+$0x0] =	vst.idx.msk $0xffff, v32  }
0x227: {  	v23 =	vld [tilespmem:s20+$0x0];
	[tilespmem:v26+s7+$0x0] =	vst.idx.msk $0xffff, v22  }
0x228: {  	[tilespmem:v18+s7+$0x0] =	vst.idx.msk $0xffff, v24;
	v22 =	vld [tilespmem:s11+$0x60];
	v24 =	vadd.s32 v6, v10  }
0x229: {  	v26 =	vadd.s32 v5, v11;
	[tilespmem:v27+s7+$0x0] =	vst.idx.msk $0xffff, v20;
	v20 =	vld [tilespmem:s21+$0x50]  }
0x22a: {  	v33 =	vadd.s32 v3, v14;
	[tilespmem:v28+s7+$0x0] =	vst.idx.msk $0xffff, v25;
	v32 =	vld [tilespmem:s14+$0x30]  }
0x22b: {  	v34 =	vadd.s32 v3, v13;
	v18 =	vadd.s32 v6, v9;
	[tilespmem:v30+s7+$0x0] =	vst.idx.msk $0xffff, v29;
	v30 =	vld [tilespmem:s12+$0x30]  }
.Ltmp17:
0x22c: {  	v29 =	vadd.s32 v2, v15;
	v28 =	vld [tilespmem:s4+$0xFFFFFFE0];
	[tilespmem:v31+s7+$0x0] =	vst.idx.msk $0xffff, v23;
	(pc) =	sbr.rel @p0 .LBB2_27-.Ltmp17, $4  }
0x22d: {  	v25 =	vld [tilespmem:s20+$0x10];
	[tilespmem:v24+s7+$0x0] =	vst.idx.msk $0xffff, v22  }
0x22e: {  	v27 =	vadd.s32 v2, v12;
	[tilespmem:v26+s7+$0x0] =	vst.idx.msk $0xffff, v20;
	v20 =	vld [tilespmem:s11+$0x70];
	s11 =	smov.u32 s14  }
0x22f: {  	v26 =	vadd.s32 v6, v11;
	[tilespmem:v33+s7+$0x0] =	vst.idx.msk $0xffff, v32;
	v23 =	vld [tilespmem:s21+$0x60]  }
0x230: {  	s13 =	sadd.s32 $0x200, s13;
	s4 =	sadd.s32 $0x200, s4;
	v24 =	vadd.s32 v4, v14;
	s14 =	smov.u32 s6;
	[tilespmem:v34+s7+$0x0] =	vst.idx.msk $0xffff, v30;
	v22 =	vld [tilespmem:s11+$0x40]  }
0x231: {  	_ =	sdelay $0x3  }
0x232: {  	[tilespmem:v27+s7+$0x0] =	vst.idx.msk $0xffff, v19  }
0x233: {  	v35 =	vadd.s32 v3, v12;
	v19 =	vld [tilespmem:s10+$0x30];
	_ =	sdelay $0x1  }
0x234: {  	[tilespmem:v29+s7+$0x0] =	vst.idx.msk $0xffff, v28  }
0x235: {  	v36 =	vadd.s32 v3, v15;
	v28 =	vld [tilespmem:s22+$0xFFFFFFF0];
	_ =	sdelay $0x1  }
0x236: {  	v37 =	vld [tilespmem:s12+$0x40];
	v38 =	vadd.s32 v4, v13;
	[tilespmem:v35+s7+$0x0] =	vst.idx.msk $0xffff, v19  }
0x237: {  	v40 =	vadd.s32 v4, v12;
	[tilespmem:v21+s7+$0x0] =	vst.idx.msk $0xffff, v25;
	v39 =	vld [tilespmem:s10+$0x40]  }
0x238: {  	v43 =	vld [tilespmem:s9+$0x60];
	[tilespmem:v26+s7+$0x0] =	vst.idx.msk $0xffff, v23  }
0x239: {  	v10 =	vadd.s32 v7, v10;
	[tilespmem:v36+s7+$0x0] =	vst.idx.msk $0xffff, v28  }
0x23a: {  	v41 =	vadd.s32 v4, v15;
	[tilespmem:v24+s7+$0x0] =	vst.idx.msk $0xffff, v22;
	v42 =	vld [tilespmem:s22+$0x0]  }
0x23b: {  	v44 =	vadd.s32 v5, v14;
	v22 =	vld [tilespmem:s11+$0x50];
	[tilespmem:v38+s7+$0x0] =	vst.idx.msk $0xffff, v37  }
0x23c: {  	v45 =	vadd.s32 v5, v13;
	v19 =	vld [tilespmem:s12+$0x50];
	[tilespmem:v40+s7+$0x0] =	vst.idx.msk $0xffff, v39  }
0x23d: {  	v47 =	vadd.s32 v5, v12;
	[tilespmem:v17+s7+$0x0] =	vst.idx.msk $0xffff, v43;
	v46 =	vld [tilespmem:s10+$0x50]  }
0x23e: {  	v49 =	vld [tilespmem:s20+$0x20];
	[tilespmem:v10+s7+$0x0] =	vst.idx.msk $0xffff, v20  }
0x23f: {  	v11 =	vadd.s32 v7, v11;
	v50 =	vld [tilespmem:s21+$0x70];
	[tilespmem:v41+s7+$0x0] =	vst.idx.msk $0xffff, v42  }
0x240: {  	v48 =	vadd.s32 v5, v15;
	[tilespmem:v44+s7+$0x0] =	vst.idx.msk $0xffff, v22;
	v21 =	vld [tilespmem:s22+$0x10]  }
0x241: {  	v52 =	vadd.s32 v6, v14;
	v51 =	vld [tilespmem:s11+$0x60];
	[tilespmem:v45+s7+$0x0] =	vst.idx.msk $0xffff, v19  }
0x242: {  	v53 =	vadd.s32 v6, v13;
	v19 =	vld [tilespmem:s12+$0x60];
	[tilespmem:v47+s7+$0x0] =	vst.idx.msk $0xffff, v46  }
0x243: {  	[tilespmem:v18+s7+$0x0] =	vst.idx.msk $0xffff, v49;
	v54 =	vld [tilespmem:s10+$0x60]  }
0x244: {  	v8 =	vadd.s32 v7, v8;
	v57 =	vld [tilespmem:s9+$0x70];
	[tilespmem:v11+s7+$0x0] =	vst.idx.msk $0xffff, v50  }
0x245: {  	v9 =	vadd.s32 v7, v9;
	v58 =	vld [tilespmem:s20+$0x30];
	[tilespmem:v48+s7+$0x0] =	vst.idx.msk $0xffff, v21  }
0x246: {  	v55 =	vadd.s32 v6, v15;
	[tilespmem:v52+s7+$0x0] =	vst.idx.msk $0xffff, v51;
	v56 =	vld [tilespmem:s22+$0x20]  }
0x247: {  	v60 =	vadd.s32 v7, v14;
	v59 =	vld [tilespmem:s11+$0x70];
	[tilespmem:v53+s7+$0x0] =	vst.idx.msk $0xffff, v19  }
0x248: {  	v61 =	vadd.s32 v7, v13;
	v19 =	vld [tilespmem:s12+$0x70];
	[tilespmem:v16+s7+$0x0] =	vst.idx.msk $0xffff, v54  }
0x249: {  	v62 =	vadd.s32 v7, v12;
	[tilespmem:v8+s7+$0x0] =	vst.idx.msk $0xffff, v57;
	v16 =	vld [tilespmem:s10+$0x70]  }
0x24a: {  	[tilespmem:v9+s7+$0x0] =	vst.idx.msk $0xffff, v58  }
0x24b: {  	[tilespmem:v55+s7+$0x0] =	vst.idx.msk $0xffff, v56  }
0x24c: {  	v8 =	vadd.s32 v7, v15;
	[tilespmem:v60+s7+$0x0] =	vst.idx.msk $0xffff, v59;
	v63 =	vld [tilespmem:s22+$0x30]  }
0x24d: {  	[tilespmem:v61+s7+$0x0] =	vst.idx.msk $0xffff, v19  }
0x24e: {  	[tilespmem:v62+s7+$0x0] =	vst.idx.msk $0xffff, v16  }
0x24f: {  	s4 =	rddreg [dreg:$0xe]  }
0x250: {  	s6 =	simm.s32 $0xEC00;
	s4 =	sadd.s32 s8, s4  }
0x251: {  	s9 =	simm.s32 $0xEC48;
	[tilespmem:v8+s7+$0x0] =	vst.idx.msk $0xffff, v63;
	s8 =	simm.s32 $0x8;
	s10 =	sadd.s32 $0x0, s4  }
.LBB2_29:
0x252: {  	[hbm4b:s10+s2] =	stream.linear.scatter [tilespmem:s6], [sflag:$0x8], $0x40, $0x38;
	[tilespmem:$0x11000] =	vst v63  }
0x253: {  	s10 =	smov.u32 s8;
	s6 =	smov.u32 s9;
	p0 =	sne.s32 s8, $0x3F8  }
.Ltmp18:
0x254: {  	s8 =	sadd.s32 $0x8, s8;
	(pc) =	sbr.rel @p0 .LBB2_29-.Ltmp18, $2  }
0x255: {  	_ =	sdelay $0x2  }
0x256: {  	s9 =	sadd.s32 $0x48, s9;
	s10 =	sadd.s32 s10, s4  }
0x257: {  	p0 =	seq.s32 s17, $0x3D  }
.Ltmp19:
0x258: {  	_ = 	snop;
	(pc) =	sbr.rel @p0 .LBB2_32-.Ltmp19, $2  }
0x259: {  	_ =	sdelay $0x2  }
0x25a: {  	[hbm4b:s10+s2] =	stream.linear.scatter [tilespmem:s6], [sflag:$0x8], $0x40, $0x38;
	[tilespmem:$0x11000] =	vst v63  }
.Ltmp20:
0x25b: {  	s4 =	rddreg [dreg:$0xb];
	(pc) =	sbr.rel .LBB2_2-.Ltmp20, $4  }
0x25c: {  	s4 =	sadd.s32 s4, s5  }
0x25d: {  	s4 =	sshll.u32 s4, $0x7  }
0x25e: {  	s30 =	simm.s32 $0x6000;
	s17 =	sadd.s32 $0x1, s17;
	s4 =	sadd.s32 s3, s4  }
0x25f: {  	[tilespmem:s30], [sflag:$0x4] =	stream.strided.gather [hbm4b:s4+s18], $0x2000, s19, s18, $0x38;
	[tilespmem:$0x11000] =	vst v63  }
.LBB2_33:
0x260: {  	_ =	sfence.sel $0x180000  }
0x261: {  	[bflag:$0x0] =	sbarrier.arrive $0xFFFF  }
0x262: {  	_ =	strace $0x90000047  }
0x263: {  	s0 =	stileid.u32;
	[bflag:$0x2] =	sbarrier.arrive $0xFFFF  }
0x264: {  	p0 =	sne.s32 s0, $0x0;
	s0 =	rddreg [dreg:$0x1]  }
0x265: {  	s0 =	sadd.s32 @!p0 $0x100000, s0  }
0x266: {  	[sflag:s0] =	ssyncadd.tile.s32 @!p0 $0x1;
	_ =	shalt  }
.Lfunc_end2:
_tile_overlayer_lowered:
.L_overlay_start_2:
0x267: {  	(tag) =	ssettag $0x2  }
0x268: {  	s0 =	rddreg [dreg:$0x0];
	s2 =	stileid.u32  }
0x269: {  	s1 =	rddreg [dreg:$0x1];
	p0 =	sne.s32 s2, $0x0  }
0x26a: {  	s3 =	rddreg [dreg:$0x2];
	[bflag:$0x3] =	sbarrier.arrive $0xFFFF;
	s2 =	simm.s32 @!p0 $0x1C09  }
0x26b: {  	[timem:s3], [sflag:s2] =	dma.local @!p0 [hbm:s0], s1  }
0x26c: {  	s0 =	simm.s32 @!p0 $0x9  }
0x26d: {  	_ =	swait.ge @!p0 [sflag:s0], s1  }
0x26e: {  	s1 =	ssub.s32 @!p0 $0x0, s1;
	[sflag:s0] =	ssyncset.done @!p0 $0x0  }
0x26f: {  	[sflag:s0] =	ssyncadd.s32 @!p0 s1  }
0x270: {  	[bflag:$0x3] =	sbarrier.arrive $0xFFFF  }
0x271: {  	_ =	shalt  }

// kernel: kernel.7.cloned.1.call-start
scs
__scs_entry_jumppad:
0x0: {  	(pc) =	sbr.rel $0x88, $3  }
0x1: {  	(tag) =	ssettag $0x0;
	lr =	simm.s32 $0x1  }
0x2: {  	[smem:$0x3F9F] =	sst lr;
	_ =	strace $0xD0000000  }
0x3: {  	_ = 	snop  }
0x4: {  	_ = 	snop  }
0x5: {  	_ = 	snop  }
0x6: {  	_ = 	snop  }
0x7: {  	_ = 	snop  }
__scs_overlays_trampoline_lowered:
0x8: {  	[smem:$0x3FAE] =	sst s0  }
0x9: {  	[smem:$0x3FAF] =	sst s1  }
0xa: {  	[smem:$0x3FB0] =	sst s2  }
0xb: {  	[smem:$0x3FB1] =	sst s3  }
0xc: {  	[smem:$0x3FB2] =	sst s4  }
0xd: {  	[smem:$0x3FB3] =	sst s5  }
0xe: {  	[smem:$0x3FB4] =	sst s6  }
0xf: {  	[smem:$0x3FB5] =	sst s7  }
0x10: {  	[smem:$0x3FB6] =	sst s8  }
0x11: {  	[smem:$0x3FB7] =	sst s9;
	s0 =	simm.s32 @!p0 $0x0  }
0x12: {  	s1 =	sld [smem:$0x3F9D];
	s0 =	simm.s32 @p0 $0x1  }
0x13: {  	[smem:$0x3FB8] =	sst s0;
	s0 =	simm.s32 @!p1 $0x0  }
0x14: {  	s2 =	sld [smem:$0x3F9C];
	s0 =	simm.s32 @p1 $0x1  }
0x15: {  	[smem:$0x3FB9] =	sst s0;
	s0 =	simm.s32 @!p2 $0x0  }
0x16: {  	s3 =	sld [smem:$0x3FDB];
	s0 =	simm.s32 @p2 $0x1  }
0x17: {  	s4 =	simm.s32 $0x1BF5;
	[smem:$0x3FBB] =	sst s0  }
0x18: {  	s0 =	sld [smem:$0x3F9E];
	_ =	swait.ge [sflag:s4], $0x0  }
0x19: {  	s7 =	sld [smem:$0x3F9F]  }
0x1a: {  	s8 =	sadd.s32 $0xFFFFE003, lr  }
0x1b: {  	s9 =	sadd.s32 $0xFFFFFEF7, lr;
	s5 =	simm.s32 $0xFFFFFFFF;
	p2 =	slt.u32 s8, $0xFFFFF086  }
0x1c: {  	p1 =	slt.u32 s9, $0xF7A;
	s5 =	simm.s32 @!p2 $0x0  }
0x1d: {  	s5 =	simm.s32 @p1 $0x1;
	p0 =	seq.s32 s7, s2  }
0x1e: {  	s7 =	smul.u32 @!p0 $0xF7A, s2;
	p2 =	seq.s32 @!p0 s5, $0x0  }
0x1f: {  	s9 =	smul.u32 $0xF7A, s1;
	s8 =	simm.s32 @!p0 $0x1BF5;
	p2 =	por !p2, p0  }
0x20: {  	[sflag:s8] =	ssyncset.s32 @!p0 $0xFFFFF086;
	s6 =	sadd.s32 @!p0 s3, s7;
	s7 =	simm.s32 @!p0 $0x108  }
0x21: {  	s3 =	sadd.s32 s3, s9;
	s6 =	sadd.s32 @!p0 $0x88, s6;
	s7 =	simm.s32 @p2 $0x1082  }
0x22: {  	[simem:s7], [sflag:s8] =	dma.local @!p0 [hbm:s6], $0xF7A  }
0x23: {  	s9 =	sor.u32 $0xD0000000, s2;
	s6 =	simm.s32 $0x108;
	_ =	swait.ge @!p0 [sflag:s8], $0x0  }
0x24: {  	s3 =	sadd.s32 $0x88, s3;
	s6 =	simm.s32 @!p1 $0x1082;
	[sflag:s4] =	ssyncset.s32 $0xFFFFF086  }
0x25: {  	[simem:s6], [sflag:s4] =	dma.local [hbm:s3], $0xF7A  }
0x26: {  	[smem:$0x3F9F] =	sst s1;
	(tag) =	ssettag s2;
	_ =	strace s9  }
0x27: {  	s1 =	sld [smem:$0x3FAF]  }
0x28: {  	s2 =	sld [smem:$0x3FB0]  }
0x29: {  	s4 =	sld [smem:$0x3FB2]  }
0x2a: {  	p0 =	seq.s32 s5, $0x0;
	s5 =	sld [smem:$0x3FB3]  }
0x2b: {  	s6 =	sld [smem:$0x3FB4]  }
0x2c: {  	s7 =	sld [smem:$0x3FB5]  }
0x2d: {  	s3 =	simm.s32 $0x108;
	s8 =	sld [smem:$0x3FB6]  }
0x2e: {  	s3 =	simm.s32 @!p0 $0x1082;
	s9 =	sld [smem:$0x3FB7]  }
0x2f: {  	lr =	sadd.s32 s0, s3;
	s0 =	sld [smem:$0x3FAE]  }
0x30: {  	s3 =	sld [smem:$0x3FB1]  }
0x31: {  	[smem:$0x3FBA] =	sst s10  }
0x32: {  	s10 =	sld [smem:$0x3FB8];
	_ =	sdelay $0x3  }
0x33: {  	p0 =	seq.s32 s10, $0x1;
	s10 =	sld [smem:$0x3FBA];
	_ =	sdelay $0x3  }
0x34: {  	[smem:$0x3FBA] =	sst s10  }
0x35: {  	s10 =	sld [smem:$0x3FB9];
	_ =	sdelay $0x3  }
0x36: {  	p1 =	seq.s32 s10, $0x1;
	s10 =	sld [smem:$0x3FBA];
	_ =	sdelay $0x3  }
0x37: {  	[smem:$0x3FBA] =	sst s10  }
0x38: {  	s10 =	sld [smem:$0x3FBB]  }
0x39: {  	_ = 	snop;
	(pc) =	sbr.ind lr, $3  }
0x3a: {  	_ = 	snop  }
0x3b: {  	_ = 	snop  }
0x3c: {  	p2 =	seq.s32 s10, $0x1;
	s10 =	sld [smem:$0x3FBA]  }
0x3d: {  	_ =	shalt  }
0x3e: {  	_ =	shalt  }
0x3f: {  	_ =	shalt  }
0x40: {  	_ =	shalt  }
0x41: {  	_ =	shalt  }
0x42: {  	_ =	shalt  }
0x43: {  	_ =	shalt  }
0x44: {  	_ =	shalt  }
0x45: {  	_ =	shalt  }
0x46: {  	_ =	shalt  }
0x47: {  	_ =	shalt  }
0x48: {  	_ =	shalt  }
0x49: {  	_ =	shalt  }
0x4a: {  	_ =	shalt  }
0x4b: {  	_ =	shalt  }
0x4c: {  	_ =	shalt  }
0x4d: {  	_ =	shalt  }
0x4e: {  	_ =	shalt  }
0x4f: {  	_ =	shalt  }
0x50: {  	_ =	shalt  }
0x51: {  	_ =	shalt  }
0x52: {  	_ =	shalt  }
0x53: {  	_ =	shalt  }
0x54: {  	_ =	shalt  }
0x55: {  	_ =	shalt  }
0x56: {  	_ =	shalt  }
0x57: {  	_ =	shalt  }
0x58: {  	_ =	shalt  }
0x59: {  	_ =	shalt  }
0x5a: {  	_ =	shalt  }
0x5b: {  	_ =	shalt  }
0x5c: {  	_ =	shalt  }
0x5d: {  	_ =	shalt  }
0x5e: {  	_ =	shalt  }
0x5f: {  	_ =	shalt  }
0x60: {  	_ =	shalt  }
0x61: {  	_ =	shalt  }
0x62: {  	_ =	shalt  }
0x63: {  	_ =	shalt  }
0x64: {  	_ =	shalt  }
0x65: {  	_ =	shalt  }
0x66: {  	_ =	shalt  }
0x67: {  	_ =	shalt  }
0x68: {  	_ =	shalt  }
0x69: {  	_ =	shalt  }
0x6a: {  	_ =	shalt  }
0x6b: {  	_ =	shalt  }
0x6c: {  	_ =	shalt  }
0x6d: {  	_ =	shalt  }
0x6e: {  	_ =	shalt  }
0x6f: {  	_ =	shalt  }
0x70: {  	_ =	shalt  }
0x71: {  	_ =	shalt  }
0x72: {  	_ =	shalt  }
0x73: {  	_ =	shalt  }
0x74: {  	_ =	shalt  }
0x75: {  	_ =	shalt  }
0x76: {  	_ =	shalt  }
0x77: {  	_ =	shalt  }
0x78: {  	_ =	shalt  }
0x79: {  	_ =	shalt  }
0x7a: {  	_ =	shalt  }
0x7b: {  	_ =	shalt  }
0x7c: {  	_ =	shalt  }
0x7d: {  	_ =	shalt  }
0x7e: {  	_ =	shalt  }
0x7f: {  	_ =	shalt  }
0x80: {  	_ =	shalt  }
0x81: {  	_ =	shalt  }
0x82: {  	_ =	shalt  }
0x83: {  	_ =	shalt  }
0x84: {  	_ =	shalt  }
0x85: {  	_ =	shalt  }
0x86: {  	_ =	shalt  }
0x87: {  	_ =	shalt  }
.Lfunc_end0:
.L_simem_size_0:
called_computation.1_lowered:
.L_overlay_start_0:
0x88: {  	s2 =	sld [smem:$0x3FD9]  }
0x89: {  	s3 =	sld [smem:$0x3FFE];
	_ =	sdelay $0x1  }
0x8a: {  	s1 =	srdreg.scid  }
0x8b: {  	s0 =	sand.u32 $0x1, s1  }
0x8c: {  	s17 =	sshll.u32 s0, $0xA;
	s2 =	sadd.s32 s3, s2  }
0x8d: {  	s2 =	sadd.s32 s2, s17  }
0x8e: {  	[smem:$0x3FC6] =	sst s2  }
0x8f: {  	_ = 	snop  }
0x90: {  	s2 =	sld [smem:$0x3FD0];
	(tm) =	ssettm $0x1  }
0x91: {  	s18 =	sld [smem:$0x3FFB];
	_ =	sdelay $0x3  }
0x92: {  	_ =	strace s18  }
0x93: {  	s3 =	sld [smem:$0x3FFC];
	_ =	sdelay $0x3  }
0x94: {  	_ =	strace s3  }
0x95: {  	s3 =	sld [smem:$0x3FFD];
	_ =	sdelay $0x3  }
0x96: {  	_ =	strace s3  }
0x97: {  	_ =	strace $0x8FFFFFFF  }
0x98: {  	s19 =	sld [smem:$0x3FDB];
	_ =	sdelay $0x1  }
0x99: {  	s4 =	simm.s32 $_scs_section_size  }
0x9a: {  	s5 =	simm.s32 $_size__tile_overlayer_lowered;
	s6 =	simm.s32 $_tile_overlayer_lowered  }
0x9b: {  	s22 =	simm.s32 $0x1BFF;
	s21 =	sshll.u32 s6, $0x1;
	s3 =	sadd.s32 s4, s19  }
0x9c: {  	s7 =	simm.s32 $0x0;
	s20 =	sshll.u32 s5, $0x1;
	s5 =	sadd.s32 s21, s3  }
0x9d: {  	[timem:s7], [sflag:s22] =	dma.local [hbm:s5], s20  }
0x9e: {  	_ =	swait.ge [sflag:s22], s20  }
0x9f: {  	s4 =	ssub.s32 $0x0, s20;
	[sflag:s22] =	ssyncset.done $0x0  }
0xa0: {  	[sflag:s22] =	ssyncadd.s32 s4;
	_ =	sdelay $0x1  }
0xa1: {  	s23 =	simm.s32 $0x1B8B  }
0xa2: {  	_ =	swait.ge [sflag:s23], $0x1  }
0xa3: {  	[sflag:s23] =	ssyncset.done $0x0  }
0xa4: {  	s25 =	simm.s32 $0x1B8E;
	s24 =	sld [smem:$0x3FFE];
	[sflag:s23] =	ssyncadd.s32 $0xFFFFFFFF  }
0xa5: {  	s26 =	simm.s32 $execute0_lowered;
	[smem:$0x3FD2] =	sst s25  }
0xa6: {  	s5 =	sshll.u32 s26, $0x1;
	_ =	strace $0x80000049;
	[dreg:$0x1] =	wrdreg $0xFFFFFFFF  }
0xa7: {  	s28 =	simm.s32 $_size_execute0_lowered;
	s3 =	sadd.s32 s3, s5;
	[dreg:$0x0] =	wrdreg $0x0  }
0xa8: {  	s5 =	sshll.u32 s28, $0x1;
	[dreg:$0x2] =	wrdreg s3  }
0xa9: {  	[dreg:$0x3] =	wrdreg s5  }
0xaa: {  	[dreg:$0x4] =	wrdreg $0xC0  }
0xab: {  	_ =	task [dreg:s7], $0x5FFFF  }
0xac: {  	[dreg:$0x1] =	wrdreg $0xFFFFFFFF  }
0xad: {  	[dreg:$0x0] =	wrdreg $0x60  }
0xae: {  	[dreg:$0x2] =	wrdreg s24  }
0xaf: {  	[dreg:$0x3] =	wrdreg s2  }
0xb0: {  	[dreg:$0x4] =	wrdreg $0x9  }
0xb1: {  	_ =	task.clear_ibuf [dreg:s7], $0x5FFFF;
	_ =	strace $0x90000049  }
0xb2: {  	s29 =	simm.s32 $0x9;
	_ =	strace $0x8000004B  }
0xb3: {  	_ =	swait.ge [sflag:s29], $0x1  }
0xb4: {  	[sflag:s29] =	ssyncadd.s32 $0xFFFFFFFF  }
0xb5: {  	_ =	strace $0x9000004B  }
0xb6: {  	_ =	sfence  }
0xb7: {  	s30 =	sld [smem:$0x0];
	_ =	sdelay $0x2  }
0xb8: {  	s31 =	sshll.u32 s1, $0xD;
	s1 =	sshrl.u32 s1, $0x2  }
0xb9: {  	s3 =	sand.u32 $0x4000, s31;
	s1 =	sadd.s32 s1, s30  }
0xba: {  	s0 =	sor.u32 s3, s0;
	s1 =	sshll.u32 s1, $0x11  }
0xbb: {  	s0 =	sor.u32 s1, s0  }
0xbc: {  	s0 =	sadd.s32 $0x8F2B, s0  }
0xbd: {  	[sflag:s0] =	ssyncadd.remote.s32 $0x1  }
0xbe: {  	_ =	sfence.sel $0xFFFF  }
0xbf: {  	[dreg:$0x0] =	wrdreg $0xFFFFFFFF;
	(pc) =	sbr.abs _section_cstart, $3  }
0xc0: {  	[dreg:$0x1] =	wrdreg $0xFFFFFFFF  }
0xc1: {  	_ =	task.clear_ibuf [dreg:s7], $0x2FFFF;
	_ =	strace $0x9FFFFFFF  }
0xc2: {  	(tm) =	ssettm $0x7FFFFFFF  }
0xc3: {  	_ =	shalt  }
tec
execute0_lowered:
.L_overlay_start_1:
0x0: {  	(tag) =	ssettag $0x1  }
0x1: {  	s1 =	rddreg [dreg:$0x0]  }
0x2: {  	s0 =	srdreg.scid;
	s2 =	rddreg [dreg:$0x1]  }
0x3: {  	s5 =	stileid.u32;
	s3 =	simm.s32 $0x0;
	s11 =	simm.s32 $0x80  }
0x4: {  	s14 =	simm.s32 $0x6400;
	s15 =	simm.s32 $0x8400;
	s17 =	simm.s32 $0xA400  }
0x5: {  	s19 =	simm.s32 $0xC400;
	s20 =	simm.s32 $0x1;
	s21 =	simm.s32 $0xE400  }
0x6: {  	s22 =	simm.s32 $0x2;
	s23 =	simm.s32 $0x6;
	s24 =	simm.s32 $0x10600  }
0x7: {  	s25 =	simm.s32 $0x3;
	s28 =	simm.s32 $0x12800;
	s29 =	simm.s32 $0x4  }
0x8: {  	s30 =	simm.s32 $0x8;
	s31 =	simm.s32 $0x14A00;
	s0 =	sand.u32 $0x1, s0  }
0x9: {  	[smem:$0x7FF] =	sst s3;
	s8 =	sadd.s32 $0x10000, s2;
	s9 =	sadd.s32 $0x18000, s2  }
0xa: {  	s4 =	sshll.u32 s0, $0x4;
	s0 =	ssub.s32 $0x2, s0;
	_ =	strace $0x8000004A  }
.Ltmp0:
0xb: {  	s5 =	sor.u32 s5, s4;
	s7 =	sshrl.u32 s0, $0x1;
	(pc) =	sbr.rel .LBB2_1-.Ltmp0, $4  }
0xc: {  	v0 =	vlaneseq.u32;
	s4 =	sshll.u32 s5, $0x4;
	s0 =	ssub.s32 s0, s7;
	s7 =	sadd.s32 $0x8000, s2  }
0xd: {  	v0 =	vmul.u32 $0x88, v0;
	s6 =	sadd.s32 s4, s1;
	s4 =	sadd.s32 $0x7C0A00, s1;
	s0 =	smax.u32 s0, $0x1  }
0xe: {  	s1 =	simm.s32 $0x0;
	s26 =	sadd.s32 $0xF80A00, s6;
	[dreg:$0x4] =	wrdreg s0  }
0xf: {  	v1 =	vadd.s32 $0x880, v0;
	v2 =	vadd.s32 $0x1100, v0;
	v3 =	vadd.s32 $0x1980, v0;
	s6 =	sshll.u32 s5, $0x7;
	[dreg:$0x3] =	wrdreg s26;
	s26 =	simm.s32 $0x7  }
.LBB2_32:
0x10: {  	s0 =	simm.s32 $0x5  }
0x11: {  	_ =	swait.ge [sflag:s0], $0x2000  }
0x12: {  	[sflag:s0] =	ssyncset.done $0x0  }
0x13: {  	[sflag:s0] =	ssyncadd.s32 $0xFFFFE000  }
0x14: {  	_ =	swait.ge [sflag:s23], $0x2000  }
0x15: {  	[sflag:s23] =	ssyncset.done $0x0  }
0x16: {  	[sflag:s23] =	ssyncadd.s32 $0xFFFFE000  }
0x17: {  	_ =	swait.ge [sflag:s26], $0x2000  }
0x18: {  	[sflag:s26] =	ssyncset.done $0x0  }
0x19: {  	[sflag:s26] =	ssyncadd.s32 $0xFFFFE000  }
0x1a: {  	_ =	swait.ge [sflag:s30], $0x2000  }
0x1b: {  	s1 =	rddreg [dreg:$0x5]  }
0x1c: {  	s18 =	rddreg [dreg:$0x4];
	s1 =	sadd.s32 $0x1, s1  }
0x1d: {  	p0 =	sne.s32 s1, s18  }
.Ltmp1:
0x1e: {  	_ = 	snop;
	(pc) =	sbr.rel @!p0 .LBB2_33-.Ltmp1, $3  }
0x1f: {  	_ =	sdelay $0x1  }
0x20: {  	[sflag:s30] =	ssyncset.done $0x0  }
0x21: {  	[sflag:s30] =	ssyncadd.s32 $0xFFFFE000  }
.LBB2_1:
0x22: {  	[dreg:$0x5] =	wrdreg s1  }
0x23: {  	s0 =	rddreg [dreg:$0x3];
	s12 =	simm.s32 $0x1000;
	s13 =	simm.s32 $0x9  }
0x24: {  	[tilespmem:s3], [sflag:$0x9] =	stream.strided.gather [hbm4b:s0+s11], $0x6400, s12, s11, $0x38;
	[tilespmem:$0x16C00] =	vst v63  }
0x25: {  	_ =	swait.ge [sflag:s13], $0x6400  }
0x26: {  	[sflag:s13] =	ssyncset.done $0x0  }
0x27: {  	[sflag:s13] =	ssyncadd.s32 $0xFFFF9C00  }
0x28: {  	[tilespmem:s14], [sflag:$0x1] =	stream.indirect.gather [hbm4b:s4+s11], $0x40, s3, s11, $0xb8;
	[tilespmem:$0x16C00] =	vst v63  }
0x29: {  	_ = 	snop  }
0x2a: {  	[tilespmem:s15], [sflag:$0x2] =	stream.indirect.gather [hbm4b:s4+s11], $0x40, s11, s11, $0xb8;
	[tilespmem:$0x16C00] =	vst v63  }
0x2b: {  	s16 =	simm.s32 $0x100  }
0x2c: {  	[tilespmem:s17], [sflag:$0x3] =	stream.indirect.gather [hbm4b:s4+s11], $0x40, s16, s11, $0xb8;
	[tilespmem:$0x16C00] =	vst v63  }
0x2d: {  	s18 =	simm.s32 $0x180;
	s12 =	simm.s32 $0x0  }
0x2e: {  	[tilespmem:s19], [sflag:$0x4] =	stream.indirect.gather [hbm4b:s4+s11], $0x40, s18, s11, $0xb8;
	[tilespmem:$0x16C00] =	vst v63  }
.LBB2_2:
0x2f: {  	_ =	swait.ge [sflag:s20], $0x2000  }
0x30: {  	p0 =	seq.s32 s12, $0x0;
	[sflag:s20] =	ssyncset.done $0x0  }
0x31: {  	s0 =	simm.s32 @!p0 $0x5;
	[sflag:s20] =	ssyncadd.s32 $0xFFFFE000  }
0x32: {  	_ =	swait.ge @!p0 [sflag:s0], $0x2000  }
0x33: {  	[sflag:s0] =	ssyncset.done @!p0 $0x0  }
0x34: {  	s10 =	simm.s32 $0x6480;
	s16 =	simm.s32 $0x3;
	[sflag:s0] =	ssyncadd.s32 @!p0 $0xFFFFE000  }
0x35: {  	v4 =	vmov s16;
	v5 =	vld [tilespmem:s10+$0x40]  }
0x36: {  	v9 =	vand.u32 $0x7F, v4  }
0x37: {  	s18 =	simm.s32 $0x0;
	v4 =	vadd.s32 v0, v9  }
0x38: {  	s1 =	simm.s32 $0x1;
	s5 =	simm.s32 $0x2;
	v6 =	vmov s18;
	v7 =	vld [tilespmem:s10+$0xFFFFFF80]  }
0x39: {  	v11 =	vmov s5;
	v8 =	vand.u32 $0x7C, v6;
	v6 =	vmov s1;
	v10 =	vld [tilespmem:s10+$0xFFFFFFC0]  }
0x3a: {  	v12 =	vadd.s32 v0, v8;
	v15 =	vand.u32 $0x7D, v6;
	v6 =	vld [tilespmem:s10+$0x0];
	v5 =	vmul.f32 $8.000000000e+00, v5  }
0x3b: {  	v17 =	vand.u32 $0x7E, v11;
	v13 =	vadd.s32 v0, v15  }
0x3c: {  	v11 =	vadd.s32 v0, v17;
	[tilespmem:v4+s21+$0x0] =	vst.idx.msk $0xffff, v5  }
0x3d: {  	v4 =	vmul.f32 $8.000000000e+00, v7;
	v5 =	vld [tilespmem:s10+$0x50]  }
0x3e: {  	v7 =	vmul.f32 $8.000000000e+00, v10  }
0x3f: {  	[tilespmem:v12+s21+$0x0] =	vst.idx.msk $0xffff, v4;
	v4 =	vmul.f32 $8.000000000e+00, v6;
	v6 =	vadd.s32 v1, v9  }
0x40: {  	[tilespmem:v13+s21+$0x0] =	vst.idx.msk $0xffff, v7;
	v10 =	vld [tilespmem:s10+$0xFFFFFF90]  }
0x41: {  	v7 =	vld [tilespmem:s10+$0xFFFFFFD0];
	[tilespmem:v11+s21+$0x0] =	vst.idx.msk $0xffff, v4  }
0x42: {  	v11 =	vld [tilespmem:s10+$0x10];
	v4 =	vmul.f32 $8.000000000e+00, v5  }
0x43: {  	s13 =	simm.s32 $0x4;
	s18 =	simm.s32 $0x7;
	s16 =	simm.s32 $0x6580;
	v12 =	vadd.s32 v1, v15  }
0x44: {  	v14 =	vld [tilespmem:s16+$0x40];
	v13 =	vadd.s32 v1, v17;
	v5 =	vmov s13;
	[tilespmem:v6+s21+$0x0] =	vst.idx.msk $0xffff, v4;
	v6 =	vmov s18  }
0x45: {  	v16 =	vadd.s32 v1, v8;
	v4 =	vand.u32 $0x7C, v5;
	v5 =	vand.u32 $0x7F, v6;
	v18 =	vld [tilespmem:s10+$0x60]  }
0x46: {  	s1 =	simm.s32 $0x5;
	v22 =	vadd.s32 v2, v9;
	v19 =	vld [tilespmem:s16+$0xFFFFFF80];
	v6 =	vmul.f32 $8.000000000e+00, v7;
	v20 =	vadd.s32 v0, v5  }
0x47: {  	s5 =	simm.s32 $0x6;
	v21 =	vld [tilespmem:s16+$0xFFFFFFC0];
	v10 =	vmul.f32 $8.000000000e+00, v10;
	v7 =	vmul.f32 $8.000000000e+00, v11;
	v11 =	vmov s1  }
0x48: {  	v23 =	vadd.s32 v0, v4;
	[tilespmem:v12+s21+$0x0] =	vst.idx.msk $0xffff, v6;
	v12 =	vmov s5;
	v6 =	vand.u32 $0x7D, v11;
	v11 =	vld [tilespmem:s16+$0x0]  }
0x49: {  	[tilespmem:v13+s21+$0x0] =	vst.idx.msk $0xffff, v7;
	v13 =	vadd.s32 v0, v6;
	v7 =	vand.u32 $0x7E, v12;
	v12 =	vmul.f32 $8.000000000e+00, v14;
	v14 =	vld [tilespmem:s10+$0xFFFFFFE0]  }
0x4a: {  	[tilespmem:v16+s21+$0x0] =	vst.idx.msk $0xffff, v10;
	v10 =	vadd.s32 v0, v7;
	v16 =	vld [tilespmem:s10+$0x20];
	v18 =	vmul.f32 $8.000000000e+00, v18  }
0x4b: {  	v19 =	vmul.f32 $8.000000000e+00, v19;
	[tilespmem:v20+s21+$0x0] =	vst.idx.msk $0xffff, v12;
	v12 =	vld [tilespmem:s10+$0xFFFFFFA0];
	v20 =	vadd.s32 v2, v15  }
0x4c: {  	v25 =	vadd.s32 v2, v17;
	v21 =	vmul.f32 $8.000000000e+00, v21;
	v24 =	vld [tilespmem:s16+$0x50];
	[tilespmem:v22+s21+$0x0] =	vst.idx.msk $0xffff, v18  }
0x4d: {  	[tilespmem:v23+s21+$0x0] =	vst.idx.msk $0xffff, v19;
	v19 =	vadd.s32 v2, v8;
	v11 =	vmul.f32 $8.000000000e+00, v11;
	v22 =	vld [tilespmem:s10+$0x70]  }
0x4e: {  	v23 =	vld [tilespmem:s16+$0xFFFFFF90];
	[tilespmem:v13+s21+$0x0] =	vst.idx.msk $0xffff, v21;
	v21 =	vadd.s32 v1, v5;
	v14 =	vmul.f32 $8.000000000e+00, v14  }
0x4f: {  	v27 =	vadd.s32 v3, v9;
	v26 =	vld [tilespmem:s16+$0xFFFFFFD0];
	[tilespmem:v10+s21+$0x0] =	vst.idx.msk $0xffff, v11;
	v10 =	vmul.f32 $8.000000000e+00, v16  }
0x50: {  	v18 =	vadd.s32 v1, v4;
	v13 =	vld [tilespmem:s16+$0x10];
	v9 =	vmul.f32 $8.000000000e+00, v12;
	[tilespmem:v20+s21+$0x0] =	vst.idx.msk $0xffff, v14  }
0x51: {  	s5 =	simm.s32 $0x8;
	v16 =	vadd.s32 v1, v6;
	[tilespmem:v25+s21+$0x0] =	vst.idx.msk $0xffff, v10;
	v14 =	vmul.f32 $8.000000000e+00, v24;
	v12 =	vld [tilespmem:s10+$0xFFFFFFF0]  }
0x52: {  	v20 =	vmov s5;
	v10 =	vadd.s32 v1, v7;
	v11 =	vld [tilespmem:s10+$0x30];
	[tilespmem:v19+s21+$0x0] =	vst.idx.msk $0xffff, v9;
	v63 =	vmul.f32 $8.000000000e+00, v22  }
0x53: {  	s13 =	simm.s32 $0xB;
	s18 =	simm.s32 $0x6680;
	v15 =	vadd.s32 v3, v15;
	v9 =	vand.u32 $0x7C, v20;
	v20 =	vmul.f32 $8.000000000e+00, v23;
	[tilespmem:v21+s21+$0x0] =	vst.idx.msk $0xffff, v14;
	v14 =	vld [tilespmem:s10+$0xFFFFFFB0]  }
0x54: {  	v17 =	vadd.s32 v3, v17;
	v22 =	vmov s13;
	v19 =	vld [tilespmem:s18+$0x40];
	s10 =	simm.s32 $0xC;
	v21 =	vmul.f32 $8.000000000e+00, v26;
	[tilespmem:v27+s21+$0x0] =	vst.idx.msk $0xffff, v63  }
.LBB2_3:
0x55: {  	p1 =	slt.u32 s10, $0x7C;
	s0 =	sadd.s32 $0x1, s5;
	v22 =	vand.u32 $0x7F, v22;
	[tilespmem:v18+s21+$0x0] =	vst.idx.msk $0xffff, v20;
	v13 =	vmul.f32 $8.000000000e+00, v13;
	v18 =	vld [tilespmem:s16+$0x60];
	v20 =	vadd.s32 v3, v8;
	v8 =	vmovc v4  }
0x56: {  	v4 =	vmovc v9;
	v23 =	vld [tilespmem:s18+$0xFFFFFF80];
	v24 =	vmov s0;
	s0 =	sadd.s32 $0x2, s5;
	v25 =	vadd.s32 v0, v22;
	[tilespmem:v16+s21+$0x0] =	vst.idx.msk $0xffff, v21;
	v12 =	vmul.f32 $8.000000000e+00, v12;
	s5 =	smov.u32 s10  }
0x57: {  	v9 =	vld [tilespmem:s18+$0xFFFFFFC0];
	v16 =	vmov s0;
	[tilespmem:v10+s21+$0x0] =	vst.idx.msk $0xffff, v13;
	v10 =	vadd.s32 v2, v5;
	v11 =	vmul.f32 $8.000000000e+00, v11  }
0x58: {  	v13 =	vadd.s32 v0, v4;
	v21 =	vand.u32 $0x7D, v24;
	v24 =	vld [tilespmem:s18+$0x0];
	v14 =	vmul.f32 $8.000000000e+00, v14;
	[tilespmem:v15+s21+$0x0] =	vst.idx.msk $0xffff, v12  }
0x59: {  	v12 =	vadd.s32 v0, v21;
	v26 =	vand.u32 $0x7E, v16;
	v15 =	vmul.f32 $8.000000000e+00, v19;
	v16 =	vld [tilespmem:s16+$0xFFFFFFE0];
	[tilespmem:v17+s21+$0x0] =	vst.idx.msk $0xffff, v11  }
0x5a: {  	v11 =	vadd.s32 v0, v26;
	v17 =	vld [tilespmem:s16+$0x20];
	v18 =	vmul.f32 $8.000000000e+00, v18;
	[tilespmem:v20+s21+$0x0] =	vst.idx.msk $0xffff, v14  }
0x5b: {  	v19 =	vadd.s32 v2, v6;
	v14 =	vmul.f32 $8.000000000e+00, v23;
	[tilespmem:v25+s21+$0x0] =	vst.idx.msk $0xffff, v15;
	v15 =	vld [tilespmem:s16+$0xFFFFFFA0]  }
0x5c: {  	v23 =	vadd.s32 v2, v7;
	v9 =	vmul.f32 $8.000000000e+00, v9;
	v20 =	vld [tilespmem:s18+$0x50];
	[tilespmem:v10+s21+$0x0] =	vst.idx.msk $0xffff, v18  }
0x5d: {  	[tilespmem:v13+s21+$0x0] =	vst.idx.msk $0xffff, v14;
	v10 =	vmul.f32 $8.000000000e+00, v24;
	v14 =	vadd.s32 v2, v8;
	v24 =	vld [tilespmem:s16+$0x70]  }
0x5e: {  	v27 =	vadd.s32 v1, v22;
	v25 =	vld [tilespmem:s18+$0xFFFFFF90];
	[tilespmem:v12+s21+$0x0] =	vst.idx.msk $0xffff, v9;
	v9 =	vmul.f32 $8.000000000e+00, v16  }
0x5f: {  	v29 =	vadd.s32 v3, v5;
	v5 =	vmov v22;
	v28 =	vld [tilespmem:s18+$0xFFFFFFD0];
	[tilespmem:v11+s21+$0x0] =	vst.idx.msk $0xffff, v10;
	v10 =	vmul.f32 $8.000000000e+00, v17  }
.Ltmp2:
0x60: {  	v18 =	vadd.s32 v1, v4;
	v13 =	vld [tilespmem:s18+$0x10];
	v11 =	vmul.f32 $8.000000000e+00, v15;
	[tilespmem:v19+s21+$0x0] =	vst.idx.msk $0xffff, v9;
	(pc) =	sbr.rel @p1 .LBB2_3-.Ltmp2, $4  }
0x61: {  	v16 =	vadd.s32 v1, v21;
	v15 =	vmul.f32 $8.000000000e+00, v20;
	v12 =	vld [tilespmem:s16+$0xFFFFFFF0];
	[tilespmem:v23+s21+$0x0] =	vst.idx.msk $0xffff, v10  }
0x62: {  	v9 =	vmov s10;
	v10 =	vadd.s32 v1, v26;
	[tilespmem:v14+s21+$0x0] =	vst.idx.msk $0xffff, v11;
	v11 =	vld [tilespmem:s16+$0x30];
	v23 =	vmul.f32 $8.000000000e+00, v24  }
0x63: {  	s0 =	sadd.s32 $0x3, s10;
	v9 =	vand.u32 $0x7C, v9;
	v20 =	vmul.f32 $8.000000000e+00, v25;
	[tilespmem:v27+s21+$0x0] =	vst.idx.msk $0xffff, v15;
	v14 =	vld [tilespmem:s16+$0xFFFFFFB0];
	v15 =	vadd.s32 v3, v6;
	v6 =	vmovc v21;
	s16 =	smov.u32 s18;
	s18 =	sadd.s32 $0x100, s18  }
0x64: {  	v22 =	vmov s0;
	v17 =	vadd.s32 v3, v7;
	v7 =	vmovc v26;
	s10 =	sadd.s32 $0x4, s10;
	v19 =	vld [tilespmem:s18+$0x40];
	v21 =	vmul.f32 $8.000000000e+00, v28;
	[tilespmem:v29+s21+$0x0] =	vst.idx.msk $0xffff, v23  }
0x65: {  	s0 =	sadd.s32 $0x1, s5;
	v22 =	vand.u32 $0x7F, v22;
	v28 =	vld [tilespmem:s18+$0xFFFFFF80]  }
0x66: {  	s5 =	sadd.s32 $0x2, s5;
	v24 =	vld [tilespmem:s18+$0xFFFFFFC0];
	v23 =	vmov s0;
	v25 =	vadd.s32 v0, v22  }
0x67: {  	v27 =	vld [tilespmem:s18+$0x0];
	v51 =	vadd.s32 v0, v9;
	v26 =	vmov s5;
	v23 =	vand.u32 $0x7D, v23  }
0x68: {  	v26 =	vand.u32 $0x7E, v26;
	v29 =	vadd.s32 v0, v23  }
0x69: {  	[tilespmem:v18+s21+$0x0] =	vst.idx.msk $0xffff, v20;
	v30 =	vadd.s32 v0, v26;
	v19 =	vmul.f32 $8.000000000e+00, v19  }
0x6a: {  	[tilespmem:v16+s21+$0x0] =	vst.idx.msk $0xffff, v21;
	v54 =	vmul.f32 $8.000000000e+00, v28  }
0x6b: {  	v52 =	vmul.f32 $8.000000000e+00, v24;
	[tilespmem:v25+s21+$0x0] =	vst.idx.msk $0xffff, v19  }
0x6c: {  	v53 =	vmul.f32 $8.000000000e+00, v27;
	v55 =	vld [tilespmem:s18+$0x50];
	[tilespmem:v51+s21+$0x0] =	vst.idx.msk $0xffff, v54  }
0x6d: {  	v13 =	vmul.f32 $8.000000000e+00, v13;
	v8 =	vadd.s32 v3, v8;
	[tilespmem:v29+s21+$0x0] =	vst.idx.msk $0xffff, v52;
	v59 =	vld [tilespmem:s18+$0xFFFFFF90]  }
0x6e: {  	v12 =	vmul.f32 $8.000000000e+00, v12;
	v57 =	vadd.s32 v1, v22;
	[tilespmem:v30+s21+$0x0] =	vst.idx.msk $0xffff, v53;
	v56 =	vld [tilespmem:s18+$0xFFFFFFD0]  }
0x6f: {  	[tilespmem:v10+s21+$0x0] =	vst.idx.msk $0xffff, v13;
	v58 =	vmul.f32 $8.000000000e+00, v11;
	v28 =	vadd.s32 v1, v9;
	v19 =	vld [tilespmem:s18+$0x10]  }
0x70: {  	v61 =	vld [tilespmem:s16+$0x60];
	v60 =	vadd.s32 v1, v23;
	v14 =	vmul.f32 $8.000000000e+00, v14;
	[tilespmem:v15+s21+$0x0] =	vst.idx.msk $0xffff, v12  }
0x71: {  	v32 =	vld [tilespmem:s16+$0xFFFFFFA0];
	v62 =	vadd.s32 v1, v26;
	[tilespmem:v17+s21+$0x0] =	vst.idx.msk $0xffff, v58;
	v16 =	vmul.f32 $8.000000000e+00, v55  }
0x72: {  	[tilespmem:v8+s21+$0x0] =	vst.idx.msk $0xffff, v14;
	v29 =	vadd.s32 v2, v5;
	v30 =	vld [tilespmem:s16+$0x20];
	v11 =	vmul.f32 $8.000000000e+00, v59  }
0x73: {  	v38 =	vadd.s32 v2, v4;
	v63 =	vld [tilespmem:s16+$0xFFFFFFE0];
	v31 =	vmul.f32 $8.000000000e+00, v56;
	[tilespmem:v57+s21+$0x0] =	vst.idx.msk $0xffff, v16  }
0x74: {  	v35 =	vadd.s32 v2, v7;
	v34 =	vmul.f32 $8.000000000e+00, v19;
	v36 =	vld [tilespmem:s18+$0x60];
	[tilespmem:v28+s21+$0x0] =	vst.idx.msk $0xffff, v11  }
0x75: {  	v33 =	vadd.s32 v2, v6;
	v37 =	vmul.f32 $8.000000000e+00, v61;
	[tilespmem:v60+s21+$0x0] =	vst.idx.msk $0xffff, v31;
	v43 =	vld [tilespmem:s18+$0xFFFFFFA0]  }
0x76: {  	v40 =	vadd.s32 v2, v22;
	v14 =	vmul.f32 $8.000000000e+00, v32;
	[tilespmem:v62+s21+$0x0] =	vst.idx.msk $0xffff, v34;
	v39 =	vld [tilespmem:s18+$0xFFFFFFE0]  }
0x77: {  	v48 =	vadd.s32 v2, v9;
	[tilespmem:v29+s21+$0x0] =	vst.idx.msk $0xffff, v37;
	v42 =	vmul.f32 $8.000000000e+00, v30;
	v41 =	vld [tilespmem:s18+$0x20]  }
0x78: {  	v44 =	vadd.s32 v2, v23;
	v15 =	vmul.f32 $8.000000000e+00, v63;
	[tilespmem:v38+s21+$0x0] =	vst.idx.msk $0xffff, v14;
	v45 =	vld [tilespmem:s16+$0x70]  }
0x79: {  	v46 =	vadd.s32 v2, v26;
	v14 =	vld [tilespmem:s16+$0xFFFFFFB0];
	[tilespmem:v35+s21+$0x0] =	vst.idx.msk $0xffff, v42;
	v47 =	vmul.f32 $8.000000000e+00, v36  }
0x7a: {  	v5 =	vadd.s32 v3, v5;
	[tilespmem:v33+s21+$0x0] =	vst.idx.msk $0xffff, v15;
	v49 =	vld [tilespmem:s16+$0x30];
	v53 =	vmul.f32 $8.000000000e+00, v43  }
0x7b: {  	v4 =	vadd.s32 v3, v4;
	v21 =	vld [tilespmem:s16+$0xFFFFFFF0];
	v12 =	vmul.f32 $8.000000000e+00, v39;
	[tilespmem:v40+s21+$0x0] =	vst.idx.msk $0xffff, v47  }
0x7c: {  	v52 =	vadd.s32 v3, v7;
	v51 =	vmul.f32 $8.000000000e+00, v41;
	v10 =	vld [tilespmem:s18+$0x70];
	[tilespmem:v48+s21+$0x0] =	vst.idx.msk $0xffff, v53  }
0x7d: {  	v50 =	vadd.s32 v3, v6;
	v54 =	vmul.f32 $8.000000000e+00, v45;
	[tilespmem:v44+s21+$0x0] =	vst.idx.msk $0xffff, v12;
	v59 =	vld [tilespmem:s18+$0xFFFFFFB0]  }
0x7e: {  	v57 =	vadd.s32 v3, v22;
	v14 =	vmul.f32 $8.000000000e+00, v14;
	[tilespmem:v46+s21+$0x0] =	vst.idx.msk $0xffff, v51;
	v55 =	vld [tilespmem:s18+$0xFFFFFFF0]  }
0x7f: {  	v62 =	vadd.s32 v3, v9;
	[tilespmem:v5+s21+$0x0] =	vst.idx.msk $0xffff, v54;
	v5 =	vmul.f32 $8.000000000e+00, v49;
	v58 =	vld [tilespmem:s18+$0x30]  }
0x80: {  	v56 =	vmul.f32 $8.000000000e+00, v21;
	v60 =	vadd.s32 v3, v23;
	[tilespmem:v4+s21+$0x0] =	vst.idx.msk $0xffff, v14  }
0x81: {  	v61 =	vadd.s32 v3, v26;
	[tilespmem:v52+s21+$0x0] =	vst.idx.msk $0xffff, v5;
	v5 =	vmul.f32 $8.000000000e+00, v10  }
0x82: {  	[tilespmem:v50+s21+$0x0] =	vst.idx.msk $0xffff, v56;
	v63 =	vmul.f32 $8.000000000e+00, v59  }
0x83: {  	v4 =	vmul.f32 $8.000000000e+00, v55;
	[tilespmem:v57+s21+$0x0] =	vst.idx.msk $0xffff, v5  }
0x84: {  	s10 =	sshll.u32 s12, $0x11;
	v5 =	vmul.f32 $8.000000000e+00, v58;
	[tilespmem:v62+s21+$0x0] =	vst.idx.msk $0xffff, v63  }
0x85: {  	s16 =	sor.u32 s6, s10;
	[tilespmem:v60+s21+$0x0] =	vst.idx.msk $0xffff, v4  }
0x86: {  	s13 =	simm.s32 $0xE400;
	s10 =	sadd.s32 s2, s16;
	[tilespmem:v61+s21+$0x0] =	vst.idx.msk $0xffff, v5  }
0x87: {  	[hbm4b:s10+s3] =	stream.linear.scatter [tilespmem:s13], [sflag:$0x5], $0x80, $0x38;
	[tilespmem:$0x16C00] =	vst v63  }
0x88: {  	s1 =	sadd.s32 $0x10, s10;
	s18 =	simm.s32 $0xE488  }
0x89: {  	[hbm4b:s1+s3] =	stream.linear.scatter [tilespmem:s18], [sflag:$0x5], $0x80, $0x38;
	[tilespmem:$0x16C00] =	vst v63  }
0x8a: {  	s5 =	simm.s32 $0xE510;
	s13 =	sadd.s32 $0x20, s10  }
0x8b: {  	[hbm4b:s13+s3] =	stream.linear.scatter [tilespmem:s5], [sflag:$0x5], $0x80, $0x38;
	[tilespmem:$0x16C00] =	vst v63  }
0x8c: {  	s18 =	simm.s32 $0xE598;
	s1 =	sadd.s32 $0x30, s10  }
0x8d: {  	[hbm4b:s1+s3] =	stream.linear.scatter [tilespmem:s18], [sflag:$0x5], $0x80, $0x38;
	[tilespmem:$0x16C00] =	vst v63  }
0x8e: {  	s5 =	simm.s32 $0xE620;
	s13 =	sadd.s32 $0x40, s10  }
0x8f: {  	[hbm4b:s13+s3] =	stream.linear.scatter [tilespmem:s5], [sflag:$0x5], $0x80, $0x38;
	[tilespmem:$0x16C00] =	vst v63  }
0x90: {  	s0 =	sadd.s32 $0x70, s10;
	s18 =	simm.s32 $0xE6A8;
	s1 =	sadd.s32 $0x50, s10  }
0x91: {  	[hbm4b:s1+s3] =	stream.linear.scatter [tilespmem:s18], [sflag:$0x5], $0x80, $0x38;
	[tilespmem:$0x16C00] =	vst v63  }
0x92: {  	s13 =	simm.s32 $0xE730;
	s5 =	simm.s32 $0x440;
	s18 =	sadd.s32 $0x60, s10  }
0x93: {  	[hbm4b:s18+s3] =	stream.linear.scatter [tilespmem:s13], [sflag:$0x5], $0x80, $0x38;
	[tilespmem:$0x16C00] =	vst v63  }
0x94: {  	s10 =	sadd.s32 $0x1000, s10;
	s13 =	simm.s32 $0x2200;
	s18 =	simm.s32 $0xE7B8  }
.LBB2_5:
0x95: {  	[hbm4b:s0+s3] =	stream.linear.scatter [tilespmem:s18], [sflag:$0x5], $0x80, $0x38;
	[tilespmem:$0x16C00] =	vst v63  }
0x96: {  	s0 =	smov.u32 s5;
	s5 =	smov.u32 s13  }
0x97: {  	s1 =	sadd.s32 $0x1100, s13;
	s5 =	sshra.s32 s5, $0x2;
	s18 =	sadd.s32 $0xE400, s0  }
0x98: {  	[hbm4b:s10+s3] =	stream.linear.scatter [tilespmem:s18], [sflag:$0x5], $0x80, $0x38;
	[tilespmem:$0x16C00] =	vst v63  }
0x99: {  	p1 =	sne.s32 s13, $0x7700;
	s13 =	sadd.s32 $0xE488, s0;
	s18 =	sadd.s32 $0x10, s10  }
0x9a: {  	[hbm4b:s18+s3] =	stream.linear.scatter [tilespmem:s13], [sflag:$0x5], $0x80, $0x38;
	[tilespmem:$0x16C00] =	vst v63  }
0x9b: {  	s13 =	sadd.s32 $0xE510, s0;
	s18 =	sadd.s32 $0x20, s10  }
0x9c: {  	[hbm4b:s18+s3] =	stream.linear.scatter [tilespmem:s13], [sflag:$0x5], $0x80, $0x38;
	[tilespmem:$0x16C00] =	vst v63  }
0x9d: {  	s13 =	sadd.s32 $0xE598, s0;
	s18 =	sadd.s32 $0x30, s10  }
0x9e: {  	[hbm4b:s18+s3] =	stream.linear.scatter [tilespmem:s13], [sflag:$0x5], $0x80, $0x38;
	[tilespmem:$0x16C00] =	vst v63  }
0x9f: {  	s13 =	sadd.s32 $0xE620, s0;
	s18 =	sadd.s32 $0x40, s10  }
0xa0: {  	[hbm4b:s18+s3] =	stream.linear.scatter [tilespmem:s13], [sflag:$0x5], $0x80, $0x38;
	[tilespmem:$0x16C00] =	vst v63  }
0xa1: {  	s13 =	sadd.s32 $0xE6A8, s0;
	s18 =	sadd.s32 $0x50, s10  }
0xa2: {  	[hbm4b:s18+s3] =	stream.linear.scatter [tilespmem:s13], [sflag:$0x5], $0x80, $0x38;
	[tilespmem:$0x16C00] =	vst v63  }
.Ltmp3:
0xa3: {  	_ = 	snop;
	(pc) =	sbr.rel @p1 .LBB2_5-.Ltmp3, $4  }
0xa4: {  	s13 =	sadd.s32 $0xE730, s0;
	s18 =	sadd.s32 $0x60, s10  }
0xa5: {  	[hbm4b:s18+s3] =	stream.linear.scatter [tilespmem:s13], [sflag:$0x5], $0x80, $0x38;
	[tilespmem:$0x16C00] =	vst v63  }
0xa6: {  	s18 =	sadd.s32 $0xE7B8, s0  }
0xa7: {  	s0 =	sadd.s32 $0x70, s10;
	s10 =	sadd.s32 $0x1000, s10;
	s13 =	smov.u32 s1  }
0xa8: {  	[hbm4b:s0+s3] =	stream.linear.scatter [tilespmem:s18], [sflag:$0x5], $0x80, $0x38;
	[tilespmem:$0x16C00] =	vst v63  }
0xa9: {  	s13 =	sadd.s32 $0xE400, s5  }
0xaa: {  	[hbm4b:s10+s3] =	stream.linear.scatter [tilespmem:s13], [sflag:$0x5], $0x80, $0x38;
	[tilespmem:$0x16C00] =	vst v63  }
0xab: {  	s18 =	sadd.s32 $0xE488, s5;
	s1 =	sadd.s32 $0x10, s10  }
0xac: {  	[hbm4b:s1+s3] =	stream.linear.scatter [tilespmem:s18], [sflag:$0x5], $0x80, $0x38;
	[tilespmem:$0x16C00] =	vst v63  }
0xad: {  	s13 =	sadd.s32 $0xE510, s5;
	s18 =	sadd.s32 $0x20, s10  }
0xae: {  	[hbm4b:s18+s3] =	stream.linear.scatter [tilespmem:s13], [sflag:$0x5], $0x80, $0x38;
	[tilespmem:$0x16C00] =	vst v63  }
0xaf: {  	s13 =	sadd.s32 $0xE598, s5;
	s18 =	sadd.s32 $0x30, s10  }
0xb0: {  	[hbm4b:s18+s3] =	stream.linear.scatter [tilespmem:s13], [sflag:$0x5], $0x80, $0x38;
	[tilespmem:$0x16C00] =	vst v63  }
0xb1: {  	s13 =	sadd.s32 $0xE620, s5;
	s18 =	sadd.s32 $0x40, s10  }
0xb2: {  	[hbm4b:s18+s3] =	stream.linear.scatter [tilespmem:s13], [sflag:$0x5], $0x80, $0x38;
	[tilespmem:$0x16C00] =	vst v63  }
0xb3: {  	p1 =	sne.s32 s12, $0x31;
	s13 =	sadd.s32 $0xE6A8, s5;
	s18 =	sadd.s32 $0x50, s10  }
0xb4: {  	[hbm4b:s18+s3] =	stream.linear.scatter [tilespmem:s13], [sflag:$0x5], $0x80, $0x38;
	[tilespmem:$0x16C00] =	vst v63  }
.Ltmp4:
0xb5: {  	_ = 	snop;
	(pc) =	sbr.rel @p1 .LBB2_8-.Ltmp4, $4  }
0xb6: {  	s13 =	sadd.s32 $0xE730, s5;
	s18 =	sadd.s32 $0x60, s10  }
0xb7: {  	[hbm4b:s18+s3] =	stream.linear.scatter [tilespmem:s13], [sflag:$0x5], $0x80, $0x38;
	[tilespmem:$0x16C00] =	vst v63  }
0xb8: {  	s13 =	sadd.s32 $0xE7B8, s5;
	s18 =	sadd.s32 $0x70, s10  }
0xb9: {  	[hbm4b:s18+s3] =	stream.linear.scatter [tilespmem:s13], [sflag:$0x5], $0x80, $0x38;
	[tilespmem:$0x16C00] =	vst v63  }
.Ltmp5:
0xba: {  	(pc) =	sbr.rel .LBB2_9-.Ltmp5, $4  }
0xbb: {  	_ = 	snop  }
0xbc: {  	_ =	swait.ge [sflag:s22], $0x2000  }
0xbd: {  	[sflag:s22] =	ssyncset.done $0x0  }
0xbe: {  	[sflag:s22] =	ssyncadd.s32 $0xFFFFE000  }
.LBB2_8:
0xbf: {  	s0 =	sshll.u32 s12, $0x9  }
0xc0: {  	s0 =	sand.u32 $0x3FFFFE00, s0  }
.Ltmp6:
0xc1: {  	s0 =	sadd.s32 $0x200, s0;
	(pc) =	sbr.rel @p0 .LBB2_10-.Ltmp6, $4  }
0xc2: {  	[tilespmem:s14], [sflag:$0x1] =	stream.indirect.gather [hbm4b:s4+s11], $0x40, s0, s11, $0xb8;
	[tilespmem:$0x16C00] =	vst v63  }
0xc3: {  	_ =	swait.ge [sflag:s22], $0x2000  }
0xc4: {  	[sflag:s22] =	ssyncset.done $0x0  }
0xc5: {  	[sflag:s22] =	ssyncadd.s32 $0xFFFFE000  }
.LBB2_9:
0xc6: {  	_ =	swait.ge [sflag:s23], $0x2000  }
0xc7: {  	[sflag:s23] =	ssyncset.done $0x0  }
0xc8: {  	[sflag:s23] =	ssyncadd.s32 $0xFFFFE000  }
.LBB2_10:
0xc9: {  	s13 =	simm.s32 $0x8480;
	s0 =	simm.s32 $0x3  }
0xca: {  	v4 =	vmov s0;
	v5 =	vld [tilespmem:s13+$0x40]  }
0xcb: {  	v9 =	vand.u32 $0x7F, v4  }
0xcc: {  	s10 =	simm.s32 $0x0;
	v4 =	vadd.s32 v0, v9  }
0xcd: {  	s18 =	simm.s32 $0x1;
	s1 =	simm.s32 $0x2;
	v6 =	vmov s10;
	v7 =	vld [tilespmem:s13+$0xFFFFFF80]  }
0xce: {  	v10 =	vld [tilespmem:s13+$0xFFFFFFC0];
	v11 =	vmov s1;
	v8 =	vand.u32 $0x7C, v6;
	v6 =	vmov s18  }
0xcf: {  	v12 =	vadd.s32 v0, v8;
	v15 =	vand.u32 $0x7D, v6;
	v6 =	vld [tilespmem:s13+$0x0];
	v5 =	vmul.f32 $8.000000000e+00, v5  }
0xd0: {  	v17 =	vand.u32 $0x7E, v11;
	v13 =	vadd.s32 v0, v15  }
0xd1: {  	v11 =	vadd.s32 v0, v17;
	[tilespmem:v4+s24+$0x0] =	vst.idx.msk $0xffff, v5  }
0xd2: {  	v4 =	vmul.f32 $8.000000000e+00, v7;
	v5 =	vld [tilespmem:s13+$0x50]  }
0xd3: {  	v7 =	vmul.f32 $8.000000000e+00, v10  }
0xd4: {  	[tilespmem:v12+s24+$0x0] =	vst.idx.msk $0xffff, v4;
	v4 =	vmul.f32 $8.000000000e+00, v6;
	v6 =	vadd.s32 v1, v9  }
0xd5: {  	[tilespmem:v13+s24+$0x0] =	vst.idx.msk $0xffff, v7;
	v10 =	vld [tilespmem:s13+$0xFFFFFF90]  }
0xd6: {  	v7 =	vld [tilespmem:s13+$0xFFFFFFD0];
	[tilespmem:v11+s24+$0x0] =	vst.idx.msk $0xffff, v4  }
0xd7: {  	v11 =	vld [tilespmem:s13+$0x10];
	v4 =	vmul.f32 $8.000000000e+00, v5  }
0xd8: {  	s5 =	simm.s32 $0x4;
	s10 =	simm.s32 $0x7;
	s18 =	simm.s32 $0x8580;
	v12 =	vadd.s32 v1, v15  }
0xd9: {  	v14 =	vld [tilespmem:s18+$0x40];
	v13 =	vadd.s32 v1, v17;
	v5 =	vmov s5;
	[tilespmem:v6+s24+$0x0] =	vst.idx.msk $0xffff, v4;
	v6 =	vmov s10  }
0xda: {  	v16 =	vadd.s32 v1, v8;
	v4 =	vand.u32 $0x7C, v5;
	v5 =	vand.u32 $0x7F, v6;
	v18 =	vld [tilespmem:s13+$0x60]  }
0xdb: {  	v19 =	vld [tilespmem:s18+$0xFFFFFF80];
	v22 =	vadd.s32 v2, v9;
	s5 =	simm.s32 $0x5;
	v6 =	vmul.f32 $8.000000000e+00, v7;
	v20 =	vadd.s32 v0, v5  }
0xdc: {  	v21 =	vld [tilespmem:s18+$0xFFFFFFC0];
	v10 =	vmul.f32 $8.000000000e+00, v10;
	s10 =	simm.s32 $0x6;
	v7 =	vmul.f32 $8.000000000e+00, v11;
	v11 =	vmov s5  }
0xdd: {  	v23 =	vadd.s32 v0, v4;
	[tilespmem:v12+s24+$0x0] =	vst.idx.msk $0xffff, v6;
	v12 =	vmov s10;
	v6 =	vand.u32 $0x7D, v11;
	v11 =	vld [tilespmem:s18+$0x0]  }
0xde: {  	[tilespmem:v13+s24+$0x0] =	vst.idx.msk $0xffff, v7;
	v13 =	vadd.s32 v0, v6;
	v7 =	vand.u32 $0x7E, v12;
	v12 =	vmul.f32 $8.000000000e+00, v14;
	v14 =	vld [tilespmem:s13+$0xFFFFFFE0]  }
0xdf: {  	[tilespmem:v16+s24+$0x0] =	vst.idx.msk $0xffff, v10;
	v10 =	vadd.s32 v0, v7;
	v16 =	vld [tilespmem:s13+$0x20];
	v18 =	vmul.f32 $8.000000000e+00, v18  }
0xe0: {  	v19 =	vmul.f32 $8.000000000e+00, v19;
	[tilespmem:v20+s24+$0x0] =	vst.idx.msk $0xffff, v12;
	v12 =	vld [tilespmem:s13+$0xFFFFFFA0];
	v20 =	vadd.s32 v2, v15  }
0xe1: {  	v25 =	vadd.s32 v2, v17;
	v21 =	vmul.f32 $8.000000000e+00, v21;
	v24 =	vld [tilespmem:s18+$0x50];
	[tilespmem:v22+s24+$0x0] =	vst.idx.msk $0xffff, v18  }
0xe2: {  	[tilespmem:v23+s24+$0x0] =	vst.idx.msk $0xffff, v19;
	v19 =	vadd.s32 v2, v8;
	v11 =	vmul.f32 $8.000000000e+00, v11;
	v22 =	vld [tilespmem:s13+$0x70]  }
0xe3: {  	v23 =	vld [tilespmem:s18+$0xFFFFFF90];
	[tilespmem:v13+s24+$0x0] =	vst.idx.msk $0xffff, v21;
	v21 =	vadd.s32 v1, v5;
	v14 =	vmul.f32 $8.000000000e+00, v14  }
0xe4: {  	v27 =	vadd.s32 v3, v9;
	v26 =	vld [tilespmem:s18+$0xFFFFFFD0];
	[tilespmem:v10+s24+$0x0] =	vst.idx.msk $0xffff, v11;
	v10 =	vmul.f32 $8.000000000e+00, v16  }
0xe5: {  	v18 =	vadd.s32 v1, v4;
	v13 =	vld [tilespmem:s18+$0x10];
	v9 =	vmul.f32 $8.000000000e+00, v12;
	[tilespmem:v20+s24+$0x0] =	vst.idx.msk $0xffff, v14  }
0xe6: {  	s10 =	simm.s32 $0x8;
	v16 =	vadd.s32 v1, v6;
	[tilespmem:v25+s24+$0x0] =	vst.idx.msk $0xffff, v10;
	v14 =	vmul.f32 $8.000000000e+00, v24;
	v12 =	vld [tilespmem:s13+$0xFFFFFFF0]  }
0xe7: {  	v20 =	vmov s10;
	v10 =	vadd.s32 v1, v7;
	v11 =	vld [tilespmem:s13+$0x30];
	[tilespmem:v19+s24+$0x0] =	vst.idx.msk $0xffff, v9;
	v63 =	vmul.f32 $8.000000000e+00, v22  }
0xe8: {  	s1 =	simm.s32 $0xB;
	s5 =	simm.s32 $0x8680;
	v15 =	vadd.s32 v3, v15;
	v9 =	vand.u32 $0x7C, v20;
	v20 =	vmul.f32 $8.000000000e+00, v23;
	[tilespmem:v21+s24+$0x0] =	vst.idx.msk $0xffff, v14;
	v14 =	vld [tilespmem:s13+$0xFFFFFFB0]  }
0xe9: {  	v17 =	vadd.s32 v3, v17;
	v22 =	vmov s1;
	v19 =	vld [tilespmem:s5+$0x40];
	s13 =	simm.s32 $0xC;
	v21 =	vmul.f32 $8.000000000e+00, v26;
	[tilespmem:v27+s24+$0x0] =	vst.idx.msk $0xffff, v63  }
.LBB2_11:
0xea: {  	p2 =	slt.u32 s13, $0x7C;
	s0 =	sadd.s32 $0x1, s10;
	v22 =	vand.u32 $0x7F, v22;
	[tilespmem:v18+s24+$0x0] =	vst.idx.msk $0xffff, v20;
	v13 =	vmul.f32 $8.000000000e+00, v13;
	v18 =	vld [tilespmem:s18+$0x60];
	v20 =	vadd.s32 v3, v8;
	v8 =	vmovc v4  }
0xeb: {  	v4 =	vmovc v9;
	v23 =	vld [tilespmem:s5+$0xFFFFFF80];
	v24 =	vmov s0;
	s0 =	sadd.s32 $0x2, s10;
	v25 =	vadd.s32 v0, v22;
	[tilespmem:v16+s24+$0x0] =	vst.idx.msk $0xffff, v21;
	v12 =	vmul.f32 $8.000000000e+00, v12;
	s10 =	smov.u32 s13  }
0xec: {  	v9 =	vld [tilespmem:s5+$0xFFFFFFC0];
	v16 =	vmov s0;
	[tilespmem:v10+s24+$0x0] =	vst.idx.msk $0xffff, v13;
	v10 =	vadd.s32 v2, v5;
	v11 =	vmul.f32 $8.000000000e+00, v11  }
0xed: {  	v13 =	vadd.s32 v0, v4;
	v21 =	vand.u32 $0x7D, v24;
	v24 =	vld [tilespmem:s5+$0x0];
	v14 =	vmul.f32 $8.000000000e+00, v14;
	[tilespmem:v15+s24+$0x0] =	vst.idx.msk $0xffff, v12  }
0xee: {  	v12 =	vadd.s32 v0, v21;
	v26 =	vand.u32 $0x7E, v16;
	v15 =	vmul.f32 $8.000000000e+00, v19;
	v16 =	vld [tilespmem:s18+$0xFFFFFFE0];
	[tilespmem:v17+s24+$0x0] =	vst.idx.msk $0xffff, v11  }
0xef: {  	v11 =	vadd.s32 v0, v26;
	v17 =	vld [tilespmem:s18+$0x20];
	v18 =	vmul.f32 $8.000000000e+00, v18;
	[tilespmem:v20+s24+$0x0] =	vst.idx.msk $0xffff, v14  }
0xf0: {  	v19 =	vadd.s32 v2, v6;
	v14 =	vmul.f32 $8.000000000e+00, v23;
	[tilespmem:v25+s24+$0x0] =	vst.idx.msk $0xffff, v15;
	v15 =	vld [tilespmem:s18+$0xFFFFFFA0]  }
0xf1: {  	v23 =	vadd.s32 v2, v7;
	v9 =	vmul.f32 $8.000000000e+00, v9;
	v20 =	vld [tilespmem:s5+$0x50];
	[tilespmem:v10+s24+$0x0] =	vst.idx.msk $0xffff, v18  }
0xf2: {  	[tilespmem:v13+s24+$0x0] =	vst.idx.msk $0xffff, v14;
	v10 =	vmul.f32 $8.000000000e+00, v24;
	v14 =	vadd.s32 v2, v8;
	v24 =	vld [tilespmem:s18+$0x70]  }
0xf3: {  	v27 =	vadd.s32 v1, v22;
	v25 =	vld [tilespmem:s5+$0xFFFFFF90];
	[tilespmem:v12+s24+$0x0] =	vst.idx.msk $0xffff, v9;
	v9 =	vmul.f32 $8.000000000e+00, v16  }
0xf4: {  	v29 =	vadd.s32 v3, v5;
	v5 =	vmov v22;
	v28 =	vld [tilespmem:s5+$0xFFFFFFD0];
	[tilespmem:v11+s24+$0x0] =	vst.idx.msk $0xffff, v10;
	v10 =	vmul.f32 $8.000000000e+00, v17  }
.Ltmp7:
0xf5: {  	v18 =	vadd.s32 v1, v4;
	v13 =	vld [tilespmem:s5+$0x10];
	v11 =	vmul.f32 $8.000000000e+00, v15;
	[tilespmem:v19+s24+$0x0] =	vst.idx.msk $0xffff, v9;
	(pc) =	sbr.rel @p2 .LBB2_11-.Ltmp7, $4  }
0xf6: {  	v16 =	vadd.s32 v1, v21;
	v15 =	vmul.f32 $8.000000000e+00, v20;
	v12 =	vld [tilespmem:s18+$0xFFFFFFF0];
	[tilespmem:v23+s24+$0x0] =	vst.idx.msk $0xffff, v10  }
0xf7: {  	v9 =	vmov s13;
	v10 =	vadd.s32 v1, v26;
	[tilespmem:v14+s24+$0x0] =	vst.idx.msk $0xffff, v11;
	v11 =	vld [tilespmem:s18+$0x30];
	v23 =	vmul.f32 $8.000000000e+00, v24  }
0xf8: {  	s0 =	sadd.s32 $0x3, s13;
	v9 =	vand.u32 $0x7C, v9;
	v20 =	vmul.f32 $8.000000000e+00, v25;
	[tilespmem:v27+s24+$0x0] =	vst.idx.msk $0xffff, v15;
	v14 =	vld [tilespmem:s18+$0xFFFFFFB0];
	v15 =	vadd.s32 v3, v6;
	v6 =	vmovc v21;
	s18 =	smov.u32 s5;
	s5 =	sadd.s32 $0x100, s5  }
0xf9: {  	v22 =	vmov s0;
	v17 =	vadd.s32 v3, v7;
	v7 =	vmovc v26;
	s13 =	sadd.s32 $0x4, s13;
	v19 =	vld [tilespmem:s5+$0x40];
	v21 =	vmul.f32 $8.000000000e+00, v28;
	[tilespmem:v29+s24+$0x0] =	vst.idx.msk $0xffff, v23  }
0xfa: {  	s0 =	sadd.s32 $0x1, s10;
	v22 =	vand.u32 $0x7F, v22;
	v28 =	vld [tilespmem:s5+$0xFFFFFF80]  }
0xfb: {  	s13 =	sadd.s32 $0x2, s10;
	v24 =	vld [tilespmem:s5+$0xFFFFFFC0];
	v23 =	vmov s0;
	v25 =	vadd.s32 v0, v22  }
0xfc: {  	v27 =	vld [tilespmem:s5+$0x0];
	v51 =	vadd.s32 v0, v9;
	v26 =	vmov s13;
	v23 =	vand.u32 $0x7D, v23  }
0xfd: {  	v26 =	vand.u32 $0x7E, v26;
	v29 =	vadd.s32 v0, v23  }
0xfe: {  	[tilespmem:v18+s24+$0x0] =	vst.idx.msk $0xffff, v20;
	v30 =	vadd.s32 v0, v26;
	v19 =	vmul.f32 $8.000000000e+00, v19  }
0xff: {  	[tilespmem:v16+s24+$0x0] =	vst.idx.msk $0xffff, v21;
	v54 =	vmul.f32 $8.000000000e+00, v28  }
0x100: {  	v52 =	vmul.f32 $8.000000000e+00, v24;
	[tilespmem:v25+s24+$0x0] =	vst.idx.msk $0xffff, v19  }
0x101: {  	v53 =	vmul.f32 $8.000000000e+00, v27;
	v55 =	vld [tilespmem:s5+$0x50];
	[tilespmem:v51+s24+$0x0] =	vst.idx.msk $0xffff, v54  }
0x102: {  	v13 =	vmul.f32 $8.000000000e+00, v13;
	v8 =	vadd.s32 v3, v8;
	[tilespmem:v29+s24+$0x0] =	vst.idx.msk $0xffff, v52;
	v59 =	vld [tilespmem:s5+$0xFFFFFF90]  }
0x103: {  	v12 =	vmul.f32 $8.000000000e+00, v12;
	v57 =	vadd.s32 v1, v22;
	[tilespmem:v30+s24+$0x0] =	vst.idx.msk $0xffff, v53;
	v56 =	vld [tilespmem:s5+$0xFFFFFFD0]  }
0x104: {  	[tilespmem:v10+s24+$0x0] =	vst.idx.msk $0xffff, v13;
	v58 =	vmul.f32 $8.000000000e+00, v11;
	v28 =	vadd.s32 v1, v9;
	v19 =	vld [tilespmem:s5+$0x10]  }
0x105: {  	v61 =	vld [tilespmem:s18+$0x60];
	v60 =	vadd.s32 v1, v23;
	v14 =	vmul.f32 $8.000000000e+00, v14;
	[tilespmem:v15+s24+$0x0] =	vst.idx.msk $0xffff, v12  }
0x106: {  	v32 =	vld [tilespmem:s18+$0xFFFFFFA0];
	v62 =	vadd.s32 v1, v26;
	[tilespmem:v17+s24+$0x0] =	vst.idx.msk $0xffff, v58;
	v16 =	vmul.f32 $8.000000000e+00, v55  }
0x107: {  	[tilespmem:v8+s24+$0x0] =	vst.idx.msk $0xffff, v14;
	v29 =	vadd.s32 v2, v5;
	v30 =	vld [tilespmem:s18+$0x20];
	v11 =	vmul.f32 $8.000000000e+00, v59  }
0x108: {  	v38 =	vadd.s32 v2, v4;
	v63 =	vld [tilespmem:s18+$0xFFFFFFE0];
	v31 =	vmul.f32 $8.000000000e+00, v56;
	[tilespmem:v57+s24+$0x0] =	vst.idx.msk $0xffff, v16  }
0x109: {  	v35 =	vadd.s32 v2, v7;
	v34 =	vmul.f32 $8.000000000e+00, v19;
	v36 =	vld [tilespmem:s5+$0x60];
	[tilespmem:v28+s24+$0x0] =	vst.idx.msk $0xffff, v11  }
0x10a: {  	v33 =	vadd.s32 v2, v6;
	v37 =	vmul.f32 $8.000000000e+00, v61;
	[tilespmem:v60+s24+$0x0] =	vst.idx.msk $0xffff, v31;
	v43 =	vld [tilespmem:s5+$0xFFFFFFA0]  }
0x10b: {  	v40 =	vadd.s32 v2, v22;
	v14 =	vmul.f32 $8.000000000e+00, v32;
	[tilespmem:v62+s24+$0x0] =	vst.idx.msk $0xffff, v34;
	v39 =	vld [tilespmem:s5+$0xFFFFFFE0]  }
0x10c: {  	v48 =	vadd.s32 v2, v9;
	[tilespmem:v29+s24+$0x0] =	vst.idx.msk $0xffff, v37;
	v42 =	vmul.f32 $8.000000000e+00, v30;
	v41 =	vld [tilespmem:s5+$0x20]  }
0x10d: {  	v44 =	vadd.s32 v2, v23;
	v15 =	vmul.f32 $8.000000000e+00, v63;
	[tilespmem:v38+s24+$0x0] =	vst.idx.msk $0xffff, v14;
	v45 =	vld [tilespmem:s18+$0x70]  }
0x10e: {  	v46 =	vadd.s32 v2, v26;
	v14 =	vld [tilespmem:s18+$0xFFFFFFB0];
	[tilespmem:v35+s24+$0x0] =	vst.idx.msk $0xffff, v42;
	v47 =	vmul.f32 $8.000000000e+00, v36  }
0x10f: {  	v5 =	vadd.s32 v3, v5;
	[tilespmem:v33+s24+$0x0] =	vst.idx.msk $0xffff, v15;
	v49 =	vld [tilespmem:s18+$0x30];
	v53 =	vmul.f32 $8.000000000e+00, v43  }
0x110: {  	v4 =	vadd.s32 v3, v4;
	v21 =	vld [tilespmem:s18+$0xFFFFFFF0];
	v12 =	vmul.f32 $8.000000000e+00, v39;
	[tilespmem:v40+s24+$0x0] =	vst.idx.msk $0xffff, v47  }
0x111: {  	v52 =	vadd.s32 v3, v7;
	v51 =	vmul.f32 $8.000000000e+00, v41;
	v10 =	vld [tilespmem:s5+$0x70];
	[tilespmem:v48+s24+$0x0] =	vst.idx.msk $0xffff, v53  }
0x112: {  	v50 =	vadd.s32 v3, v6;
	v54 =	vmul.f32 $8.000000000e+00, v45;
	[tilespmem:v44+s24+$0x0] =	vst.idx.msk $0xffff, v12;
	v59 =	vld [tilespmem:s5+$0xFFFFFFB0]  }
0x113: {  	v57 =	vadd.s32 v3, v22;
	v14 =	vmul.f32 $8.000000000e+00, v14;
	[tilespmem:v46+s24+$0x0] =	vst.idx.msk $0xffff, v51;
	v55 =	vld [tilespmem:s5+$0xFFFFFFF0]  }
0x114: {  	v62 =	vadd.s32 v3, v9;
	[tilespmem:v5+s24+$0x0] =	vst.idx.msk $0xffff, v54;
	v5 =	vmul.f32 $8.000000000e+00, v49;
	v58 =	vld [tilespmem:s5+$0x30]  }
0x115: {  	v56 =	vmul.f32 $8.000000000e+00, v21;
	v60 =	vadd.s32 v3, v23;
	[tilespmem:v4+s24+$0x0] =	vst.idx.msk $0xffff, v14  }
0x116: {  	v61 =	vadd.s32 v3, v26;
	[tilespmem:v52+s24+$0x0] =	vst.idx.msk $0xffff, v5;
	v5 =	vmul.f32 $8.000000000e+00, v10  }
0x117: {  	[tilespmem:v50+s24+$0x0] =	vst.idx.msk $0xffff, v56;
	v63 =	vmul.f32 $8.000000000e+00, v59  }
0x118: {  	v4 =	vmul.f32 $8.000000000e+00, v55;
	[tilespmem:v57+s24+$0x0] =	vst.idx.msk $0xffff, v5  }
0x119: {  	v5 =	vmul.f32 $8.000000000e+00, v58;
	[tilespmem:v62+s24+$0x0] =	vst.idx.msk $0xffff, v63  }
0x11a: {  	[tilespmem:v60+s24+$0x0] =	vst.idx.msk $0xffff, v4  }
0x11b: {  	s1 =	sadd.s32 s16, s7;
	s18 =	simm.s32 $0x10600;
	[tilespmem:v61+s24+$0x0] =	vst.idx.msk $0xffff, v5  }
0x11c: {  	[hbm4b:s1+s3] =	stream.linear.scatter [tilespmem:s18], [sflag:$0x6], $0x80, $0x38;
	[tilespmem:$0x16C00] =	vst v63  }
0x11d: {  	s10 =	sadd.s32 $0x10, s1;
	s5 =	simm.s32 $0x10688  }
0x11e: {  	[hbm4b:s10+s3] =	stream.linear.scatter [tilespmem:s5], [sflag:$0x6], $0x80, $0x38;
	[tilespmem:$0x16C00] =	vst v63  }
0x11f: {  	s13 =	simm.s32 $0x10710;
	s18 =	sadd.s32 $0x20, s1  }
0x120: {  	[hbm4b:s18+s3] =	stream.linear.scatter [tilespmem:s13], [sflag:$0x6], $0x80, $0x38;
	[tilespmem:$0x16C00] =	vst v63  }
0x121: {  	s5 =	simm.s32 $0x10798;
	s10 =	sadd.s32 $0x30, s1  }
0x122: {  	[hbm4b:s10+s3] =	stream.linear.scatter [tilespmem:s5], [sflag:$0x6], $0x80, $0x38;
	[tilespmem:$0x16C00] =	vst v63  }
0x123: {  	s13 =	simm.s32 $0x10820;
	s18 =	sadd.s32 $0x40, s1  }
0x124: {  	[hbm4b:s18+s3] =	stream.linear.scatter [tilespmem:s13], [sflag:$0x6], $0x80, $0x38;
	[tilespmem:$0x16C00] =	vst v63  }
0x125: {  	s0 =	sadd.s32 $0x70, s1;
	s5 =	simm.s32 $0x108A8;
	s10 =	sadd.s32 $0x50, s1  }
0x126: {  	[hbm4b:s10+s3] =	stream.linear.scatter [tilespmem:s5], [sflag:$0x6], $0x80, $0x38;
	[tilespmem:$0x16C00] =	vst v63  }
0x127: {  	s13 =	simm.s32 $0x10930;
	s18 =	sadd.s32 $0x60, s1;
	s5 =	simm.s32 $0x440  }
0x128: {  	[hbm4b:s18+s3] =	stream.linear.scatter [tilespmem:s13], [sflag:$0x6], $0x80, $0x38;
	[tilespmem:$0x16C00] =	vst v63  }
0x129: {  	s10 =	sadd.s32 $0x1000, s1;
	s13 =	simm.s32 $0x2200;
	s18 =	simm.s32 $0x109B8  }
.LBB2_13:
0x12a: {  	[hbm4b:s0+s3] =	stream.linear.scatter [tilespmem:s18], [sflag:$0x6], $0x80, $0x38;
	[tilespmem:$0x16C00] =	vst v63  }
0x12b: {  	s0 =	smov.u32 s5;
	s1 =	smov.u32 s13  }
0x12c: {  	s5 =	sshra.s32 s1, $0x2;
	s1 =	sadd.s32 $0x1100, s13;
	s18 =	sadd.s32 $0x10600, s0  }
0x12d: {  	[hbm4b:s10+s3] =	stream.linear.scatter [tilespmem:s18], [sflag:$0x6], $0x80, $0x38;
	[tilespmem:$0x16C00] =	vst v63  }
0x12e: {  	p2 =	sne.s32 s13, $0x7700;
	s13 =	sadd.s32 $0x10688, s0;
	s18 =	sadd.s32 $0x10, s10  }
0x12f: {  	[hbm4b:s18+s3] =	stream.linear.scatter [tilespmem:s13], [sflag:$0x6], $0x80, $0x38;
	[tilespmem:$0x16C00] =	vst v63  }
0x130: {  	s13 =	sadd.s32 $0x10710, s0;
	s18 =	sadd.s32 $0x20, s10  }
0x131: {  	[hbm4b:s18+s3] =	stream.linear.scatter [tilespmem:s13], [sflag:$0x6], $0x80, $0x38;
	[tilespmem:$0x16C00] =	vst v63  }
0x132: {  	s13 =	sadd.s32 $0x10798, s0;
	s18 =	sadd.s32 $0x30, s10  }
0x133: {  	[hbm4b:s18+s3] =	stream.linear.scatter [tilespmem:s13], [sflag:$0x6], $0x80, $0x38;
	[tilespmem:$0x16C00] =	vst v63  }
0x134: {  	s13 =	sadd.s32 $0x10820, s0;
	s18 =	sadd.s32 $0x40, s10  }
0x135: {  	[hbm4b:s18+s3] =	stream.linear.scatter [tilespmem:s13], [sflag:$0x6], $0x80, $0x38;
	[tilespmem:$0x16C00] =	vst v63  }
0x136: {  	s13 =	sadd.s32 $0x108A8, s0;
	s18 =	sadd.s32 $0x50, s10  }
0x137: {  	[hbm4b:s18+s3] =	stream.linear.scatter [tilespmem:s13], [sflag:$0x6], $0x80, $0x38;
	[tilespmem:$0x16C00] =	vst v63  }
.Ltmp8:
0x138: {  	_ = 	snop;
	(pc) =	sbr.rel @p2 .LBB2_13-.Ltmp8, $4  }
0x139: {  	s13 =	sadd.s32 $0x10930, s0;
	s18 =	sadd.s32 $0x60, s10  }
0x13a: {  	[hbm4b:s18+s3] =	stream.linear.scatter [tilespmem:s13], [sflag:$0x6], $0x80, $0x38;
	[tilespmem:$0x16C00] =	vst v63  }
0x13b: {  	s18 =	sadd.s32 $0x109B8, s0  }
0x13c: {  	s0 =	sadd.s32 $0x70, s10;
	s10 =	sadd.s32 $0x1000, s10;
	s13 =	smov.u32 s1  }
0x13d: {  	[hbm4b:s0+s3] =	stream.linear.scatter [tilespmem:s18], [sflag:$0x6], $0x80, $0x38;
	[tilespmem:$0x16C00] =	vst v63  }
0x13e: {  	s13 =	sadd.s32 $0x10600, s5  }
0x13f: {  	[hbm4b:s10+s3] =	stream.linear.scatter [tilespmem:s13], [sflag:$0x6], $0x80, $0x38;
	[tilespmem:$0x16C00] =	vst v63  }
0x140: {  	s18 =	sadd.s32 $0x10688, s5;
	s1 =	sadd.s32 $0x10, s10  }
0x141: {  	[hbm4b:s1+s3] =	stream.linear.scatter [tilespmem:s18], [sflag:$0x6], $0x80, $0x38;
	[tilespmem:$0x16C00] =	vst v63  }
0x142: {  	s13 =	sadd.s32 $0x10710, s5;
	s18 =	sadd.s32 $0x20, s10  }
0x143: {  	[hbm4b:s18+s3] =	stream.linear.scatter [tilespmem:s13], [sflag:$0x6], $0x80, $0x38;
	[tilespmem:$0x16C00] =	vst v63  }
0x144: {  	s13 =	sadd.s32 $0x10798, s5;
	s18 =	sadd.s32 $0x30, s10  }
0x145: {  	[hbm4b:s18+s3] =	stream.linear.scatter [tilespmem:s13], [sflag:$0x6], $0x80, $0x38;
	[tilespmem:$0x16C00] =	vst v63  }
0x146: {  	s13 =	sadd.s32 $0x10820, s5;
	s18 =	sadd.s32 $0x40, s10  }
0x147: {  	[hbm4b:s18+s3] =	stream.linear.scatter [tilespmem:s13], [sflag:$0x6], $0x80, $0x38;
	[tilespmem:$0x16C00] =	vst v63  }
0x148: {  	s13 =	sadd.s32 $0x108A8, s5;
	s18 =	sadd.s32 $0x50, s10  }
0x149: {  	[hbm4b:s18+s3] =	stream.linear.scatter [tilespmem:s13], [sflag:$0x6], $0x80, $0x38;
	[tilespmem:$0x16C00] =	vst v63  }
.Ltmp9:
0x14a: {  	_ = 	snop;
	(pc) =	sbr.rel @p1 .LBB2_16-.Ltmp9, $4  }
0x14b: {  	s13 =	sadd.s32 $0x10930, s5;
	s18 =	sadd.s32 $0x60, s10  }
0x14c: {  	[hbm4b:s18+s3] =	stream.linear.scatter [tilespmem:s13], [sflag:$0x6], $0x80, $0x38;
	[tilespmem:$0x16C00] =	vst v63  }
0x14d: {  	s13 =	sadd.s32 $0x109B8, s5;
	s18 =	sadd.s32 $0x70, s10  }
0x14e: {  	[hbm4b:s18+s3] =	stream.linear.scatter [tilespmem:s13], [sflag:$0x6], $0x80, $0x38;
	[tilespmem:$0x16C00] =	vst v63  }
.Ltmp10:
0x14f: {  	(pc) =	sbr.rel .LBB2_17-.Ltmp10, $4  }
0x150: {  	_ = 	snop  }
0x151: {  	_ =	swait.ge [sflag:s25], $0x2000  }
0x152: {  	[sflag:s25] =	ssyncset.done $0x0  }
0x153: {  	[sflag:s25] =	ssyncadd.s32 $0xFFFFE000  }
.LBB2_16:
0x154: {  	s0 =	sshll.u32 s12, $0x9  }
0x155: {  	s0 =	sand.u32 $0x3FFFFE00, s0  }
.Ltmp11:
0x156: {  	s0 =	sadd.s32 $0x280, s0;
	(pc) =	sbr.rel @p0 .LBB2_18-.Ltmp11, $4  }
0x157: {  	[tilespmem:s15], [sflag:$0x2] =	stream.indirect.gather [hbm4b:s4+s11], $0x40, s0, s11, $0xb8;
	[tilespmem:$0x16C00] =	vst v63  }
0x158: {  	_ =	swait.ge [sflag:s25], $0x2000  }
0x159: {  	[sflag:s25] =	ssyncset.done $0x0  }
0x15a: {  	[sflag:s25] =	ssyncadd.s32 $0xFFFFE000  }
.LBB2_17:
0x15b: {  	_ =	swait.ge [sflag:s26], $0x2000  }
0x15c: {  	[sflag:s26] =	ssyncset.done $0x0  }
0x15d: {  	[sflag:s26] =	ssyncadd.s32 $0xFFFFE000  }
.LBB2_18:
0x15e: {  	s13 =	simm.s32 $0xA480;
	s0 =	simm.s32 $0x3  }
0x15f: {  	v4 =	vmov s0;
	v5 =	vld [tilespmem:s13+$0x40]  }
0x160: {  	v9 =	vand.u32 $0x7F, v4  }
0x161: {  	s10 =	simm.s32 $0x0;
	v4 =	vadd.s32 v0, v9  }
0x162: {  	s18 =	simm.s32 $0x1;
	s1 =	simm.s32 $0x2;
	v6 =	vmov s10;
	v7 =	vld [tilespmem:s13+$0xFFFFFF80]  }
0x163: {  	v10 =	vld [tilespmem:s13+$0xFFFFFFC0];
	v11 =	vmov s1;
	v8 =	vand.u32 $0x7C, v6;
	v6 =	vmov s18  }
0x164: {  	v12 =	vadd.s32 v0, v8;
	v15 =	vand.u32 $0x7D, v6;
	v6 =	vld [tilespmem:s13+$0x0];
	v5 =	vmul.f32 $8.000000000e+00, v5  }
0x165: {  	v17 =	vand.u32 $0x7E, v11;
	v13 =	vadd.s32 v0, v15  }
0x166: {  	v11 =	vadd.s32 v0, v17;
	[tilespmem:v4+s28+$0x0] =	vst.idx.msk $0xffff, v5  }
0x167: {  	v4 =	vmul.f32 $8.000000000e+00, v7;
	v5 =	vld [tilespmem:s13+$0x50]  }
0x168: {  	v7 =	vmul.f32 $8.000000000e+00, v10  }
0x169: {  	[tilespmem:v12+s28+$0x0] =	vst.idx.msk $0xffff, v4;
	v4 =	vmul.f32 $8.000000000e+00, v6;
	v6 =	vadd.s32 v1, v9  }
0x16a: {  	[tilespmem:v13+s28+$0x0] =	vst.idx.msk $0xffff, v7;
	v10 =	vld [tilespmem:s13+$0xFFFFFF90]  }
0x16b: {  	v7 =	vld [tilespmem:s13+$0xFFFFFFD0];
	[tilespmem:v11+s28+$0x0] =	vst.idx.msk $0xffff, v4  }
0x16c: {  	v11 =	vld [tilespmem:s13+$0x10];
	v4 =	vmul.f32 $8.000000000e+00, v5  }
0x16d: {  	s5 =	simm.s32 $0x4;
	s10 =	simm.s32 $0x7;
	s18 =	simm.s32 $0xA580;
	v12 =	vadd.s32 v1, v15  }
0x16e: {  	v14 =	vld [tilespmem:s18+$0x40];
	v13 =	vadd.s32 v1, v17;
	v5 =	vmov s5;
	[tilespmem:v6+s28+$0x0] =	vst.idx.msk $0xffff, v4;
	v6 =	vmov s10  }
0x16f: {  	v16 =	vadd.s32 v1, v8;
	v4 =	vand.u32 $0x7C, v5;
	v5 =	vand.u32 $0x7F, v6;
	v18 =	vld [tilespmem:s13+$0x60]  }
0x170: {  	v19 =	vld [tilespmem:s18+$0xFFFFFF80];
	v22 =	vadd.s32 v2, v9;
	s5 =	simm.s32 $0x5;
	v6 =	vmul.f32 $8.000000000e+00, v7;
	v20 =	vadd.s32 v0, v5  }
0x171: {  	v21 =	vld [tilespmem:s18+$0xFFFFFFC0];
	v10 =	vmul.f32 $8.000000000e+00, v10;
	s10 =	simm.s32 $0x6;
	v7 =	vmul.f32 $8.000000000e+00, v11;
	v11 =	vmov s5  }
0x172: {  	v23 =	vadd.s32 v0, v4;
	[tilespmem:v12+s28+$0x0] =	vst.idx.msk $0xffff, v6;
	v12 =	vmov s10;
	v6 =	vand.u32 $0x7D, v11;
	v11 =	vld [tilespmem:s18+$0x0]  }
0x173: {  	[tilespmem:v13+s28+$0x0] =	vst.idx.msk $0xffff, v7;
	v13 =	vadd.s32 v0, v6;
	v7 =	vand.u32 $0x7E, v12;
	v12 =	vmul.f32 $8.000000000e+00, v14;
	v14 =	vld [tilespmem:s13+$0xFFFFFFE0]  }
0x174: {  	[tilespmem:v16+s28+$0x0] =	vst.idx.msk $0xffff, v10;
	v10 =	vadd.s32 v0, v7;
	v16 =	vld [tilespmem:s13+$0x20];
	v18 =	vmul.f32 $8.000000000e+00, v18  }
0x175: {  	v19 =	vmul.f32 $8.000000000e+00, v19;
	[tilespmem:v20+s28+$0x0] =	vst.idx.msk $0xffff, v12;
	v12 =	vld [tilespmem:s13+$0xFFFFFFA0];
	v20 =	vadd.s32 v2, v15  }
0x176: {  	v25 =	vadd.s32 v2, v17;
	v21 =	vmul.f32 $8.000000000e+00, v21;
	v24 =	vld [tilespmem:s18+$0x50];
	[tilespmem:v22+s28+$0x0] =	vst.idx.msk $0xffff, v18  }
0x177: {  	[tilespmem:v23+s28+$0x0] =	vst.idx.msk $0xffff, v19;
	v19 =	vadd.s32 v2, v8;
	v11 =	vmul.f32 $8.000000000e+00, v11;
	v22 =	vld [tilespmem:s13+$0x70]  }
0x178: {  	v23 =	vld [tilespmem:s18+$0xFFFFFF90];
	[tilespmem:v13+s28+$0x0] =	vst.idx.msk $0xffff, v21;
	v21 =	vadd.s32 v1, v5;
	v14 =	vmul.f32 $8.000000000e+00, v14  }
0x179: {  	v27 =	vadd.s32 v3, v9;
	v26 =	vld [tilespmem:s18+$0xFFFFFFD0];
	[tilespmem:v10+s28+$0x0] =	vst.idx.msk $0xffff, v11;
	v10 =	vmul.f32 $8.000000000e+00, v16  }
0x17a: {  	v18 =	vadd.s32 v1, v4;
	v13 =	vld [tilespmem:s18+$0x10];
	v9 =	vmul.f32 $8.000000000e+00, v12;
	[tilespmem:v20+s28+$0x0] =	vst.idx.msk $0xffff, v14  }
0x17b: {  	s10 =	simm.s32 $0x8;
	v16 =	vadd.s32 v1, v6;
	[tilespmem:v25+s28+$0x0] =	vst.idx.msk $0xffff, v10;
	v14 =	vmul.f32 $8.000000000e+00, v24;
	v12 =	vld [tilespmem:s13+$0xFFFFFFF0]  }
0x17c: {  	v20 =	vmov s10;
	v10 =	vadd.s32 v1, v7;
	v11 =	vld [tilespmem:s13+$0x30];
	[tilespmem:v19+s28+$0x0] =	vst.idx.msk $0xffff, v9;
	v63 =	vmul.f32 $8.000000000e+00, v22  }
0x17d: {  	s1 =	simm.s32 $0xB;
	s5 =	simm.s32 $0xA680;
	v15 =	vadd.s32 v3, v15;
	v9 =	vand.u32 $0x7C, v20;
	v20 =	vmul.f32 $8.000000000e+00, v23;
	[tilespmem:v21+s28+$0x0] =	vst.idx.msk $0xffff, v14;
	v14 =	vld [tilespmem:s13+$0xFFFFFFB0]  }
0x17e: {  	v17 =	vadd.s32 v3, v17;
	v22 =	vmov s1;
	v19 =	vld [tilespmem:s5+$0x40];
	s13 =	simm.s32 $0xC;
	v21 =	vmul.f32 $8.000000000e+00, v26;
	[tilespmem:v27+s28+$0x0] =	vst.idx.msk $0xffff, v63  }
.LBB2_19:
0x17f: {  	p2 =	slt.u32 s13, $0x7C;
	s0 =	sadd.s32 $0x1, s10;
	v22 =	vand.u32 $0x7F, v22;
	[tilespmem:v18+s28+$0x0] =	vst.idx.msk $0xffff, v20;
	v13 =	vmul.f32 $8.000000000e+00, v13;
	v18 =	vld [tilespmem:s18+$0x60];
	v20 =	vadd.s32 v3, v8;
	v8 =	vmovc v4  }
0x180: {  	v4 =	vmovc v9;
	v23 =	vld [tilespmem:s5+$0xFFFFFF80];
	v24 =	vmov s0;
	s0 =	sadd.s32 $0x2, s10;
	v25 =	vadd.s32 v0, v22;
	[tilespmem:v16+s28+$0x0] =	vst.idx.msk $0xffff, v21;
	v12 =	vmul.f32 $8.000000000e+00, v12;
	s10 =	smov.u32 s13  }
0x181: {  	v9 =	vld [tilespmem:s5+$0xFFFFFFC0];
	v16 =	vmov s0;
	[tilespmem:v10+s28+$0x0] =	vst.idx.msk $0xffff, v13;
	v10 =	vadd.s32 v2, v5;
	v11 =	vmul.f32 $8.000000000e+00, v11  }
0x182: {  	v13 =	vadd.s32 v0, v4;
	v21 =	vand.u32 $0x7D, v24;
	v24 =	vld [tilespmem:s5+$0x0];
	v14 =	vmul.f32 $8.000000000e+00, v14;
	[tilespmem:v15+s28+$0x0] =	vst.idx.msk $0xffff, v12  }
0x183: {  	v12 =	vadd.s32 v0, v21;
	v26 =	vand.u32 $0x7E, v16;
	v15 =	vmul.f32 $8.000000000e+00, v19;
	v16 =	vld [tilespmem:s18+$0xFFFFFFE0];
	[tilespmem:v17+s28+$0x0] =	vst.idx.msk $0xffff, v11  }
0x184: {  	v11 =	vadd.s32 v0, v26;
	v17 =	vld [tilespmem:s18+$0x20];
	v18 =	vmul.f32 $8.000000000e+00, v18;
	[tilespmem:v20+s28+$0x0] =	vst.idx.msk $0xffff, v14  }
0x185: {  	v19 =	vadd.s32 v2, v6;
	v14 =	vmul.f32 $8.000000000e+00, v23;
	[tilespmem:v25+s28+$0x0] =	vst.idx.msk $0xffff, v15;
	v15 =	vld [tilespmem:s18+$0xFFFFFFA0]  }
0x186: {  	v23 =	vadd.s32 v2, v7;
	v9 =	vmul.f32 $8.000000000e+00, v9;
	v20 =	vld [tilespmem:s5+$0x50];
	[tilespmem:v10+s28+$0x0] =	vst.idx.msk $0xffff, v18  }
0x187: {  	[tilespmem:v13+s28+$0x0] =	vst.idx.msk $0xffff, v14;
	v10 =	vmul.f32 $8.000000000e+00, v24;
	v14 =	vadd.s32 v2, v8;
	v24 =	vld [tilespmem:s18+$0x70]  }
0x188: {  	v27 =	vadd.s32 v1, v22;
	v25 =	vld [tilespmem:s5+$0xFFFFFF90];
	[tilespmem:v12+s28+$0x0] =	vst.idx.msk $0xffff, v9;
	v9 =	vmul.f32 $8.000000000e+00, v16  }
0x189: {  	v29 =	vadd.s32 v3, v5;
	v5 =	vmov v22;
	v28 =	vld [tilespmem:s5+$0xFFFFFFD0];
	[tilespmem:v11+s28+$0x0] =	vst.idx.msk $0xffff, v10;
	v10 =	vmul.f32 $8.000000000e+00, v17  }
.Ltmp12:
0x18a: {  	v18 =	vadd.s32 v1, v4;
	v13 =	vld [tilespmem:s5+$0x10];
	v11 =	vmul.f32 $8.000000000e+00, v15;
	[tilespmem:v19+s28+$0x0] =	vst.idx.msk $0xffff, v9;
	(pc) =	sbr.rel @p2 .LBB2_19-.Ltmp12, $4  }
0x18b: {  	v16 =	vadd.s32 v1, v21;
	v15 =	vmul.f32 $8.000000000e+00, v20;
	v12 =	vld [tilespmem:s18+$0xFFFFFFF0];
	[tilespmem:v23+s28+$0x0] =	vst.idx.msk $0xffff, v10  }
0x18c: {  	v9 =	vmov s13;
	v10 =	vadd.s32 v1, v26;
	[tilespmem:v14+s28+$0x0] =	vst.idx.msk $0xffff, v11;
	v11 =	vld [tilespmem:s18+$0x30];
	v23 =	vmul.f32 $8.000000000e+00, v24  }
0x18d: {  	s0 =	sadd.s32 $0x3, s13;
	v9 =	vand.u32 $0x7C, v9;
	v20 =	vmul.f32 $8.000000000e+00, v25;
	[tilespmem:v27+s28+$0x0] =	vst.idx.msk $0xffff, v15;
	v14 =	vld [tilespmem:s18+$0xFFFFFFB0];
	v15 =	vadd.s32 v3, v6;
	v6 =	vmovc v21;
	s18 =	smov.u32 s5;
	s5 =	sadd.s32 $0x100, s5  }
0x18e: {  	v22 =	vmov s0;
	v17 =	vadd.s32 v3, v7;
	v7 =	vmovc v26;
	s13 =	sadd.s32 $0x4, s13;
	v19 =	vld [tilespmem:s5+$0x40];
	v21 =	vmul.f32 $8.000000000e+00, v28;
	[tilespmem:v29+s28+$0x0] =	vst.idx.msk $0xffff, v23  }
0x18f: {  	s0 =	sadd.s32 $0x1, s10;
	v22 =	vand.u32 $0x7F, v22;
	v28 =	vld [tilespmem:s5+$0xFFFFFF80]  }
0x190: {  	s13 =	sadd.s32 $0x2, s10;
	v24 =	vld [tilespmem:s5+$0xFFFFFFC0];
	v23 =	vmov s0;
	v25 =	vadd.s32 v0, v22  }
0x191: {  	v27 =	vld [tilespmem:s5+$0x0];
	v51 =	vadd.s32 v0, v9;
	v26 =	vmov s13;
	v23 =	vand.u32 $0x7D, v23  }
0x192: {  	v26 =	vand.u32 $0x7E, v26;
	v29 =	vadd.s32 v0, v23  }
0x193: {  	[tilespmem:v18+s28+$0x0] =	vst.idx.msk $0xffff, v20;
	v30 =	vadd.s32 v0, v26;
	v19 =	vmul.f32 $8.000000000e+00, v19  }
0x194: {  	[tilespmem:v16+s28+$0x0] =	vst.idx.msk $0xffff, v21;
	v54 =	vmul.f32 $8.000000000e+00, v28  }
0x195: {  	v52 =	vmul.f32 $8.000000000e+00, v24;
	[tilespmem:v25+s28+$0x0] =	vst.idx.msk $0xffff, v19  }
0x196: {  	v53 =	vmul.f32 $8.000000000e+00, v27;
	v55 =	vld [tilespmem:s5+$0x50];
	[tilespmem:v51+s28+$0x0] =	vst.idx.msk $0xffff, v54  }
0x197: {  	v13 =	vmul.f32 $8.000000000e+00, v13;
	v8 =	vadd.s32 v3, v8;
	[tilespmem:v29+s28+$0x0] =	vst.idx.msk $0xffff, v52;
	v59 =	vld [tilespmem:s5+$0xFFFFFF90]  }
0x198: {  	v12 =	vmul.f32 $8.000000000e+00, v12;
	v57 =	vadd.s32 v1, v22;
	[tilespmem:v30+s28+$0x0] =	vst.idx.msk $0xffff, v53;
	v56 =	vld [tilespmem:s5+$0xFFFFFFD0]  }
0x199: {  	[tilespmem:v10+s28+$0x0] =	vst.idx.msk $0xffff, v13;
	v58 =	vmul.f32 $8.000000000e+00, v11;
	v28 =	vadd.s32 v1, v9;
	v19 =	vld [tilespmem:s5+$0x10]  }
0x19a: {  	v61 =	vld [tilespmem:s18+$0x60];
	v60 =	vadd.s32 v1, v23;
	v14 =	vmul.f32 $8.000000000e+00, v14;
	[tilespmem:v15+s28+$0x0] =	vst.idx.msk $0xffff, v12  }
0x19b: {  	v32 =	vld [tilespmem:s18+$0xFFFFFFA0];
	v62 =	vadd.s32 v1, v26;
	[tilespmem:v17+s28+$0x0] =	vst.idx.msk $0xffff, v58;
	v16 =	vmul.f32 $8.000000000e+00, v55  }
0x19c: {  	[tilespmem:v8+s28+$0x0] =	vst.idx.msk $0xffff, v14;
	v29 =	vadd.s32 v2, v5;
	v30 =	vld [tilespmem:s18+$0x20];
	v11 =	vmul.f32 $8.000000000e+00, v59  }
0x19d: {  	v38 =	vadd.s32 v2, v4;
	v63 =	vld [tilespmem:s18+$0xFFFFFFE0];
	v31 =	vmul.f32 $8.000000000e+00, v56;
	[tilespmem:v57+s28+$0x0] =	vst.idx.msk $0xffff, v16  }
0x19e: {  	v35 =	vadd.s32 v2, v7;
	v34 =	vmul.f32 $8.000000000e+00, v19;
	v36 =	vld [tilespmem:s5+$0x60];
	[tilespmem:v28+s28+$0x0] =	vst.idx.msk $0xffff, v11  }
0x19f: {  	v33 =	vadd.s32 v2, v6;
	v37 =	vmul.f32 $8.000000000e+00, v61;
	[tilespmem:v60+s28+$0x0] =	vst.idx.msk $0xffff, v31;
	v43 =	vld [tilespmem:s5+$0xFFFFFFA0]  }
0x1a0: {  	v40 =	vadd.s32 v2, v22;
	v14 =	vmul.f32 $8.000000000e+00, v32;
	[tilespmem:v62+s28+$0x0] =	vst.idx.msk $0xffff, v34;
	v39 =	vld [tilespmem:s5+$0xFFFFFFE0]  }
0x1a1: {  	v48 =	vadd.s32 v2, v9;
	[tilespmem:v29+s28+$0x0] =	vst.idx.msk $0xffff, v37;
	v42 =	vmul.f32 $8.000000000e+00, v30;
	v41 =	vld [tilespmem:s5+$0x20]  }
0x1a2: {  	v44 =	vadd.s32 v2, v23;
	v15 =	vmul.f32 $8.000000000e+00, v63;
	[tilespmem:v38+s28+$0x0] =	vst.idx.msk $0xffff, v14;
	v45 =	vld [tilespmem:s18+$0x70]  }
0x1a3: {  	v46 =	vadd.s32 v2, v26;
	v14 =	vld [tilespmem:s18+$0xFFFFFFB0];
	[tilespmem:v35+s28+$0x0] =	vst.idx.msk $0xffff, v42;
	v47 =	vmul.f32 $8.000000000e+00, v36  }
0x1a4: {  	v5 =	vadd.s32 v3, v5;
	[tilespmem:v33+s28+$0x0] =	vst.idx.msk $0xffff, v15;
	v49 =	vld [tilespmem:s18+$0x30];
	v53 =	vmul.f32 $8.000000000e+00, v43  }
0x1a5: {  	v4 =	vadd.s32 v3, v4;
	v21 =	vld [tilespmem:s18+$0xFFFFFFF0];
	v12 =	vmul.f32 $8.000000000e+00, v39;
	[tilespmem:v40+s28+$0x0] =	vst.idx.msk $0xffff, v47  }
0x1a6: {  	v52 =	vadd.s32 v3, v7;
	v51 =	vmul.f32 $8.000000000e+00, v41;
	v10 =	vld [tilespmem:s5+$0x70];
	[tilespmem:v48+s28+$0x0] =	vst.idx.msk $0xffff, v53  }
0x1a7: {  	v50 =	vadd.s32 v3, v6;
	v54 =	vmul.f32 $8.000000000e+00, v45;
	[tilespmem:v44+s28+$0x0] =	vst.idx.msk $0xffff, v12;
	v59 =	vld [tilespmem:s5+$0xFFFFFFB0]  }
0x1a8: {  	v57 =	vadd.s32 v3, v22;
	v14 =	vmul.f32 $8.000000000e+00, v14;
	[tilespmem:v46+s28+$0x0] =	vst.idx.msk $0xffff, v51;
	v55 =	vld [tilespmem:s5+$0xFFFFFFF0]  }
0x1a9: {  	v62 =	vadd.s32 v3, v9;
	[tilespmem:v5+s28+$0x0] =	vst.idx.msk $0xffff, v54;
	v5 =	vmul.f32 $8.000000000e+00, v49;
	v58 =	vld [tilespmem:s5+$0x30]  }
0x1aa: {  	v56 =	vmul.f32 $8.000000000e+00, v21;
	v60 =	vadd.s32 v3, v23;
	[tilespmem:v4+s28+$0x0] =	vst.idx.msk $0xffff, v14  }
0x1ab: {  	v61 =	vadd.s32 v3, v26;
	[tilespmem:v52+s28+$0x0] =	vst.idx.msk $0xffff, v5;
	v5 =	vmul.f32 $8.000000000e+00, v10  }
0x1ac: {  	[tilespmem:v50+s28+$0x0] =	vst.idx.msk $0xffff, v56;
	v63 =	vmul.f32 $8.000000000e+00, v59  }
0x1ad: {  	v4 =	vmul.f32 $8.000000000e+00, v55;
	[tilespmem:v57+s28+$0x0] =	vst.idx.msk $0xffff, v5  }
0x1ae: {  	v5 =	vmul.f32 $8.000000000e+00, v58;
	[tilespmem:v62+s28+$0x0] =	vst.idx.msk $0xffff, v63  }
0x1af: {  	[tilespmem:v60+s28+$0x0] =	vst.idx.msk $0xffff, v4  }
0x1b0: {  	s1 =	sadd.s32 s16, s8;
	s18 =	simm.s32 $0x12800;
	[tilespmem:v61+s28+$0x0] =	vst.idx.msk $0xffff, v5  }
0x1b1: {  	[hbm4b:s1+s3] =	stream.linear.scatter [tilespmem:s18], [sflag:$0x7], $0x80, $0x38;
	[tilespmem:$0x16C00] =	vst v63  }
0x1b2: {  	s10 =	sadd.s32 $0x10, s1;
	s5 =	simm.s32 $0x12888  }
0x1b3: {  	[hbm4b:s10+s3] =	stream.linear.scatter [tilespmem:s5], [sflag:$0x7], $0x80, $0x38;
	[tilespmem:$0x16C00] =	vst v63  }
0x1b4: {  	s13 =	simm.s32 $0x12910;
	s18 =	sadd.s32 $0x20, s1  }
0x1b5: {  	[hbm4b:s18+s3] =	stream.linear.scatter [tilespmem:s13], [sflag:$0x7], $0x80, $0x38;
	[tilespmem:$0x16C00] =	vst v63  }
0x1b6: {  	s5 =	simm.s32 $0x12998;
	s10 =	sadd.s32 $0x30, s1  }
0x1b7: {  	[hbm4b:s10+s3] =	stream.linear.scatter [tilespmem:s5], [sflag:$0x7], $0x80, $0x38;
	[tilespmem:$0x16C00] =	vst v63  }
0x1b8: {  	s13 =	simm.s32 $0x12A20;
	s18 =	sadd.s32 $0x40, s1  }
0x1b9: {  	[hbm4b:s18+s3] =	stream.linear.scatter [tilespmem:s13], [sflag:$0x7], $0x80, $0x38;
	[tilespmem:$0x16C00] =	vst v63  }
0x1ba: {  	s0 =	sadd.s32 $0x70, s1;
	s5 =	simm.s32 $0x12AA8;
	s10 =	sadd.s32 $0x50, s1  }
0x1bb: {  	[hbm4b:s10+s3] =	stream.linear.scatter [tilespmem:s5], [sflag:$0x7], $0x80, $0x38;
	[tilespmem:$0x16C00] =	vst v63  }
0x1bc: {  	s13 =	simm.s32 $0x12B30;
	s18 =	sadd.s32 $0x60, s1;
	s5 =	simm.s32 $0x440  }
0x1bd: {  	[hbm4b:s18+s3] =	stream.linear.scatter [tilespmem:s13], [sflag:$0x7], $0x80, $0x38;
	[tilespmem:$0x16C00] =	vst v63  }
0x1be: {  	s10 =	sadd.s32 $0x1000, s1;
	s13 =	simm.s32 $0x2200;
	s18 =	simm.s32 $0x12BB8  }
.LBB2_21:
0x1bf: {  	[hbm4b:s0+s3] =	stream.linear.scatter [tilespmem:s18], [sflag:$0x7], $0x80, $0x38;
	[tilespmem:$0x16C00] =	vst v63  }
0x1c0: {  	s0 =	smov.u32 s5;
	s1 =	smov.u32 s13  }
0x1c1: {  	s5 =	sshra.s32 s1, $0x2;
	s1 =	sadd.s32 $0x1100, s13;
	s18 =	sadd.s32 $0x12800, s0  }
0x1c2: {  	[hbm4b:s10+s3] =	stream.linear.scatter [tilespmem:s18], [sflag:$0x7], $0x80, $0x38;
	[tilespmem:$0x16C00] =	vst v63  }
0x1c3: {  	p2 =	sne.s32 s13, $0x7700;
	s13 =	sadd.s32 $0x12888, s0;
	s18 =	sadd.s32 $0x10, s10  }
0x1c4: {  	[hbm4b:s18+s3] =	stream.linear.scatter [tilespmem:s13], [sflag:$0x7], $0x80, $0x38;
	[tilespmem:$0x16C00] =	vst v63  }
0x1c5: {  	s13 =	sadd.s32 $0x12910, s0;
	s18 =	sadd.s32 $0x20, s10  }
0x1c6: {  	[hbm4b:s18+s3] =	stream.linear.scatter [tilespmem:s13], [sflag:$0x7], $0x80, $0x38;
	[tilespmem:$0x16C00] =	vst v63  }
0x1c7: {  	s13 =	sadd.s32 $0x12998, s0;
	s18 =	sadd.s32 $0x30, s10  }
0x1c8: {  	[hbm4b:s18+s3] =	stream.linear.scatter [tilespmem:s13], [sflag:$0x7], $0x80, $0x38;
	[tilespmem:$0x16C00] =	vst v63  }
0x1c9: {  	s13 =	sadd.s32 $0x12A20, s0;
	s18 =	sadd.s32 $0x40, s10  }
0x1ca: {  	[hbm4b:s18+s3] =	stream.linear.scatter [tilespmem:s13], [sflag:$0x7], $0x80, $0x38;
	[tilespmem:$0x16C00] =	vst v63  }
0x1cb: {  	s13 =	sadd.s32 $0x12AA8, s0;
	s18 =	sadd.s32 $0x50, s10  }
0x1cc: {  	[hbm4b:s18+s3] =	stream.linear.scatter [tilespmem:s13], [sflag:$0x7], $0x80, $0x38;
	[tilespmem:$0x16C00] =	vst v63  }
.Ltmp13:
0x1cd: {  	_ = 	snop;
	(pc) =	sbr.rel @p2 .LBB2_21-.Ltmp13, $4  }
0x1ce: {  	s13 =	sadd.s32 $0x12B30, s0;
	s18 =	sadd.s32 $0x60, s10  }
0x1cf: {  	[hbm4b:s18+s3] =	stream.linear.scatter [tilespmem:s13], [sflag:$0x7], $0x80, $0x38;
	[tilespmem:$0x16C00] =	vst v63  }
0x1d0: {  	s18 =	sadd.s32 $0x12BB8, s0  }
0x1d1: {  	s0 =	sadd.s32 $0x70, s10;
	s10 =	sadd.s32 $0x1000, s10;
	s13 =	smov.u32 s1  }
0x1d2: {  	[hbm4b:s0+s3] =	stream.linear.scatter [tilespmem:s18], [sflag:$0x7], $0x80, $0x38;
	[tilespmem:$0x16C00] =	vst v63  }
0x1d3: {  	s13 =	sadd.s32 $0x12800, s5  }
0x1d4: {  	[hbm4b:s10+s3] =	stream.linear.scatter [tilespmem:s13], [sflag:$0x7], $0x80, $0x38;
	[tilespmem:$0x16C00] =	vst v63  }
0x1d5: {  	s18 =	sadd.s32 $0x12888, s5;
	s1 =	sadd.s32 $0x10, s10  }
0x1d6: {  	[hbm4b:s1+s3] =	stream.linear.scatter [tilespmem:s18], [sflag:$0x7], $0x80, $0x38;
	[tilespmem:$0x16C00] =	vst v63  }
0x1d7: {  	s13 =	sadd.s32 $0x12910, s5;
	s18 =	sadd.s32 $0x20, s10  }
0x1d8: {  	[hbm4b:s18+s3] =	stream.linear.scatter [tilespmem:s13], [sflag:$0x7], $0x80, $0x38;
	[tilespmem:$0x16C00] =	vst v63  }
0x1d9: {  	s13 =	sadd.s32 $0x12998, s5;
	s18 =	sadd.s32 $0x30, s10  }
0x1da: {  	[hbm4b:s18+s3] =	stream.linear.scatter [tilespmem:s13], [sflag:$0x7], $0x80, $0x38;
	[tilespmem:$0x16C00] =	vst v63  }
0x1db: {  	s13 =	sadd.s32 $0x12A20, s5;
	s18 =	sadd.s32 $0x40, s10  }
0x1dc: {  	[hbm4b:s18+s3] =	stream.linear.scatter [tilespmem:s13], [sflag:$0x7], $0x80, $0x38;
	[tilespmem:$0x16C00] =	vst v63  }
0x1dd: {  	s13 =	sadd.s32 $0x12AA8, s5;
	s18 =	sadd.s32 $0x50, s10  }
0x1de: {  	[hbm4b:s18+s3] =	stream.linear.scatter [tilespmem:s13], [sflag:$0x7], $0x80, $0x38;
	[tilespmem:$0x16C00] =	vst v63  }
.Ltmp14:
0x1df: {  	_ = 	snop;
	(pc) =	sbr.rel @p1 .LBB2_24-.Ltmp14, $4  }
0x1e0: {  	s13 =	sadd.s32 $0x12B30, s5;
	s18 =	sadd.s32 $0x60, s10  }
0x1e1: {  	[hbm4b:s18+s3] =	stream.linear.scatter [tilespmem:s13], [sflag:$0x7], $0x80, $0x38;
	[tilespmem:$0x16C00] =	vst v63  }
0x1e2: {  	s13 =	sadd.s32 $0x12BB8, s5;
	s18 =	sadd.s32 $0x70, s10  }
0x1e3: {  	[hbm4b:s18+s3] =	stream.linear.scatter [tilespmem:s13], [sflag:$0x7], $0x80, $0x38;
	[tilespmem:$0x16C00] =	vst v63  }
.Ltmp15:
0x1e4: {  	(pc) =	sbr.rel .LBB2_25-.Ltmp15, $4  }
0x1e5: {  	_ = 	snop  }
0x1e6: {  	_ =	swait.ge [sflag:s29], $0x2000  }
0x1e7: {  	[sflag:s29] =	ssyncset.done $0x0  }
0x1e8: {  	[sflag:s29] =	ssyncadd.s32 $0xFFFFE000  }
.LBB2_24:
0x1e9: {  	s0 =	sshll.u32 s12, $0x9  }
0x1ea: {  	s0 =	sand.u32 $0x3FFFFE00, s0  }
.Ltmp16:
0x1eb: {  	s0 =	sadd.s32 $0x300, s0;
	(pc) =	sbr.rel @p0 .LBB2_26-.Ltmp16, $4  }
0x1ec: {  	[tilespmem:s17], [sflag:$0x3] =	stream.indirect.gather [hbm4b:s4+s11], $0x40, s0, s11, $0xb8;
	[tilespmem:$0x16C00] =	vst v63  }
0x1ed: {  	_ =	swait.ge [sflag:s29], $0x2000  }
0x1ee: {  	[sflag:s29] =	ssyncset.done $0x0  }
0x1ef: {  	[sflag:s29] =	ssyncadd.s32 $0xFFFFE000  }
.LBB2_25:
0x1f0: {  	_ =	swait.ge [sflag:s30], $0x2000  }
0x1f1: {  	[sflag:s30] =	ssyncset.done $0x0  }
0x1f2: {  	[sflag:s30] =	ssyncadd.s32 $0xFFFFE000  }
.LBB2_26:
0x1f3: {  	s13 =	simm.s32 $0xC480;
	s0 =	simm.s32 $0x3  }
0x1f4: {  	v4 =	vmov s0;
	v5 =	vld [tilespmem:s13+$0x40]  }
0x1f5: {  	v9 =	vand.u32 $0x7F, v4  }
0x1f6: {  	s10 =	simm.s32 $0x0;
	v4 =	vadd.s32 v0, v9  }
0x1f7: {  	s18 =	simm.s32 $0x1;
	s1 =	simm.s32 $0x2;
	v6 =	vmov s10;
	v7 =	vld [tilespmem:s13+$0xFFFFFF80]  }
0x1f8: {  	v10 =	vld [tilespmem:s13+$0xFFFFFFC0];
	v11 =	vmov s1;
	v8 =	vand.u32 $0x7C, v6;
	v6 =	vmov s18  }
0x1f9: {  	v12 =	vadd.s32 v0, v8;
	v15 =	vand.u32 $0x7D, v6;
	v6 =	vld [tilespmem:s13+$0x0];
	v5 =	vmul.f32 $8.000000000e+00, v5  }
0x1fa: {  	v17 =	vand.u32 $0x7E, v11;
	v13 =	vadd.s32 v0, v15  }
0x1fb: {  	v11 =	vadd.s32 v0, v17;
	[tilespmem:v4+s31+$0x0] =	vst.idx.msk $0xffff, v5  }
0x1fc: {  	v4 =	vmul.f32 $8.000000000e+00, v7;
	v5 =	vld [tilespmem:s13+$0x50]  }
0x1fd: {  	v7 =	vmul.f32 $8.000000000e+00, v10  }
0x1fe: {  	[tilespmem:v12+s31+$0x0] =	vst.idx.msk $0xffff, v4;
	v4 =	vmul.f32 $8.000000000e+00, v6;
	v6 =	vadd.s32 v1, v9  }
0x1ff: {  	[tilespmem:v13+s31+$0x0] =	vst.idx.msk $0xffff, v7;
	v10 =	vld [tilespmem:s13+$0xFFFFFF90]  }
0x200: {  	v7 =	vld [tilespmem:s13+$0xFFFFFFD0];
	[tilespmem:v11+s31+$0x0] =	vst.idx.msk $0xffff, v4  }
0x201: {  	v11 =	vld [tilespmem:s13+$0x10];
	v4 =	vmul.f32 $8.000000000e+00, v5  }
0x202: {  	s5 =	simm.s32 $0x4;
	s10 =	simm.s32 $0x7;
	s18 =	simm.s32 $0xC580;
	v12 =	vadd.s32 v1, v15  }
0x203: {  	v14 =	vld [tilespmem:s18+$0x40];
	v13 =	vadd.s32 v1, v17;
	v5 =	vmov s5;
	[tilespmem:v6+s31+$0x0] =	vst.idx.msk $0xffff, v4;
	v6 =	vmov s10  }
0x204: {  	v16 =	vadd.s32 v1, v8;
	v4 =	vand.u32 $0x7C, v5;
	v5 =	vand.u32 $0x7F, v6;
	v18 =	vld [tilespmem:s13+$0x60]  }
0x205: {  	v19 =	vld [tilespmem:s18+$0xFFFFFF80];
	v22 =	vadd.s32 v2, v9;
	s5 =	simm.s32 $0x5;
	v6 =	vmul.f32 $8.000000000e+00, v7;
	v20 =	vadd.s32 v0, v5  }
0x206: {  	v21 =	vld [tilespmem:s18+$0xFFFFFFC0];
	v10 =	vmul.f32 $8.000000000e+00, v10;
	s10 =	simm.s32 $0x6;
	v7 =	vmul.f32 $8.000000000e+00, v11;
	v11 =	vmov s5  }
0x207: {  	v23 =	vadd.s32 v0, v4;
	[tilespmem:v12+s31+$0x0] =	vst.idx.msk $0xffff, v6;
	v12 =	vmov s10;
	v6 =	vand.u32 $0x7D, v11;
	v11 =	vld [tilespmem:s18+$0x0]  }
0x208: {  	[tilespmem:v13+s31+$0x0] =	vst.idx.msk $0xffff, v7;
	v13 =	vadd.s32 v0, v6;
	v7 =	vand.u32 $0x7E, v12;
	v12 =	vmul.f32 $8.000000000e+00, v14;
	v14 =	vld [tilespmem:s13+$0xFFFFFFE0]  }
0x209: {  	[tilespmem:v16+s31+$0x0] =	vst.idx.msk $0xffff, v10;
	v10 =	vadd.s32 v0, v7;
	v16 =	vld [tilespmem:s13+$0x20];
	v18 =	vmul.f32 $8.000000000e+00, v18  }
0x20a: {  	v19 =	vmul.f32 $8.000000000e+00, v19;
	[tilespmem:v20+s31+$0x0] =	vst.idx.msk $0xffff, v12;
	v12 =	vld [tilespmem:s13+$0xFFFFFFA0];
	v20 =	vadd.s32 v2, v15  }
0x20b: {  	v25 =	vadd.s32 v2, v17;
	v21 =	vmul.f32 $8.000000000e+00, v21;
	v24 =	vld [tilespmem:s18+$0x50];
	[tilespmem:v22+s31+$0x0] =	vst.idx.msk $0xffff, v18  }
0x20c: {  	[tilespmem:v23+s31+$0x0] =	vst.idx.msk $0xffff, v19;
	v19 =	vadd.s32 v2, v8;
	v11 =	vmul.f32 $8.000000000e+00, v11;
	v22 =	vld [tilespmem:s13+$0x70]  }
0x20d: {  	v23 =	vld [tilespmem:s18+$0xFFFFFF90];
	[tilespmem:v13+s31+$0x0] =	vst.idx.msk $0xffff, v21;
	v21 =	vadd.s32 v1, v5;
	v14 =	vmul.f32 $8.000000000e+00, v14  }
0x20e: {  	v27 =	vadd.s32 v3, v9;
	v26 =	vld [tilespmem:s18+$0xFFFFFFD0];
	[tilespmem:v10+s31+$0x0] =	vst.idx.msk $0xffff, v11;
	v10 =	vmul.f32 $8.000000000e+00, v16  }
0x20f: {  	v18 =	vadd.s32 v1, v4;
	v13 =	vld [tilespmem:s18+$0x10];
	v9 =	vmul.f32 $8.000000000e+00, v12;
	[tilespmem:v20+s31+$0x0] =	vst.idx.msk $0xffff, v14  }
0x210: {  	s10 =	simm.s32 $0x8;
	v16 =	vadd.s32 v1, v6;
	[tilespmem:v25+s31+$0x0] =	vst.idx.msk $0xffff, v10;
	v14 =	vmul.f32 $8.000000000e+00, v24;
	v12 =	vld [tilespmem:s13+$0xFFFFFFF0]  }
0x211: {  	v20 =	vmov s10;
	v10 =	vadd.s32 v1, v7;
	v11 =	vld [tilespmem:s13+$0x30];
	[tilespmem:v19+s31+$0x0] =	vst.idx.msk $0xffff, v9;
	v63 =	vmul.f32 $8.000000000e+00, v22  }
0x212: {  	s1 =	simm.s32 $0xB;
	s5 =	simm.s32 $0xC680;
	v15 =	vadd.s32 v3, v15;
	v9 =	vand.u32 $0x7C, v20;
	v20 =	vmul.f32 $8.000000000e+00, v23;
	[tilespmem:v21+s31+$0x0] =	vst.idx.msk $0xffff, v14;
	v14 =	vld [tilespmem:s13+$0xFFFFFFB0]  }
0x213: {  	v17 =	vadd.s32 v3, v17;
	v22 =	vmov s1;
	v19 =	vld [tilespmem:s5+$0x40];
	s13 =	simm.s32 $0xC;
	v21 =	vmul.f32 $8.000000000e+00, v26;
	[tilespmem:v27+s31+$0x0] =	vst.idx.msk $0xffff, v63  }
.LBB2_27:
0x214: {  	p0 =	slt.u32 s13, $0x7C;
	s0 =	sadd.s32 $0x1, s10;
	v22 =	vand.u32 $0x7F, v22;
	[tilespmem:v18+s31+$0x0] =	vst.idx.msk $0xffff, v20;
	v13 =	vmul.f32 $8.000000000e+00, v13;
	v18 =	vld [tilespmem:s18+$0x60];
	v20 =	vadd.s32 v3, v8;
	v8 =	vmovc v4  }
0x215: {  	v4 =	vmovc v9;
	v23 =	vld [tilespmem:s5+$0xFFFFFF80];
	v24 =	vmov s0;
	s0 =	sadd.s32 $0x2, s10;
	v25 =	vadd.s32 v0, v22;
	[tilespmem:v16+s31+$0x0] =	vst.idx.msk $0xffff, v21;
	v12 =	vmul.f32 $8.000000000e+00, v12;
	s10 =	smov.u32 s13  }
0x216: {  	v9 =	vld [tilespmem:s5+$0xFFFFFFC0];
	v16 =	vmov s0;
	[tilespmem:v10+s31+$0x0] =	vst.idx.msk $0xffff, v13;
	v10 =	vadd.s32 v2, v5;
	v11 =	vmul.f32 $8.000000000e+00, v11  }
0x217: {  	v13 =	vadd.s32 v0, v4;
	v21 =	vand.u32 $0x7D, v24;
	v24 =	vld [tilespmem:s5+$0x0];
	v14 =	vmul.f32 $8.000000000e+00, v14;
	[tilespmem:v15+s31+$0x0] =	vst.idx.msk $0xffff, v12  }
0x218: {  	v12 =	vadd.s32 v0, v21;
	v26 =	vand.u32 $0x7E, v16;
	v15 =	vmul.f32 $8.000000000e+00, v19;
	v16 =	vld [tilespmem:s18+$0xFFFFFFE0];
	[tilespmem:v17+s31+$0x0] =	vst.idx.msk $0xffff, v11  }
0x219: {  	v11 =	vadd.s32 v0, v26;
	v17 =	vld [tilespmem:s18+$0x20];
	v18 =	vmul.f32 $8.000000000e+00, v18;
	[tilespmem:v20+s31+$0x0] =	vst.idx.msk $0xffff, v14  }
0x21a: {  	v19 =	vadd.s32 v2, v6;
	v14 =	vmul.f32 $8.000000000e+00, v23;
	[tilespmem:v25+s31+$0x0] =	vst.idx.msk $0xffff, v15;
	v15 =	vld [tilespmem:s18+$0xFFFFFFA0]  }
0x21b: {  	v23 =	vadd.s32 v2, v7;
	v9 =	vmul.f32 $8.000000000e+00, v9;
	v20 =	vld [tilespmem:s5+$0x50];
	[tilespmem:v10+s31+$0x0] =	vst.idx.msk $0xffff, v18  }
0x21c: {  	[tilespmem:v13+s31+$0x0] =	vst.idx.msk $0xffff, v14;
	v10 =	vmul.f32 $8.000000000e+00, v24;
	v14 =	vadd.s32 v2, v8;
	v24 =	vld [tilespmem:s18+$0x70]  }
0x21d: {  	v27 =	vadd.s32 v1, v22;
	v25 =	vld [tilespmem:s5+$0xFFFFFF90];
	[tilespmem:v12+s31+$0x0] =	vst.idx.msk $0xffff, v9;
	v9 =	vmul.f32 $8.000000000e+00, v16  }
0x21e: {  	v29 =	vadd.s32 v3, v5;
	v5 =	vmov v22;
	v28 =	vld [tilespmem:s5+$0xFFFFFFD0];
	[tilespmem:v11+s31+$0x0] =	vst.idx.msk $0xffff, v10;
	v10 =	vmul.f32 $8.000000000e+00, v17  }
.Ltmp17:
0x21f: {  	v18 =	vadd.s32 v1, v4;
	v13 =	vld [tilespmem:s5+$0x10];
	v11 =	vmul.f32 $8.000000000e+00, v15;
	[tilespmem:v19+s31+$0x0] =	vst.idx.msk $0xffff, v9;
	(pc) =	sbr.rel @p0 .LBB2_27-.Ltmp17, $4  }
0x220: {  	v16 =	vadd.s32 v1, v21;
	v15 =	vmul.f32 $8.000000000e+00, v20;
	v12 =	vld [tilespmem:s18+$0xFFFFFFF0];
	[tilespmem:v23+s31+$0x0] =	vst.idx.msk $0xffff, v10  }
0x221: {  	v9 =	vmov s13;
	v10 =	vadd.s32 v1, v26;
	[tilespmem:v14+s31+$0x0] =	vst.idx.msk $0xffff, v11;
	v11 =	vld [tilespmem:s18+$0x30];
	v23 =	vmul.f32 $8.000000000e+00, v24  }
0x222: {  	s0 =	sadd.s32 $0x3, s13;
	v9 =	vand.u32 $0x7C, v9;
	v20 =	vmul.f32 $8.000000000e+00, v25;
	[tilespmem:v27+s31+$0x0] =	vst.idx.msk $0xffff, v15;
	v14 =	vld [tilespmem:s18+$0xFFFFFFB0];
	v15 =	vadd.s32 v3, v6;
	v6 =	vmovc v21;
	s18 =	smov.u32 s5;
	s5 =	sadd.s32 $0x100, s5  }
0x223: {  	v22 =	vmov s0;
	v17 =	vadd.s32 v3, v7;
	v7 =	vmovc v26;
	s13 =	sadd.s32 $0x4, s13;
	v19 =	vld [tilespmem:s5+$0x40];
	v21 =	vmul.f32 $8.000000000e+00, v28;
	[tilespmem:v29+s31+$0x0] =	vst.idx.msk $0xffff, v23  }
0x224: {  	s0 =	sadd.s32 $0x1, s10;
	v22 =	vand.u32 $0x7F, v22;
	v28 =	vld [tilespmem:s5+$0xFFFFFF80]  }
0x225: {  	s1 =	sadd.s32 $0x2, s10;
	v24 =	vld [tilespmem:s5+$0xFFFFFFC0];
	v23 =	vmov s0;
	v25 =	vadd.s32 v0, v22  }
0x226: {  	v27 =	vld [tilespmem:s5+$0x0];
	v51 =	vadd.s32 v0, v9;
	v26 =	vmov s1;
	v23 =	vand.u32 $0x7D, v23  }
0x227: {  	v26 =	vand.u32 $0x7E, v26;
	v29 =	vadd.s32 v0, v23  }
0x228: {  	[tilespmem:v18+s31+$0x0] =	vst.idx.msk $0xffff, v20;
	v30 =	vadd.s32 v0, v26;
	v19 =	vmul.f32 $8.000000000e+00, v19  }
0x229: {  	[tilespmem:v16+s31+$0x0] =	vst.idx.msk $0xffff, v21;
	v54 =	vmul.f32 $8.000000000e+00, v28  }
0x22a: {  	v52 =	vmul.f32 $8.000000000e+00, v24;
	[tilespmem:v25+s31+$0x0] =	vst.idx.msk $0xffff, v19  }
0x22b: {  	v53 =	vmul.f32 $8.000000000e+00, v27;
	v55 =	vld [tilespmem:s5+$0x50];
	[tilespmem:v51+s31+$0x0] =	vst.idx.msk $0xffff, v54  }
0x22c: {  	v13 =	vmul.f32 $8.000000000e+00, v13;
	v8 =	vadd.s32 v3, v8;
	[tilespmem:v29+s31+$0x0] =	vst.idx.msk $0xffff, v52;
	v59 =	vld [tilespmem:s5+$0xFFFFFF90]  }
0x22d: {  	v12 =	vmul.f32 $8.000000000e+00, v12;
	v57 =	vadd.s32 v1, v22;
	[tilespmem:v30+s31+$0x0] =	vst.idx.msk $0xffff, v53;
	v56 =	vld [tilespmem:s5+$0xFFFFFFD0]  }
0x22e: {  	[tilespmem:v10+s31+$0x0] =	vst.idx.msk $0xffff, v13;
	v58 =	vmul.f32 $8.000000000e+00, v11;
	v28 =	vadd.s32 v1, v9;
	v19 =	vld [tilespmem:s5+$0x10]  }
0x22f: {  	v61 =	vld [tilespmem:s18+$0x60];
	v60 =	vadd.s32 v1, v23;
	v14 =	vmul.f32 $8.000000000e+00, v14;
	[tilespmem:v15+s31+$0x0] =	vst.idx.msk $0xffff, v12  }
0x230: {  	v32 =	vld [tilespmem:s18+$0xFFFFFFA0];
	v62 =	vadd.s32 v1, v26;
	[tilespmem:v17+s31+$0x0] =	vst.idx.msk $0xffff, v58;
	v16 =	vmul.f32 $8.000000000e+00, v55  }
0x231: {  	[tilespmem:v8+s31+$0x0] =	vst.idx.msk $0xffff, v14;
	v29 =	vadd.s32 v2, v5;
	v30 =	vld [tilespmem:s18+$0x20];
	v11 =	vmul.f32 $8.000000000e+00, v59  }
0x232: {  	v38 =	vadd.s32 v2, v4;
	v63 =	vld [tilespmem:s18+$0xFFFFFFE0];
	v31 =	vmul.f32 $8.000000000e+00, v56;
	[tilespmem:v57+s31+$0x0] =	vst.idx.msk $0xffff, v16  }
0x233: {  	v35 =	vadd.s32 v2, v7;
	v34 =	vmul.f32 $8.000000000e+00, v19;
	v36 =	vld [tilespmem:s5+$0x60];
	[tilespmem:v28+s31+$0x0] =	vst.idx.msk $0xffff, v11  }
0x234: {  	v33 =	vadd.s32 v2, v6;
	v37 =	vmul.f32 $8.000000000e+00, v61;
	[tilespmem:v60+s31+$0x0] =	vst.idx.msk $0xffff, v31;
	v43 =	vld [tilespmem:s5+$0xFFFFFFA0]  }
0x235: {  	v40 =	vadd.s32 v2, v22;
	v14 =	vmul.f32 $8.000000000e+00, v32;
	[tilespmem:v62+s31+$0x0] =	vst.idx.msk $0xffff, v34;
	v39 =	vld [tilespmem:s5+$0xFFFFFFE0]  }
0x236: {  	v48 =	vadd.s32 v2, v9;
	[tilespmem:v29+s31+$0x0] =	vst.idx.msk $0xffff, v37;
	v42 =	vmul.f32 $8.000000000e+00, v30;
	v41 =	vld [tilespmem:s5+$0x20]  }
0x237: {  	v44 =	vadd.s32 v2, v23;
	v15 =	vmul.f32 $8.000000000e+00, v63;
	[tilespmem:v38+s31+$0x0] =	vst.idx.msk $0xffff, v14;
	v45 =	vld [tilespmem:s18+$0x70]  }
0x238: {  	v46 =	vadd.s32 v2, v26;
	v14 =	vld [tilespmem:s18+$0xFFFFFFB0];
	[tilespmem:v35+s31+$0x0] =	vst.idx.msk $0xffff, v42;
	v47 =	vmul.f32 $8.000000000e+00, v36  }
0x239: {  	v5 =	vadd.s32 v3, v5;
	[tilespmem:v33+s31+$0x0] =	vst.idx.msk $0xffff, v15;
	v49 =	vld [tilespmem:s18+$0x30];
	v53 =	vmul.f32 $8.000000000e+00, v43  }
0x23a: {  	v4 =	vadd.s32 v3, v4;
	v21 =	vld [tilespmem:s18+$0xFFFFFFF0];
	v12 =	vmul.f32 $8.000000000e+00, v39;
	[tilespmem:v40+s31+$0x0] =	vst.idx.msk $0xffff, v47  }
0x23b: {  	v52 =	vadd.s32 v3, v7;
	v51 =	vmul.f32 $8.000000000e+00, v41;
	v10 =	vld [tilespmem:s5+$0x70];
	[tilespmem:v48+s31+$0x0] =	vst.idx.msk $0xffff, v53  }
0x23c: {  	v50 =	vadd.s32 v3, v6;
	v54 =	vmul.f32 $8.000000000e+00, v45;
	[tilespmem:v44+s31+$0x0] =	vst.idx.msk $0xffff, v12;
	v59 =	vld [tilespmem:s5+$0xFFFFFFB0]  }
0x23d: {  	v57 =	vadd.s32 v3, v22;
	v14 =	vmul.f32 $8.000000000e+00, v14;
	[tilespmem:v46+s31+$0x0] =	vst.idx.msk $0xffff, v51;
	v55 =	vld [tilespmem:s5+$0xFFFFFFF0]  }
0x23e: {  	v62 =	vadd.s32 v3, v9;
	[tilespmem:v5+s31+$0x0] =	vst.idx.msk $0xffff, v54;
	v5 =	vmul.f32 $8.000000000e+00, v49;
	v58 =	vld [tilespmem:s5+$0x30]  }
0x23f: {  	v56 =	vmul.f32 $8.000000000e+00, v21;
	v60 =	vadd.s32 v3, v23;
	[tilespmem:v4+s31+$0x0] =	vst.idx.msk $0xffff, v14  }
0x240: {  	v61 =	vadd.s32 v3, v26;
	[tilespmem:v52+s31+$0x0] =	vst.idx.msk $0xffff, v5;
	v5 =	vmul.f32 $8.000000000e+00, v10  }
0x241: {  	[tilespmem:v50+s31+$0x0] =	vst.idx.msk $0xffff, v56;
	v63 =	vmul.f32 $8.000000000e+00, v59  }
0x242: {  	v4 =	vmul.f32 $8.000000000e+00, v55;
	[tilespmem:v57+s31+$0x0] =	vst.idx.msk $0xffff, v5  }
0x243: {  	v5 =	vmul.f32 $8.000000000e+00, v58;
	[tilespmem:v62+s31+$0x0] =	vst.idx.msk $0xffff, v63  }
0x244: {  	[tilespmem:v60+s31+$0x0] =	vst.idx.msk $0xffff, v4  }
0x245: {  	s1 =	sadd.s32 s16, s9;
	s5 =	simm.s32 $0x14A00;
	[tilespmem:v61+s31+$0x0] =	vst.idx.msk $0xffff, v5  }
0x246: {  	[hbm4b:s1+s3] =	stream.linear.scatter [tilespmem:s5], [sflag:$0x8], $0x80, $0x38;
	[tilespmem:$0x16C00] =	vst v63  }
0x247: {  	s10 =	simm.s32 $0x14A88;
	s13 =	sadd.s32 $0x10, s1  }
0x248: {  	[hbm4b:s13+s3] =	stream.linear.scatter [tilespmem:s10], [sflag:$0x8], $0x80, $0x38;
	[tilespmem:$0x16C00] =	vst v63  }
0x249: {  	s16 =	simm.s32 $0x14B10;
	s18 =	sadd.s32 $0x20, s1  }
0x24a: {  	[hbm4b:s18+s3] =	stream.linear.scatter [tilespmem:s16], [sflag:$0x8], $0x80, $0x38;
	[tilespmem:$0x16C00] =	vst v63  }
0x24b: {  	s10 =	simm.s32 $0x14B98;
	s13 =	sadd.s32 $0x30, s1  }
0x24c: {  	[hbm4b:s13+s3] =	stream.linear.scatter [tilespmem:s10], [sflag:$0x8], $0x80, $0x38;
	[tilespmem:$0x16C00] =	vst v63  }
0x24d: {  	s16 =	simm.s32 $0x14C20;
	s18 =	sadd.s32 $0x40, s1  }
0x24e: {  	[hbm4b:s18+s3] =	stream.linear.scatter [tilespmem:s16], [sflag:$0x8], $0x80, $0x38;
	[tilespmem:$0x16C00] =	vst v63  }
0x24f: {  	s0 =	sadd.s32 $0x70, s1;
	s10 =	simm.s32 $0x14CA8;
	s13 =	sadd.s32 $0x50, s1  }
0x250: {  	[hbm4b:s13+s3] =	stream.linear.scatter [tilespmem:s10], [sflag:$0x8], $0x80, $0x38;
	[tilespmem:$0x16C00] =	vst v63  }
0x251: {  	s5 =	simm.s32 $0x440;
	s16 =	simm.s32 $0x14D30;
	s18 =	sadd.s32 $0x60, s1  }
0x252: {  	[hbm4b:s18+s3] =	stream.linear.scatter [tilespmem:s16], [sflag:$0x8], $0x80, $0x38;
	[tilespmem:$0x16C00] =	vst v63  }
0x253: {  	s13 =	simm.s32 $0x2200;
	s10 =	sadd.s32 $0x1000, s1;
	s16 =	simm.s32 $0x14DB8  }
.LBB2_29:
0x254: {  	[hbm4b:s0+s3] =	stream.linear.scatter [tilespmem:s16], [sflag:$0x8], $0x80, $0x38;
	[tilespmem:$0x16C00] =	vst v63  }
0x255: {  	s0 =	smov.u32 s5;
	s1 =	smov.u32 s13  }
0x256: {  	s5 =	sshra.s32 s1, $0x2;
	s1 =	sadd.s32 $0x1100, s13;
	s16 =	sadd.s32 $0x14A00, s0  }
0x257: {  	[hbm4b:s10+s3] =	stream.linear.scatter [tilespmem:s16], [sflag:$0x8], $0x80, $0x38;
	[tilespmem:$0x16C00] =	vst v63  }
0x258: {  	p0 =	sne.s32 s13, $0x7700;
	s13 =	sadd.s32 $0x14A88, s0;
	s16 =	sadd.s32 $0x10, s10  }
0x259: {  	[hbm4b:s16+s3] =	stream.linear.scatter [tilespmem:s13], [sflag:$0x8], $0x80, $0x38;
	[tilespmem:$0x16C00] =	vst v63  }
0x25a: {  	s13 =	sadd.s32 $0x14B10, s0;
	s16 =	sadd.s32 $0x20, s10  }
0x25b: {  	[hbm4b:s16+s3] =	stream.linear.scatter [tilespmem:s13], [sflag:$0x8], $0x80, $0x38;
	[tilespmem:$0x16C00] =	vst v63  }
0x25c: {  	s13 =	sadd.s32 $0x14B98, s0;
	s16 =	sadd.s32 $0x30, s10  }
0x25d: {  	[hbm4b:s16+s3] =	stream.linear.scatter [tilespmem:s13], [sflag:$0x8], $0x80, $0x38;
	[tilespmem:$0x16C00] =	vst v63  }
0x25e: {  	s13 =	sadd.s32 $0x14C20, s0;
	s16 =	sadd.s32 $0x40, s10  }
0x25f: {  	[hbm4b:s16+s3] =	stream.linear.scatter [tilespmem:s13], [sflag:$0x8], $0x80, $0x38;
	[tilespmem:$0x16C00] =	vst v63  }
0x260: {  	s13 =	sadd.s32 $0x14CA8, s0;
	s16 =	sadd.s32 $0x50, s10  }
0x261: {  	[hbm4b:s16+s3] =	stream.linear.scatter [tilespmem:s13], [sflag:$0x8], $0x80, $0x38;
	[tilespmem:$0x16C00] =	vst v63  }
.Ltmp18:
0x262: {  	_ = 	snop;
	(pc) =	sbr.rel @p0 .LBB2_29-.Ltmp18, $4  }
0x263: {  	s13 =	sadd.s32 $0x14D30, s0;
	s16 =	sadd.s32 $0x60, s10  }
0x264: {  	[hbm4b:s16+s3] =	stream.linear.scatter [tilespmem:s13], [sflag:$0x8], $0x80, $0x38;
	[tilespmem:$0x16C00] =	vst v63  }
0x265: {  	s16 =	sadd.s32 $0x14DB8, s0  }
0x266: {  	s0 =	sadd.s32 $0x70, s10;
	s10 =	sadd.s32 $0x1000, s10;
	s13 =	smov.u32 s1  }
0x267: {  	[hbm4b:s0+s3] =	stream.linear.scatter [tilespmem:s16], [sflag:$0x8], $0x80, $0x38;
	[tilespmem:$0x16C00] =	vst v63  }
0x268: {  	s16 =	sadd.s32 $0x14A00, s5  }
0x269: {  	[hbm4b:s10+s3] =	stream.linear.scatter [tilespmem:s16], [sflag:$0x8], $0x80, $0x38;
	[tilespmem:$0x16C00] =	vst v63  }
0x26a: {  	s18 =	sadd.s32 $0x14A88, s5;
	s1 =	sadd.s32 $0x10, s10  }
0x26b: {  	[hbm4b:s1+s3] =	stream.linear.scatter [tilespmem:s18], [sflag:$0x8], $0x80, $0x38;
	[tilespmem:$0x16C00] =	vst v63  }
0x26c: {  	s13 =	sadd.s32 $0x20, s10;
	s1 =	sadd.s32 $0x14B10, s5  }
0x26d: {  	[hbm4b:s13+s3] =	stream.linear.scatter [tilespmem:s1], [sflag:$0x8], $0x80, $0x38;
	[tilespmem:$0x16C00] =	vst v63  }
0x26e: {  	s16 =	sadd.s32 $0x14B98, s5;
	s18 =	sadd.s32 $0x30, s10  }
0x26f: {  	[hbm4b:s18+s3] =	stream.linear.scatter [tilespmem:s16], [sflag:$0x8], $0x80, $0x38;
	[tilespmem:$0x16C00] =	vst v63  }
0x270: {  	s1 =	sadd.s32 $0x14C20, s5;
	s13 =	sadd.s32 $0x40, s10  }
0x271: {  	[hbm4b:s13+s3] =	stream.linear.scatter [tilespmem:s1], [sflag:$0x8], $0x80, $0x38;
	[tilespmem:$0x16C00] =	vst v63  }
0x272: {  	p0 =	seq.s32 s12, $0x31;
	s16 =	sadd.s32 $0x14CA8, s5;
	s18 =	sadd.s32 $0x50, s10  }
0x273: {  	[hbm4b:s18+s3] =	stream.linear.scatter [tilespmem:s16], [sflag:$0x8], $0x80, $0x38;
	[tilespmem:$0x16C00] =	vst v63  }
.Ltmp19:
0x274: {  	_ = 	snop;
	(pc) =	sbr.rel @p0 .LBB2_32-.Ltmp19, $4  }
0x275: {  	s1 =	sadd.s32 $0x14D30, s5;
	s13 =	sadd.s32 $0x60, s10  }
0x276: {  	[hbm4b:s13+s3] =	stream.linear.scatter [tilespmem:s1], [sflag:$0x8], $0x80, $0x38;
	[tilespmem:$0x16C00] =	vst v63  }
0x277: {  	s16 =	sadd.s32 $0x14DB8, s5;
	s18 =	sadd.s32 $0x70, s10  }
0x278: {  	[hbm4b:s18+s3] =	stream.linear.scatter [tilespmem:s16], [sflag:$0x8], $0x80, $0x38;
	[tilespmem:$0x16C00] =	vst v63  }
.Ltmp20:
0x279: {  	(pc) =	sbr.rel .LBB2_2-.Ltmp20, $4  }
0x27a: {  	s0 =	sshll.u32 s12, $0x9  }
0x27b: {  	s0 =	sand.u32 $0x3FFFFE00, s0  }
0x27c: {  	s12 =	sadd.s32 $0x1, s12;
	s0 =	sadd.s32 $0x380, s0  }
0x27d: {  	[tilespmem:s19], [sflag:$0x4] =	stream.indirect.gather [hbm4b:s4+s11], $0x40, s0, s11, $0xb8;
	[tilespmem:$0x16C00] =	vst v63  }
.LBB2_33:
0x27e: {  	_ =	sfence.sel $0x180000  }
0x27f: {  	[bflag:$0x0] =	sbarrier.arrive $0xFFFF  }
0x280: {  	_ =	strace $0x9000004A  }
0x281: {  	s0 =	stileid.u32;
	[bflag:$0x2] =	sbarrier.arrive $0xFFFF  }
0x282: {  	p0 =	sne.s32 s0, $0x0;
	s0 =	rddreg [dreg:$0x2]  }
0x283: {  	s0 =	sadd.s32 @!p0 $0x100000, s0  }
0x284: {  	[sflag:s0] =	ssyncadd.tile.s32 @!p0 $0x1;
	_ =	shalt  }
.Lfunc_end2:
_tile_overlayer_lowered:
.L_overlay_start_2:
0x285: {  	(tag) =	ssettag $0x2  }
0x286: {  	s0 =	rddreg [dreg:$0x0];
	s2 =	stileid.u32  }
0x287: {  	s1 =	rddreg [dreg:$0x1];
	p0 =	sne.s32 s2, $0x0  }
0x288: {  	s3 =	rddreg [dreg:$0x2];
	[bflag:$0x3] =	sbarrier.arrive $0xFFFF;
	s2 =	simm.s32 @!p0 $0x1C09  }
0x289: {  	[timem:s3], [sflag:s2] =	dma.local @!p0 [hbm:s0], s1  }
0x28a: {  	s0 =	simm.s32 @!p0 $0x9  }
0x28b: {  	_ =	swait.ge @!p0 [sflag:s0], s1  }
0x28c: {  	s1 =	ssub.s32 @!p0 $0x0, s1;
	[sflag:s0] =	ssyncset.done @!p0 $0x0  }
0x28d: {  	[sflag:s0] =	ssyncadd.s32 @!p0 s1  }
0x28e: {  	[bflag:$0x3] =	sbarrier.arrive $0xFFFF  }
0x28f: {  	_ =	shalt  }

</sc_bundles>
